<compile_context>
chip_gen: v7x
topology: tpu7x:2x2x1
jax: 0.10.2.dev20260603
libtpu: 0.0.44.dev20260713+nightly
codegen_flags: <defaults>
</compile_context>

<pallas_src>
import functools

import jax
import jax.numpy as jnp
from jax import lax
from jax.experimental import pallas as pl
from jax.experimental.pallas import tpu as pltpu
from jax.experimental.pallas import tpu_sc as plsc

N = 10000
E = 320000
H = 128
HH = H // 2
L = 6

NC = 2
NS = 16
NW = NC * NS
CH = 100
NCH = (E // NS) // CH
CCH = 80
CNCH = (E // NW) // CCH
RZ = 80
NZ = N // RZ
NZT = -(-NZ // NS)
CNT_W = 64


def _zero_buf(buf, rows, width):
    per_row = width // 16

    def body(t, _):
        buf[t // per_row, pl.ds((t % per_row) * 16, 16)] = jnp.zeros((16,), jnp.float32)
        return _

    lax.fori_loop(0, rows * per_row, body, None)


@functools.cache
def _make_sc_kernels():
    mesh = plsc.VectorSubcoreMesh(core_axis_name="c", subcore_axis_name="s",
                                  num_cores=NC, num_subcores=NS)
    params = pltpu.CompilerParams(use_tc_tiling_on_sc=False)
    agg = pl.kernel(
        _sc_aggregate,
        out_type=jax.ShapeDtypeStruct((NC, N, HH), jnp.float32),
        mesh=mesh,
        compiler_params=params,
        scratch_types=[
            pltpu.VMEM((NCH, CH), jnp.int32),
            pltpu.VMEM((NCH, CH), jnp.int32),
            pltpu.VMEM((CH, HH), jnp.float32),
            pltpu.VMEM((CH, HH), jnp.float32),
            pltpu.VMEM_SHARED((N, HH), jnp.float32),
        ],
    )
    cnt = pl.kernel(
        _sc_count,
        out_type=jax.ShapeDtypeStruct((NC, N, CNT_W), jnp.float32),
        mesh=mesh,
        scratch_types=[
            pltpu.VMEM((CNCH, CCH), jnp.int32),
            pltpu.VMEM((CCH, CNT_W), jnp.float32),
            pltpu.VMEM_SHARED((N, CNT_W), jnp.float32),
        ],
    )
    return agg, cnt


def _sc_aggregate(h_hbm, src_hbm, dst_hbm, out_hbm, src_v, dst_v, buf0, buf1, acc):
    c = lax.axis_index("c")
    s = lax.axis_index("s")
    pltpu.sync_copy(src_hbm.at[s], src_v)
    pltpu.sync_copy(dst_hbm.at[s], dst_v)

    _zero_buf(buf0, CH, HH)

    def zrow(t, _):
        k = s + t * NS

        @pl.when(k < NZ)
        def _do():
            pltpu.sync_copy(buf0.at[pl.ds(0, RZ)], acc.at[pl.ds(k * RZ, RZ)])

        return _

    lax.fori_loop(0, NZT, zrow, None)
    plsc.subcore_barrier()

    def chunk(j, _):
        pltpu.sync_copy(h_hbm.at[c].at[src_v.at[j]], buf0)
        pltpu.sync_copy(buf0, acc.at[dst_v.at[j]], add=True)
        return _

    lax.fori_loop(0, NCH, chunk, None)
    plsc.subcore_barrier()

    def orow(t, _):
        k = s + t * NS

        @pl.when(k < NZ)
        def _do():
            pltpu.sync_copy(acc.at[pl.ds(k * RZ, RZ)], buf1.at[pl.ds(0, RZ)])
            pltpu.sync_copy(buf1.at[pl.ds(0, RZ)], out_hbm.at[c, pl.ds(k * RZ, RZ)])

        return _

    lax.fori_loop(0, NZT, orow, None)


def _sc_count(dst_hbm, out_hbm, dst_v, ones_v, acc):
    c = lax.axis_index("c")
    s = lax.axis_index("s")
    w = c * NS + s
    pltpu.sync_copy(dst_hbm.at[w], dst_v)

    _zero_buf(ones_v, CCH, CNT_W)

    def zrow(t, _):
        k = s + t * NS

        @pl.when(k < NZ)
        def _do():
            pltpu.sync_copy(ones_v, acc.at[pl.ds(k * RZ, RZ)])

        return _

    lax.fori_loop(0, NZT, zrow, None)
    plsc.subcore_barrier()

    def fill(t, _):
        ones_v[t, pl.ds(0, 16)] = jnp.ones((16,), jnp.float32)
        return _

    lax.fori_loop(0, CCH, fill, None)

    def chunk(j, _):
        pltpu.sync_copy(ones_v, acc.at[dst_v.at[j]], add=True)
        return _

    lax.fori_loop(0, CNCH, chunk, None)
    plsc.subcore_barrier()

    def orow(t, _):
        k = s + t * NS

        @pl.when(k < NZ)
        def _do():
            pltpu.sync_copy(acc.at[pl.ds(k * RZ, RZ)], ones_v)
            pltpu.sync_copy(ones_v, out_hbm.at[c, pl.ds(k * RZ, RZ)])

        return _

    lax.fori_loop(0, NZT, orow, None)


def _hp_dot(a, b):
    return jnp.dot(a, b, preferred_element_type=jnp.float32)


NB = 5
BR = N // NB


def _stats_body(z_ref, st_ref):
    z = z_ref[...]
    m = jnp.mean(z, axis=0, keepdims=True)
    v = jnp.mean((z - m) * (z - m), axis=0, keepdims=True)
    st_ref[...] = jnp.concatenate([m, v], axis=0)


def _tc_stats(z):
    return pl.pallas_call(
        _stats_body,
        out_shape=jax.ShapeDtypeStruct((2, H), jnp.float32),
    )(z)


def _finish_bn(z, st, g, b):
    m = st[0:1, :]
    v = st[1:2, :]
    return jnp.maximum((z - m) / jnp.sqrt(v + 1e-5) * g + b, 0.0)


def _split(z, out_ref):
    out_ref[0] = z[:, :HH]
    out_ref[1] = z[:, HH:]



def _proj_a_body(x_ref, wp_ref, bp_ref, z_ref):
    z_ref[...] = _hp_dot(x_ref[...], wp_ref[...].T) + bp_ref[...]


def _proj_b_body(z_ref, st_ref, g_ref, b_ref, cnt_ref, h2_ref, invc_ref):
    h = _finish_bn(z_ref[...], st_ref[...], g_ref[...], b_ref[...])
    _split(h, h2_ref)
    invc_ref[...] = jnp.maximum(cnt_ref[0, :, 0:1], 1.0)


def _tc_proj(x, wp, bp, g0, b0, cnt16):
    z = pl.pallas_call(
        _proj_a_body,
        grid=(NB,),
        in_specs=[
            pl.BlockSpec((BR, H), lambda i: (i, 0)),
            pl.BlockSpec((H, H), lambda i: (0, 0)),
            pl.BlockSpec((1, H), lambda i: (0, 0)),
        ],
        out_specs=pl.BlockSpec((BR, H), lambda i: (i, 0)),
        out_shape=jax.ShapeDtypeStruct((N, H), jnp.float32),
    )(x, wp, bp)
    st = _tc_stats(z)
    return pl.pallas_call(
        _proj_b_body,
        grid=(NB,),
        in_specs=[
            pl.BlockSpec((BR, H), lambda i: (i, 0)),
            pl.BlockSpec((2, H), lambda i: (0, 0)),
            pl.BlockSpec((1, H), lambda i: (0, 0)),
            pl.BlockSpec((1, H), lambda i: (0, 0)),
            pl.BlockSpec((NC, BR, CNT_W), lambda i: (0, i, 0)),
        ],
        out_specs=(
            pl.BlockSpec((NC, BR, HH), lambda i: (0, i, 0)),
            pl.BlockSpec((BR, 1), lambda i: (i, 0)),
        ),
        out_shape=(
            jax.ShapeDtypeStruct((NC, N, HH), jnp.float32),
            jax.ShapeDtypeStruct((N, 1), jnp.float32),
        ),
    )(z, st, g0, b0, cnt16)



def _layer_a_body(h2_ref, agg_ref, invc_ref, wl_ref, bl_ref, wr_ref, z_ref):
    h = jnp.concatenate([h2_ref[0], h2_ref[1]], axis=-1)
    mean = jnp.concatenate([agg_ref[0], agg_ref[1]], axis=-1) / invc_ref[...]
    z = _hp_dot(mean, wl_ref[...].T) + bl_ref[...]
    z_ref[...] = z + _hp_dot(h, wr_ref[...].T)


def _layer_b_body(has_skip, z_ref, st_ref, g_ref, b_ref, *rest):
    if has_skip:
        h2_ref, skw_ref, skb_ref, out_ref = rest
    else:
        (out_ref,) = rest
    z = _finish_bn(z_ref[...], st_ref[...], g_ref[...], b_ref[...])
    if has_skip:
        h = jnp.concatenate([h2_ref[0], h2_ref[1]], axis=-1)
        z = z + _hp_dot(h, skw_ref[...].T) + skb_ref[...]
    _split(z, out_ref)


def _tc_layer(h2, agg, invc, wl, bl, wr, g, b, skw=None, skb=None):
    has_skip = skw is not None
    z = pl.pallas_call(
        _layer_a_body,
        grid=(NB,),
        in_specs=[
            pl.BlockSpec((NC, BR, HH), lambda i: (0, i, 0)),
            pl.BlockSpec((NC, BR, HH), lambda i: (0, i, 0)),
            pl.BlockSpec((BR, 1), lambda i: (i, 0)),
            pl.BlockSpec((H, H), lambda i: (0, 0)),
            pl.BlockSpec((1, H), lambda i: (0, 0)),
            pl.BlockSpec((H, H), lambda i: (0, 0)),
        ],
        out_specs=pl.BlockSpec((BR, H), lambda i: (i, 0)),
        out_shape=jax.ShapeDtypeStruct((N, H), jnp.float32),
    )(h2, agg, invc, wl, bl, wr)
    st = _tc_stats(z)
    in_specs = [
        pl.BlockSpec((BR, H), lambda i: (i, 0)),
        pl.BlockSpec((2, H), lambda i: (0, 0)),
        pl.BlockSpec((1, H), lambda i: (0, 0)),
        pl.BlockSpec((1, H), lambda i: (0, 0)),
    ]
    args = (z, st, g, b)
    if has_skip:
        in_specs += [
            pl.BlockSpec((NC, BR, HH), lambda i: (0, i, 0)),
            pl.BlockSpec((H, H), lambda i: (0, 0)),
            pl.BlockSpec((1, H), lambda i: (0, 0)),
        ]
        args += (h2, skw, skb)
    return pl.pallas_call(
        functools.partial(_layer_b_body, has_skip),
        grid=(NB,),
        in_specs=in_specs,
        out_specs=pl.BlockSpec((NC, BR, HH), lambda i: (0, i, 0)),
        out_shape=jax.ShapeDtypeStruct((NC, N, HH), jnp.float32),
    )(*args)



def _head_body(h2_ref, w1_ref, b1_ref, w2_ref, b2_ref, w3_ref, b3_ref,
               o_ref, emb_ref):
    h = jnp.concatenate([h2_ref[0], h2_ref[1]], axis=-1)
    emb_ref[...] = h
    z = jnp.maximum(_hp_dot(h, w1_ref[...].T) + b1_ref[...], 0.0)
    z = jnp.maximum(_hp_dot(z, w2_ref[...].T) + b2_ref[...], 0.0)
    o_ref[...] = _hp_dot(z, w3_ref[...].T) + b3_ref[...]


def _tc_head(h2, w1, b1, w2, b2, w3, b3):
    return pl.pallas_call(
        _head_body,
        grid=(NB,),
        in_specs=[
            pl.BlockSpec((NC, BR, HH), lambda i: (0, i, 0)),
            pl.BlockSpec((H // 2, H), lambda i: (0, 0)),
            pl.BlockSpec((1, H // 2), lambda i: (0, 0)),
            pl.BlockSpec((H // 4, H // 2), lambda i: (0, 0)),
            pl.BlockSpec((1, H // 4), lambda i: (0, 0)),
            pl.BlockSpec((2, H // 4), lambda i: (0, 0)),
            pl.BlockSpec((1, 2), lambda i: (0, 0)),
        ],
        out_specs=(
            pl.BlockSpec((BR, 2), lambda i: (i, 0)),
            pl.BlockSpec((BR, H), lambda i: (i, 0)),
        ),
        out_shape=(
            jax.ShapeDtypeStruct((N, 2), jnp.float32),
            jax.ShapeDtypeStruct((N, H), jnp.float32),
        ),
    )(h2, w1, b1, w2, b2, w3, b3)


def kernel(x, edge_index, Wp, bp, g0, b0, Wl, bl, Wr, bng, bnb, skipW, skipb,
           W1, b1, W2, b2, W3, b3):
    src16 = edge_index[0].reshape(NS, NCH, CH)
    dst16 = edge_index[1].reshape(NS, NCH, CH)

    sc_aggregate, _ = _make_sc_kernels()
    cnt16 = sc_aggregate(jnp.ones((NC, N, HH), jnp.float32), src16, dst16)
    h2, invc = _tc_proj(x, Wp, bp.reshape(1, H), g0.reshape(1, H),
                        b0.reshape(1, H), cnt16)

    skip_idx = 0
    for i in range(L):
        agg = sc_aggregate(h2, src16, dst16)
        if (i + 1) % 2 == 0:
            h2 = _tc_layer(h2, agg, invc, Wl[i], bl[i].reshape(1, H), Wr[i],
                           bng[i].reshape(1, H), bnb[i].reshape(1, H),
                           skipW[skip_idx], skipb[skip_idx].reshape(1, H))
            skip_idx += 1
        else:
            h2 = _tc_layer(h2, agg, invc, Wl[i], bl[i].reshape(1, H), Wr[i],
                           bng[i].reshape(1, H), bnb[i].reshape(1, H))

    o, emb = _tc_head(h2, W1, b1.reshape(1, H // 2), W2, b2.reshape(1, H // 4),
                      W3, b3.reshape(1, 2))
    return (o, emb)

# --- scband reference (transcript-rebuilt; emitter-appended) ---
"""Pipeline reference for scband-deep-sage-31662498906634 (READ-ONLY COPY).

The authoritative reference and input builder live on the scoring server;
editing this copy changes nothing except your own understanding.
"""

import jax, jax.numpy as jnp
import numpy as np

N = 10000
E = 320000
D = 128
H = 128
L = 6


def setup_inputs(seed: int = 0) -> dict:
    key = jax.random.key(seed)
    ks = jax.random.split(key, 16)

    def w(k, shape):
        return jax.random.normal(k, shape, dtype=jnp.float32) * 0.05

    inp = {}
    inp['x'] = jax.random.normal(ks[0], (N, D), dtype=jnp.float32)
    inp['edge_index'] = jax.random.randint(ks[1], (2, E), 0, N, dtype=jnp.int32)
    inp['Wp'] = w(ks[2], (H, D))
    inp['bp'] = jnp.zeros((H,), jnp.float32)
    inp['g0'] = jnp.ones((H,), jnp.float32)
    inp['b0'] = jnp.zeros((H,), jnp.float32)
    inp['Wl'] = w(ks[3], (L, H, H))
    inp['bl'] = jnp.zeros((L, H), jnp.float32)
    inp['Wr'] = w(ks[4], (L, H, H))
    inp['bng'] = jnp.ones((L, H), jnp.float32)
    inp['bnb'] = jnp.zeros((L, H), jnp.float32)
    inp['skipW'] = w(ks[5], (L // 2, H, H))
    inp['skipb'] = jnp.zeros((L // 2, H), jnp.float32)
    inp['W1'] = w(ks[6], (H // 2, H))
    inp['b1'] = jnp.zeros((H // 2,), jnp.float32)
    inp['W2'] = w(ks[7], (H // 4, H // 2))
    inp['b2'] = jnp.zeros((H // 4,), jnp.float32)
    inp['W3'] = w(ks[8], (2, H // 4))
    inp['b3'] = jnp.zeros((2,), jnp.float32)
    return inp


def _bn(x, g, b):
    m = jnp.mean(x, axis=0)
    v = jnp.var(x, axis=0)
    return (x - m) / jnp.sqrt(v + 1e-5) * g + b


def _sage_conv(x, src, dst, Wl_i, bl_i, Wr_i):
    msg = x[src]
    agg = jax.ops.segment_sum(msg, dst, num_segments=N)
    cnt = jax.ops.segment_sum(jnp.ones((src.shape[0],), jnp.float32), dst, num_segments=N)
    mean = agg / jnp.clip(cnt, 1.0, None)[:, None]
    return mean @ Wl_i.T + bl_i + x @ Wr_i.T


def reference(x, edge_index, Wp, bp, g0, b0, Wl, bl, Wr, bng, bnb, skipW, skipb, W1, b1, W2, b2, W3, b3):
    src = edge_index[0]
    dst = edge_index[1]
    h = x @ Wp.T + bp
    h = jax.nn.relu(_bn(h, g0, b0))
    skip_idx = 0
    for i in range(L):
        identity = h
        h = _sage_conv(h, src, dst, Wl[i], bl[i], Wr[i])
        h = jax.nn.relu(_bn(h, bng[i], bnb[i]))
        if (i + 1) % 2 == 0 and skip_idx < (L // 2):
            h = h + identity @ skipW[skip_idx].T + skipb[skip_idx]
            skip_idx += 1
    emb = h
    o = jax.nn.relu(h @ W1.T + b1)
    o = jax.nn.relu(o @ W2.T + b2)
    o = o @ W3.T + b3
    return (o, emb)

if __name__ == "__main__":
    import jax
    _d = setup_inputs()
    print(jax.jit(kernel)(*tuple(_d.values())))

</pallas_src>

<mosaic_0001>
#map = affine_map<(d0, d1) -> (0, 0, 0)>
module attributes {stable_mosaic.version = 14 : i64} {
  func.func @_sc_aggregate(%arg0: i32, %arg1: i32, %arg2: memref<2x10000x64xf32, #tpu.memory_space<hbm>>, %arg3: memref<16x200x100xi32, #tpu.memory_space<hbm>>, %arg4: memref<16x200x100xi32, #tpu.memory_space<hbm>>, %arg5: memref<2x10000x64xf32, #tpu.memory_space<hbm>>, %arg6: memref<200x100xi32, #tpu.memory_space<vmem>>, %arg7: memref<200x100xi32, #tpu.memory_space<vmem>>, %arg8: memref<100x64xf32, #tpu.memory_space<vmem>>, %arg9: memref<100x64xf32, #tpu.memory_space<vmem>>, %arg10: memref<10000x64xf32, #tpu.memory_space<vmem_shared>>) attributes {dimension_semantics = [#tpu.dimension_semantics<core_parallel>, #tpu.dimension_semantics<subcore_parallel>], iteration_bounds = array<i64: 2, 16>, scalar_prefetch = 0 : i64, scratch_operands = 5 : i64, tpu.core_type = #tpu.core_type<sc_vector_subcore>, window_params = [{transform_indices = #map}, {transform_indices = #map}, {transform_indices = #map}, {transform_indices = #map}]} {
    "tpu.region"() ({
      %run_scoped3A = tpu.sem_alloc : memref<!tpu.dma_semaphore, #tpu.memory_space<semaphore_mem>>
      %dma_start3A = arith.constant 0 : i32
      %dma_start3A_20 = arith.constant 0 : i32
      %dma_start3A_21 = tpu.memref_slice %arg3[%arg1, %dma_start3A, %dma_start3A_20] : memref<16x200x100xi32, #tpu.memory_space<hbm>> -> memref<1x200x100xi32, #tpu.memory_space<hbm>>
      %dma_start3A_22 = tpu.memref_squeeze %dma_start3A_21 : memref<1x200x100xi32, #tpu.memory_space<hbm>> -> memref<200x100xi32, #tpu.memory_space<hbm>>
      %dma_start3A_23 = arith.constant 0 : i32
      %dma_start3A_24 = arith.constant 0 : i32
      %dma_start3A_25 = tpu.memref_slice %arg3[%arg1, %dma_start3A_23, %dma_start3A_24] : memref<16x200x100xi32, #tpu.memory_space<hbm>> -> memref<1x200x100xi32, #tpu.memory_space<hbm>>
      %dma_start3A_26 = tpu.memref_squeeze %dma_start3A_25 : memref<1x200x100xi32, #tpu.memory_space<hbm>> -> memref<200x100xi32, #tpu.memory_space<hbm>>
      tpu.enqueue_dma source(%dma_start3A_26 : memref<200x100xi32, #tpu.memory_space<hbm>>) target(%arg6 : memref<200x100xi32, #tpu.memory_space<vmem>>) target_semaphore(%run_scoped3A : memref<!tpu.dma_semaphore, #tpu.memory_space<semaphore_mem>>)
      %dma_wait3A = arith.constant 0 : i32
      %dma_wait3A_27 = arith.constant 0 : i32
      %dma_wait3A_28 = tpu.memref_slice %arg3[%arg1, %dma_wait3A, %dma_wait3A_27] : memref<16x200x100xi32, #tpu.memory_space<hbm>> -> memref<1x200x100xi32, #tpu.memory_space<hbm>>
      %dma_wait3A_29 = tpu.memref_squeeze %dma_wait3A_28 : memref<1x200x100xi32, #tpu.memory_space<hbm>> -> memref<200x100xi32, #tpu.memory_space<hbm>>
      %dma_wait3A_30 = arith.constant 0 : i32
      %dma_wait3A_31 = arith.constant 0 : i32
      %dma_wait3A_32 = tpu.memref_slice %arg3[%arg1, %dma_wait3A_30, %dma_wait3A_31] : memref<16x200x100xi32, #tpu.memory_space<hbm>> -> memref<1x200x100xi32, #tpu.memory_space<hbm>>
      %dma_wait3A_33 = tpu.memref_squeeze %dma_wait3A_32 : memref<1x200x100xi32, #tpu.memory_space<hbm>> -> memref<200x100xi32, #tpu.memory_space<hbm>>
      tpu.wait_dma2 semaphore(%run_scoped3A : memref<!tpu.dma_semaphore, #tpu.memory_space<semaphore_mem>>) src(%dma_wait3A_33 : memref<200x100xi32, #tpu.memory_space<hbm>>) dst(%arg6 : memref<200x100xi32, #tpu.memory_space<vmem>>)
      tpu.yield
    }) : () -> ()
    "tpu.region"() ({
      %run_scoped3A = tpu.sem_alloc : memref<!tpu.dma_semaphore, #tpu.memory_space<semaphore_mem>>
      %dma_start3A = arith.constant 0 : i32
      %dma_start3A_20 = arith.constant 0 : i32
      %dma_start3A_21 = tpu.memref_slice %arg4[%arg1, %dma_start3A, %dma_start3A_20] : memref<16x200x100xi32, #tpu.memory_space<hbm>> -> memref<1x200x100xi32, #tpu.memory_space<hbm>>
      %dma_start3A_22 = tpu.memref_squeeze %dma_start3A_21 : memref<1x200x100xi32, #tpu.memory_space<hbm>> -> memref<200x100xi32, #tpu.memory_space<hbm>>
      %dma_start3A_23 = arith.constant 0 : i32
      %dma_start3A_24 = arith.constant 0 : i32
      %dma_start3A_25 = tpu.memref_slice %arg4[%arg1, %dma_start3A_23, %dma_start3A_24] : memref<16x200x100xi32, #tpu.memory_space<hbm>> -> memref<1x200x100xi32, #tpu.memory_space<hbm>>
      %dma_start3A_26 = tpu.memref_squeeze %dma_start3A_25 : memref<1x200x100xi32, #tpu.memory_space<hbm>> -> memref<200x100xi32, #tpu.memory_space<hbm>>
      tpu.enqueue_dma source(%dma_start3A_26 : memref<200x100xi32, #tpu.memory_space<hbm>>) target(%arg7 : memref<200x100xi32, #tpu.memory_space<vmem>>) target_semaphore(%run_scoped3A : memref<!tpu.dma_semaphore, #tpu.memory_space<semaphore_mem>>)
      %dma_wait3A = arith.constant 0 : i32
      %dma_wait3A_27 = arith.constant 0 : i32
      %dma_wait3A_28 = tpu.memref_slice %arg4[%arg1, %dma_wait3A, %dma_wait3A_27] : memref<16x200x100xi32, #tpu.memory_space<hbm>> -> memref<1x200x100xi32, #tpu.memory_space<hbm>>
      %dma_wait3A_29 = tpu.memref_squeeze %dma_wait3A_28 : memref<1x200x100xi32, #tpu.memory_space<hbm>> -> memref<200x100xi32, #tpu.memory_space<hbm>>
      %dma_wait3A_30 = arith.constant 0 : i32
      %dma_wait3A_31 = arith.constant 0 : i32
      %dma_wait3A_32 = tpu.memref_slice %arg4[%arg1, %dma_wait3A_30, %dma_wait3A_31] : memref<16x200x100xi32, #tpu.memory_space<hbm>> -> memref<1x200x100xi32, #tpu.memory_space<hbm>>
      %dma_wait3A_33 = tpu.memref_squeeze %dma_wait3A_32 : memref<1x200x100xi32, #tpu.memory_space<hbm>> -> memref<200x100xi32, #tpu.memory_space<hbm>>
      tpu.wait_dma2 semaphore(%run_scoped3A : memref<!tpu.dma_semaphore, #tpu.memory_space<semaphore_mem>>) src(%dma_wait3A_33 : memref<200x100xi32, #tpu.memory_space<hbm>>) dst(%arg7 : memref<200x100xi32, #tpu.memory_space<vmem>>)
      tpu.yield
    }) : () -> ()
    %scan3A = arith.constant 0 : i32
    %scan3A_0 = arith.constant 400 : i32
    %scan3A_1 = arith.addi %scan3A, %scan3A_0 : i32
    %scan3A_2 = arith.constant 1 : i32
    scf.for %scan3A_20 = %scan3A to %scan3A_1 step %scan3A_2  : i32 {
      %broadcast_in_dim3A = arith.constant 0.000000e+00 : f32
      %broadcast_in_dim3A_21 = vector.broadcast %broadcast_in_dim3A : f32 to vector<16xf32>
      %jit3A = arith.constant 4 : i32
      %div3A = arith.divsi %scan3A_20, %jit3A : i32
      %sign3A = arith.constant 0 : i32
      %sign3A_22 = arith.cmpi sgt, %scan3A_20, %sign3A : i32
      %sign3A_23 = arith.extui %sign3A_22 : i1 to i32
      %sign3A_24 = arith.constant 0 : i32
      %sign3A_25 = arith.cmpi slt, %scan3A_20, %sign3A_24 : i32
      %sign3A_26 = arith.extui %sign3A_25 : i1 to i32
      %sign3A_27 = arith.subi %sign3A_23, %sign3A_26 : i32
      %sign3A_28 = arith.constant 0 : i32
      %sign3A_29 = arith.cmpi sgt, %jit3A, %sign3A_28 : i32
      %sign3A_30 = arith.extui %sign3A_29 : i1 to i32
      %sign3A_31 = arith.constant 0 : i32
      %sign3A_32 = arith.cmpi slt, %jit3A, %sign3A_31 : i32
      %sign3A_33 = arith.extui %sign3A_32 : i1 to i32
      %sign3A_34 = arith.subi %sign3A_30, %sign3A_33 : i32
      %ne3A = arith.cmpi ne, %sign3A_27, %sign3A_34 : i32
      %rem3A = arith.remsi %scan3A_20, %jit3A : i32
      %ne3A_35 = arith.constant 0 : i32
      %ne3A_36 = arith.cmpi ne, %rem3A, %ne3A_35 : i32
      %and3A = arith.andi %ne3A, %ne3A_36 : i1
      %sub3A = arith.constant 1 : i32
      %sub3A_37 = arith.subi %div3A, %sub3A : i32
      %select_n3A = arith.select %and3A, %sub3A_37, %div3A : i32
      %jit3A_38 = arith.constant 4 : i32
      %eq3A = arith.constant 0 : i32
      %eq3A_39 = arith.cmpi eq, %jit3A_38, %eq3A : i32
      %jit3A_40 = arith.constant 1 : i32
      %select_n3A_41 = arith.select %eq3A_39, %jit3A_40, %jit3A_38 : i32
      %rem3A_42 = arith.remsi %scan3A_20, %select_n3A_41 : i32
      %ne3A_43 = arith.constant 0 : i32
      %ne3A_44 = arith.cmpi ne, %rem3A_42, %ne3A_43 : i32
      %lt3A = arith.constant 0 : i32
      %lt3A_45 = arith.cmpi slt, %rem3A_42, %lt3A : i32
      %lt3A_46 = arith.constant 0 : i32
      %lt3A_47 = arith.cmpi slt, %select_n3A_41, %lt3A_46 : i32
      %ne3A_48 = arith.xori %lt3A_45, %lt3A_47 : i1
      %and3A_49 = arith.andi %ne3A_48, %ne3A_44 : i1
      %add3A = arith.addi %rem3A_42, %select_n3A_41 : i32
      %select_n3A_50 = arith.select %and3A_49, %add3A, %rem3A_42 : i32
      %mul3A = arith.constant 16 : i32
      %mul3A_51 = arith.muli %select_n3A_50, %mul3A : i32
      %swap3A = arith.index_cast %select_n3A : i32 to index
      %swap3A_52 = arith.index_cast %mul3A_51 : i32 to index
      %swap3A_53 = tpu.vector_load %arg8[%swap3A, %swap3A_52] {strides = array<i32>} : memref<100x64xf32, #tpu.memory_space<vmem>>, vector<1x16xf32>,
      %swap3A_54 = vector.shape_cast %swap3A_53 : vector<1x16xf32> to vector<16xf32>
      %swap3A_55 = vector.shape_cast %broadcast_in_dim3A_21 : vector<16xf32> to vector<1x16xf32>
      tpu.vector_store %arg8[%swap3A, %swap3A_52], %swap3A_55 {strides = array<i32>} : memref<100x64xf32, #tpu.memory_space<vmem>>, vector<1x16xf32>,
    }
    %scan3A_3 = arith.constant 400 : i32
    %scan3A_4 = arith.constant 0 : i32
    %scan3A_5 = arith.constant 8 : i32
    %scan3A_6 = arith.addi %scan3A_4, %scan3A_5 : i32
    %scan3A_7 = arith.constant 1 : i32
    scf.for %scan3A_20 = %scan3A_4 to %scan3A_6 step %scan3A_7  : i32 {
      %mul3A = arith.constant 16 : i32
      %mul3A_21 = arith.muli %scan3A_20, %mul3A : i32
      %add3A = arith.addi %arg1, %mul3A_21 : i32
      %lt3A = arith.constant 125 : i32
      %lt3A_22 = arith.cmpi slt, %add3A, %lt3A : i32
      %convert_element_type3A = arith.extui %lt3A_22 : i1 to i32
      %cond3A = arith.constant 0 : i32
      %cond3A_23 = arith.cmpi ne, %convert_element_type3A, %cond3A : i32
      scf.if %cond3A_23 {
        %mul3A_24 = arith.constant 80 : i32
        %mul3A_25 = arith.muli %add3A, %mul3A_24 : i32
        "tpu.region"() ({
          %run_scoped3A = tpu.sem_alloc : memref<!tpu.dma_semaphore, #tpu.memory_space<semaphore_mem>>
          %dma_start3A = arith.constant 0 : i32
          %dma_start3A_26 = arith.constant 0 : i32
          %dma_start3A_27 = tpu.memref_slice %arg8[%dma_start3A, %dma_start3A_26] : memref<100x64xf32, #tpu.memory_space<vmem>> -> memref<80x64xf32, #tpu.memory_space<vmem>>
          %dma_start3A_28 = arith.constant 0 : i32
          %dma_start3A_29 = tpu.memref_slice %arg10[%mul3A_25, %dma_start3A_28] : memref<10000x64xf32, #tpu.memory_space<vmem_shared>> -> memref<80x64xf32, #tpu.memory_space<vmem_shared>>
          %dma_start3A_30 = arith.constant 0 : i32
          %dma_start3A_31 = tpu.memref_slice %arg10[%mul3A_25, %dma_start3A_30] : memref<10000x64xf32, #tpu.memory_space<vmem_shared>> -> memref<80x64xf32, #tpu.memory_space<vmem_shared>>
          %dma_start3A_32 = arith.constant 0 : i32
          %dma_start3A_33 = arith.constant 0 : i32
          %dma_start3A_34 = tpu.memref_slice %arg8[%dma_start3A_32, %dma_start3A_33] : memref<100x64xf32, #tpu.memory_space<vmem>> -> memref<80x64xf32, #tpu.memory_space<vmem>>
          tpu.enqueue_dma source(%dma_start3A_34 : memref<80x64xf32, #tpu.memory_space<vmem>>) target(%dma_start3A_31 : memref<80x64xf32, #tpu.memory_space<vmem_shared>>) target_semaphore(%run_scoped3A : memref<!tpu.dma_semaphore, #tpu.memory_space<semaphore_mem>>)
          %dma_wait3A = arith.constant 0 : i32
          %dma_wait3A_35 = arith.constant 0 : i32
          %dma_wait3A_36 = tpu.memref_slice %arg8[%dma_wait3A, %dma_wait3A_35] : memref<100x64xf32, #tpu.memory_space<vmem>> -> memref<80x64xf32, #tpu.memory_space<vmem>>
          %dma_wait3A_37 = arith.constant 0 : i32
          %dma_wait3A_38 = tpu.memref_slice %arg10[%mul3A_25, %dma_wait3A_37] : memref<10000x64xf32, #tpu.memory_space<vmem_shared>> -> memref<80x64xf32, #tpu.memory_space<vmem_shared>>
          %dma_wait3A_39 = arith.constant 0 : i32
          %dma_wait3A_40 = tpu.memref_slice %arg10[%mul3A_25, %dma_wait3A_39] : memref<10000x64xf32, #tpu.memory_space<vmem_shared>> -> memref<80x64xf32, #tpu.memory_space<vmem_shared>>
          %dma_wait3A_41 = arith.constant 0 : i32
          %dma_wait3A_42 = arith.constant 0 : i32
          %dma_wait3A_43 = tpu.memref_slice %arg8[%dma_wait3A_41, %dma_wait3A_42] : memref<100x64xf32, #tpu.memory_space<vmem>> -> memref<80x64xf32, #tpu.memory_space<vmem>>
          tpu.wait_dma2 semaphore(%run_scoped3A : memref<!tpu.dma_semaphore, #tpu.memory_space<semaphore_mem>>) src(%dma_wait3A_43 : memref<80x64xf32, #tpu.memory_space<vmem>>) dst(%dma_wait3A_40 : memref<80x64xf32, #tpu.memory_space<vmem_shared>>)
          tpu.yield
        }) : () -> ()
      } else {
      }
    }
    %scan3A_8 = arith.constant 8 : i32
    %barrier3A = arith.constant 0 : index
    tpu.barrier barrier_id(%barrier3A)
    %scan3A_9 = arith.constant 0 : i32
    %scan3A_10 = arith.constant 200 : i32
    %scan3A_11 = arith.addi %scan3A_9, %scan3A_10 : i32
    %scan3A_12 = arith.constant 1 : i32
    scf.for %scan3A_20 = %scan3A_9 to %scan3A_11 step %scan3A_12  : i32 {
      "tpu.region"() ({
        %run_scoped3A = tpu.sem_alloc : memref<!tpu.dma_semaphore, #tpu.memory_space<semaphore_mem>>
        %dma_start3A = arith.constant 0 : i32
        %dma_start3A_21 = tpu.memref_slice %arg6[%scan3A_20, %dma_start3A] : memref<200x100xi32, #tpu.memory_space<vmem>> -> memref<1x100xi32, #tpu.memory_space<vmem>>
        %dma_start3A_22 = tpu.memref_squeeze %dma_start3A_21 : memref<1x100xi32, #tpu.memory_space<vmem>> -> memref<100xi32, #tpu.memory_space<vmem>>
        %dma_start3A_23 = arith.constant 0 : i32
        %dma_start3A_24 = arith.constant 0 : i32
        %dma_start3A_25 = tpu.memref_slice %arg2[%arg0, %dma_start3A_23, %dma_start3A_24] : memref<2x10000x64xf32, #tpu.memory_space<hbm>> -> memref<1x10000x64xf32, #tpu.memory_space<hbm>>
        %dma_start3A_26 = tpu.memref_squeeze %dma_start3A_25 : memref<1x10000x64xf32, #tpu.memory_space<hbm>> -> memref<10000x64xf32, #tpu.memory_space<hbm>>
        %dma_start3A_27 = arith.constant 0 : i32
        %dma_start3A_28 = arith.constant 0 : i32
        %dma_start3A_29 = tpu.memref_slice %dma_start3A_26[%dma_start3A_27, %dma_start3A_28] : memref<10000x64xf32, #tpu.memory_space<hbm>> -> memref<10000x64xf32, #tpu.memory_space<hbm>>
        tpu.enqueue_indirect_dma source(%dma_start3A_29 : memref<10000x64xf32, #tpu.memory_space<hbm>>) target(%arg8 : memref<100x64xf32, #tpu.memory_space<vmem>>) offsets(%dma_start3A_22 : memref<100xi32, #tpu.memory_space<vmem>>) semaphore(%run_scoped3A : memref<!tpu.dma_semaphore, #tpu.memory_space<semaphore_mem>>)
        %dma_wait3A = arith.constant 0 : i32
        %dma_wait3A_30 = tpu.memref_slice %arg6[%scan3A_20, %dma_wait3A] : memref<200x100xi32, #tpu.memory_space<vmem>> -> memref<1x100xi32, #tpu.memory_space<vmem>>
        %dma_wait3A_31 = tpu.memref_squeeze %dma_wait3A_30 : memref<1x100xi32, #tpu.memory_space<vmem>> -> memref<100xi32, #tpu.memory_space<vmem>>
        %dma_wait3A_32 = arith.constant 0 : i32
        %dma_wait3A_33 = arith.constant 0 : i32
        %dma_wait3A_34 = tpu.memref_slice %arg2[%arg0, %dma_wait3A_32, %dma_wait3A_33] : memref<2x10000x64xf32, #tpu.memory_space<hbm>> -> memref<1x10000x64xf32, #tpu.memory_space<hbm>>
        %dma_wait3A_35 = tpu.memref_squeeze %dma_wait3A_34 : memref<1x10000x64xf32, #tpu.memory_space<hbm>> -> memref<10000x64xf32, #tpu.memory_space<hbm>>
        %dma_wait3A_36 = arith.constant 0 : i32
        %dma_wait3A_37 = arith.constant 0 : i32
        %dma_wait3A_38 = tpu.memref_slice %dma_wait3A_35[%dma_wait3A_36, %dma_wait3A_37] : memref<10000x64xf32, #tpu.memory_space<hbm>> -> memref<10000x64xf32, #tpu.memory_space<hbm>>
        tpu.wait_indirect_dma semaphore(%run_scoped3A : memref<!tpu.dma_semaphore, #tpu.memory_space<semaphore_mem>>) src(%dma_wait3A_38 : memref<10000x64xf32, #tpu.memory_space<hbm>>) dst(%arg8 : memref<100x64xf32, #tpu.memory_space<vmem>>)
        tpu.yield
      }) : () -> ()
      "tpu.region"() ({
        %run_scoped3A = tpu.sem_alloc : memref<!tpu.dma_semaphore, #tpu.memory_space<semaphore_mem>>
        %dma_start3A = arith.constant 0 : i32
        %dma_start3A_21 = tpu.memref_slice %arg7[%scan3A_20, %dma_start3A] : memref<200x100xi32, #tpu.memory_space<vmem>> -> memref<1x100xi32, #tpu.memory_space<vmem>>
        %dma_start3A_22 = tpu.memref_squeeze %dma_start3A_21 : memref<1x100xi32, #tpu.memory_space<vmem>> -> memref<100xi32, #tpu.memory_space<vmem>>
        %dma_start3A_23 = arith.constant 0 : i32
        %dma_start3A_24 = arith.constant 0 : i32
        %dma_start3A_25 = tpu.memref_slice %arg10[%dma_start3A_23, %dma_start3A_24] : memref<10000x64xf32, #tpu.memory_space<vmem_shared>> -> memref<10000x64xf32, #tpu.memory_space<vmem_shared>>
        tpu.enqueue_indirect_dma source(%arg8 : memref<100x64xf32, #tpu.memory_space<vmem>>) target(%dma_start3A_25 : memref<10000x64xf32, #tpu.memory_space<vmem_shared>>) offsets(%dma_start3A_22 : memref<100xi32, #tpu.memory_space<vmem>>) semaphore(%run_scoped3A : memref<!tpu.dma_semaphore, #tpu.memory_space<semaphore_mem>>) {add = true}
        %dma_wait3A = arith.constant 0 : i32
        %dma_wait3A_26 = tpu.memref_slice %arg7[%scan3A_20, %dma_wait3A] : memref<200x100xi32, #tpu.memory_space<vmem>> -> memref<1x100xi32, #tpu.memory_space<vmem>>
        %dma_wait3A_27 = tpu.memref_squeeze %dma_wait3A_26 : memref<1x100xi32, #tpu.memory_space<vmem>> -> memref<100xi32, #tpu.memory_space<vmem>>
        %dma_wait3A_28 = arith.constant 0 : i32
        %dma_wait3A_29 = arith.constant 0 : i32
        %dma_wait3A_30 = tpu.memref_slice %arg10[%dma_wait3A_28, %dma_wait3A_29] : memref<10000x64xf32, #tpu.memory_space<vmem_shared>> -> memref<10000x64xf32, #tpu.memory_space<vmem_shared>>
        tpu.wait_indirect_dma semaphore(%run_scoped3A : memref<!tpu.dma_semaphore, #tpu.memory_space<semaphore_mem>>) src(%arg8 : memref<100x64xf32, #tpu.memory_space<vmem>>) dst(%dma_wait3A_30 : memref<10000x64xf32, #tpu.memory_space<vmem_shared>>)
        tpu.yield
      }) : () -> ()
    }
    %scan3A_13 = arith.constant 200 : i32
    %barrier3A_14 = arith.constant 0 : index
    tpu.barrier barrier_id(%barrier3A_14)
    %scan3A_15 = arith.constant 0 : i32
    %scan3A_16 = arith.constant 8 : i32
    %scan3A_17 = arith.addi %scan3A_15, %scan3A_16 : i32
    %scan3A_18 = arith.constant 1 : i32
    scf.for %scan3A_20 = %scan3A_15 to %scan3A_17 step %scan3A_18  : i32 {
      %mul3A = arith.constant 16 : i32
      %mul3A_21 = arith.muli %scan3A_20, %mul3A : i32
      %add3A = arith.addi %arg1, %mul3A_21 : i32
      %lt3A = arith.constant 125 : i32
      %lt3A_22 = arith.cmpi slt, %add3A, %lt3A : i32
      %convert_element_type3A = arith.extui %lt3A_22 : i1 to i32
      %cond3A = arith.constant 0 : i32
      %cond3A_23 = arith.cmpi ne, %convert_element_type3A, %cond3A : i32
      scf.if %cond3A_23 {
        %mul3A_24 = arith.constant 80 : i32
        %mul3A_25 = arith.muli %add3A, %mul3A_24 : i32
        "tpu.region"() ({
          %run_scoped3A = tpu.sem_alloc : memref<!tpu.dma_semaphore, #tpu.memory_space<semaphore_mem>>
          %dma_start3A = arith.constant 0 : i32
          %dma_start3A_28 = arith.constant 0 : i32
          %dma_start3A_29 = tpu.memref_slice %arg9[%dma_start3A, %dma_start3A_28] : memref<100x64xf32, #tpu.memory_space<vmem>> -> memref<80x64xf32, #tpu.memory_space<vmem>>
          %dma_start3A_30 = arith.constant 0 : i32
          %dma_start3A_31 = tpu.memref_slice %arg10[%mul3A_25, %dma_start3A_30] : memref<10000x64xf32, #tpu.memory_space<vmem_shared>> -> memref<80x64xf32, #tpu.memory_space<vmem_shared>>
          %dma_start3A_32 = arith.constant 0 : i32
          %dma_start3A_33 = arith.constant 0 : i32
          %dma_start3A_34 = tpu.memref_slice %arg9[%dma_start3A_32, %dma_start3A_33] : memref<100x64xf32, #tpu.memory_space<vmem>> -> memref<80x64xf32, #tpu.memory_space<vmem>>
          %dma_start3A_35 = arith.constant 0 : i32
          %dma_start3A_36 = tpu.memref_slice %arg10[%mul3A_25, %dma_start3A_35] : memref<10000x64xf32, #tpu.memory_space<vmem_shared>> -> memref<80x64xf32, #tpu.memory_space<vmem_shared>>
          tpu.enqueue_dma source(%dma_start3A_36 : memref<80x64xf32, #tpu.memory_space<vmem_shared>>) target(%dma_start3A_34 : memref<80x64xf32, #tpu.memory_space<vmem>>) target_semaphore(%run_scoped3A : memref<!tpu.dma_semaphore, #tpu.memory_space<semaphore_mem>>)
          %dma_wait3A = arith.constant 0 : i32
          %dma_wait3A_37 = arith.constant 0 : i32
          %dma_wait3A_38 = tpu.memref_slice %arg9[%dma_wait3A, %dma_wait3A_37] : memref<100x64xf32, #tpu.memory_space<vmem>> -> memref<80x64xf32, #tpu.memory_space<vmem>>
          %dma_wait3A_39 = arith.constant 0 : i32
          %dma_wait3A_40 = tpu.memref_slice %arg10[%mul3A_25, %dma_wait3A_39] : memref<10000x64xf32, #tpu.memory_space<vmem_shared>> -> memref<80x64xf32, #tpu.memory_space<vmem_shared>>
          %dma_wait3A_41 = arith.constant 0 : i32
          %dma_wait3A_42 = arith.constant 0 : i32
          %dma_wait3A_43 = tpu.memref_slice %arg9[%dma_wait3A_41, %dma_wait3A_42] : memref<100x64xf32, #tpu.memory_space<vmem>> -> memref<80x64xf32, #tpu.memory_space<vmem>>
          %dma_wait3A_44 = arith.constant 0 : i32
          %dma_wait3A_45 = tpu.memref_slice %arg10[%mul3A_25, %dma_wait3A_44] : memref<10000x64xf32, #tpu.memory_space<vmem_shared>> -> memref<80x64xf32, #tpu.memory_space<vmem_shared>>
          tpu.wait_dma2 semaphore(%run_scoped3A : memref<!tpu.dma_semaphore, #tpu.memory_space<semaphore_mem>>) src(%dma_wait3A_45 : memref<80x64xf32, #tpu.memory_space<vmem_shared>>) dst(%dma_wait3A_43 : memref<80x64xf32, #tpu.memory_space<vmem>>)
          tpu.yield
        }) : () -> ()
        %mul3A_26 = arith.constant 80 : i32
        %mul3A_27 = arith.muli %add3A, %mul3A_26 : i32
        "tpu.region"() ({
          %run_scoped3A = tpu.sem_alloc : memref<!tpu.dma_semaphore, #tpu.memory_space<semaphore_mem>>
          %dma_start3A = arith.constant 0 : i32
          %dma_start3A_28 = arith.constant 0 : i32
          %dma_start3A_29 = tpu.memref_slice %arg9[%dma_start3A, %dma_start3A_28] : memref<100x64xf32, #tpu.memory_space<vmem>> -> memref<80x64xf32, #tpu.memory_space<vmem>>
          %dma_start3A_30 = arith.constant 0 : i32
          %dma_start3A_31 = tpu.memref_slice %arg5[%arg0, %mul3A_27, %dma_start3A_30] : memref<2x10000x64xf32, #tpu.memory_space<hbm>> -> memref<1x80x64xf32, #tpu.memory_space<hbm>>
          %dma_start3A_32 = tpu.memref_squeeze %dma_start3A_31 : memref<1x80x64xf32, #tpu.memory_space<hbm>> -> memref<80x64xf32, #tpu.memory_space<hbm>>
          %dma_start3A_33 = arith.constant 0 : i32
          %dma_start3A_34 = tpu.memref_slice %arg5[%arg0, %mul3A_27, %dma_start3A_33] : memref<2x10000x64xf32, #tpu.memory_space<hbm>> -> memref<1x80x64xf32, #tpu.memory_space<hbm>>
          %dma_start3A_35 = tpu.memref_squeeze %dma_start3A_34 : memref<1x80x64xf32, #tpu.memory_space<hbm>> -> memref<80x64xf32, #tpu.memory_space<hbm>>
          %dma_start3A_36 = arith.constant 0 : i32
          %dma_start3A_37 = arith.constant 0 : i32
          %dma_start3A_38 = tpu.memref_slice %arg9[%dma_start3A_36, %dma_start3A_37] : memref<100x64xf32, #tpu.memory_space<vmem>> -> memref<80x64xf32, #tpu.memory_space<vmem>>
          tpu.enqueue_dma source(%dma_start3A_38 : memref<80x64xf32, #tpu.memory_space<vmem>>) target(%dma_start3A_35 : memref<80x64xf32, #tpu.memory_space<hbm>>) target_semaphore(%run_scoped3A : memref<!tpu.dma_semaphore, #tpu.memory_space<semaphore_mem>>)
          %dma_wait3A = arith.constant 0 : i32
          %dma_wait3A_39 = arith.constant 0 : i32
          %dma_wait3A_40 = tpu.memref_slice %arg9[%dma_wait3A, %dma_wait3A_39] : memref<100x64xf32, #tpu.memory_space<vmem>> -> memref<80x64xf32, #tpu.memory_space<vmem>>
          %dma_wait3A_41 = arith.constant 0 : i32
          %dma_wait3A_42 = tpu.memref_slice %arg5[%arg0, %mul3A_27, %dma_wait3A_41] : memref<2x10000x64xf32, #tpu.memory_space<hbm>> -> memref<1x80x64xf32, #tpu.memory_space<hbm>>
          %dma_wait3A_43 = tpu.memref_squeeze %dma_wait3A_42 : memref<1x80x64xf32, #tpu.memory_space<hbm>> -> memref<80x64xf32, #tpu.memory_space<hbm>>
          %dma_wait3A_44 = arith.constant 0 : i32
          %dma_wait3A_45 = tpu.memref_slice %arg5[%arg0, %mul3A_27, %dma_wait3A_44] : memref<2x10000x64xf32, #tpu.memory_space<hbm>> -> memref<1x80x64xf32, #tpu.memory_space<hbm>>
          %dma_wait3A_46 = tpu.memref_squeeze %dma_wait3A_45 : memref<1x80x64xf32, #tpu.memory_space<hbm>> -> memref<80x64xf32, #tpu.memory_space<hbm>>
          %dma_wait3A_47 = arith.constant 0 : i32
          %dma_wait3A_48 = arith.constant 0 : i32
          %dma_wait3A_49 = tpu.memref_slice %arg9[%dma_wait3A_47, %dma_wait3A_48] : memref<100x64xf32, #tpu.memory_space<vmem>> -> memref<80x64xf32, #tpu.memory_space<vmem>>
          tpu.wait_dma2 semaphore(%run_scoped3A : memref<!tpu.dma_semaphore, #tpu.memory_space<semaphore_mem>>) src(%dma_wait3A_49 : memref<80x64xf32, #tpu.memory_space<vmem>>) dst(%dma_wait3A_46 : memref<80x64xf32, #tpu.memory_space<hbm>>)
          tpu.yield
        }) : () -> ()
      } else {
      }
    }
    %scan3A_19 = arith.constant 8 : i32
    return
  }
}

#map = affine_map<(d0, d1) -> (0, 0, 0)>
module attributes {stable_mosaic.version = 14 : i64} {
  func.func @_sc_aggregate(%arg0: i32, %arg1: i32, %arg2: memref<2x10000x64xf32, #tpu.memory_space<hbm>>, %arg3: memref<16x200x100xi32, #tpu.memory_space<hbm>>, %arg4: memref<16x200x100xi32, #tpu.memory_space<hbm>>, %arg5: memref<2x10000x64xf32, #tpu.memory_space<hbm>>, %arg6: memref<200x100xi32, #tpu.memory_space<vmem>>, %arg7: memref<200x100xi32, #tpu.memory_space<vmem>>, %arg8: memref<100x64xf32, #tpu.memory_space<vmem>>, %arg9: memref<100x64xf32, #tpu.memory_space<vmem>>, %arg10: memref<10000x64xf32, #tpu.memory_space<vmem_shared>>) attributes {dimension_semantics = [#tpu.dimension_semantics<core_parallel>, #tpu.dimension_semantics<subcore_parallel>], iteration_bounds = array<i64: 2, 16>, scalar_prefetch = 0 : i64, scratch_operands = 5 : i64, tpu.core_type = #tpu.core_type<sc_vector_subcore>, window_params = [{transform_indices = #map}, {transform_indices = #map}, {transform_indices = #map}, {transform_indices = #map}]} {
    "tpu.region"() ({
      %run_scoped3A = tpu.sem_alloc : memref<!tpu.dma_semaphore, #tpu.memory_space<semaphore_mem>>
      %dma_start3A = arith.constant 0 : i32
      %dma_start3A_20 = arith.constant 0 : i32
      %dma_start3A_21 = tpu.memref_slice %arg3[%arg1, %dma_start3A, %dma_start3A_20] : memref<16x200x100xi32, #tpu.memory_space<hbm>> -> memref<1x200x100xi32, #tpu.memory_space<hbm>>
      %dma_start3A_22 = tpu.memref_squeeze %dma_start3A_21 : memref<1x200x100xi32, #tpu.memory_space<hbm>> -> memref<200x100xi32, #tpu.memory_space<hbm>>
      %dma_start3A_23 = arith.constant 0 : i32
      %dma_start3A_24 = arith.constant 0 : i32
      %dma_start3A_25 = tpu.memref_slice %arg3[%arg1, %dma_start3A_23, %dma_start3A_24] : memref<16x200x100xi32, #tpu.memory_space<hbm>> -> memref<1x200x100xi32, #tpu.memory_space<hbm>>
      %dma_start3A_26 = tpu.memref_squeeze %dma_start3A_25 : memref<1x200x100xi32, #tpu.memory_space<hbm>> -> memref<200x100xi32, #tpu.memory_space<hbm>>
      tpu.enqueue_dma source(%dma_start3A_26 : memref<200x100xi32, #tpu.memory_space<hbm>>) target(%arg6 : memref<200x100xi32, #tpu.memory_space<vmem>>) target_semaphore(%run_scoped3A : memref<!tpu.dma_semaphore, #tpu.memory_space<semaphore_mem>>)
      %dma_wait3A = arith.constant 0 : i32
      %dma_wait3A_27 = arith.constant 0 : i32
      %dma_wait3A_28 = tpu.memref_slice %arg3[%arg1, %dma_wait3A, %dma_wait3A_27] : memref<16x200x100xi32, #tpu.memory_space<hbm>> -> memref<1x200x100xi32, #tpu.memory_space<hbm>>
      %dma_wait3A_29 = tpu.memref_squeeze %dma_wait3A_28 : memref<1x200x100xi32, #tpu.memory_space<hbm>> -> memref<200x100xi32, #tpu.memory_space<hbm>>
      %dma_wait3A_30 = arith.constant 0 : i32
      %dma_wait3A_31 = arith.constant 0 : i32
      %dma_wait3A_32 = tpu.memref_slice %arg3[%arg1, %dma_wait3A_30, %dma_wait3A_31] : memref<16x200x100xi32, #tpu.memory_space<hbm>> -> memref<1x200x100xi32, #tpu.memory_space<hbm>>
      %dma_wait3A_33 = tpu.memref_squeeze %dma_wait3A_32 : memref<1x200x100xi32, #tpu.memory_space<hbm>> -> memref<200x100xi32, #tpu.memory_space<hbm>>
      tpu.wait_dma2 semaphore(%run_scoped3A : memref<!tpu.dma_semaphore, #tpu.memory_space<semaphore_mem>>) src(%dma_wait3A_33 : memref<200x100xi32, #tpu.memory_space<hbm>>) dst(%arg6 : memref<200x100xi32, #tpu.memory_space<vmem>>)
      tpu.yield
    }) : () -> ()
    "tpu.region"() ({
      %run_scoped3A = tpu.sem_alloc : memref<!tpu.dma_semaphore, #tpu.memory_space<semaphore_mem>>
      %dma_start3A = arith.constant 0 : i32
      %dma_start3A_20 = arith.constant 0 : i32
      %dma_start3A_21 = tpu.memref_slice %arg4[%arg1, %dma_start3A, %dma_start3A_20] : memref<16x200x100xi32, #tpu.memory_space<hbm>> -> memref<1x200x100xi32, #tpu.memory_space<hbm>>
      %dma_start3A_22 = tpu.memref_squeeze %dma_start3A_21 : memref<1x200x100xi32, #tpu.memory_space<hbm>> -> memref<200x100xi32, #tpu.memory_space<hbm>>
      %dma_start3A_23 = arith.constant 0 : i32
      %dma_start3A_24 = arith.constant 0 : i32
      %dma_start3A_25 = tpu.memref_slice %arg4[%arg1, %dma_start3A_23, %dma_start3A_24] : memref<16x200x100xi32, #tpu.memory_space<hbm>> -> memref<1x200x100xi32, #tpu.memory_space<hbm>>
      %dma_start3A_26 = tpu.memref_squeeze %dma_start3A_25 : memref<1x200x100xi32, #tpu.memory_space<hbm>> -> memref<200x100xi32, #tpu.memory_space<hbm>>
      tpu.enqueue_dma source(%dma_start3A_26 : memref<200x100xi32, #tpu.memory_space<hbm>>) target(%arg7 : memref<200x100xi32, #tpu.memory_space<vmem>>) target_semaphore(%run_scoped3A : memref<!tpu.dma_semaphore, #tpu.memory_space<semaphore_mem>>)
      %dma_wait3A = arith.constant 0 : i32
      %dma_wait3A_27 = arith.constant 0 : i32
      %dma_wait3A_28 = tpu.memref_slice %arg4[%arg1, %dma_wait3A, %dma_wait3A_27] : memref<16x200x100xi32, #tpu.memory_space<hbm>> -> memref<1x200x100xi32, #tpu.memory_space<hbm>>
      %dma_wait3A_29 = tpu.memref_squeeze %dma_wait3A_28 : memref<1x200x100xi32, #tpu.memory_space<hbm>> -> memref<200x100xi32, #tpu.memory_space<hbm>>
      %dma_wait3A_30 = arith.constant 0 : i32
      %dma_wait3A_31 = arith.constant 0 : i32
      %dma_wait3A_32 = tpu.memref_slice %arg4[%arg1, %dma_wait3A_30, %dma_wait3A_31] : memref<16x200x100xi32, #tpu.memory_space<hbm>> -> memref<1x200x100xi32, #tpu.memory_space<hbm>>
      %dma_wait3A_33 = tpu.memref_squeeze %dma_wait3A_32 : memref<1x200x100xi32, #tpu.memory_space<hbm>> -> memref<200x100xi32, #tpu.memory_space<hbm>>
      tpu.wait_dma2 semaphore(%run_scoped3A : memref<!tpu.dma_semaphore, #tpu.memory_space<semaphore_mem>>) src(%dma_wait3A_33 : memref<200x100xi32, #tpu.memory_space<hbm>>) dst(%arg7 : memref<200x100xi32, #tpu.memory_space<vmem>>)
      tpu.yield
    }) : () -> ()
    %scan3A = arith.constant 0 : i32
    %scan3A_0 = arith.constant 400 : i32
    %scan3A_1 = arith.addi %scan3A, %scan3A_0 : i32
    %scan3A_2 = arith.constant 1 : i32
    scf.for %scan3A_20 = %scan3A to %scan3A_1 step %scan3A_2  : i32 {
      %broadcast_in_dim3A = arith.constant 0.000000e+00 : f32
      %broadcast_in_dim3A_21 = vector.broadcast %broadcast_in_dim3A : f32 to vector<16xf32>
      %jit3A = arith.constant 4 : i32
      %div3A = arith.divsi %scan3A_20, %jit3A : i32
      %sign3A = arith.constant 0 : i32
      %sign3A_22 = arith.cmpi sgt, %scan3A_20, %sign3A : i32
      %sign3A_23 = arith.extui %sign3A_22 : i1 to i32
      %sign3A_24 = arith.constant 0 : i32
      %sign3A_25 = arith.cmpi slt, %scan3A_20, %sign3A_24 : i32
      %sign3A_26 = arith.extui %sign3A_25 : i1 to i32
      %sign3A_27 = arith.subi %sign3A_23, %sign3A_26 : i32
      %sign3A_28 = arith.constant 0 : i32
      %sign3A_29 = arith.cmpi sgt, %jit3A, %sign3A_28 : i32
      %sign3A_30 = arith.extui %sign3A_29 : i1 to i32
      %sign3A_31 = arith.constant 0 : i32
      %sign3A_32 = arith.cmpi slt, %jit3A, %sign3A_31 : i32
      %sign3A_33 = arith.extui %sign3A_32 : i1 to i32
      %sign3A_34 = arith.subi %sign3A_30, %sign3A_33 : i32
      %ne3A = arith.cmpi ne, %sign3A_27, %sign3A_34 : i32
      %rem3A = arith.remsi %scan3A_20, %jit3A : i32
      %ne3A_35 = arith.constant 0 : i32
      %ne3A_36 = arith.cmpi ne, %rem3A, %ne3A_35 : i32
      %and3A = arith.andi %ne3A, %ne3A_36 : i1
      %sub3A = arith.constant 1 : i32
      %sub3A_37 = arith.subi %div3A, %sub3A : i32
      %select_n3A = arith.select %and3A, %sub3A_37, %div3A : i32
      %jit3A_38 = arith.constant 4 : i32
      %eq3A = arith.constant 0 : i32
      %eq3A_39 = arith.cmpi eq, %jit3A_38, %eq3A : i32
      %jit3A_40 = arith.constant 1 : i32
      %select_n3A_41 = arith.select %eq3A_39, %jit3A_40, %jit3A_38 : i32
      %rem3A_42 = arith.remsi %scan3A_20, %select_n3A_41 : i32
      %ne3A_43 = arith.constant 0 : i32
      %ne3A_44 = arith.cmpi ne, %rem3A_42, %ne3A_43 : i32
      %lt3A = arith.constant 0 : i32
      %lt3A_45 = arith.cmpi slt, %rem3A_42, %lt3A : i32
      %lt3A_46 = arith.constant 0 : i32
      %lt3A_47 = arith.cmpi slt, %select_n3A_41, %lt3A_46 : i32
      %ne3A_48 = arith.xori %lt3A_45, %lt3A_47 : i1
      %and3A_49 = arith.andi %ne3A_48, %ne3A_44 : i1
      %add3A = arith.addi %rem3A_42, %select_n3A_41 : i32
      %select_n3A_50 = arith.select %and3A_49, %add3A, %rem3A_42 : i32
      %mul3A = arith.constant 16 : i32
      %mul3A_51 = arith.muli %select_n3A_50, %mul3A : i32
      %swap3A = arith.index_cast %select_n3A : i32 to index
      %swap3A_52 = arith.index_cast %mul3A_51 : i32 to index
      %swap3A_53 = tpu.vector_load %arg8[%swap3A, %swap3A_52] {strides = array<i32>} : memref<100x64xf32, #tpu.memory_space<vmem>>, vector<1x16xf32>,
      %swap3A_54 = vector.shape_cast %swap3A_53 : vector<1x16xf32> to vector<16xf32>
      %swap3A_55 = vector.shape_cast %broadcast_in_dim3A_21 : vector<16xf32> to vector<1x16xf32>
      tpu.vector_store %arg8[%swap3A, %swap3A_52], %swap3A_55 {strides = array<i32>} : memref<100x64xf32, #tpu.memory_space<vmem>>, vector<1x16xf32>,
    }
    %scan3A_3 = arith.constant 400 : i32
    %scan3A_4 = arith.constant 0 : i32
    %scan3A_5 = arith.constant 8 : i32
    %scan3A_6 = arith.addi %scan3A_4, %scan3A_5 : i32
    %scan3A_7 = arith.constant 1 : i32
    scf.for %scan3A_20 = %scan3A_4 to %scan3A_6 step %scan3A_7  : i32 {
      %mul3A = arith.constant 16 : i32
      %mul3A_21 = arith.muli %scan3A_20, %mul3A : i32
      %add3A = arith.addi %arg1, %mul3A_21 : i32
      %lt3A = arith.constant 125 : i32
      %lt3A_22 = arith.cmpi slt, %add3A, %lt3A : i32
      %convert_element_type3A = arith.extui %lt3A_22 : i1 to i32
      %cond3A = arith.constant 0 : i32
      %cond3A_23 = arith.cmpi ne, %convert_element_type3A, %cond3A : i32
      scf.if %cond3A_23 {
        %mul3A_24 = arith.constant 80 : i32
        %mul3A_25 = arith.muli %add3A, %mul3A_24 : i32
        "tpu.region"() ({
          %run_scoped3A = tpu.sem_alloc : memref<!tpu.dma_semaphore, #tpu.memory_space<semaphore_mem>>
          %dma_start3A = arith.constant 0 : i32
          %dma_start3A_26 = arith.constant 0 : i32
          %dma_start3A_27 = tpu.memref_slice %arg8[%dma_start3A, %dma_start3A_26] : memref<100x64xf32, #tpu.memory_space<vmem>> -> memref<80x64xf32, #tpu.memory_space<vmem>>
          %dma_start3A_28 = arith.constant 0 : i32
          %dma_start3A_29 = tpu.memref_slice %arg10[%mul3A_25, %dma_start3A_28] : memref<10000x64xf32, #tpu.memory_space<vmem_shared>> -> memref<80x64xf32, #tpu.memory_space<vmem_shared>>
          %dma_start3A_30 = arith.constant 0 : i32
          %dma_start3A_31 = tpu.memref_slice %arg10[%mul3A_25, %dma_start3A_30] : memref<10000x64xf32, #tpu.memory_space<vmem_shared>> -> memref<80x64xf32, #tpu.memory_space<vmem_shared>>
          %dma_start3A_32 = arith.constant 0 : i32
          %dma_start3A_33 = arith.constant 0 : i32
          %dma_start3A_34 = tpu.memref_slice %arg8[%dma_start3A_32, %dma_start3A_33] : memref<100x64xf32, #tpu.memory_space<vmem>> -> memref<80x64xf32, #tpu.memory_space<vmem>>
          tpu.enqueue_dma source(%dma_start3A_34 : memref<80x64xf32, #tpu.memory_space<vmem>>) target(%dma_start3A_31 : memref<80x64xf32, #tpu.memory_space<vmem_shared>>) target_semaphore(%run_scoped3A : memref<!tpu.dma_semaphore, #tpu.memory_space<semaphore_mem>>)
          %dma_wait3A = arith.constant 0 : i32
          %dma_wait3A_35 = arith.constant 0 : i32
          %dma_wait3A_36 = tpu.memref_slice %arg8[%dma_wait3A, %dma_wait3A_35] : memref<100x64xf32, #tpu.memory_space<vmem>> -> memref<80x64xf32, #tpu.memory_space<vmem>>
          %dma_wait3A_37 = arith.constant 0 : i32
          %dma_wait3A_38 = tpu.memref_slice %arg10[%mul3A_25, %dma_wait3A_37] : memref<10000x64xf32, #tpu.memory_space<vmem_shared>> -> memref<80x64xf32, #tpu.memory_space<vmem_shared>>
          %dma_wait3A_39 = arith.constant 0 : i32
          %dma_wait3A_40 = tpu.memref_slice %arg10[%mul3A_25, %dma_wait3A_39] : memref<10000x64xf32, #tpu.memory_space<vmem_shared>> -> memref<80x64xf32, #tpu.memory_space<vmem_shared>>
          %dma_wait3A_41 = arith.constant 0 : i32
          %dma_wait3A_42 = arith.constant 0 : i32
          %dma_wait3A_43 = tpu.memref_slice %arg8[%dma_wait3A_41, %dma_wait3A_42] : memref<100x64xf32, #tpu.memory_space<vmem>> -> memref<80x64xf32, #tpu.memory_space<vmem>>
          tpu.wait_dma2 semaphore(%run_scoped3A : memref<!tpu.dma_semaphore, #tpu.memory_space<semaphore_mem>>) src(%dma_wait3A_43 : memref<80x64xf32, #tpu.memory_space<vmem>>) dst(%dma_wait3A_40 : memref<80x64xf32, #tpu.memory_space<vmem_shared>>)
          tpu.yield
        }) : () -> ()
      } else {
      }
    }
    %scan3A_8 = arith.constant 8 : i32
    %barrier3A = arith.constant 0 : index
    tpu.barrier barrier_id(%barrier3A)
    %scan3A_9 = arith.constant 0 : i32
    %scan3A_10 = arith.constant 200 : i32
    %scan3A_11 = arith.addi %scan3A_9, %scan3A_10 : i32
    %scan3A_12 = arith.constant 1 : i32
    scf.for %scan3A_20 = %scan3A_9 to %scan3A_11 step %scan3A_12  : i32 {
      "tpu.region"() ({
        %run_scoped3A = tpu.sem_alloc : memref<!tpu.dma_semaphore, #tpu.memory_space<semaphore_mem>>
        %dma_start3A = arith.constant 0 : i32
        %dma_start3A_21 = tpu.memref_slice %arg6[%scan3A_20, %dma_start3A] : memref<200x100xi32, #tpu.memory_space<vmem>> -> memref<1x100xi32, #tpu.memory_space<vmem>>
        %dma_start3A_22 = tpu.memref_squeeze %dma_start3A_21 : memref<1x100xi32, #tpu.memory_space<vmem>> -> memref<100xi32, #tpu.memory_space<vmem>>
        %dma_start3A_23 = arith.constant 0 : i32
        %dma_start3A_24 = arith.constant 0 : i32
        %dma_start3A_25 = tpu.memref_slice %arg2[%arg0, %dma_start3A_23, %dma_start3A_24] : memref<2x10000x64xf32, #tpu.memory_space<hbm>> -> memref<1x10000x64xf32, #tpu.memory_space<hbm>>
        %dma_start3A_26 = tpu.memref_squeeze %dma_start3A_25 : memref<1x10000x64xf32, #tpu.memory_space<hbm>> -> memref<10000x64xf32, #tpu.memory_space<hbm>>
        %dma_start3A_27 = arith.constant 0 : i32
        %dma_start3A_28 = arith.constant 0 : i32
        %dma_start3A_29 = tpu.memref_slice %dma_start3A_26[%dma_start3A_27, %dma_start3A_28] : memref<10000x64xf32, #tpu.memory_space<hbm>> -> memref<10000x64xf32, #tpu.memory_space<hbm>>
        tpu.enqueue_indirect_dma source(%dma_start3A_29 : memref<10000x64xf32, #tpu.memory_space<hbm>>) target(%arg8 : memref<100x64xf32, #tpu.memory_space<vmem>>) offsets(%dma_start3A_22 : memref<100xi32, #tpu.memory_space<vmem>>) semaphore(%run_scoped3A : memref<!tpu.dma_semaphore, #tpu.memory_space<semaphore_mem>>)
        %dma_wait3A = arith.constant 0 : i32
        %dma_wait3A_30 = tpu.memref_slice %arg6[%scan3A_20, %dma_wait3A] : memref<200x100xi32, #tpu.memory_space<vmem>> -> memref<1x100xi32, #tpu.memory_space<vmem>>
        %dma_wait3A_31 = tpu.memref_squeeze %dma_wait3A_30 : memref<1x100xi32, #tpu.memory_space<vmem>> -> memref<100xi32, #tpu.memory_space<vmem>>
        %dma_wait3A_32 = arith.constant 0 : i32
        %dma_wait3A_33 = arith.constant 0 : i32
        %dma_wait3A_34 = tpu.memref_slice %arg2[%arg0, %dma_wait3A_32, %dma_wait3A_33] : memref<2x10000x64xf32, #tpu.memory_space<hbm>> -> memref<1x10000x64xf32, #tpu.memory_space<hbm>>
        %dma_wait3A_35 = tpu.memref_squeeze %dma_wait3A_34 : memref<1x10000x64xf32, #tpu.memory_space<hbm>> -> memref<10000x64xf32, #tpu.memory_space<hbm>>
        %dma_wait3A_36 = arith.constant 0 : i32
        %dma_wait3A_37 = arith.constant 0 : i32
        %dma_wait3A_38 = tpu.memref_slice %dma_wait3A_35[%dma_wait3A_36, %dma_wait3A_37] : memref<10000x64xf32, #tpu.memory_space<hbm>> -> memref<10000x64xf32, #tpu.memory_space<hbm>>
        tpu.wait_indirect_dma semaphore(%run_scoped3A : memref<!tpu.dma_semaphore, #tpu.memory_space<semaphore_mem>>) src(%dma_wait3A_38 : memref<10000x64xf32, #tpu.memory_space<hbm>>) dst(%arg8 : memref<100x64xf32, #tpu.memory_space<vmem>>)
        tpu.yield
      }) : () -> ()
      "tpu.region"() ({
        %run_scoped3A = tpu.sem_alloc : memref<!tpu.dma_semaphore, #tpu.memory_space<semaphore_mem>>
        %dma_start3A = arith.constant 0 : i32
        %dma_start3A_21 = tpu.memref_slice %arg7[%scan3A_20, %dma_start3A] : memref<200x100xi32, #tpu.memory_space<vmem>> -> memref<1x100xi32, #tpu.memory_space<vmem>>
        %dma_start3A_22 = tpu.memref_squeeze %dma_start3A_21 : memref<1x100xi32, #tpu.memory_space<vmem>> -> memref<100xi32, #tpu.memory_space<vmem>>
        %dma_start3A_23 = arith.constant 0 : i32
        %dma_start3A_24 = arith.constant 0 : i32
        %dma_start3A_25 = tpu.memref_slice %arg10[%dma_start3A_23, %dma_start3A_24] : memref<10000x64xf32, #tpu.memory_space<vmem_shared>> -> memref<10000x64xf32, #tpu.memory_space<vmem_shared>>
        tpu.enqueue_indirect_dma source(%arg8 : memref<100x64xf32, #tpu.memory_space<vmem>>) target(%dma_start3A_25 : memref<10000x64xf32, #tpu.memory_space<vmem_shared>>) offsets(%dma_start3A_22 : memref<100xi32, #tpu.memory_space<vmem>>) semaphore(%run_scoped3A : memref<!tpu.dma_semaphore, #tpu.memory_space<semaphore_mem>>) {add = true}
        %dma_wait3A = arith.constant 0 : i32
        %dma_wait3A_26 = tpu.memref_slice %arg7[%scan3A_20, %dma_wait3A] : memref<200x100xi32, #tpu.memory_space<vmem>> -> memref<1x100xi32, #tpu.memory_space<vmem>>
        %dma_wait3A_27 = tpu.memref_squeeze %dma_wait3A_26 : memref<1x100xi32, #tpu.memory_space<vmem>> -> memref<100xi32, #tpu.memory_space<vmem>>
        %dma_wait3A_28 = arith.constant 0 : i32
        %dma_wait3A_29 = arith.constant 0 : i32
        %dma_wait3A_30 = tpu.memref_slice %arg10[%dma_wait3A_28, %dma_wait3A_29] : memref<10000x64xf32, #tpu.memory_space<vmem_shared>> -> memref<10000x64xf32, #tpu.memory_space<vmem_shared>>
        tpu.wait_indirect_dma semaphore(%run_scoped3A : memref<!tpu.dma_semaphore, #tpu.memory_space<semaphore_mem>>) src(%arg8 : memref<100x64xf32, #tpu.memory_space<vmem>>) dst(%dma_wait3A_30 : memref<10000x64xf32, #tpu.memory_space<vmem_shared>>)
        tpu.yield
      }) : () -> ()
    }
    %scan3A_13 = arith.constant 200 : i32
    %barrier3A_14 = arith.constant 0 : index
    tpu.barrier barrier_id(%barrier3A_14)
    %scan3A_15 = arith.constant 0 : i32
    %scan3A_16 = arith.constant 8 : i32
    %scan3A_17 = arith.addi %scan3A_15, %scan3A_16 : i32
    %scan3A_18 = arith.constant 1 : i32
    scf.for %scan3A_20 = %scan3A_15 to %scan3A_17 step %scan3A_18  : i32 {
      %mul3A = arith.constant 16 : i32
      %mul3A_21 = arith.muli %scan3A_20, %mul3A : i32
      %add3A = arith.addi %arg1, %mul3A_21 : i32
      %lt3A = arith.constant 125 : i32
      %lt3A_22 = arith.cmpi slt, %add3A, %lt3A : i32
      %convert_element_type3A = arith.extui %lt3A_22 : i1 to i32
      %cond3A = arith.constant 0 : i32
      %cond3A_23 = arith.cmpi ne, %convert_element_type3A, %cond3A : i32
      scf.if %cond3A_23 {
        %mul3A_24 = arith.constant 80 : i32
        %mul3A_25 = arith.muli %add3A, %mul3A_24 : i32
        "tpu.region"() ({
          %run_scoped3A = tpu.sem_alloc : memref<!tpu.dma_semaphore, #tpu.memory_space<semaphore_mem>>
          %dma_start3A = arith.constant 0 : i32
          %dma_start3A_28 = arith.constant 0 : i32
          %dma_start3A_29 = tpu.memref_slice %arg9[%dma_start3A, %dma_start3A_28] : memref<100x64xf32, #tpu.memory_space<vmem>> -> memref<80x64xf32, #tpu.memory_space<vmem>>
          %dma_start3A_30 = arith.constant 0 : i32
          %dma_start3A_31 = tpu.memref_slice %arg10[%mul3A_25, %dma_start3A_30] : memref<10000x64xf32, #tpu.memory_space<vmem_shared>> -> memref<80x64xf32, #tpu.memory_space<vmem_shared>>
          %dma_start3A_32 = arith.constant 0 : i32
          %dma_start3A_33 = arith.constant 0 : i32
          %dma_start3A_34 = tpu.memref_slice %arg9[%dma_start3A_32, %dma_start3A_33] : memref<100x64xf32, #tpu.memory_space<vmem>> -> memref<80x64xf32, #tpu.memory_space<vmem>>
          %dma_start3A_35 = arith.constant 0 : i32
          %dma_start3A_36 = tpu.memref_slice %arg10[%mul3A_25, %dma_start3A_35] : memref<10000x64xf32, #tpu.memory_space<vmem_shared>> -> memref<80x64xf32, #tpu.memory_space<vmem_shared>>
          tpu.enqueue_dma source(%dma_start3A_36 : memref<80x64xf32, #tpu.memory_space<vmem_shared>>) target(%dma_start3A_34 : memref<80x64xf32, #tpu.memory_space<vmem>>) target_semaphore(%run_scoped3A : memref<!tpu.dma_semaphore, #tpu.memory_space<semaphore_mem>>)
          %dma_wait3A = arith.constant 0 : i32
          %dma_wait3A_37 = arith.constant 0 : i32
          %dma_wait3A_38 = tpu.memref_slice %arg9[%dma_wait3A, %dma_wait3A_37] : memref<100x64xf32, #tpu.memory_space<vmem>> -> memref<80x64xf32, #tpu.memory_space<vmem>>
          %dma_wait3A_39 = arith.constant 0 : i32
          %dma_wait3A_40 = tpu.memref_slice %arg10[%mul3A_25, %dma_wait3A_39] : memref<10000x64xf32, #tpu.memory_space<vmem_shared>> -> memref<80x64xf32, #tpu.memory_space<vmem_shared>>
          %dma_wait3A_41 = arith.constant 0 : i32
          %dma_wait3A_42 = arith.constant 0 : i32
          %dma_wait3A_43 = tpu.memref_slice %arg9[%dma_wait3A_41, %dma_wait3A_42] : memref<100x64xf32, #tpu.memory_space<vmem>> -> memref<80x64xf32, #tpu.memory_space<vmem>>
          %dma_wait3A_44 = arith.constant 0 : i32
          %dma_wait3A_45 = tpu.memref_slice %arg10[%mul3A_25, %dma_wait3A_44] : memref<10000x64xf32, #tpu.memory_space<vmem_shared>> -> memref<80x64xf32, #tpu.memory_space<vmem_shared>>
          tpu.wait_dma2 semaphore(%run_scoped3A : memref<!tpu.dma_semaphore, #tpu.memory_space<semaphore_mem>>) src(%dma_wait3A_45 : memref<80x64xf32, #tpu.memory_space<vmem_shared>>) dst(%dma_wait3A_43 : memref<80x64xf32, #tpu.memory_space<vmem>>)
          tpu.yield
        }) : () -> ()
        %mul3A_26 = arith.constant 80 : i32
        %mul3A_27 = arith.muli %add3A, %mul3A_26 : i32
        "tpu.region"() ({
          %run_scoped3A = tpu.sem_alloc : memref<!tpu.dma_semaphore, #tpu.memory_space<semaphore_mem>>
          %dma_start3A = arith.constant 0 : i32
          %dma_start3A_28 = arith.constant 0 : i32
          %dma_start3A_29 = tpu.memref_slice %arg9[%dma_start3A, %dma_start3A_28] : memref<100x64xf32, #tpu.memory_space<vmem>> -> memref<80x64xf32, #tpu.memory_space<vmem>>
          %dma_start3A_30 = arith.constant 0 : i32
          %dma_start3A_31 = tpu.memref_slice %arg5[%arg0, %mul3A_27, %dma_start3A_30] : memref<2x10000x64xf32, #tpu.memory_space<hbm>> -> memref<1x80x64xf32, #tpu.memory_space<hbm>>
          %dma_start3A_32 = tpu.memref_squeeze %dma_start3A_31 : memref<1x80x64xf32, #tpu.memory_space<hbm>> -> memref<80x64xf32, #tpu.memory_space<hbm>>
          %dma_start3A_33 = arith.constant 0 : i32
          %dma_start3A_34 = tpu.memref_slice %arg5[%arg0, %mul3A_27, %dma_start3A_33] : memref<2x10000x64xf32, #tpu.memory_space<hbm>> -> memref<1x80x64xf32, #tpu.memory_space<hbm>>
          %dma_start3A_35 = tpu.memref_squeeze %dma_start3A_34 : memref<1x80x64xf32, #tpu.memory_space<hbm>> -> memref<80x64xf32, #tpu.memory_space<hbm>>
          %dma_start3A_36 = arith.constant 0 : i32
          %dma_start3A_37 = arith.constant 0 : i32
          %dma_start3A_38 = tpu.memref_slice %arg9[%dma_start3A_36, %dma_start3A_37] : memref<100x64xf32, #tpu.memory_space<vmem>> -> memref<80x64xf32, #tpu.memory_space<vmem>>
          tpu.enqueue_dma source(%dma_start3A_38 : memref<80x64xf32, #tpu.memory_space<vmem>>) target(%dma_start3A_35 : memref<80x64xf32, #tpu.memory_space<hbm>>) target_semaphore(%run_scoped3A : memref<!tpu.dma_semaphore, #tpu.memory_space<semaphore_mem>>)
          %dma_wait3A = arith.constant 0 : i32
          %dma_wait3A_39 = arith.constant 0 : i32
          %dma_wait3A_40 = tpu.memref_slice %arg9[%dma_wait3A, %dma_wait3A_39] : memref<100x64xf32, #tpu.memory_space<vmem>> -> memref<80x64xf32, #tpu.memory_space<vmem>>
          %dma_wait3A_41 = arith.constant 0 : i32
          %dma_wait3A_42 = tpu.memref_slice %arg5[%arg0, %mul3A_27, %dma_wait3A_41] : memref<2x10000x64xf32, #tpu.memory_space<hbm>> -> memref<1x80x64xf32, #tpu.memory_space<hbm>>
          %dma_wait3A_43 = tpu.memref_squeeze %dma_wait3A_42 : memref<1x80x64xf32, #tpu.memory_space<hbm>> -> memref<80x64xf32, #tpu.memory_space<hbm>>
          %dma_wait3A_44 = arith.constant 0 : i32
          %dma_wait3A_45 = tpu.memref_slice %arg5[%arg0, %mul3A_27, %dma_wait3A_44] : memref<2x10000x64xf32, #tpu.memory_space<hbm>> -> memref<1x80x64xf32, #tpu.memory_space<hbm>>
          %dma_wait3A_46 = tpu.memref_squeeze %dma_wait3A_45 : memref<1x80x64xf32, #tpu.memory_space<hbm>> -> memref<80x64xf32, #tpu.memory_space<hbm>>
          %dma_wait3A_47 = arith.constant 0 : i32
          %dma_wait3A_48 = arith.constant 0 : i32
          %dma_wait3A_49 = tpu.memref_slice %arg9[%dma_wait3A_47, %dma_wait3A_48] : memref<100x64xf32, #tpu.memory_space<vmem>> -> memref<80x64xf32, #tpu.memory_space<vmem>>
          tpu.wait_dma2 semaphore(%run_scoped3A : memref<!tpu.dma_semaphore, #tpu.memory_space<semaphore_mem>>) src(%dma_wait3A_49 : memref<80x64xf32, #tpu.memory_space<vmem>>) dst(%dma_wait3A_46 : memref<80x64xf32, #tpu.memory_space<hbm>>)
          tpu.yield
        }) : () -> ()
      } else {
      }
    }
    %scan3A_19 = arith.constant 8 : i32
    return
  }
}

#map = affine_map<(d0, d1) -> (0, 0, 0)>
module attributes {stable_mosaic.version = 14 : i64} {
  func.func @_sc_aggregate(%arg0: i32, %arg1: i32, %arg2: memref<2x10000x64xf32, #tpu.memory_space<hbm>>, %arg3: memref<16x200x100xi32, #tpu.memory_space<hbm>>, %arg4: memref<16x200x100xi32, #tpu.memory_space<hbm>>, %arg5: memref<2x10000x64xf32, #tpu.memory_space<hbm>>, %arg6: memref<200x100xi32, #tpu.memory_space<vmem>>, %arg7: memref<200x100xi32, #tpu.memory_space<vmem>>, %arg8: memref<100x64xf32, #tpu.memory_space<vmem>>, %arg9: memref<100x64xf32, #tpu.memory_space<vmem>>, %arg10: memref<10000x64xf32, #tpu.memory_space<vmem_shared>>) attributes {dimension_semantics = [#tpu.dimension_semantics<core_parallel>, #tpu.dimension_semantics<subcore_parallel>], iteration_bounds = array<i64: 2, 16>, scalar_prefetch = 0 : i64, scratch_operands = 5 : i64, tpu.core_type = #tpu.core_type<sc_vector_subcore>, window_params = [{transform_indices = #map}, {transform_indices = #map}, {transform_indices = #map}, {transform_indices = #map}]} {
    "tpu.region"() ({
      %run_scoped3A = tpu.sem_alloc : memref<!tpu.dma_semaphore, #tpu.memory_space<semaphore_mem>>
      %dma_start3A = arith.constant 0 : i32
      %dma_start3A_20 = arith.constant 0 : i32
      %dma_start3A_21 = tpu.memref_slice %arg3[%arg1, %dma_start3A, %dma_start3A_20] : memref<16x200x100xi32, #tpu.memory_space<hbm>> -> memref<1x200x100xi32, #tpu.memory_space<hbm>>
      %dma_start3A_22 = tpu.memref_squeeze %dma_start3A_21 : memref<1x200x100xi32, #tpu.memory_space<hbm>> -> memref<200x100xi32, #tpu.memory_space<hbm>>
      %dma_start3A_23 = arith.constant 0 : i32
      %dma_start3A_24 = arith.constant 0 : i32
      %dma_start3A_25 = tpu.memref_slice %arg3[%arg1, %dma_start3A_23, %dma_start3A_24] : memref<16x200x100xi32, #tpu.memory_space<hbm>> -> memref<1x200x100xi32, #tpu.memory_space<hbm>>
      %dma_start3A_26 = tpu.memref_squeeze %dma_start3A_25 : memref<1x200x100xi32, #tpu.memory_space<hbm>> -> memref<200x100xi32, #tpu.memory_space<hbm>>
      tpu.enqueue_dma source(%dma_start3A_26 : memref<200x100xi32, #tpu.memory_space<hbm>>) target(%arg6 : memref<200x100xi32, #tpu.memory_space<vmem>>) target_semaphore(%run_scoped3A : memref<!tpu.dma_semaphore, #tpu.memory_space<semaphore_mem>>)
      %dma_wait3A = arith.constant 0 : i32
      %dma_wait3A_27 = arith.constant 0 : i32
      %dma_wait3A_28 = tpu.memref_slice %arg3[%arg1, %dma_wait3A, %dma_wait3A_27] : memref<16x200x100xi32, #tpu.memory_space<hbm>> -> memref<1x200x100xi32, #tpu.memory_space<hbm>>
      %dma_wait3A_29 = tpu.memref_squeeze %dma_wait3A_28 : memref<1x200x100xi32, #tpu.memory_space<hbm>> -> memref<200x100xi32, #tpu.memory_space<hbm>>
      %dma_wait3A_30 = arith.constant 0 : i32
      %dma_wait3A_31 = arith.constant 0 : i32
      %dma_wait3A_32 = tpu.memref_slice %arg3[%arg1, %dma_wait3A_30, %dma_wait3A_31] : memref<16x200x100xi32, #tpu.memory_space<hbm>> -> memref<1x200x100xi32, #tpu.memory_space<hbm>>
      %dma_wait3A_33 = tpu.memref_squeeze %dma_wait3A_32 : memref<1x200x100xi32, #tpu.memory_space<hbm>> -> memref<200x100xi32, #tpu.memory_space<hbm>>
      tpu.wait_dma2 semaphore(%run_scoped3A : memref<!tpu.dma_semaphore, #tpu.memory_space<semaphore_mem>>) src(%dma_wait3A_33 : memref<200x100xi32, #tpu.memory_space<hbm>>) dst(%arg6 : memref<200x100xi32, #tpu.memory_space<vmem>>)
      tpu.yield
    }) : () -> ()
    "tpu.region"() ({
      %run_scoped3A = tpu.sem_alloc : memref<!tpu.dma_semaphore, #tpu.memory_space<semaphore_mem>>
      %dma_start3A = arith.constant 0 : i32
      %dma_start3A_20 = arith.constant 0 : i32
      %dma_start3A_21 = tpu.memref_slice %arg4[%arg1, %dma_start3A, %dma_start3A_20] : memref<16x200x100xi32, #tpu.memory_space<hbm>> -> memref<1x200x100xi32, #tpu.memory_space<hbm>>
      %dma_start3A_22 = tpu.memref_squeeze %dma_start3A_21 : memref<1x200x100xi32, #tpu.memory_space<hbm>> -> memref<200x100xi32, #tpu.memory_space<hbm>>
      %dma_start3A_23 = arith.constant 0 : i32
      %dma_start3A_24 = arith.constant 0 : i32
      %dma_start3A_25 = tpu.memref_slice %arg4[%arg1, %dma_start3A_23, %dma_start3A_24] : memref<16x200x100xi32, #tpu.memory_space<hbm>> -> memref<1x200x100xi32, #tpu.memory_space<hbm>>
      %dma_start3A_26 = tpu.memref_squeeze %dma_start3A_25 : memref<1x200x100xi32, #tpu.memory_space<hbm>> -> memref<200x100xi32, #tpu.memory_space<hbm>>
      tpu.enqueue_dma source(%dma_start3A_26 : memref<200x100xi32, #tpu.memory_space<hbm>>) target(%arg7 : memref<200x100xi32, #tpu.memory_space<vmem>>) target_semaphore(%run_scoped3A : memref<!tpu.dma_semaphore, #tpu.memory_space<semaphore_mem>>)
      %dma_wait3A = arith.constant 0 : i32
      %dma_wait3A_27 = arith.constant 0 : i32
      %dma_wait3A_28 = tpu.memref_slice %arg4[%arg1, %dma_wait3A, %dma_wait3A_27] : memref<16x200x100xi32, #tpu.memory_space<hbm>> -> memref<1x200x100xi32, #tpu.memory_space<hbm>>
      %dma_wait3A_29 = tpu.memref_squeeze %dma_wait3A_28 : memref<1x200x100xi32, #tpu.memory_space<hbm>> -> memref<200x100xi32, #tpu.memory_space<hbm>>
      %dma_wait3A_30 = arith.constant 0 : i32
      %dma_wait3A_31 = arith.constant 0 : i32
      %dma_wait3A_32 = tpu.memref_slice %arg4[%arg1, %dma_wait3A_30, %dma_wait3A_31] : memref<16x200x100xi32, #tpu.memory_space<hbm>> -> memref<1x200x100xi32, #tpu.memory_space<hbm>>
      %dma_wait3A_33 = tpu.memref_squeeze %dma_wait3A_32 : memref<1x200x100xi32, #tpu.memory_space<hbm>> -> memref<200x100xi32, #tpu.memory_space<hbm>>
      tpu.wait_dma2 semaphore(%run_scoped3A : memref<!tpu.dma_semaphore, #tpu.memory_space<semaphore_mem>>) src(%dma_wait3A_33 : memref<200x100xi32, #tpu.memory_space<hbm>>) dst(%arg7 : memref<200x100xi32, #tpu.memory_space<vmem>>)
      tpu.yield
    }) : () -> ()
    %scan3A = arith.constant 0 : i32
    %scan3A_0 = arith.constant 400 : i32
    %scan3A_1 = arith.addi %scan3A, %scan3A_0 : i32
    %scan3A_2 = arith.constant 1 : i32
    scf.for %scan3A_20 = %scan3A to %scan3A_1 step %scan3A_2  : i32 {
      %broadcast_in_dim3A = arith.constant 0.000000e+00 : f32
      %broadcast_in_dim3A_21 = vector.broadcast %broadcast_in_dim3A : f32 to vector<16xf32>
      %jit3A = arith.constant 4 : i32
      %div3A = arith.divsi %scan3A_20, %jit3A : i32
      %sign3A = arith.constant 0 : i32
      %sign3A_22 = arith.cmpi sgt, %scan3A_20, %sign3A : i32
      %sign3A_23 = arith.extui %sign3A_22 : i1 to i32
      %sign3A_24 = arith.constant 0 : i32
      %sign3A_25 = arith.cmpi slt, %scan3A_20, %sign3A_24 : i32
      %sign3A_26 = arith.extui %sign3A_25 : i1 to i32
      %sign3A_27 = arith.subi %sign3A_23, %sign3A_26 : i32
      %sign3A_28 = arith.constant 0 : i32
      %sign3A_29 = arith.cmpi sgt, %jit3A, %sign3A_28 : i32
      %sign3A_30 = arith.extui %sign3A_29 : i1 to i32
      %sign3A_31 = arith.constant 0 : i32
      %sign3A_32 = arith.cmpi slt, %jit3A, %sign3A_31 : i32
      %sign3A_33 = arith.extui %sign3A_32 : i1 to i32
      %sign3A_34 = arith.subi %sign3A_30, %sign3A_33 : i32
      %ne3A = arith.cmpi ne, %sign3A_27, %sign3A_34 : i32
      %rem3A = arith.remsi %scan3A_20, %jit3A : i32
      %ne3A_35 = arith.constant 0 : i32
      %ne3A_36 = arith.cmpi ne, %rem3A, %ne3A_35 : i32
      %and3A = arith.andi %ne3A, %ne3A_36 : i1
      %sub3A = arith.constant 1 : i32
      %sub3A_37 = arith.subi %div3A, %sub3A : i32
      %select_n3A = arith.select %and3A, %sub3A_37, %div3A : i32
      %jit3A_38 = arith.constant 4 : i32
      %eq3A = arith.constant 0 : i32
      %eq3A_39 = arith.cmpi eq, %jit3A_38, %eq3A : i32
      %jit3A_40 = arith.constant 1 : i32
      %select_n3A_41 = arith.select %eq3A_39, %jit3A_40, %jit3A_38 : i32
      %rem3A_42 = arith.remsi %scan3A_20, %select_n3A_41 : i32
      %ne3A_43 = arith.constant 0 : i32
      %ne3A_44 = arith.cmpi ne, %rem3A_42, %ne3A_43 : i32
      %lt3A = arith.constant 0 : i32
      %lt3A_45 = arith.cmpi slt, %rem3A_42, %lt3A : i32
      %lt3A_46 = arith.constant 0 : i32
      %lt3A_47 = arith.cmpi slt, %select_n3A_41, %lt3A_46 : i32
      %ne3A_48 = arith.xori %lt3A_45, %lt3A_47 : i1
      %and3A_49 = arith.andi %ne3A_48, %ne3A_44 : i1
      %add3A = arith.addi %rem3A_42, %select_n3A_41 : i32
      %select_n3A_50 = arith.select %and3A_49, %add3A, %rem3A_42 : i32
      %mul3A = arith.constant 16 : i32
      %mul3A_51 = arith.muli %select_n3A_50, %mul3A : i32
      %swap3A = arith.index_cast %select_n3A : i32 to index
      %swap3A_52 = arith.index_cast %mul3A_51 : i32 to index
      %swap3A_53 = tpu.vector_load %arg8[%swap3A, %swap3A_52] {strides = array<i32>} : memref<100x64xf32, #tpu.memory_space<vmem>>, vector<1x16xf32>,
      %swap3A_54 = vector.shape_cast %swap3A_53 : vector<1x16xf32> to vector<16xf32>
      %swap3A_55 = vector.shape_cast %broadcast_in_dim3A_21 : vector<16xf32> to vector<1x16xf32>
      tpu.vector_store %arg8[%swap3A, %swap3A_52], %swap3A_55 {strides = array<i32>} : memref<100x64xf32, #tpu.memory_space<vmem>>, vector<1x16xf32>,
    }
    %scan3A_3 = arith.constant 400 : i32
    %scan3A_4 = arith.constant 0 : i32
    %scan3A_5 = arith.constant 8 : i32
    %scan3A_6 = arith.addi %scan3A_4, %scan3A_5 : i32
    %scan3A_7 = arith.constant 1 : i32
    scf.for %scan3A_20 = %scan3A_4 to %scan3A_6 step %scan3A_7  : i32 {
      %mul3A = arith.constant 16 : i32
      %mul3A_21 = arith.muli %scan3A_20, %mul3A : i32
      %add3A = arith.addi %arg1, %mul3A_21 : i32
      %lt3A = arith.constant 125 : i32
      %lt3A_22 = arith.cmpi slt, %add3A, %lt3A : i32
      %convert_element_type3A = arith.extui %lt3A_22 : i1 to i32
      %cond3A = arith.constant 0 : i32
      %cond3A_23 = arith.cmpi ne, %convert_element_type3A, %cond3A : i32
      scf.if %cond3A_23 {
        %mul3A_24 = arith.constant 80 : i32
        %mul3A_25 = arith.muli %add3A, %mul3A_24 : i32
        "tpu.region"() ({
          %run_scoped3A = tpu.sem_alloc : memref<!tpu.dma_semaphore, #tpu.memory_space<semaphore_mem>>
          %dma_start3A = arith.constant 0 : i32
          %dma_start3A_26 = arith.constant 0 : i32
          %dma_start3A_27 = tpu.memref_slice %arg8[%dma_start3A, %dma_start3A_26] : memref<100x64xf32, #tpu.memory_space<vmem>> -> memref<80x64xf32, #tpu.memory_space<vmem>>
          %dma_start3A_28 = arith.constant 0 : i32
          %dma_start3A_29 = tpu.memref_slice %arg10[%mul3A_25, %dma_start3A_28] : memref<10000x64xf32, #tpu.memory_space<vmem_shared>> -> memref<80x64xf32, #tpu.memory_space<vmem_shared>>
          %dma_start3A_30 = arith.constant 0 : i32
          %dma_start3A_31 = tpu.memref_slice %arg10[%mul3A_25, %dma_start3A_30] : memref<10000x64xf32, #tpu.memory_space<vmem_shared>> -> memref<80x64xf32, #tpu.memory_space<vmem_shared>>
          %dma_start3A_32 = arith.constant 0 : i32
          %dma_start3A_33 = arith.constant 0 : i32
          %dma_start3A_34 = tpu.memref_slice %arg8[%dma_start3A_32, %dma_start3A_33] : memref<100x64xf32, #tpu.memory_space<vmem>> -> memref<80x64xf32, #tpu.memory_space<vmem>>
          tpu.enqueue_dma source(%dma_start3A_34 : memref<80x64xf32, #tpu.memory_space<vmem>>) target(%dma_start3A_31 : memref<80x64xf32, #tpu.memory_space<vmem_shared>>) target_semaphore(%run_scoped3A : memref<!tpu.dma_semaphore, #tpu.memory_space<semaphore_mem>>)
          %dma_wait3A = arith.constant 0 : i32
          %dma_wait3A_35 = arith.constant 0 : i32
          %dma_wait3A_36 = tpu.memref_slice %arg8[%dma_wait3A, %dma_wait3A_35] : memref<100x64xf32, #tpu.memory_space<vmem>> -> memref<80x64xf32, #tpu.memory_space<vmem>>
          %dma_wait3A_37 = arith.constant 0 : i32
          %dma_wait3A_38 = tpu.memref_slice %arg10[%mul3A_25, %dma_wait3A_37] : memref<10000x64xf32, #tpu.memory_space<vmem_shared>> -> memref<80x64xf32, #tpu.memory_space<vmem_shared>>
          %dma_wait3A_39 = arith.constant 0 : i32
          %dma_wait3A_40 = tpu.memref_slice %arg10[%mul3A_25, %dma_wait3A_39] : memref<10000x64xf32, #tpu.memory_space<vmem_shared>> -> memref<80x64xf32, #tpu.memory_space<vmem_shared>>
          %dma_wait3A_41 = arith.constant 0 : i32
          %dma_wait3A_42 = arith.constant 0 : i32
          %dma_wait3A_43 = tpu.memref_slice %arg8[%dma_wait3A_41, %dma_wait3A_42] : memref<100x64xf32, #tpu.memory_space<vmem>> -> memref<80x64xf32, #tpu.memory_space<vmem>>
          tpu.wait_dma2 semaphore(%run_scoped3A : memref<!tpu.dma_semaphore, #tpu.memory_space<semaphore_mem>>) src(%dma_wait3A_43 : memref<80x64xf32, #tpu.memory_space<vmem>>) dst(%dma_wait3A_40 : memref<80x64xf32, #tpu.memory_space<vmem_shared>>)
          tpu.yield
        }) : () -> ()
      } else {
      }
    }
    %scan3A_8 = arith.constant 8 : i32
    %barrier3A = arith.constant 0 : index
    tpu.barrier barrier_id(%barrier3A)
    %scan3A_9 = arith.constant 0 : i32
    %scan3A_10 = arith.constant 200 : i32
    %scan3A_11 = arith.addi %scan3A_9, %scan3A_10 : i32
    %scan3A_12 = arith.constant 1 : i32
    scf.for %scan3A_20 = %scan3A_9 to %scan3A_11 step %scan3A_12  : i32 {
      "tpu.region"() ({
        %run_scoped3A = tpu.sem_alloc : memref<!tpu.dma_semaphore, #tpu.memory_space<semaphore_mem>>
        %dma_start3A = arith.constant 0 : i32
        %dma_start3A_21 = tpu.memref_slice %arg6[%scan3A_20, %dma_start3A] : memref<200x100xi32, #tpu.memory_space<vmem>> -> memref<1x100xi32, #tpu.memory_space<vmem>>
        %dma_start3A_22 = tpu.memref_squeeze %dma_start3A_21 : memref<1x100xi32, #tpu.memory_space<vmem>> -> memref<100xi32, #tpu.memory_space<vmem>>
        %dma_start3A_23 = arith.constant 0 : i32
        %dma_start3A_24 = arith.constant 0 : i32
        %dma_start3A_25 = tpu.memref_slice %arg2[%arg0, %dma_start3A_23, %dma_start3A_24] : memref<2x10000x64xf32, #tpu.memory_space<hbm>> -> memref<1x10000x64xf32, #tpu.memory_space<hbm>>
        %dma_start3A_26 = tpu.memref_squeeze %dma_start3A_25 : memref<1x10000x64xf32, #tpu.memory_space<hbm>> -> memref<10000x64xf32, #tpu.memory_space<hbm>>
        %dma_start3A_27 = arith.constant 0 : i32
        %dma_start3A_28 = arith.constant 0 : i32
        %dma_start3A_29 = tpu.memref_slice %dma_start3A_26[%dma_start3A_27, %dma_start3A_28] : memref<10000x64xf32, #tpu.memory_space<hbm>> -> memref<10000x64xf32, #tpu.memory_space<hbm>>
        tpu.enqueue_indirect_dma source(%dma_start3A_29 : memref<10000x64xf32, #tpu.memory_space<hbm>>) target(%arg8 : memref<100x64xf32, #tpu.memory_space<vmem>>) offsets(%dma_start3A_22 : memref<100xi32, #tpu.memory_space<vmem>>) semaphore(%run_scoped3A : memref<!tpu.dma_semaphore, #tpu.memory_space<semaphore_mem>>)
        %dma_wait3A = arith.constant 0 : i32
        %dma_wait3A_30 = tpu.memref_slice %arg6[%scan3A_20, %dma_wait3A] : memref<200x100xi32, #tpu.memory_space<vmem>> -> memref<1x100xi32, #tpu.memory_space<vmem>>
        %dma_wait3A_31 = tpu.memref_squeeze %dma_wait3A_30 : memref<1x100xi32, #tpu.memory_space<vmem>> -> memref<100xi32, #tpu.memory_space<vmem>>
        %dma_wait3A_32 = arith.constant 0 : i32
        %dma_wait3A_33 = arith.constant 0 : i32
        %dma_wait3A_34 = tpu.memref_slice %arg2[%arg0, %dma_wait3A_32, %dma_wait3A_33] : memref<2x10000x64xf32, #tpu.memory_space<hbm>> -> memref<1x10000x64xf32, #tpu.memory_space<hbm>>
        %dma_wait3A_35 = tpu.memref_squeeze %dma_wait3A_34 : memref<1x10000x64xf32, #tpu.memory_space<hbm>> -> memref<10000x64xf32, #tpu.memory_space<hbm>>
        %dma_wait3A_36 = arith.constant 0 : i32
        %dma_wait3A_37 = arith.constant 0 : i32
        %dma_wait3A_38 = tpu.memref_slice %dma_wait3A_35[%dma_wait3A_36, %dma_wait3A_37] : memref<10000x64xf32, #tpu.memory_space<hbm>> -> memref<10000x64xf32, #tpu.memory_space<hbm>>
        tpu.wait_indirect_dma semaphore(%run_scoped3A : memref<!tpu.dma_semaphore, #tpu.memory_space<semaphore_mem>>) src(%dma_wait3A_38 : memref<10000x64xf32, #tpu.memory_space<hbm>>) dst(%arg8 : memref<100x64xf32, #tpu.memory_space<vmem>>)
        tpu.yield
      }) : () -> ()
      "tpu.region"() ({
        %run_scoped3A = tpu.sem_alloc : memref<!tpu.dma_semaphore, #tpu.memory_space<semaphore_mem>>
        %dma_start3A = arith.constant 0 : i32
        %dma_start3A_21 = tpu.memref_slice %arg7[%scan3A_20, %dma_start3A] : memref<200x100xi32, #tpu.memory_space<vmem>> -> memref<1x100xi32, #tpu.memory_space<vmem>>
        %dma_start3A_22 = tpu.memref_squeeze %dma_start3A_21 : memref<1x100xi32, #tpu.memory_space<vmem>> -> memref<100xi32, #tpu.memory_space<vmem>>
        %dma_start3A_23 = arith.constant 0 : i32
        %dma_start3A_24 = arith.constant 0 : i32
        %dma_start3A_25 = tpu.memref_slice %arg10[%dma_start3A_23, %dma_start3A_24] : memref<10000x64xf32, #tpu.memory_space<vmem_shared>> -> memref<10000x64xf32, #tpu.memory_space<vmem_shared>>
        tpu.enqueue_indirect_dma source(%arg8 : memref<100x64xf32, #tpu.memory_space<vmem>>) target(%dma_start3A_25 : memref<10000x64xf32, #tpu.memory_space<vmem_shared>>) offsets(%dma_start3A_22 : memref<100xi32, #tpu.memory_space<vmem>>) semaphore(%run_scoped3A : memref<!tpu.dma_semaphore, #tpu.memory_space<semaphore_mem>>) {add = true}
        %dma_wait3A = arith.constant 0 : i32
        %dma_wait3A_26 = tpu.memref_slice %arg7[%scan3A_20, %dma_wait3A] : memref<200x100xi32, #tpu.memory_space<vmem>> -> memref<1x100xi32, #tpu.memory_space<vmem>>
        %dma_wait3A_27 = tpu.memref_squeeze %dma_wait3A_26 : memref<1x100xi32, #tpu.memory_space<vmem>> -> memref<100xi32, #tpu.memory_space<vmem>>
        %dma_wait3A_28 = arith.constant 0 : i32
        %dma_wait3A_29 = arith.constant 0 : i32
        %dma_wait3A_30 = tpu.memref_slice %arg10[%dma_wait3A_28, %dma_wait3A_29] : memref<10000x64xf32, #tpu.memory_space<vmem_shared>> -> memref<10000x64xf32, #tpu.memory_space<vmem_shared>>
        tpu.wait_indirect_dma semaphore(%run_scoped3A : memref<!tpu.dma_semaphore, #tpu.memory_space<semaphore_mem>>) src(%arg8 : memref<100x64xf32, #tpu.memory_space<vmem>>) dst(%dma_wait3A_30 : memref<10000x64xf32, #tpu.memory_space<vmem_shared>>)
        tpu.yield
      }) : () -> ()
    }
    %scan3A_13 = arith.constant 200 : i32
    %barrier3A_14 = arith.constant 0 : index
    tpu.barrier barrier_id(%barrier3A_14)
    %scan3A_15 = arith.constant 0 : i32
    %scan3A_16 = arith.constant 8 : i32
    %scan3A_17 = arith.addi %scan3A_15, %scan3A_16 : i32
    %scan3A_18 = arith.constant 1 : i32
    scf.for %scan3A_20 = %scan3A_15 to %scan3A_17 step %scan3A_18  : i32 {
      %mul3A = arith.constant 16 : i32
      %mul3A_21 = arith.muli %scan3A_20, %mul3A : i32
      %add3A = arith.addi %arg1, %mul3A_21 : i32
      %lt3A = arith.constant 125 : i32
      %lt3A_22 = arith.cmpi slt, %add3A, %lt3A : i32
      %convert_element_type3A = arith.extui %lt3A_22 : i1 to i32
      %cond3A = arith.constant 0 : i32
      %cond3A_23 = arith.cmpi ne, %convert_element_type3A, %cond3A : i32
      scf.if %cond3A_23 {
        %mul3A_24 = arith.constant 80 : i32
        %mul3A_25 = arith.muli %add3A, %mul3A_24 : i32
        "tpu.region"() ({
          %run_scoped3A = tpu.sem_alloc : memref<!tpu.dma_semaphore, #tpu.memory_space<semaphore_mem>>
          %dma_start3A = arith.constant 0 : i32
          %dma_start3A_28 = arith.constant 0 : i32
          %dma_start3A_29 = tpu.memref_slice %arg9[%dma_start3A, %dma_start3A_28] : memref<100x64xf32, #tpu.memory_space<vmem>> -> memref<80x64xf32, #tpu.memory_space<vmem>>
          %dma_start3A_30 = arith.constant 0 : i32
          %dma_start3A_31 = tpu.memref_slice %arg10[%mul3A_25, %dma_start3A_30] : memref<10000x64xf32, #tpu.memory_space<vmem_shared>> -> memref<80x64xf32, #tpu.memory_space<vmem_shared>>
          %dma_start3A_32 = arith.constant 0 : i32
          %dma_start3A_33 = arith.constant 0 : i32
          %dma_start3A_34 = tpu.memref_slice %arg9[%dma_start3A_32, %dma_start3A_33] : memref<100x64xf32, #tpu.memory_space<vmem>> -> memref<80x64xf32, #tpu.memory_space<vmem>>
          %dma_start3A_35 = arith.constant 0 : i32
          %dma_start3A_36 = tpu.memref_slice %arg10[%mul3A_25, %dma_start3A_35] : memref<10000x64xf32, #tpu.memory_space<vmem_shared>> -> memref<80x64xf32, #tpu.memory_space<vmem_shared>>
          tpu.enqueue_dma source(%dma_start3A_36 : memref<80x64xf32, #tpu.memory_space<vmem_shared>>) target(%dma_start3A_34 : memref<80x64xf32, #tpu.memory_space<vmem>>) target_semaphore(%run_scoped3A : memref<!tpu.dma_semaphore, #tpu.memory_space<semaphore_mem>>)
          %dma_wait3A = arith.constant 0 : i32
          %dma_wait3A_37 = arith.constant 0 : i32
          %dma_wait3A_38 = tpu.memref_slice %arg9[%dma_wait3A, %dma_wait3A_37] : memref<100x64xf32, #tpu.memory_space<vmem>> -> memref<80x64xf32, #tpu.memory_space<vmem>>
          %dma_wait3A_39 = arith.constant 0 : i32
          %dma_wait3A_40 = tpu.memref_slice %arg10[%mul3A_25, %dma_wait3A_39] : memref<10000x64xf32, #tpu.memory_space<vmem_shared>> -> memref<80x64xf32, #tpu.memory_space<vmem_shared>>
          %dma_wait3A_41 = arith.constant 0 : i32
          %dma_wait3A_42 = arith.constant 0 : i32
          %dma_wait3A_43 = tpu.memref_slice %arg9[%dma_wait3A_41, %dma_wait3A_42] : memref<100x64xf32, #tpu.memory_space<vmem>> -> memref<80x64xf32, #tpu.memory_space<vmem>>
          %dma_wait3A_44 = arith.constant 0 : i32
          %dma_wait3A_45 = tpu.memref_slice %arg10[%mul3A_25, %dma_wait3A_44] : memref<10000x64xf32, #tpu.memory_space<vmem_shared>> -> memref<80x64xf32, #tpu.memory_space<vmem_shared>>
          tpu.wait_dma2 semaphore(%run_scoped3A : memref<!tpu.dma_semaphore, #tpu.memory_space<semaphore_mem>>) src(%dma_wait3A_45 : memref<80x64xf32, #tpu.memory_space<vmem_shared>>) dst(%dma_wait3A_43 : memref<80x64xf32, #tpu.memory_space<vmem>>)
          tpu.yield
        }) : () -> ()
        %mul3A_26 = arith.constant 80 : i32
        %mul3A_27 = arith.muli %add3A, %mul3A_26 : i32
        "tpu.region"() ({
          %run_scoped3A = tpu.sem_alloc : memref<!tpu.dma_semaphore, #tpu.memory_space<semaphore_mem>>
          %dma_start3A = arith.constant 0 : i32
          %dma_start3A_28 = arith.constant 0 : i32
          %dma_start3A_29 = tpu.memref_slice %arg9[%dma_start3A, %dma_start3A_28] : memref<100x64xf32, #tpu.memory_space<vmem>> -> memref<80x64xf32, #tpu.memory_space<vmem>>
          %dma_start3A_30 = arith.constant 0 : i32
          %dma_start3A_31 = tpu.memref_slice %arg5[%arg0, %mul3A_27, %dma_start3A_30] : memref<2x10000x64xf32, #tpu.memory_space<hbm>> -> memref<1x80x64xf32, #tpu.memory_space<hbm>>
          %dma_start3A_32 = tpu.memref_squeeze %dma_start3A_31 : memref<1x80x64xf32, #tpu.memory_space<hbm>> -> memref<80x64xf32, #tpu.memory_space<hbm>>
          %dma_start3A_33 = arith.constant 0 : i32
          %dma_start3A_34 = tpu.memref_slice %arg5[%arg0, %mul3A_27, %dma_start3A_33] : memref<2x10000x64xf32, #tpu.memory_space<hbm>> -> memref<1x80x64xf32, #tpu.memory_space<hbm>>
          %dma_start3A_35 = tpu.memref_squeeze %dma_start3A_34 : memref<1x80x64xf32, #tpu.memory_space<hbm>> -> memref<80x64xf32, #tpu.memory_space<hbm>>
          %dma_start3A_36 = arith.constant 0 : i32
          %dma_start3A_37 = arith.constant 0 : i32
          %dma_start3A_38 = tpu.memref_slice %arg9[%dma_start3A_36, %dma_start3A_37] : memref<100x64xf32, #tpu.memory_space<vmem>> -> memref<80x64xf32, #tpu.memory_space<vmem>>
          tpu.enqueue_dma source(%dma_start3A_38 : memref<80x64xf32, #tpu.memory_space<vmem>>) target(%dma_start3A_35 : memref<80x64xf32, #tpu.memory_space<hbm>>) target_semaphore(%run_scoped3A : memref<!tpu.dma_semaphore, #tpu.memory_space<semaphore_mem>>)
          %dma_wait3A = arith.constant 0 : i32
          %dma_wait3A_39 = arith.constant 0 : i32
          %dma_wait3A_40 = tpu.memref_slice %arg9[%dma_wait3A, %dma_wait3A_39] : memref<100x64xf32, #tpu.memory_space<vmem>> -> memref<80x64xf32, #tpu.memory_space<vmem>>
          %dma_wait3A_41 = arith.constant 0 : i32
          %dma_wait3A_42 = tpu.memref_slice %arg5[%arg0, %mul3A_27, %dma_wait3A_41] : memref<2x10000x64xf32, #tpu.memory_space<hbm>> -> memref<1x80x64xf32, #tpu.memory_space<hbm>>
          %dma_wait3A_43 = tpu.memref_squeeze %dma_wait3A_42 : memref<1x80x64xf32, #tpu.memory_space<hbm>> -> memref<80x64xf32, #tpu.memory_space<hbm>>
          %dma_wait3A_44 = arith.constant 0 : i32
          %dma_wait3A_45 = tpu.memref_slice %arg5[%arg0, %mul3A_27, %dma_wait3A_44] : memref<2x10000x64xf32, #tpu.memory_space<hbm>> -> memref<1x80x64xf32, #tpu.memory_space<hbm>>
          %dma_wait3A_46 = tpu.memref_squeeze %dma_wait3A_45 : memref<1x80x64xf32, #tpu.memory_space<hbm>> -> memref<80x64xf32, #tpu.memory_space<hbm>>
          %dma_wait3A_47 = arith.constant 0 : i32
          %dma_wait3A_48 = arith.constant 0 : i32
          %dma_wait3A_49 = tpu.memref_slice %arg9[%dma_wait3A_47, %dma_wait3A_48] : memref<100x64xf32, #tpu.memory_space<vmem>> -> memref<80x64xf32, #tpu.memory_space<vmem>>
          tpu.wait_dma2 semaphore(%run_scoped3A : memref<!tpu.dma_semaphore, #tpu.memory_space<semaphore_mem>>) src(%dma_wait3A_49 : memref<80x64xf32, #tpu.memory_space<vmem>>) dst(%dma_wait3A_46 : memref<80x64xf32, #tpu.memory_space<hbm>>)
          tpu.yield
        }) : () -> ()
      } else {
      }
    }
    %scan3A_19 = arith.constant 8 : i32
    return
  }
}

#map = affine_map<(d0, d1) -> (0, 0, 0)>
module attributes {stable_mosaic.version = 14 : i64} {
  func.func @_sc_aggregate(%arg0: i32, %arg1: i32, %arg2: memref<2x10000x64xf32, #tpu.memory_space<hbm>>, %arg3: memref<16x200x100xi32, #tpu.memory_space<hbm>>, %arg4: memref<16x200x100xi32, #tpu.memory_space<hbm>>, %arg5: memref<2x10000x64xf32, #tpu.memory_space<hbm>>, %arg6: memref<200x100xi32, #tpu.memory_space<vmem>>, %arg7: memref<200x100xi32, #tpu.memory_space<vmem>>, %arg8: memref<100x64xf32, #tpu.memory_space<vmem>>, %arg9: memref<100x64xf32, #tpu.memory_space<vmem>>, %arg10: memref<10000x64xf32, #tpu.memory_space<vmem_shared>>) attributes {dimension_semantics = [#tpu.dimension_semantics<core_parallel>, #tpu.dimension_semantics<subcore_parallel>], iteration_bounds = array<i64: 2, 16>, scalar_prefetch = 0 : i64, scratch_operands = 5 : i64, tpu.core_type = #tpu.core_type<sc_vector_subcore>, window_params = [{transform_indices = #map}, {transform_indices = #map}, {transform_indices = #map}, {transform_indices = #map}]} {
    "tpu.region"() ({
      %run_scoped3A = tpu.sem_alloc : memref<!tpu.dma_semaphore, #tpu.memory_space<semaphore_mem>>
      %dma_start3A = arith.constant 0 : i32
      %dma_start3A_20 = arith.constant 0 : i32
      %dma_start3A_21 = tpu.memref_slice %arg3[%arg1, %dma_start3A, %dma_start3A_20] : memref<16x200x100xi32, #tpu.memory_space<hbm>> -> memref<1x200x100xi32, #tpu.memory_space<hbm>>
      %dma_start3A_22 = tpu.memref_squeeze %dma_start3A_21 : memref<1x200x100xi32, #tpu.memory_space<hbm>> -> memref<200x100xi32, #tpu.memory_space<hbm>>
      %dma_start3A_23 = arith.constant 0 : i32
      %dma_start3A_24 = arith.constant 0 : i32
      %dma_start3A_25 = tpu.memref_slice %arg3[%arg1, %dma_start3A_23, %dma_start3A_24] : memref<16x200x100xi32, #tpu.memory_space<hbm>> -> memref<1x200x100xi32, #tpu.memory_space<hbm>>
      %dma_start3A_26 = tpu.memref_squeeze %dma_start3A_25 : memref<1x200x100xi32, #tpu.memory_space<hbm>> -> memref<200x100xi32, #tpu.memory_space<hbm>>
      tpu.enqueue_dma source(%dma_start3A_26 : memref<200x100xi32, #tpu.memory_space<hbm>>) target(%arg6 : memref<200x100xi32, #tpu.memory_space<vmem>>) target_semaphore(%run_scoped3A : memref<!tpu.dma_semaphore, #tpu.memory_space<semaphore_mem>>)
      %dma_wait3A = arith.constant 0 : i32
      %dma_wait3A_27 = arith.constant 0 : i32
      %dma_wait3A_28 = tpu.memref_slice %arg3[%arg1, %dma_wait3A, %dma_wait3A_27] : memref<16x200x100xi32, #tpu.memory_space<hbm>> -> memref<1x200x100xi32, #tpu.memory_space<hbm>>
      %dma_wait3A_29 = tpu.memref_squeeze %dma_wait3A_28 : memref<1x200x100xi32, #tpu.memory_space<hbm>> -> memref<200x100xi32, #tpu.memory_space<hbm>>
      %dma_wait3A_30 = arith.constant 0 : i32
      %dma_wait3A_31 = arith.constant 0 : i32
      %dma_wait3A_32 = tpu.memref_slice %arg3[%arg1, %dma_wait3A_30, %dma_wait3A_31] : memref<16x200x100xi32, #tpu.memory_space<hbm>> -> memref<1x200x100xi32, #tpu.memory_space<hbm>>
      %dma_wait3A_33 = tpu.memref_squeeze %dma_wait3A_32 : memref<1x200x100xi32, #tpu.memory_space<hbm>> -> memref<200x100xi32, #tpu.memory_space<hbm>>
      tpu.wait_dma2 semaphore(%run_scoped3A : memref<!tpu.dma_semaphore, #tpu.memory_space<semaphore_mem>>) src(%dma_wait3A_33 : memref<200x100xi32, #tpu.memory_space<hbm>>) dst(%arg6 : memref<200x100xi32, #tpu.memory_space<vmem>>)
      tpu.yield
    }) : () -> ()
    "tpu.region"() ({
      %run_scoped3A = tpu.sem_alloc : memref<!tpu.dma_semaphore, #tpu.memory_space<semaphore_mem>>
      %dma_start3A = arith.constant 0 : i32
      %dma_start3A_20 = arith.constant 0 : i32
      %dma_start3A_21 = tpu.memref_slice %arg4[%arg1, %dma_start3A, %dma_start3A_20] : memref<16x200x100xi32, #tpu.memory_space<hbm>> -> memref<1x200x100xi32, #tpu.memory_space<hbm>>
      %dma_start3A_22 = tpu.memref_squeeze %dma_start3A_21 : memref<1x200x100xi32, #tpu.memory_space<hbm>> -> memref<200x100xi32, #tpu.memory_space<hbm>>
      %dma_start3A_23 = arith.constant 0 : i32
      %dma_start3A_24 = arith.constant 0 : i32
      %dma_start3A_25 = tpu.memref_slice %arg4[%arg1, %dma_start3A_23, %dma_start3A_24] : memref<16x200x100xi32, #tpu.memory_space<hbm>> -> memref<1x200x100xi32, #tpu.memory_space<hbm>>
      %dma_start3A_26 = tpu.memref_squeeze %dma_start3A_25 : memref<1x200x100xi32, #tpu.memory_space<hbm>> -> memref<200x100xi32, #tpu.memory_space<hbm>>
      tpu.enqueue_dma source(%dma_start3A_26 : memref<200x100xi32, #tpu.memory_space<hbm>>) target(%arg7 : memref<200x100xi32, #tpu.memory_space<vmem>>) target_semaphore(%run_scoped3A : memref<!tpu.dma_semaphore, #tpu.memory_space<semaphore_mem>>)
      %dma_wait3A = arith.constant 0 : i32
      %dma_wait3A_27 = arith.constant 0 : i32
      %dma_wait3A_28 = tpu.memref_slice %arg4[%arg1, %dma_wait3A, %dma_wait3A_27] : memref<16x200x100xi32, #tpu.memory_space<hbm>> -> memref<1x200x100xi32, #tpu.memory_space<hbm>>
      %dma_wait3A_29 = tpu.memref_squeeze %dma_wait3A_28 : memref<1x200x100xi32, #tpu.memory_space<hbm>> -> memref<200x100xi32, #tpu.memory_space<hbm>>
      %dma_wait3A_30 = arith.constant 0 : i32
      %dma_wait3A_31 = arith.constant 0 : i32
      %dma_wait3A_32 = tpu.memref_slice %arg4[%arg1, %dma_wait3A_30, %dma_wait3A_31] : memref<16x200x100xi32, #tpu.memory_space<hbm>> -> memref<1x200x100xi32, #tpu.memory_space<hbm>>
      %dma_wait3A_33 = tpu.memref_squeeze %dma_wait3A_32 : memref<1x200x100xi32, #tpu.memory_space<hbm>> -> memref<200x100xi32, #tpu.memory_space<hbm>>
      tpu.wait_dma2 semaphore(%run_scoped3A : memref<!tpu.dma_semaphore, #tpu.memory_space<semaphore_mem>>) src(%dma_wait3A_33 : memref<200x100xi32, #tpu.memory_space<hbm>>) dst(%arg7 : memref<200x100xi32, #tpu.memory_space<vmem>>)
      tpu.yield
    }) : () -> ()
    %scan3A = arith.constant 0 : i32
    %scan3A_0 = arith.constant 400 : i32
    %scan3A_1 = arith.addi %scan3A, %scan3A_0 : i32
    %scan3A_2 = arith.constant 1 : i32
    scf.for %scan3A_20 = %scan3A to %scan3A_1 step %scan3A_2  : i32 {
      %broadcast_in_dim3A = arith.constant 0.000000e+00 : f32
      %broadcast_in_dim3A_21 = vector.broadcast %broadcast_in_dim3A : f32 to vector<16xf32>
      %jit3A = arith.constant 4 : i32
      %div3A = arith.divsi %scan3A_20, %jit3A : i32
      %sign3A = arith.constant 0 : i32
      %sign3A_22 = arith.cmpi sgt, %scan3A_20, %sign3A : i32
      %sign3A_23 = arith.extui %sign3A_22 : i1 to i32
      %sign3A_24 = arith.constant 0 : i32
      %sign3A_25 = arith.cmpi slt, %scan3A_20, %sign3A_24 : i32
      %sign3A_26 = arith.extui %sign3A_25 : i1 to i32
      %sign3A_27 = arith.subi %sign3A_23, %sign3A_26 : i32
      %sign3A_28 = arith.constant 0 : i32
      %sign3A_29 = arith.cmpi sgt, %jit3A, %sign3A_28 : i32
      %sign3A_30 = arith.extui %sign3A_29 : i1 to i32
      %sign3A_31 = arith.constant 0 : i32
      %sign3A_32 = arith.cmpi slt, %jit3A, %sign3A_31 : i32
      %sign3A_33 = arith.extui %sign3A_32 : i1 to i32
      %sign3A_34 = arith.subi %sign3A_30, %sign3A_33 : i32
      %ne3A = arith.cmpi ne, %sign3A_27, %sign3A_34 : i32
      %rem3A = arith.remsi %scan3A_20, %jit3A : i32
      %ne3A_35 = arith.constant 0 : i32
      %ne3A_36 = arith.cmpi ne, %rem3A, %ne3A_35 : i32
      %and3A = arith.andi %ne3A, %ne3A_36 : i1
      %sub3A = arith.constant 1 : i32
      %sub3A_37 = arith.subi %div3A, %sub3A : i32
      %select_n3A = arith.select %and3A, %sub3A_37, %div3A : i32
      %jit3A_38 = arith.constant 4 : i32
      %eq3A = arith.constant 0 : i32
      %eq3A_39 = arith.cmpi eq, %jit3A_38, %eq3A : i32
      %jit3A_40 = arith.constant 1 : i32
      %select_n3A_41 = arith.select %eq3A_39, %jit3A_40, %jit3A_38 : i32
      %rem3A_42 = arith.remsi %scan3A_20, %select_n3A_41 : i32
      %ne3A_43 = arith.constant 0 : i32
      %ne3A_44 = arith.cmpi ne, %rem3A_42, %ne3A_43 : i32
      %lt3A = arith.constant 0 : i32
      %lt3A_45 = arith.cmpi slt, %rem3A_42, %lt3A : i32
      %lt3A_46 = arith.constant 0 : i32
      %lt3A_47 = arith.cmpi slt, %select_n3A_41, %lt3A_46 : i32
      %ne3A_48 = arith.xori %lt3A_45, %lt3A_47 : i1
      %and3A_49 = arith.andi %ne3A_48, %ne3A_44 : i1
      %add3A = arith.addi %rem3A_42, %select_n3A_41 : i32
      %select_n3A_50 = arith.select %and3A_49, %add3A, %rem3A_42 : i32
      %mul3A = arith.constant 16 : i32
      %mul3A_51 = arith.muli %select_n3A_50, %mul3A : i32
      %swap3A = arith.index_cast %select_n3A : i32 to index
      %swap3A_52 = arith.index_cast %mul3A_51 : i32 to index
      %swap3A_53 = tpu.vector_load %arg8[%swap3A, %swap3A_52] {strides = array<i32>} : memref<100x64xf32, #tpu.memory_space<vmem>>, vector<1x16xf32>,
      %swap3A_54 = vector.shape_cast %swap3A_53 : vector<1x16xf32> to vector<16xf32>
      %swap3A_55 = vector.shape_cast %broadcast_in_dim3A_21 : vector<16xf32> to vector<1x16xf32>
      tpu.vector_store %arg8[%swap3A, %swap3A_52], %swap3A_55 {strides = array<i32>} : memref<100x64xf32, #tpu.memory_space<vmem>>, vector<1x16xf32>,
    }
    %scan3A_3 = arith.constant 400 : i32
    %scan3A_4 = arith.constant 0 : i32
    %scan3A_5 = arith.constant 8 : i32
    %scan3A_6 = arith.addi %scan3A_4, %scan3A_5 : i32
    %scan3A_7 = arith.constant 1 : i32
    scf.for %scan3A_20 = %scan3A_4 to %scan3A_6 step %scan3A_7  : i32 {
      %mul3A = arith.constant 16 : i32
      %mul3A_21 = arith.muli %scan3A_20, %mul3A : i32
      %add3A = arith.addi %arg1, %mul3A_21 : i32
      %lt3A = arith.constant 125 : i32
      %lt3A_22 = arith.cmpi slt, %add3A, %lt3A : i32
      %convert_element_type3A = arith.extui %lt3A_22 : i1 to i32
      %cond3A = arith.constant 0 : i32
      %cond3A_23 = arith.cmpi ne, %convert_element_type3A, %cond3A : i32
      scf.if %cond3A_23 {
        %mul3A_24 = arith.constant 80 : i32
        %mul3A_25 = arith.muli %add3A, %mul3A_24 : i32
        "tpu.region"() ({
          %run_scoped3A = tpu.sem_alloc : memref<!tpu.dma_semaphore, #tpu.memory_space<semaphore_mem>>
          %dma_start3A = arith.constant 0 : i32
          %dma_start3A_26 = arith.constant 0 : i32
          %dma_start3A_27 = tpu.memref_slice %arg8[%dma_start3A, %dma_start3A_26] : memref<100x64xf32, #tpu.memory_space<vmem>> -> memref<80x64xf32, #tpu.memory_space<vmem>>
          %dma_start3A_28 = arith.constant 0 : i32
          %dma_start3A_29 = tpu.memref_slice %arg10[%mul3A_25, %dma_start3A_28] : memref<10000x64xf32, #tpu.memory_space<vmem_shared>> -> memref<80x64xf32, #tpu.memory_space<vmem_shared>>
          %dma_start3A_30 = arith.constant 0 : i32
          %dma_start3A_31 = tpu.memref_slice %arg10[%mul3A_25, %dma_start3A_30] : memref<10000x64xf32, #tpu.memory_space<vmem_shared>> -> memref<80x64xf32, #tpu.memory_space<vmem_shared>>
          %dma_start3A_32 = arith.constant 0 : i32
          %dma_start3A_33 = arith.constant 0 : i32
          %dma_start3A_34 = tpu.memref_slice %arg8[%dma_start3A_32, %dma_start3A_33] : memref<100x64xf32, #tpu.memory_space<vmem>> -> memref<80x64xf32, #tpu.memory_space<vmem>>
          tpu.enqueue_dma source(%dma_start3A_34 : memref<80x64xf32, #tpu.memory_space<vmem>>) target(%dma_start3A_31 : memref<80x64xf32, #tpu.memory_space<vmem_shared>>) target_semaphore(%run_scoped3A : memref<!tpu.dma_semaphore, #tpu.memory_space<semaphore_mem>>)
          %dma_wait3A = arith.constant 0 : i32
          %dma_wait3A_35 = arith.constant 0 : i32
          %dma_wait3A_36 = tpu.memref_slice %arg8[%dma_wait3A, %dma_wait3A_35] : memref<100x64xf32, #tpu.memory_space<vmem>> -> memref<80x64xf32, #tpu.memory_space<vmem>>
          %dma_wait3A_37 = arith.constant 0 : i32
          %dma_wait3A_38 = tpu.memref_slice %arg10[%mul3A_25, %dma_wait3A_37] : memref<10000x64xf32, #tpu.memory_space<vmem_shared>> -> memref<80x64xf32, #tpu.memory_space<vmem_shared>>
          %dma_wait3A_39 = arith.constant 0 : i32
          %dma_wait3A_40 = tpu.memref_slice %arg10[%mul3A_25, %dma_wait3A_39] : memref<10000x64xf32, #tpu.memory_space<vmem_shared>> -> memref<80x64xf32, #tpu.memory_space<vmem_shared>>
          %dma_wait3A_41 = arith.constant 0 : i32
          %dma_wait3A_42 = arith.constant 0 : i32
          %dma_wait3A_43 = tpu.memref_slice %arg8[%dma_wait3A_41, %dma_wait3A_42] : memref<100x64xf32, #tpu.memory_space<vmem>> -> memref<80x64xf32, #tpu.memory_space<vmem>>
          tpu.wait_dma2 semaphore(%run_scoped3A : memref<!tpu.dma_semaphore, #tpu.memory_space<semaphore_mem>>) src(%dma_wait3A_43 : memref<80x64xf32, #tpu.memory_space<vmem>>) dst(%dma_wait3A_40 : memref<80x64xf32, #tpu.memory_space<vmem_shared>>)
          tpu.yield
        }) : () -> ()
      } else {
      }
    }
    %scan3A_8 = arith.constant 8 : i32
    %barrier3A = arith.constant 0 : index
    tpu.barrier barrier_id(%barrier3A)
    %scan3A_9 = arith.constant 0 : i32
    %scan3A_10 = arith.constant 200 : i32
    %scan3A_11 = arith.addi %scan3A_9, %scan3A_10 : i32
    %scan3A_12 = arith.constant 1 : i32
    scf.for %scan3A_20 = %scan3A_9 to %scan3A_11 step %scan3A_12  : i32 {
      "tpu.region"() ({
        %run_scoped3A = tpu.sem_alloc : memref<!tpu.dma_semaphore, #tpu.memory_space<semaphore_mem>>
        %dma_start3A = arith.constant 0 : i32
        %dma_start3A_21 = tpu.memref_slice %arg6[%scan3A_20, %dma_start3A] : memref<200x100xi32, #tpu.memory_space<vmem>> -> memref<1x100xi32, #tpu.memory_space<vmem>>
        %dma_start3A_22 = tpu.memref_squeeze %dma_start3A_21 : memref<1x100xi32, #tpu.memory_space<vmem>> -> memref<100xi32, #tpu.memory_space<vmem>>
        %dma_start3A_23 = arith.constant 0 : i32
        %dma_start3A_24 = arith.constant 0 : i32
        %dma_start3A_25 = tpu.memref_slice %arg2[%arg0, %dma_start3A_23, %dma_start3A_24] : memref<2x10000x64xf32, #tpu.memory_space<hbm>> -> memref<1x10000x64xf32, #tpu.memory_space<hbm>>
        %dma_start3A_26 = tpu.memref_squeeze %dma_start3A_25 : memref<1x10000x64xf32, #tpu.memory_space<hbm>> -> memref<10000x64xf32, #tpu.memory_space<hbm>>
        %dma_start3A_27 = arith.constant 0 : i32
        %dma_start3A_28 = arith.constant 0 : i32
        %dma_start3A_29 = tpu.memref_slice %dma_start3A_26[%dma_start3A_27, %dma_start3A_28] : memref<10000x64xf32, #tpu.memory_space<hbm>> -> memref<10000x64xf32, #tpu.memory_space<hbm>>
        tpu.enqueue_indirect_dma source(%dma_start3A_29 : memref<10000x64xf32, #tpu.memory_space<hbm>>) target(%arg8 : memref<100x64xf32, #tpu.memory_space<vmem>>) offsets(%dma_start3A_22 : memref<100xi32, #tpu.memory_space<vmem>>) semaphore(%run_scoped3A : memref<!tpu.dma_semaphore, #tpu.memory_space<semaphore_mem>>)
        %dma_wait3A = arith.constant 0 : i32
        %dma_wait3A_30 = tpu.memref_slice %arg6[%scan3A_20, %dma_wait3A] : memref<200x100xi32, #tpu.memory_space<vmem>> -> memref<1x100xi32, #tpu.memory_space<vmem>>
        %dma_wait3A_31 = tpu.memref_squeeze %dma_wait3A_30 : memref<1x100xi32, #tpu.memory_space<vmem>> -> memref<100xi32, #tpu.memory_space<vmem>>
        %dma_wait3A_32 = arith.constant 0 : i32
        %dma_wait3A_33 = arith.constant 0 : i32
        %dma_wait3A_34 = tpu.memref_slice %arg2[%arg0, %dma_wait3A_32, %dma_wait3A_33] : memref<2x10000x64xf32, #tpu.memory_space<hbm>> -> memref<1x10000x64xf32, #tpu.memory_space<hbm>>
        %dma_wait3A_35 = tpu.memref_squeeze %dma_wait3A_34 : memref<1x10000x64xf32, #tpu.memory_space<hbm>> -> memref<10000x64xf32, #tpu.memory_space<hbm>>
        %dma_wait3A_36 = arith.constant 0 : i32
        %dma_wait3A_37 = arith.constant 0 : i32
        %dma_wait3A_38 = tpu.memref_slice %dma_wait3A_35[%dma_wait3A_36, %dma_wait3A_37] : memref<10000x64xf32, #tpu.memory_space<hbm>> -> memref<10000x64xf32, #tpu.memory_space<hbm>>
        tpu.wait_indirect_dma semaphore(%run_scoped3A : memref<!tpu.dma_semaphore, #tpu.memory_space<semaphore_mem>>) src(%dma_wait3A_38 : memref<10000x64xf32, #tpu.memory_space<hbm>>) dst(%arg8 : memref<100x64xf32, #tpu.memory_space<vmem>>)
        tpu.yield
      }) : () -> ()
      "tpu.region"() ({
        %run_scoped3A = tpu.sem_alloc : memref<!tpu.dma_semaphore, #tpu.memory_space<semaphore_mem>>
        %dma_start3A = arith.constant 0 : i32
        %dma_start3A_21 = tpu.memref_slice %arg7[%scan3A_20, %dma_start3A] : memref<200x100xi32, #tpu.memory_space<vmem>> -> memref<1x100xi32, #tpu.memory_space<vmem>>
        %dma_start3A_22 = tpu.memref_squeeze %dma_start3A_21 : memref<1x100xi32, #tpu.memory_space<vmem>> -> memref<100xi32, #tpu.memory_space<vmem>>
        %dma_start3A_23 = arith.constant 0 : i32
        %dma_start3A_24 = arith.constant 0 : i32
        %dma_start3A_25 = tpu.memref_slice %arg10[%dma_start3A_23, %dma_start3A_24] : memref<10000x64xf32, #tpu.memory_space<vmem_shared>> -> memref<10000x64xf32, #tpu.memory_space<vmem_shared>>
        tpu.enqueue_indirect_dma source(%arg8 : memref<100x64xf32, #tpu.memory_space<vmem>>) target(%dma_start3A_25 : memref<10000x64xf32, #tpu.memory_space<vmem_shared>>) offsets(%dma_start3A_22 : memref<100xi32, #tpu.memory_space<vmem>>) semaphore(%run_scoped3A : memref<!tpu.dma_semaphore, #tpu.memory_space<semaphore_mem>>) {add = true}
        %dma_wait3A = arith.constant 0 : i32
        %dma_wait3A_26 = tpu.memref_slice %arg7[%scan3A_20, %dma_wait3A] : memref<200x100xi32, #tpu.memory_space<vmem>> -> memref<1x100xi32, #tpu.memory_space<vmem>>
        %dma_wait3A_27 = tpu.memref_squeeze %dma_wait3A_26 : memref<1x100xi32, #tpu.memory_space<vmem>> -> memref<100xi32, #tpu.memory_space<vmem>>
        %dma_wait3A_28 = arith.constant 0 : i32
        %dma_wait3A_29 = arith.constant 0 : i32
        %dma_wait3A_30 = tpu.memref_slice %arg10[%dma_wait3A_28, %dma_wait3A_29] : memref<10000x64xf32, #tpu.memory_space<vmem_shared>> -> memref<10000x64xf32, #tpu.memory_space<vmem_shared>>
        tpu.wait_indirect_dma semaphore(%run_scoped3A : memref<!tpu.dma_semaphore, #tpu.memory_space<semaphore_mem>>) src(%arg8 : memref<100x64xf32, #tpu.memory_space<vmem>>) dst(%dma_wait3A_30 : memref<10000x64xf32, #tpu.memory_space<vmem_shared>>)
        tpu.yield
      }) : () -> ()
    }
    %scan3A_13 = arith.constant 200 : i32
    %barrier3A_14 = arith.constant 0 : index
    tpu.barrier barrier_id(%barrier3A_14)
    %scan3A_15 = arith.constant 0 : i32
    %scan3A_16 = arith.constant 8 : i32
    %scan3A_17 = arith.addi %scan3A_15, %scan3A_16 : i32
    %scan3A_18 = arith.constant 1 : i32
    scf.for %scan3A_20 = %scan3A_15 to %scan3A_17 step %scan3A_18  : i32 {
      %mul3A = arith.constant 16 : i32
      %mul3A_21 = arith.muli %scan3A_20, %mul3A : i32
      %add3A = arith.addi %arg1, %mul3A_21 : i32
      %lt3A = arith.constant 125 : i32
      %lt3A_22 = arith.cmpi slt, %add3A, %lt3A : i32
      %convert_element_type3A = arith.extui %lt3A_22 : i1 to i32
      %cond3A = arith.constant 0 : i32
      %cond3A_23 = arith.cmpi ne, %convert_element_type3A, %cond3A : i32
      scf.if %cond3A_23 {
        %mul3A_24 = arith.constant 80 : i32
        %mul3A_25 = arith.muli %add3A, %mul3A_24 : i32
        "tpu.region"() ({
          %run_scoped3A = tpu.sem_alloc : memref<!tpu.dma_semaphore, #tpu.memory_space<semaphore_mem>>
          %dma_start3A = arith.constant 0 : i32
          %dma_start3A_28 = arith.constant 0 : i32
          %dma_start3A_29 = tpu.memref_slice %arg9[%dma_start3A, %dma_start3A_28] : memref<100x64xf32, #tpu.memory_space<vmem>> -> memref<80x64xf32, #tpu.memory_space<vmem>>
          %dma_start3A_30 = arith.constant 0 : i32
          %dma_start3A_31 = tpu.memref_slice %arg10[%mul3A_25, %dma_start3A_30] : memref<10000x64xf32, #tpu.memory_space<vmem_shared>> -> memref<80x64xf32, #tpu.memory_space<vmem_shared>>
          %dma_start3A_32 = arith.constant 0 : i32
          %dma_start3A_33 = arith.constant 0 : i32
          %dma_start3A_34 = tpu.memref_slice %arg9[%dma_start3A_32, %dma_start3A_33] : memref<100x64xf32, #tpu.memory_space<vmem>> -> memref<80x64xf32, #tpu.memory_space<vmem>>
          %dma_start3A_35 = arith.constant 0 : i32
          %dma_start3A_36 = tpu.memref_slice %arg10[%mul3A_25, %dma_start3A_35] : memref<10000x64xf32, #tpu.memory_space<vmem_shared>> -> memref<80x64xf32, #tpu.memory_space<vmem_shared>>
          tpu.enqueue_dma source(%dma_start3A_36 : memref<80x64xf32, #tpu.memory_space<vmem_shared>>) target(%dma_start3A_34 : memref<80x64xf32, #tpu.memory_space<vmem>>) target_semaphore(%run_scoped3A : memref<!tpu.dma_semaphore, #tpu.memory_space<semaphore_mem>>)
          %dma_wait3A = arith.constant 0 : i32
          %dma_wait3A_37 = arith.constant 0 : i32
          %dma_wait3A_38 = tpu.memref_slice %arg9[%dma_wait3A, %dma_wait3A_37] : memref<100x64xf32, #tpu.memory_space<vmem>> -> memref<80x64xf32, #tpu.memory_space<vmem>>
          %dma_wait3A_39 = arith.constant 0 : i32
          %dma_wait3A_40 = tpu.memref_slice %arg10[%mul3A_25, %dma_wait3A_39] : memref<10000x64xf32, #tpu.memory_space<vmem_shared>> -> memref<80x64xf32, #tpu.memory_space<vmem_shared>>
          %dma_wait3A_41 = arith.constant 0 : i32
          %dma_wait3A_42 = arith.constant 0 : i32
          %dma_wait3A_43 = tpu.memref_slice %arg9[%dma_wait3A_41, %dma_wait3A_42] : memref<100x64xf32, #tpu.memory_space<vmem>> -> memref<80x64xf32, #tpu.memory_space<vmem>>
          %dma_wait3A_44 = arith.constant 0 : i32
          %dma_wait3A_45 = tpu.memref_slice %arg10[%mul3A_25, %dma_wait3A_44] : memref<10000x64xf32, #tpu.memory_space<vmem_shared>> -> memref<80x64xf32, #tpu.memory_space<vmem_shared>>
          tpu.wait_dma2 semaphore(%run_scoped3A : memref<!tpu.dma_semaphore, #tpu.memory_space<semaphore_mem>>) src(%dma_wait3A_45 : memref<80x64xf32, #tpu.memory_space<vmem_shared>>) dst(%dma_wait3A_43 : memref<80x64xf32, #tpu.memory_space<vmem>>)
          tpu.yield
        }) : () -> ()
        %mul3A_26 = arith.constant 80 : i32
        %mul3A_27 = arith.muli %add3A, %mul3A_26 : i32
        "tpu.region"() ({
          %run_scoped3A = tpu.sem_alloc : memref<!tpu.dma_semaphore, #tpu.memory_space<semaphore_mem>>
          %dma_start3A = arith.constant 0 : i32
          %dma_start3A_28 = arith.constant 0 : i32
          %dma_start3A_29 = tpu.memref_slice %arg9[%dma_start3A, %dma_start3A_28] : memref<100x64xf32, #tpu.memory_space<vmem>> -> memref<80x64xf32, #tpu.memory_space<vmem>>
          %dma_start3A_30 = arith.constant 0 : i32
          %dma_start3A_31 = tpu.memref_slice %arg5[%arg0, %mul3A_27, %dma_start3A_30] : memref<2x10000x64xf32, #tpu.memory_space<hbm>> -> memref<1x80x64xf32, #tpu.memory_space<hbm>>
          %dma_start3A_32 = tpu.memref_squeeze %dma_start3A_31 : memref<1x80x64xf32, #tpu.memory_space<hbm>> -> memref<80x64xf32, #tpu.memory_space<hbm>>
          %dma_start3A_33 = arith.constant 0 : i32
          %dma_start3A_34 = tpu.memref_slice %arg5[%arg0, %mul3A_27, %dma_start3A_33] : memref<2x10000x64xf32, #tpu.memory_space<hbm>> -> memref<1x80x64xf32, #tpu.memory_space<hbm>>
          %dma_start3A_35 = tpu.memref_squeeze %dma_start3A_34 : memref<1x80x64xf32, #tpu.memory_space<hbm>> -> memref<80x64xf32, #tpu.memory_space<hbm>>
          %dma_start3A_36 = arith.constant 0 : i32
          %dma_start3A_37 = arith.constant 0 : i32
          %dma_start3A_38 = tpu.memref_slice %arg9[%dma_start3A_36, %dma_start3A_37] : memref<100x64xf32, #tpu.memory_space<vmem>> -> memref<80x64xf32, #tpu.memory_space<vmem>>
          tpu.enqueue_dma source(%dma_start3A_38 : memref<80x64xf32, #tpu.memory_space<vmem>>) target(%dma_start3A_35 : memref<80x64xf32, #tpu.memory_space<hbm>>) target_semaphore(%run_scoped3A : memref<!tpu.dma_semaphore, #tpu.memory_space<semaphore_mem>>)
          %dma_wait3A = arith.constant 0 : i32
          %dma_wait3A_39 = arith.constant 0 : i32
          %dma_wait3A_40 = tpu.memref_slice %arg9[%dma_wait3A, %dma_wait3A_39] : memref<100x64xf32, #tpu.memory_space<vmem>> -> memref<80x64xf32, #tpu.memory_space<vmem>>
          %dma_wait3A_41 = arith.constant 0 : i32
          %dma_wait3A_42 = tpu.memref_slice %arg5[%arg0, %mul3A_27, %dma_wait3A_41] : memref<2x10000x64xf32, #tpu.memory_space<hbm>> -> memref<1x80x64xf32, #tpu.memory_space<hbm>>
          %dma_wait3A_43 = tpu.memref_squeeze %dma_wait3A_42 : memref<1x80x64xf32, #tpu.memory_space<hbm>> -> memref<80x64xf32, #tpu.memory_space<hbm>>
          %dma_wait3A_44 = arith.constant 0 : i32
          %dma_wait3A_45 = tpu.memref_slice %arg5[%arg0, %mul3A_27, %dma_wait3A_44] : memref<2x10000x64xf32, #tpu.memory_space<hbm>> -> memref<1x80x64xf32, #tpu.memory_space<hbm>>
          %dma_wait3A_46 = tpu.memref_squeeze %dma_wait3A_45 : memref<1x80x64xf32, #tpu.memory_space<hbm>> -> memref<80x64xf32, #tpu.memory_space<hbm>>
          %dma_wait3A_47 = arith.constant 0 : i32
          %dma_wait3A_48 = arith.constant 0 : i32
          %dma_wait3A_49 = tpu.memref_slice %arg9[%dma_wait3A_47, %dma_wait3A_48] : memref<100x64xf32, #tpu.memory_space<vmem>> -> memref<80x64xf32, #tpu.memory_space<vmem>>
          tpu.wait_dma2 semaphore(%run_scoped3A : memref<!tpu.dma_semaphore, #tpu.memory_space<semaphore_mem>>) src(%dma_wait3A_49 : memref<80x64xf32, #tpu.memory_space<vmem>>) dst(%dma_wait3A_46 : memref<80x64xf32, #tpu.memory_space<hbm>>)
          tpu.yield
        }) : () -> ()
      } else {
      }
    }
    %scan3A_19 = arith.constant 8 : i32
    return
  }
}

#map = affine_map<(d0, d1) -> (0, 0, 0)>
module attributes {stable_mosaic.version = 14 : i64} {
  func.func @_sc_aggregate(%arg0: i32, %arg1: i32, %arg2: memref<2x10000x64xf32, #tpu.memory_space<hbm>>, %arg3: memref<16x200x100xi32, #tpu.memory_space<hbm>>, %arg4: memref<16x200x100xi32, #tpu.memory_space<hbm>>, %arg5: memref<2x10000x64xf32, #tpu.memory_space<hbm>>, %arg6: memref<200x100xi32, #tpu.memory_space<vmem>>, %arg7: memref<200x100xi32, #tpu.memory_space<vmem>>, %arg8: memref<100x64xf32, #tpu.memory_space<vmem>>, %arg9: memref<100x64xf32, #tpu.memory_space<vmem>>, %arg10: memref<10000x64xf32, #tpu.memory_space<vmem_shared>>) attributes {dimension_semantics = [#tpu.dimension_semantics<core_parallel>, #tpu.dimension_semantics<subcore_parallel>], iteration_bounds = array<i64: 2, 16>, scalar_prefetch = 0 : i64, scratch_operands = 5 : i64, tpu.core_type = #tpu.core_type<sc_vector_subcore>, window_params = [{transform_indices = #map}, {transform_indices = #map}, {transform_indices = #map}, {transform_indices = #map}]} {
    "tpu.region"() ({
      %run_scoped3A = tpu.sem_alloc : memref<!tpu.dma_semaphore, #tpu.memory_space<semaphore_mem>>
      %dma_start3A = arith.constant 0 : i32
      %dma_start3A_20 = arith.constant 0 : i32
      %dma_start3A_21 = tpu.memref_slice %arg3[%arg1, %dma_start3A, %dma_start3A_20] : memref<16x200x100xi32, #tpu.memory_space<hbm>> -> memref<1x200x100xi32, #tpu.memory_space<hbm>>
      %dma_start3A_22 = tpu.memref_squeeze %dma_start3A_21 : memref<1x200x100xi32, #tpu.memory_space<hbm>> -> memref<200x100xi32, #tpu.memory_space<hbm>>
      %dma_start3A_23 = arith.constant 0 : i32
      %dma_start3A_24 = arith.constant 0 : i32
      %dma_start3A_25 = tpu.memref_slice %arg3[%arg1, %dma_start3A_23, %dma_start3A_24] : memref<16x200x100xi32, #tpu.memory_space<hbm>> -> memref<1x200x100xi32, #tpu.memory_space<hbm>>
      %dma_start3A_26 = tpu.memref_squeeze %dma_start3A_25 : memref<1x200x100xi32, #tpu.memory_space<hbm>> -> memref<200x100xi32, #tpu.memory_space<hbm>>
      tpu.enqueue_dma source(%dma_start3A_26 : memref<200x100xi32, #tpu.memory_space<hbm>>) target(%arg6 : memref<200x100xi32, #tpu.memory_space<vmem>>) target_semaphore(%run_scoped3A : memref<!tpu.dma_semaphore, #tpu.memory_space<semaphore_mem>>)
      %dma_wait3A = arith.constant 0 : i32
      %dma_wait3A_27 = arith.constant 0 : i32
      %dma_wait3A_28 = tpu.memref_slice %arg3[%arg1, %dma_wait3A, %dma_wait3A_27] : memref<16x200x100xi32, #tpu.memory_space<hbm>> -> memref<1x200x100xi32, #tpu.memory_space<hbm>>
      %dma_wait3A_29 = tpu.memref_squeeze %dma_wait3A_28 : memref<1x200x100xi32, #tpu.memory_space<hbm>> -> memref<200x100xi32, #tpu.memory_space<hbm>>
      %dma_wait3A_30 = arith.constant 0 : i32
      %dma_wait3A_31 = arith.constant 0 : i32
      %dma_wait3A_32 = tpu.memref_slice %arg3[%arg1, %dma_wait3A_30, %dma_wait3A_31] : memref<16x200x100xi32, #tpu.memory_space<hbm>> -> memref<1x200x100xi32, #tpu.memory_space<hbm>>
      %dma_wait3A_33 = tpu.memref_squeeze %dma_wait3A_32 : memref<1x200x100xi32, #tpu.memory_space<hbm>> -> memref<200x100xi32, #tpu.memory_space<hbm>>
      tpu.wait_dma2 semaphore(%run_scoped3A : memref<!tpu.dma_semaphore, #tpu.memory_space<semaphore_mem>>) src(%dma_wait3A_33 : memref<200x100xi32, #tpu.memory_space<hbm>>) dst(%arg6 : memref<200x100xi32, #tpu.memory_space<vmem>>)
      tpu.yield
    }) : () -> ()
    "tpu.region"() ({
      %run_scoped3A = tpu.sem_alloc : memref<!tpu.dma_semaphore, #tpu.memory_space<semaphore_mem>>
      %dma_start3A = arith.constant 0 : i32
      %dma_start3A_20 = arith.constant 0 : i32
      %dma_start3A_21 = tpu.memref_slice %arg4[%arg1, %dma_start3A, %dma_start3A_20] : memref<16x200x100xi32, #tpu.memory_space<hbm>> -> memref<1x200x100xi32, #tpu.memory_space<hbm>>
      %dma_start3A_22 = tpu.memref_squeeze %dma_start3A_21 : memref<1x200x100xi32, #tpu.memory_space<hbm>> -> memref<200x100xi32, #tpu.memory_space<hbm>>
      %dma_start3A_23 = arith.constant 0 : i32
      %dma_start3A_24 = arith.constant 0 : i32
      %dma_start3A_25 = tpu.memref_slice %arg4[%arg1, %dma_start3A_23, %dma_start3A_24] : memref<16x200x100xi32, #tpu.memory_space<hbm>> -> memref<1x200x100xi32, #tpu.memory_space<hbm>>
      %dma_start3A_26 = tpu.memref_squeeze %dma_start3A_25 : memref<1x200x100xi32, #tpu.memory_space<hbm>> -> memref<200x100xi32, #tpu.memory_space<hbm>>
      tpu.enqueue_dma source(%dma_start3A_26 : memref<200x100xi32, #tpu.memory_space<hbm>>) target(%arg7 : memref<200x100xi32, #tpu.memory_space<vmem>>) target_semaphore(%run_scoped3A : memref<!tpu.dma_semaphore, #tpu.memory_space<semaphore_mem>>)
      %dma_wait3A = arith.constant 0 : i32
      %dma_wait3A_27 = arith.constant 0 : i32
      %dma_wait3A_28 = tpu.memref_slice %arg4[%arg1, %dma_wait3A, %dma_wait3A_27] : memref<16x200x100xi32, #tpu.memory_space<hbm>> -> memref<1x200x100xi32, #tpu.memory_space<hbm>>
      %dma_wait3A_29 = tpu.memref_squeeze %dma_wait3A_28 : memref<1x200x100xi32, #tpu.memory_space<hbm>> -> memref<200x100xi32, #tpu.memory_space<hbm>>
      %dma_wait3A_30 = arith.constant 0 : i32
      %dma_wait3A_31 = arith.constant 0 : i32
      %dma_wait3A_32 = tpu.memref_slice %arg4[%arg1, %dma_wait3A_30, %dma_wait3A_31] : memref<16x200x100xi32, #tpu.memory_space<hbm>> -> memref<1x200x100xi32, #tpu.memory_space<hbm>>
      %dma_wait3A_33 = tpu.memref_squeeze %dma_wait3A_32 : memref<1x200x100xi32, #tpu.memory_space<hbm>> -> memref<200x100xi32, #tpu.memory_space<hbm>>
      tpu.wait_dma2 semaphore(%run_scoped3A : memref<!tpu.dma_semaphore, #tpu.memory_space<semaphore_mem>>) src(%dma_wait3A_33 : memref<200x100xi32, #tpu.memory_space<hbm>>) dst(%arg7 : memref<200x100xi32, #tpu.memory_space<vmem>>)
      tpu.yield
    }) : () -> ()
    %scan3A = arith.constant 0 : i32
    %scan3A_0 = arith.constant 400 : i32
    %scan3A_1 = arith.addi %scan3A, %scan3A_0 : i32
    %scan3A_2 = arith.constant 1 : i32
    scf.for %scan3A_20 = %scan3A to %scan3A_1 step %scan3A_2  : i32 {
      %broadcast_in_dim3A = arith.constant 0.000000e+00 : f32
      %broadcast_in_dim3A_21 = vector.broadcast %broadcast_in_dim3A : f32 to vector<16xf32>
      %jit3A = arith.constant 4 : i32
      %div3A = arith.divsi %scan3A_20, %jit3A : i32
      %sign3A = arith.constant 0 : i32
      %sign3A_22 = arith.cmpi sgt, %scan3A_20, %sign3A : i32
      %sign3A_23 = arith.extui %sign3A_22 : i1 to i32
      %sign3A_24 = arith.constant 0 : i32
      %sign3A_25 = arith.cmpi slt, %scan3A_20, %sign3A_24 : i32
      %sign3A_26 = arith.extui %sign3A_25 : i1 to i32
      %sign3A_27 = arith.subi %sign3A_23, %sign3A_26 : i32
      %sign3A_28 = arith.constant 0 : i32
      %sign3A_29 = arith.cmpi sgt, %jit3A, %sign3A_28 : i32
      %sign3A_30 = arith.extui %sign3A_29 : i1 to i32
      %sign3A_31 = arith.constant 0 : i32
      %sign3A_32 = arith.cmpi slt, %jit3A, %sign3A_31 : i32
      %sign3A_33 = arith.extui %sign3A_32 : i1 to i32
      %sign3A_34 = arith.subi %sign3A_30, %sign3A_33 : i32
      %ne3A = arith.cmpi ne, %sign3A_27, %sign3A_34 : i32
      %rem3A = arith.remsi %scan3A_20, %jit3A : i32
      %ne3A_35 = arith.constant 0 : i32
      %ne3A_36 = arith.cmpi ne, %rem3A, %ne3A_35 : i32
      %and3A = arith.andi %ne3A, %ne3A_36 : i1
      %sub3A = arith.constant 1 : i32
      %sub3A_37 = arith.subi %div3A, %sub3A : i32
      %select_n3A = arith.select %and3A, %sub3A_37, %div3A : i32
      %jit3A_38 = arith.constant 4 : i32
      %eq3A = arith.constant 0 : i32
      %eq3A_39 = arith.cmpi eq, %jit3A_38, %eq3A : i32
      %jit3A_40 = arith.constant 1 : i32
      %select_n3A_41 = arith.select %eq3A_39, %jit3A_40, %jit3A_38 : i32
      %rem3A_42 = arith.remsi %scan3A_20, %select_n3A_41 : i32
      %ne3A_43 = arith.constant 0 : i32
      %ne3A_44 = arith.cmpi ne, %rem3A_42, %ne3A_43 : i32
      %lt3A = arith.constant 0 : i32
      %lt3A_45 = arith.cmpi slt, %rem3A_42, %lt3A : i32
      %lt3A_46 = arith.constant 0 : i32
      %lt3A_47 = arith.cmpi slt, %select_n3A_41, %lt3A_46 : i32
      %ne3A_48 = arith.xori %lt3A_45, %lt3A_47 : i1
      %and3A_49 = arith.andi %ne3A_48, %ne3A_44 : i1
      %add3A = arith.addi %rem3A_42, %select_n3A_41 : i32
      %select_n3A_50 = arith.select %and3A_49, %add3A, %rem3A_42 : i32
      %mul3A = arith.constant 16 : i32
      %mul3A_51 = arith.muli %select_n3A_50, %mul3A : i32
      %swap3A = arith.index_cast %select_n3A : i32 to index
      %swap3A_52 = arith.index_cast %mul3A_51 : i32 to index
      %swap3A_53 = tpu.vector_load %arg8[%swap3A, %swap3A_52] {strides = array<i32>} : memref<100x64xf32, #tpu.memory_space<vmem>>, vector<1x16xf32>,
      %swap3A_54 = vector.shape_cast %swap3A_53 : vector<1x16xf32> to vector<16xf32>
      %swap3A_55 = vector.shape_cast %broadcast_in_dim3A_21 : vector<16xf32> to vector<1x16xf32>
      tpu.vector_store %arg8[%swap3A, %swap3A_52], %swap3A_55 {strides = array<i32>} : memref<100x64xf32, #tpu.memory_space<vmem>>, vector<1x16xf32>,
    }
    %scan3A_3 = arith.constant 400 : i32
    %scan3A_4 = arith.constant 0 : i32
    %scan3A_5 = arith.constant 8 : i32
    %scan3A_6 = arith.addi %scan3A_4, %scan3A_5 : i32
    %scan3A_7 = arith.constant 1 : i32
    scf.for %scan3A_20 = %scan3A_4 to %scan3A_6 step %scan3A_7  : i32 {
      %mul3A = arith.constant 16 : i32
      %mul3A_21 = arith.muli %scan3A_20, %mul3A : i32
      %add3A = arith.addi %arg1, %mul3A_21 : i32
      %lt3A = arith.constant 125 : i32
      %lt3A_22 = arith.cmpi slt, %add3A, %lt3A : i32
      %convert_element_type3A = arith.extui %lt3A_22 : i1 to i32
      %cond3A = arith.constant 0 : i32
      %cond3A_23 = arith.cmpi ne, %convert_element_type3A, %cond3A : i32
      scf.if %cond3A_23 {
        %mul3A_24 = arith.constant 80 : i32
        %mul3A_25 = arith.muli %add3A, %mul3A_24 : i32
        "tpu.region"() ({
          %run_scoped3A = tpu.sem_alloc : memref<!tpu.dma_semaphore, #tpu.memory_space<semaphore_mem>>
          %dma_start3A = arith.constant 0 : i32
          %dma_start3A_26 = arith.constant 0 : i32
          %dma_start3A_27 = tpu.memref_slice %arg8[%dma_start3A, %dma_start3A_26] : memref<100x64xf32, #tpu.memory_space<vmem>> -> memref<80x64xf32, #tpu.memory_space<vmem>>
          %dma_start3A_28 = arith.constant 0 : i32
          %dma_start3A_29 = tpu.memref_slice %arg10[%mul3A_25, %dma_start3A_28] : memref<10000x64xf32, #tpu.memory_space<vmem_shared>> -> memref<80x64xf32, #tpu.memory_space<vmem_shared>>
          %dma_start3A_30 = arith.constant 0 : i32
          %dma_start3A_31 = tpu.memref_slice %arg10[%mul3A_25, %dma_start3A_30] : memref<10000x64xf32, #tpu.memory_space<vmem_shared>> -> memref<80x64xf32, #tpu.memory_space<vmem_shared>>
          %dma_start3A_32 = arith.constant 0 : i32
          %dma_start3A_33 = arith.constant 0 : i32
          %dma_start3A_34 = tpu.memref_slice %arg8[%dma_start3A_32, %dma_start3A_33] : memref<100x64xf32, #tpu.memory_space<vmem>> -> memref<80x64xf32, #tpu.memory_space<vmem>>
          tpu.enqueue_dma source(%dma_start3A_34 : memref<80x64xf32, #tpu.memory_space<vmem>>) target(%dma_start3A_31 : memref<80x64xf32, #tpu.memory_space<vmem_shared>>) target_semaphore(%run_scoped3A : memref<!tpu.dma_semaphore, #tpu.memory_space<semaphore_mem>>)
          %dma_wait3A = arith.constant 0 : i32
          %dma_wait3A_35 = arith.constant 0 : i32
          %dma_wait3A_36 = tpu.memref_slice %arg8[%dma_wait3A, %dma_wait3A_35] : memref<100x64xf32, #tpu.memory_space<vmem>> -> memref<80x64xf32, #tpu.memory_space<vmem>>
          %dma_wait3A_37 = arith.constant 0 : i32
          %dma_wait3A_38 = tpu.memref_slice %arg10[%mul3A_25, %dma_wait3A_37] : memref<10000x64xf32, #tpu.memory_space<vmem_shared>> -> memref<80x64xf32, #tpu.memory_space<vmem_shared>>
          %dma_wait3A_39 = arith.constant 0 : i32
          %dma_wait3A_40 = tpu.memref_slice %arg10[%mul3A_25, %dma_wait3A_39] : memref<10000x64xf32, #tpu.memory_space<vmem_shared>> -> memref<80x64xf32, #tpu.memory_space<vmem_shared>>
          %dma_wait3A_41 = arith.constant 0 : i32
          %dma_wait3A_42 = arith.constant 0 : i32
          %dma_wait3A_43 = tpu.memref_slice %arg8[%dma_wait3A_41, %dma_wait3A_42] : memref<100x64xf32, #tpu.memory_space<vmem>> -> memref<80x64xf32, #tpu.memory_space<vmem>>
          tpu.wait_dma2 semaphore(%run_scoped3A : memref<!tpu.dma_semaphore, #tpu.memory_space<semaphore_mem>>) src(%dma_wait3A_43 : memref<80x64xf32, #tpu.memory_space<vmem>>) dst(%dma_wait3A_40 : memref<80x64xf32, #tpu.memory_space<vmem_shared>>)
          tpu.yield
        }) : () -> ()
      } else {
      }
    }
    %scan3A_8 = arith.constant 8 : i32
    %barrier3A = arith.constant 0 : index
    tpu.barrier barrier_id(%barrier3A)
    %scan3A_9 = arith.constant 0 : i32
    %scan3A_10 = arith.constant 200 : i32
    %scan3A_11 = arith.addi %scan3A_9, %scan3A_10 : i32
    %scan3A_12 = arith.constant 1 : i32
    scf.for %scan3A_20 = %scan3A_9 to %scan3A_11 step %scan3A_12  : i32 {
      "tpu.region"() ({
        %run_scoped3A = tpu.sem_alloc : memref<!tpu.dma_semaphore, #tpu.memory_space<semaphore_mem>>
        %dma_start3A = arith.constant 0 : i32
        %dma_start3A_21 = tpu.memref_slice %arg6[%scan3A_20, %dma_start3A] : memref<200x100xi32, #tpu.memory_space<vmem>> -> memref<1x100xi32, #tpu.memory_space<vmem>>
        %dma_start3A_22 = tpu.memref_squeeze %dma_start3A_21 : memref<1x100xi32, #tpu.memory_space<vmem>> -> memref<100xi32, #tpu.memory_space<vmem>>
        %dma_start3A_23 = arith.constant 0 : i32
        %dma_start3A_24 = arith.constant 0 : i32
        %dma_start3A_25 = tpu.memref_slice %arg2[%arg0, %dma_start3A_23, %dma_start3A_24] : memref<2x10000x64xf32, #tpu.memory_space<hbm>> -> memref<1x10000x64xf32, #tpu.memory_space<hbm>>
        %dma_start3A_26 = tpu.memref_squeeze %dma_start3A_25 : memref<1x10000x64xf32, #tpu.memory_space<hbm>> -> memref<10000x64xf32, #tpu.memory_space<hbm>>
        %dma_start3A_27 = arith.constant 0 : i32
        %dma_start3A_28 = arith.constant 0 : i32
        %dma_start3A_29 = tpu.memref_slice %dma_start3A_26[%dma_start3A_27, %dma_start3A_28] : memref<10000x64xf32, #tpu.memory_space<hbm>> -> memref<10000x64xf32, #tpu.memory_space<hbm>>
        tpu.enqueue_indirect_dma source(%dma_start3A_29 : memref<10000x64xf32, #tpu.memory_space<hbm>>) target(%arg8 : memref<100x64xf32, #tpu.memory_space<vmem>>) offsets(%dma_start3A_22 : memref<100xi32, #tpu.memory_space<vmem>>) semaphore(%run_scoped3A : memref<!tpu.dma_semaphore, #tpu.memory_space<semaphore_mem>>)
        %dma_wait3A = arith.constant 0 : i32
        %dma_wait3A_30 = tpu.memref_slice %arg6[%scan3A_20, %dma_wait3A] : memref<200x100xi32, #tpu.memory_space<vmem>> -> memref<1x100xi32, #tpu.memory_space<vmem>>
        %dma_wait3A_31 = tpu.memref_squeeze %dma_wait3A_30 : memref<1x100xi32, #tpu.memory_space<vmem>> -> memref<100xi32, #tpu.memory_space<vmem>>
        %dma_wait3A_32 = arith.constant 0 : i32
        %dma_wait3A_33 = arith.constant 0 : i32
        %dma_wait3A_34 = tpu.memref_slice %arg2[%arg0, %dma_wait3A_32, %dma_wait3A_33] : memref<2x10000x64xf32, #tpu.memory_space<hbm>> -> memref<1x10000x64xf32, #tpu.memory_space<hbm>>
        %dma_wait3A_35 = tpu.memref_squeeze %dma_wait3A_34 : memref<1x10000x64xf32, #tpu.memory_space<hbm>> -> memref<10000x64xf32, #tpu.memory_space<hbm>>
        %dma_wait3A_36 = arith.constant 0 : i32
        %dma_wait3A_37 = arith.constant 0 : i32
        %dma_wait3A_38 = tpu.memref_slice %dma_wait3A_35[%dma_wait3A_36, %dma_wait3A_37] : memref<10000x64xf32, #tpu.memory_space<hbm>> -> memref<10000x64xf32, #tpu.memory_space<hbm>>
        tpu.wait_indirect_dma semaphore(%run_scoped3A : memref<!tpu.dma_semaphore, #tpu.memory_space<semaphore_mem>>) src(%dma_wait3A_38 : memref<10000x64xf32, #tpu.memory_space<hbm>>) dst(%arg8 : memref<100x64xf32, #tpu.memory_space<vmem>>)
        tpu.yield
      }) : () -> ()
      "tpu.region"() ({
        %run_scoped3A = tpu.sem_alloc : memref<!tpu.dma_semaphore, #tpu.memory_space<semaphore_mem>>
        %dma_start3A = arith.constant 0 : i32
        %dma_start3A_21 = tpu.memref_slice %arg7[%scan3A_20, %dma_start3A] : memref<200x100xi32, #tpu.memory_space<vmem>> -> memref<1x100xi32, #tpu.memory_space<vmem>>
        %dma_start3A_22 = tpu.memref_squeeze %dma_start3A_21 : memref<1x100xi32, #tpu.memory_space<vmem>> -> memref<100xi32, #tpu.memory_space<vmem>>
        %dma_start3A_23 = arith.constant 0 : i32
        %dma_start3A_24 = arith.constant 0 : i32
        %dma_start3A_25 = tpu.memref_slice %arg10[%dma_start3A_23, %dma_start3A_24] : memref<10000x64xf32, #tpu.memory_space<vmem_shared>> -> memref<10000x64xf32, #tpu.memory_space<vmem_shared>>
        tpu.enqueue_indirect_dma source(%arg8 : memref<100x64xf32, #tpu.memory_space<vmem>>) target(%dma_start3A_25 : memref<10000x64xf32, #tpu.memory_space<vmem_shared>>) offsets(%dma_start3A_22 : memref<100xi32, #tpu.memory_space<vmem>>) semaphore(%run_scoped3A : memref<!tpu.dma_semaphore, #tpu.memory_space<semaphore_mem>>) {add = true}
        %dma_wait3A = arith.constant 0 : i32
        %dma_wait3A_26 = tpu.memref_slice %arg7[%scan3A_20, %dma_wait3A] : memref<200x100xi32, #tpu.memory_space<vmem>> -> memref<1x100xi32, #tpu.memory_space<vmem>>
        %dma_wait3A_27 = tpu.memref_squeeze %dma_wait3A_26 : memref<1x100xi32, #tpu.memory_space<vmem>> -> memref<100xi32, #tpu.memory_space<vmem>>
        %dma_wait3A_28 = arith.constant 0 : i32
        %dma_wait3A_29 = arith.constant 0 : i32
        %dma_wait3A_30 = tpu.memref_slice %arg10[%dma_wait3A_28, %dma_wait3A_29] : memref<10000x64xf32, #tpu.memory_space<vmem_shared>> -> memref<10000x64xf32, #tpu.memory_space<vmem_shared>>
        tpu.wait_indirect_dma semaphore(%run_scoped3A : memref<!tpu.dma_semaphore, #tpu.memory_space<semaphore_mem>>) src(%arg8 : memref<100x64xf32, #tpu.memory_space<vmem>>) dst(%dma_wait3A_30 : memref<10000x64xf32, #tpu.memory_space<vmem_shared>>)
        tpu.yield
      }) : () -> ()
    }
    %scan3A_13 = arith.constant 200 : i32
    %barrier3A_14 = arith.constant 0 : index
    tpu.barrier barrier_id(%barrier3A_14)
    %scan3A_15 = arith.constant 0 : i32
    %scan3A_16 = arith.constant 8 : i32
    %scan3A_17 = arith.addi %scan3A_15, %scan3A_16 : i32
    %scan3A_18 = arith.constant 1 : i32
    scf.for %scan3A_20 = %scan3A_15 to %scan3A_17 step %scan3A_18  : i32 {
      %mul3A = arith.constant 16 : i32
      %mul3A_21 = arith.muli %scan3A_20, %mul3A : i32
      %add3A = arith.addi %arg1, %mul3A_21 : i32
      %lt3A = arith.constant 125 : i32
      %lt3A_22 = arith.cmpi slt, %add3A, %lt3A : i32
      %convert_element_type3A = arith.extui %lt3A_22 : i1 to i32
      %cond3A = arith.constant 0 : i32
      %cond3A_23 = arith.cmpi ne, %convert_element_type3A, %cond3A : i32
      scf.if %cond3A_23 {
        %mul3A_24 = arith.constant 80 : i32
        %mul3A_25 = arith.muli %add3A, %mul3A_24 : i32
        "tpu.region"() ({
          %run_scoped3A = tpu.sem_alloc : memref<!tpu.dma_semaphore, #tpu.memory_space<semaphore_mem>>
          %dma_start3A = arith.constant 0 : i32
          %dma_start3A_28 = arith.constant 0 : i32
          %dma_start3A_29 = tpu.memref_slice %arg9[%dma_start3A, %dma_start3A_28] : memref<100x64xf32, #tpu.memory_space<vmem>> -> memref<80x64xf32, #tpu.memory_space<vmem>>
          %dma_start3A_30 = arith.constant 0 : i32
          %dma_start3A_31 = tpu.memref_slice %arg10[%mul3A_25, %dma_start3A_30] : memref<10000x64xf32, #tpu.memory_space<vmem_shared>> -> memref<80x64xf32, #tpu.memory_space<vmem_shared>>
          %dma_start3A_32 = arith.constant 0 : i32
          %dma_start3A_33 = arith.constant 0 : i32
          %dma_start3A_34 = tpu.memref_slice %arg9[%dma_start3A_32, %dma_start3A_33] : memref<100x64xf32, #tpu.memory_space<vmem>> -> memref<80x64xf32, #tpu.memory_space<vmem>>
          %dma_start3A_35 = arith.constant 0 : i32
          %dma_start3A_36 = tpu.memref_slice %arg10[%mul3A_25, %dma_start3A_35] : memref<10000x64xf32, #tpu.memory_space<vmem_shared>> -> memref<80x64xf32, #tpu.memory_space<vmem_shared>>
          tpu.enqueue_dma source(%dma_start3A_36 : memref<80x64xf32, #tpu.memory_space<vmem_shared>>) target(%dma_start3A_34 : memref<80x64xf32, #tpu.memory_space<vmem>>) target_semaphore(%run_scoped3A : memref<!tpu.dma_semaphore, #tpu.memory_space<semaphore_mem>>)
          %dma_wait3A = arith.constant 0 : i32
          %dma_wait3A_37 = arith.constant 0 : i32
          %dma_wait3A_38 = tpu.memref_slice %arg9[%dma_wait3A, %dma_wait3A_37] : memref<100x64xf32, #tpu.memory_space<vmem>> -> memref<80x64xf32, #tpu.memory_space<vmem>>
          %dma_wait3A_39 = arith.constant 0 : i32
          %dma_wait3A_40 = tpu.memref_slice %arg10[%mul3A_25, %dma_wait3A_39] : memref<10000x64xf32, #tpu.memory_space<vmem_shared>> -> memref<80x64xf32, #tpu.memory_space<vmem_shared>>
          %dma_wait3A_41 = arith.constant 0 : i32
          %dma_wait3A_42 = arith.constant 0 : i32
          %dma_wait3A_43 = tpu.memref_slice %arg9[%dma_wait3A_41, %dma_wait3A_42] : memref<100x64xf32, #tpu.memory_space<vmem>> -> memref<80x64xf32, #tpu.memory_space<vmem>>
          %dma_wait3A_44 = arith.constant 0 : i32
          %dma_wait3A_45 = tpu.memref_slice %arg10[%mul3A_25, %dma_wait3A_44] : memref<10000x64xf32, #tpu.memory_space<vmem_shared>> -> memref<80x64xf32, #tpu.memory_space<vmem_shared>>
          tpu.wait_dma2 semaphore(%run_scoped3A : memref<!tpu.dma_semaphore, #tpu.memory_space<semaphore_mem>>) src(%dma_wait3A_45 : memref<80x64xf32, #tpu.memory_space<vmem_shared>>) dst(%dma_wait3A_43 : memref<80x64xf32, #tpu.memory_space<vmem>>)
          tpu.yield
        }) : () -> ()
        %mul3A_26 = arith.constant 80 : i32
        %mul3A_27 = arith.muli %add3A, %mul3A_26 : i32
        "tpu.region"() ({
          %run_scoped3A = tpu.sem_alloc : memref<!tpu.dma_semaphore, #tpu.memory_space<semaphore_mem>>
          %dma_start3A = arith.constant 0 : i32
          %dma_start3A_28 = arith.constant 0 : i32
          %dma_start3A_29 = tpu.memref_slice %arg9[%dma_start3A, %dma_start3A_28] : memref<100x64xf32, #tpu.memory_space<vmem>> -> memref<80x64xf32, #tpu.memory_space<vmem>>
          %dma_start3A_30 = arith.constant 0 : i32
          %dma_start3A_31 = tpu.memref_slice %arg5[%arg0, %mul3A_27, %dma_start3A_30] : memref<2x10000x64xf32, #tpu.memory_space<hbm>> -> memref<1x80x64xf32, #tpu.memory_space<hbm>>
          %dma_start3A_32 = tpu.memref_squeeze %dma_start3A_31 : memref<1x80x64xf32, #tpu.memory_space<hbm>> -> memref<80x64xf32, #tpu.memory_space<hbm>>
          %dma_start3A_33 = arith.constant 0 : i32
          %dma_start3A_34 = tpu.memref_slice %arg5[%arg0, %mul3A_27, %dma_start3A_33] : memref<2x10000x64xf32, #tpu.memory_space<hbm>> -> memref<1x80x64xf32, #tpu.memory_space<hbm>>
          %dma_start3A_35 = tpu.memref_squeeze %dma_start3A_34 : memref<1x80x64xf32, #tpu.memory_space<hbm>> -> memref<80x64xf32, #tpu.memory_space<hbm>>
          %dma_start3A_36 = arith.constant 0 : i32
          %dma_start3A_37 = arith.constant 0 : i32
          %dma_start3A_38 = tpu.memref_slice %arg9[%dma_start3A_36, %dma_start3A_37] : memref<100x64xf32, #tpu.memory_space<vmem>> -> memref<80x64xf32, #tpu.memory_space<vmem>>
          tpu.enqueue_dma source(%dma_start3A_38 : memref<80x64xf32, #tpu.memory_space<vmem>>) target(%dma_start3A_35 : memref<80x64xf32, #tpu.memory_space<hbm>>) target_semaphore(%run_scoped3A : memref<!tpu.dma_semaphore, #tpu.memory_space<semaphore_mem>>)
          %dma_wait3A = arith.constant 0 : i32
          %dma_wait3A_39 = arith.constant 0 : i32
          %dma_wait3A_40 = tpu.memref_slice %arg9[%dma_wait3A, %dma_wait3A_39] : memref<100x64xf32, #tpu.memory_space<vmem>> -> memref<80x64xf32, #tpu.memory_space<vmem>>
          %dma_wait3A_41 = arith.constant 0 : i32
          %dma_wait3A_42 = tpu.memref_slice %arg5[%arg0, %mul3A_27, %dma_wait3A_41] : memref<2x10000x64xf32, #tpu.memory_space<hbm>> -> memref<1x80x64xf32, #tpu.memory_space<hbm>>
          %dma_wait3A_43 = tpu.memref_squeeze %dma_wait3A_42 : memref<1x80x64xf32, #tpu.memory_space<hbm>> -> memref<80x64xf32, #tpu.memory_space<hbm>>
          %dma_wait3A_44 = arith.constant 0 : i32
          %dma_wait3A_45 = tpu.memref_slice %arg5[%arg0, %mul3A_27, %dma_wait3A_44] : memref<2x10000x64xf32, #tpu.memory_space<hbm>> -> memref<1x80x64xf32, #tpu.memory_space<hbm>>
          %dma_wait3A_46 = tpu.memref_squeeze %dma_wait3A_45 : memref<1x80x64xf32, #tpu.memory_space<hbm>> -> memref<80x64xf32, #tpu.memory_space<hbm>>
          %dma_wait3A_47 = arith.constant 0 : i32
          %dma_wait3A_48 = arith.constant 0 : i32
          %dma_wait3A_49 = tpu.memref_slice %arg9[%dma_wait3A_47, %dma_wait3A_48] : memref<100x64xf32, #tpu.memory_space<vmem>> -> memref<80x64xf32, #tpu.memory_space<vmem>>
          tpu.wait_dma2 semaphore(%run_scoped3A : memref<!tpu.dma_semaphore, #tpu.memory_space<semaphore_mem>>) src(%dma_wait3A_49 : memref<80x64xf32, #tpu.memory_space<vmem>>) dst(%dma_wait3A_46 : memref<80x64xf32, #tpu.memory_space<hbm>>)
          tpu.yield
        }) : () -> ()
      } else {
      }
    }
    %scan3A_19 = arith.constant 8 : i32
    return
  }
}

#map = affine_map<(d0, d1) -> (0, 0, 0)>
module attributes {stable_mosaic.version = 14 : i64} {
  func.func @_sc_aggregate(%arg0: i32, %arg1: i32, %arg2: memref<2x10000x64xf32, #tpu.memory_space<hbm>>, %arg3: memref<16x200x100xi32, #tpu.memory_space<hbm>>, %arg4: memref<16x200x100xi32, #tpu.memory_space<hbm>>, %arg5: memref<2x10000x64xf32, #tpu.memory_space<hbm>>, %arg6: memref<200x100xi32, #tpu.memory_space<vmem>>, %arg7: memref<200x100xi32, #tpu.memory_space<vmem>>, %arg8: memref<100x64xf32, #tpu.memory_space<vmem>>, %arg9: memref<100x64xf32, #tpu.memory_space<vmem>>, %arg10: memref<10000x64xf32, #tpu.memory_space<vmem_shared>>) attributes {dimension_semantics = [#tpu.dimension_semantics<core_parallel>, #tpu.dimension_semantics<subcore_parallel>], iteration_bounds = array<i64: 2, 16>, scalar_prefetch = 0 : i64, scratch_operands = 5 : i64, tpu.core_type = #tpu.core_type<sc_vector_subcore>, window_params = [{transform_indices = #map}, {transform_indices = #map}, {transform_indices = #map}, {transform_indices = #map}]} {
    "tpu.region"() ({
      %run_scoped3A = tpu.sem_alloc : memref<!tpu.dma_semaphore, #tpu.memory_space<semaphore_mem>>
      %dma_start3A = arith.constant 0 : i32
      %dma_start3A_20 = arith.constant 0 : i32
      %dma_start3A_21 = tpu.memref_slice %arg3[%arg1, %dma_start3A, %dma_start3A_20] : memref<16x200x100xi32, #tpu.memory_space<hbm>> -> memref<1x200x100xi32, #tpu.memory_space<hbm>>
      %dma_start3A_22 = tpu.memref_squeeze %dma_start3A_21 : memref<1x200x100xi32, #tpu.memory_space<hbm>> -> memref<200x100xi32, #tpu.memory_space<hbm>>
      %dma_start3A_23 = arith.constant 0 : i32
      %dma_start3A_24 = arith.constant 0 : i32
      %dma_start3A_25 = tpu.memref_slice %arg3[%arg1, %dma_start3A_23, %dma_start3A_24] : memref<16x200x100xi32, #tpu.memory_space<hbm>> -> memref<1x200x100xi32, #tpu.memory_space<hbm>>
      %dma_start3A_26 = tpu.memref_squeeze %dma_start3A_25 : memref<1x200x100xi32, #tpu.memory_space<hbm>> -> memref<200x100xi32, #tpu.memory_space<hbm>>
      tpu.enqueue_dma source(%dma_start3A_26 : memref<200x100xi32, #tpu.memory_space<hbm>>) target(%arg6 : memref<200x100xi32, #tpu.memory_space<vmem>>) target_semaphore(%run_scoped3A : memref<!tpu.dma_semaphore, #tpu.memory_space<semaphore_mem>>)
      %dma_wait3A = arith.constant 0 : i32
      %dma_wait3A_27 = arith.constant 0 : i32
      %dma_wait3A_28 = tpu.memref_slice %arg3[%arg1, %dma_wait3A, %dma_wait3A_27] : memref<16x200x100xi32, #tpu.memory_space<hbm>> -> memref<1x200x100xi32, #tpu.memory_space<hbm>>
      %dma_wait3A_29 = tpu.memref_squeeze %dma_wait3A_28 : memref<1x200x100xi32, #tpu.memory_space<hbm>> -> memref<200x100xi32, #tpu.memory_space<hbm>>
      %dma_wait3A_30 = arith.constant 0 : i32
      %dma_wait3A_31 = arith.constant 0 : i32
      %dma_wait3A_32 = tpu.memref_slice %arg3[%arg1, %dma_wait3A_30, %dma_wait3A_31] : memref<16x200x100xi32, #tpu.memory_space<hbm>> -> memref<1x200x100xi32, #tpu.memory_space<hbm>>
      %dma_wait3A_33 = tpu.memref_squeeze %dma_wait3A_32 : memref<1x200x100xi32, #tpu.memory_space<hbm>> -> memref<200x100xi32, #tpu.memory_space<hbm>>
      tpu.wait_dma2 semaphore(%run_scoped3A : memref<!tpu.dma_semaphore, #tpu.memory_space<semaphore_mem>>) src(%dma_wait3A_33 : memref<200x100xi32, #tpu.memory_space<hbm>>) dst(%arg6 : memref<200x100xi32, #tpu.memory_space<vmem>>)
      tpu.yield
    }) : () -> ()
    "tpu.region"() ({
      %run_scoped3A = tpu.sem_alloc : memref<!tpu.dma_semaphore, #tpu.memory_space<semaphore_mem>>
      %dma_start3A = arith.constant 0 : i32
      %dma_start3A_20 = arith.constant 0 : i32
      %dma_start3A_21 = tpu.memref_slice %arg4[%arg1, %dma_start3A, %dma_start3A_20] : memref<16x200x100xi32, #tpu.memory_space<hbm>> -> memref<1x200x100xi32, #tpu.memory_space<hbm>>
      %dma_start3A_22 = tpu.memref_squeeze %dma_start3A_21 : memref<1x200x100xi32, #tpu.memory_space<hbm>> -> memref<200x100xi32, #tpu.memory_space<hbm>>
      %dma_start3A_23 = arith.constant 0 : i32
      %dma_start3A_24 = arith.constant 0 : i32
      %dma_start3A_25 = tpu.memref_slice %arg4[%arg1, %dma_start3A_23, %dma_start3A_24] : memref<16x200x100xi32, #tpu.memory_space<hbm>> -> memref<1x200x100xi32, #tpu.memory_space<hbm>>
      %dma_start3A_26 = tpu.memref_squeeze %dma_start3A_25 : memref<1x200x100xi32, #tpu.memory_space<hbm>> -> memref<200x100xi32, #tpu.memory_space<hbm>>
      tpu.enqueue_dma source(%dma_start3A_26 : memref<200x100xi32, #tpu.memory_space<hbm>>) target(%arg7 : memref<200x100xi32, #tpu.memory_space<vmem>>) target_semaphore(%run_scoped3A : memref<!tpu.dma_semaphore, #tpu.memory_space<semaphore_mem>>)
      %dma_wait3A = arith.constant 0 : i32
      %dma_wait3A_27 = arith.constant 0 : i32
      %dma_wait3A_28 = tpu.memref_slice %arg4[%arg1, %dma_wait3A, %dma_wait3A_27] : memref<16x200x100xi32, #tpu.memory_space<hbm>> -> memref<1x200x100xi32, #tpu.memory_space<hbm>>
      %dma_wait3A_29 = tpu.memref_squeeze %dma_wait3A_28 : memref<1x200x100xi32, #tpu.memory_space<hbm>> -> memref<200x100xi32, #tpu.memory_space<hbm>>
      %dma_wait3A_30 = arith.constant 0 : i32
      %dma_wait3A_31 = arith.constant 0 : i32
      %dma_wait3A_32 = tpu.memref_slice %arg4[%arg1, %dma_wait3A_30, %dma_wait3A_31] : memref<16x200x100xi32, #tpu.memory_space<hbm>> -> memref<1x200x100xi32, #tpu.memory_space<hbm>>
      %dma_wait3A_33 = tpu.memref_squeeze %dma_wait3A_32 : memref<1x200x100xi32, #tpu.memory_space<hbm>> -> memref<200x100xi32, #tpu.memory_space<hbm>>
      tpu.wait_dma2 semaphore(%run_scoped3A : memref<!tpu.dma_semaphore, #tpu.memory_space<semaphore_mem>>) src(%dma_wait3A_33 : memref<200x100xi32, #tpu.memory_space<hbm>>) dst(%arg7 : memref<200x100xi32, #tpu.memory_space<vmem>>)
      tpu.yield
    }) : () -> ()
    %scan3A = arith.constant 0 : i32
    %scan3A_0 = arith.constant 400 : i32
    %scan3A_1 = arith.addi %scan3A, %scan3A_0 : i32
    %scan3A_2 = arith.constant 1 : i32
    scf.for %scan3A_20 = %scan3A to %scan3A_1 step %scan3A_2  : i32 {
      %broadcast_in_dim3A = arith.constant 0.000000e+00 : f32
      %broadcast_in_dim3A_21 = vector.broadcast %broadcast_in_dim3A : f32 to vector<16xf32>
      %jit3A = arith.constant 4 : i32
      %div3A = arith.divsi %scan3A_20, %jit3A : i32
      %sign3A = arith.constant 0 : i32
      %sign3A_22 = arith.cmpi sgt, %scan3A_20, %sign3A : i32
      %sign3A_23 = arith.extui %sign3A_22 : i1 to i32
      %sign3A_24 = arith.constant 0 : i32
      %sign3A_25 = arith.cmpi slt, %scan3A_20, %sign3A_24 : i32
      %sign3A_26 = arith.extui %sign3A_25 : i1 to i32
      %sign3A_27 = arith.subi %sign3A_23, %sign3A_26 : i32
      %sign3A_28 = arith.constant 0 : i32
      %sign3A_29 = arith.cmpi sgt, %jit3A, %sign3A_28 : i32
      %sign3A_30 = arith.extui %sign3A_29 : i1 to i32
      %sign3A_31 = arith.constant 0 : i32
      %sign3A_32 = arith.cmpi slt, %jit3A, %sign3A_31 : i32
      %sign3A_33 = arith.extui %sign3A_32 : i1 to i32
      %sign3A_34 = arith.subi %sign3A_30, %sign3A_33 : i32
      %ne3A = arith.cmpi ne, %sign3A_27, %sign3A_34 : i32
      %rem3A = arith.remsi %scan3A_20, %jit3A : i32
      %ne3A_35 = arith.constant 0 : i32
      %ne3A_36 = arith.cmpi ne, %rem3A, %ne3A_35 : i32
      %and3A = arith.andi %ne3A, %ne3A_36 : i1
      %sub3A = arith.constant 1 : i32
      %sub3A_37 = arith.subi %div3A, %sub3A : i32
      %select_n3A = arith.select %and3A, %sub3A_37, %div3A : i32
      %jit3A_38 = arith.constant 4 : i32
      %eq3A = arith.constant 0 : i32
      %eq3A_39 = arith.cmpi eq, %jit3A_38, %eq3A : i32
      %jit3A_40 = arith.constant 1 : i32
      %select_n3A_41 = arith.select %eq3A_39, %jit3A_40, %jit3A_38 : i32
      %rem3A_42 = arith.remsi %scan3A_20, %select_n3A_41 : i32
      %ne3A_43 = arith.constant 0 : i32
      %ne3A_44 = arith.cmpi ne, %rem3A_42, %ne3A_43 : i32
      %lt3A = arith.constant 0 : i32
      %lt3A_45 = arith.cmpi slt, %rem3A_42, %lt3A : i32
      %lt3A_46 = arith.constant 0 : i32
      %lt3A_47 = arith.cmpi slt, %select_n3A_41, %lt3A_46 : i32
      %ne3A_48 = arith.xori %lt3A_45, %lt3A_47 : i1
      %and3A_49 = arith.andi %ne3A_48, %ne3A_44 : i1
      %add3A = arith.addi %rem3A_42, %select_n3A_41 : i32
      %select_n3A_50 = arith.select %and3A_49, %add3A, %rem3A_42 : i32
      %mul3A = arith.constant 16 : i32
      %mul3A_51 = arith.muli %select_n3A_50, %mul3A : i32
      %swap3A = arith.index_cast %select_n3A : i32 to index
      %swap3A_52 = arith.index_cast %mul3A_51 : i32 to index
      %swap3A_53 = tpu.vector_load %arg8[%swap3A, %swap3A_52] {strides = array<i32>} : memref<100x64xf32, #tpu.memory_space<vmem>>, vector<1x16xf32>,
      %swap3A_54 = vector.shape_cast %swap3A_53 : vector<1x16xf32> to vector<16xf32>
      %swap3A_55 = vector.shape_cast %broadcast_in_dim3A_21 : vector<16xf32> to vector<1x16xf32>
      tpu.vector_store %arg8[%swap3A, %swap3A_52], %swap3A_55 {strides = array<i32>} : memref<100x64xf32, #tpu.memory_space<vmem>>, vector<1x16xf32>,
    }
    %scan3A_3 = arith.constant 400 : i32
    %scan3A_4 = arith.constant 0 : i32
    %scan3A_5 = arith.constant 8 : i32
    %scan3A_6 = arith.addi %scan3A_4, %scan3A_5 : i32
    %scan3A_7 = arith.constant 1 : i32
    scf.for %scan3A_20 = %scan3A_4 to %scan3A_6 step %scan3A_7  : i32 {
      %mul3A = arith.constant 16 : i32
      %mul3A_21 = arith.muli %scan3A_20, %mul3A : i32
      %add3A = arith.addi %arg1, %mul3A_21 : i32
      %lt3A = arith.constant 125 : i32
      %lt3A_22 = arith.cmpi slt, %add3A, %lt3A : i32
      %convert_element_type3A = arith.extui %lt3A_22 : i1 to i32
      %cond3A = arith.constant 0 : i32
      %cond3A_23 = arith.cmpi ne, %convert_element_type3A, %cond3A : i32
      scf.if %cond3A_23 {
        %mul3A_24 = arith.constant 80 : i32
        %mul3A_25 = arith.muli %add3A, %mul3A_24 : i32
        "tpu.region"() ({
          %run_scoped3A = tpu.sem_alloc : memref<!tpu.dma_semaphore, #tpu.memory_space<semaphore_mem>>
          %dma_start3A = arith.constant 0 : i32
          %dma_start3A_26 = arith.constant 0 : i32
          %dma_start3A_27 = tpu.memref_slice %arg8[%dma_start3A, %dma_start3A_26] : memref<100x64xf32, #tpu.memory_space<vmem>> -> memref<80x64xf32, #tpu.memory_space<vmem>>
          %dma_start3A_28 = arith.constant 0 : i32
          %dma_start3A_29 = tpu.memref_slice %arg10[%mul3A_25, %dma_start3A_28] : memref<10000x64xf32, #tpu.memory_space<vmem_shared>> -> memref<80x64xf32, #tpu.memory_space<vmem_shared>>
          %dma_start3A_30 = arith.constant 0 : i32
          %dma_start3A_31 = tpu.memref_slice %arg10[%mul3A_25, %dma_start3A_30] : memref<10000x64xf32, #tpu.memory_space<vmem_shared>> -> memref<80x64xf32, #tpu.memory_space<vmem_shared>>
          %dma_start3A_32 = arith.constant 0 : i32
          %dma_start3A_33 = arith.constant 0 : i32
          %dma_start3A_34 = tpu.memref_slice %arg8[%dma_start3A_32, %dma_start3A_33] : memref<100x64xf32, #tpu.memory_space<vmem>> -> memref<80x64xf32, #tpu.memory_space<vmem>>
          tpu.enqueue_dma source(%dma_start3A_34 : memref<80x64xf32, #tpu.memory_space<vmem>>) target(%dma_start3A_31 : memref<80x64xf32, #tpu.memory_space<vmem_shared>>) target_semaphore(%run_scoped3A : memref<!tpu.dma_semaphore, #tpu.memory_space<semaphore_mem>>)
          %dma_wait3A = arith.constant 0 : i32
          %dma_wait3A_35 = arith.constant 0 : i32
          %dma_wait3A_36 = tpu.memref_slice %arg8[%dma_wait3A, %dma_wait3A_35] : memref<100x64xf32, #tpu.memory_space<vmem>> -> memref<80x64xf32, #tpu.memory_space<vmem>>
          %dma_wait3A_37 = arith.constant 0 : i32
          %dma_wait3A_38 = tpu.memref_slice %arg10[%mul3A_25, %dma_wait3A_37] : memref<10000x64xf32, #tpu.memory_space<vmem_shared>> -> memref<80x64xf32, #tpu.memory_space<vmem_shared>>
          %dma_wait3A_39 = arith.constant 0 : i32
          %dma_wait3A_40 = tpu.memref_slice %arg10[%mul3A_25, %dma_wait3A_39] : memref<10000x64xf32, #tpu.memory_space<vmem_shared>> -> memref<80x64xf32, #tpu.memory_space<vmem_shared>>
          %dma_wait3A_41 = arith.constant 0 : i32
          %dma_wait3A_42 = arith.constant 0 : i32
          %dma_wait3A_43 = tpu.memref_slice %arg8[%dma_wait3A_41, %dma_wait3A_42] : memref<100x64xf32, #tpu.memory_space<vmem>> -> memref<80x64xf32, #tpu.memory_space<vmem>>
          tpu.wait_dma2 semaphore(%run_scoped3A : memref<!tpu.dma_semaphore, #tpu.memory_space<semaphore_mem>>) src(%dma_wait3A_43 : memref<80x64xf32, #tpu.memory_space<vmem>>) dst(%dma_wait3A_40 : memref<80x64xf32, #tpu.memory_space<vmem_shared>>)
          tpu.yield
        }) : () -> ()
      } else {
      }
    }
    %scan3A_8 = arith.constant 8 : i32
    %barrier3A = arith.constant 0 : index
    tpu.barrier barrier_id(%barrier3A)
    %scan3A_9 = arith.constant 0 : i32
    %scan3A_10 = arith.constant 200 : i32
    %scan3A_11 = arith.addi %scan3A_9, %scan3A_10 : i32
    %scan3A_12 = arith.constant 1 : i32
    scf.for %scan3A_20 = %scan3A_9 to %scan3A_11 step %scan3A_12  : i32 {
      "tpu.region"() ({
        %run_scoped3A = tpu.sem_alloc : memref<!tpu.dma_semaphore, #tpu.memory_space<semaphore_mem>>
        %dma_start3A = arith.constant 0 : i32
        %dma_start3A_21 = tpu.memref_slice %arg6[%scan3A_20, %dma_start3A] : memref<200x100xi32, #tpu.memory_space<vmem>> -> memref<1x100xi32, #tpu.memory_space<vmem>>
        %dma_start3A_22 = tpu.memref_squeeze %dma_start3A_21 : memref<1x100xi32, #tpu.memory_space<vmem>> -> memref<100xi32, #tpu.memory_space<vmem>>
        %dma_start3A_23 = arith.constant 0 : i32
        %dma_start3A_24 = arith.constant 0 : i32
        %dma_start3A_25 = tpu.memref_slice %arg2[%arg0, %dma_start3A_23, %dma_start3A_24] : memref<2x10000x64xf32, #tpu.memory_space<hbm>> -> memref<1x10000x64xf32, #tpu.memory_space<hbm>>
        %dma_start3A_26 = tpu.memref_squeeze %dma_start3A_25 : memref<1x10000x64xf32, #tpu.memory_space<hbm>> -> memref<10000x64xf32, #tpu.memory_space<hbm>>
        %dma_start3A_27 = arith.constant 0 : i32
        %dma_start3A_28 = arith.constant 0 : i32
        %dma_start3A_29 = tpu.memref_slice %dma_start3A_26[%dma_start3A_27, %dma_start3A_28] : memref<10000x64xf32, #tpu.memory_space<hbm>> -> memref<10000x64xf32, #tpu.memory_space<hbm>>
        tpu.enqueue_indirect_dma source(%dma_start3A_29 : memref<10000x64xf32, #tpu.memory_space<hbm>>) target(%arg8 : memref<100x64xf32, #tpu.memory_space<vmem>>) offsets(%dma_start3A_22 : memref<100xi32, #tpu.memory_space<vmem>>) semaphore(%run_scoped3A : memref<!tpu.dma_semaphore, #tpu.memory_space<semaphore_mem>>)
        %dma_wait3A = arith.constant 0 : i32
        %dma_wait3A_30 = tpu.memref_slice %arg6[%scan3A_20, %dma_wait3A] : memref<200x100xi32, #tpu.memory_space<vmem>> -> memref<1x100xi32, #tpu.memory_space<vmem>>
        %dma_wait3A_31 = tpu.memref_squeeze %dma_wait3A_30 : memref<1x100xi32, #tpu.memory_space<vmem>> -> memref<100xi32, #tpu.memory_space<vmem>>
        %dma_wait3A_32 = arith.constant 0 : i32
        %dma_wait3A_33 = arith.constant 0 : i32
        %dma_wait3A_34 = tpu.memref_slice %arg2[%arg0, %dma_wait3A_32, %dma_wait3A_33] : memref<2x10000x64xf32, #tpu.memory_space<hbm>> -> memref<1x10000x64xf32, #tpu.memory_space<hbm>>
        %dma_wait3A_35 = tpu.memref_squeeze %dma_wait3A_34 : memref<1x10000x64xf32, #tpu.memory_space<hbm>> -> memref<10000x64xf32, #tpu.memory_space<hbm>>
        %dma_wait3A_36 = arith.constant 0 : i32
        %dma_wait3A_37 = arith.constant 0 : i32
        %dma_wait3A_38 = tpu.memref_slice %dma_wait3A_35[%dma_wait3A_36, %dma_wait3A_37] : memref<10000x64xf32, #tpu.memory_space<hbm>> -> memref<10000x64xf32, #tpu.memory_space<hbm>>
        tpu.wait_indirect_dma semaphore(%run_scoped3A : memref<!tpu.dma_semaphore, #tpu.memory_space<semaphore_mem>>) src(%dma_wait3A_38 : memref<10000x64xf32, #tpu.memory_space<hbm>>) dst(%arg8 : memref<100x64xf32, #tpu.memory_space<vmem>>)
        tpu.yield
      }) : () -> ()
      "tpu.region"() ({
        %run_scoped3A = tpu.sem_alloc : memref<!tpu.dma_semaphore, #tpu.memory_space<semaphore_mem>>
        %dma_start3A = arith.constant 0 : i32
        %dma_start3A_21 = tpu.memref_slice %arg7[%scan3A_20, %dma_start3A] : memref<200x100xi32, #tpu.memory_space<vmem>> -> memref<1x100xi32, #tpu.memory_space<vmem>>
        %dma_start3A_22 = tpu.memref_squeeze %dma_start3A_21 : memref<1x100xi32, #tpu.memory_space<vmem>> -> memref<100xi32, #tpu.memory_space<vmem>>
        %dma_start3A_23 = arith.constant 0 : i32
        %dma_start3A_24 = arith.constant 0 : i32
        %dma_start3A_25 = tpu.memref_slice %arg10[%dma_start3A_23, %dma_start3A_24] : memref<10000x64xf32, #tpu.memory_space<vmem_shared>> -> memref<10000x64xf32, #tpu.memory_space<vmem_shared>>
        tpu.enqueue_indirect_dma source(%arg8 : memref<100x64xf32, #tpu.memory_space<vmem>>) target(%dma_start3A_25 : memref<10000x64xf32, #tpu.memory_space<vmem_shared>>) offsets(%dma_start3A_22 : memref<100xi32, #tpu.memory_space<vmem>>) semaphore(%run_scoped3A : memref<!tpu.dma_semaphore, #tpu.memory_space<semaphore_mem>>) {add = true}
        %dma_wait3A = arith.constant 0 : i32
        %dma_wait3A_26 = tpu.memref_slice %arg7[%scan3A_20, %dma_wait3A] : memref<200x100xi32, #tpu.memory_space<vmem>> -> memref<1x100xi32, #tpu.memory_space<vmem>>
        %dma_wait3A_27 = tpu.memref_squeeze %dma_wait3A_26 : memref<1x100xi32, #tpu.memory_space<vmem>> -> memref<100xi32, #tpu.memory_space<vmem>>
        %dma_wait3A_28 = arith.constant 0 : i32
        %dma_wait3A_29 = arith.constant 0 : i32
        %dma_wait3A_30 = tpu.memref_slice %arg10[%dma_wait3A_28, %dma_wait3A_29] : memref<10000x64xf32, #tpu.memory_space<vmem_shared>> -> memref<10000x64xf32, #tpu.memory_space<vmem_shared>>
        tpu.wait_indirect_dma semaphore(%run_scoped3A : memref<!tpu.dma_semaphore, #tpu.memory_space<semaphore_mem>>) src(%arg8 : memref<100x64xf32, #tpu.memory_space<vmem>>) dst(%dma_wait3A_30 : memref<10000x64xf32, #tpu.memory_space<vmem_shared>>)
        tpu.yield
      }) : () -> ()
    }
    %scan3A_13 = arith.constant 200 : i32
    %barrier3A_14 = arith.constant 0 : index
    tpu.barrier barrier_id(%barrier3A_14)
    %scan3A_15 = arith.constant 0 : i32
    %scan3A_16 = arith.constant 8 : i32
    %scan3A_17 = arith.addi %scan3A_15, %scan3A_16 : i32
    %scan3A_18 = arith.constant 1 : i32
    scf.for %scan3A_20 = %scan3A_15 to %scan3A_17 step %scan3A_18  : i32 {
      %mul3A = arith.constant 16 : i32
      %mul3A_21 = arith.muli %scan3A_20, %mul3A : i32
      %add3A = arith.addi %arg1, %mul3A_21 : i32
      %lt3A = arith.constant 125 : i32
      %lt3A_22 = arith.cmpi slt, %add3A, %lt3A : i32
      %convert_element_type3A = arith.extui %lt3A_22 : i1 to i32
      %cond3A = arith.constant 0 : i32
      %cond3A_23 = arith.cmpi ne, %convert_element_type3A, %cond3A : i32
      scf.if %cond3A_23 {
        %mul3A_24 = arith.constant 80 : i32
        %mul3A_25 = arith.muli %add3A, %mul3A_24 : i32
        "tpu.region"() ({
          %run_scoped3A = tpu.sem_alloc : memref<!tpu.dma_semaphore, #tpu.memory_space<semaphore_mem>>
          %dma_start3A = arith.constant 0 : i32
          %dma_start3A_28 = arith.constant 0 : i32
          %dma_start3A_29 = tpu.memref_slice %arg9[%dma_start3A, %dma_start3A_28] : memref<100x64xf32, #tpu.memory_space<vmem>> -> memref<80x64xf32, #tpu.memory_space<vmem>>
          %dma_start3A_30 = arith.constant 0 : i32
          %dma_start3A_31 = tpu.memref_slice %arg10[%mul3A_25, %dma_start3A_30] : memref<10000x64xf32, #tpu.memory_space<vmem_shared>> -> memref<80x64xf32, #tpu.memory_space<vmem_shared>>
          %dma_start3A_32 = arith.constant 0 : i32
          %dma_start3A_33 = arith.constant 0 : i32
          %dma_start3A_34 = tpu.memref_slice %arg9[%dma_start3A_32, %dma_start3A_33] : memref<100x64xf32, #tpu.memory_space<vmem>> -> memref<80x64xf32, #tpu.memory_space<vmem>>
          %dma_start3A_35 = arith.constant 0 : i32
          %dma_start3A_36 = tpu.memref_slice %arg10[%mul3A_25, %dma_start3A_35] : memref<10000x64xf32, #tpu.memory_space<vmem_shared>> -> memref<80x64xf32, #tpu.memory_space<vmem_shared>>
          tpu.enqueue_dma source(%dma_start3A_36 : memref<80x64xf32, #tpu.memory_space<vmem_shared>>) target(%dma_start3A_34 : memref<80x64xf32, #tpu.memory_space<vmem>>) target_semaphore(%run_scoped3A : memref<!tpu.dma_semaphore, #tpu.memory_space<semaphore_mem>>)
          %dma_wait3A = arith.constant 0 : i32
          %dma_wait3A_37 = arith.constant 0 : i32
          %dma_wait3A_38 = tpu.memref_slice %arg9[%dma_wait3A, %dma_wait3A_37] : memref<100x64xf32, #tpu.memory_space<vmem>> -> memref<80x64xf32, #tpu.memory_space<vmem>>
          %dma_wait3A_39 = arith.constant 0 : i32
          %dma_wait3A_40 = tpu.memref_slice %arg10[%mul3A_25, %dma_wait3A_39] : memref<10000x64xf32, #tpu.memory_space<vmem_shared>> -> memref<80x64xf32, #tpu.memory_space<vmem_shared>>
          %dma_wait3A_41 = arith.constant 0 : i32
          %dma_wait3A_42 = arith.constant 0 : i32
          %dma_wait3A_43 = tpu.memref_slice %arg9[%dma_wait3A_41, %dma_wait3A_42] : memref<100x64xf32, #tpu.memory_space<vmem>> -> memref<80x64xf32, #tpu.memory_space<vmem>>
          %dma_wait3A_44 = arith.constant 0 : i32
          %dma_wait3A_45 = tpu.memref_slice %arg10[%mul3A_25, %dma_wait3A_44] : memref<10000x64xf32, #tpu.memory_space<vmem_shared>> -> memref<80x64xf32, #tpu.memory_space<vmem_shared>>
          tpu.wait_dma2 semaphore(%run_scoped3A : memref<!tpu.dma_semaphore, #tpu.memory_space<semaphore_mem>>) src(%dma_wait3A_45 : memref<80x64xf32, #tpu.memory_space<vmem_shared>>) dst(%dma_wait3A_43 : memref<80x64xf32, #tpu.memory_space<vmem>>)
          tpu.yield
        }) : () -> ()
        %mul3A_26 = arith.constant 80 : i32
        %mul3A_27 = arith.muli %add3A, %mul3A_26 : i32
        "tpu.region"() ({
          %run_scoped3A = tpu.sem_alloc : memref<!tpu.dma_semaphore, #tpu.memory_space<semaphore_mem>>
          %dma_start3A = arith.constant 0 : i32
          %dma_start3A_28 = arith.constant 0 : i32
          %dma_start3A_29 = tpu.memref_slice %arg9[%dma_start3A, %dma_start3A_28] : memref<100x64xf32, #tpu.memory_space<vmem>> -> memref<80x64xf32, #tpu.memory_space<vmem>>
          %dma_start3A_30 = arith.constant 0 : i32
          %dma_start3A_31 = tpu.memref_slice %arg5[%arg0, %mul3A_27, %dma_start3A_30] : memref<2x10000x64xf32, #tpu.memory_space<hbm>> -> memref<1x80x64xf32, #tpu.memory_space<hbm>>
          %dma_start3A_32 = tpu.memref_squeeze %dma_start3A_31 : memref<1x80x64xf32, #tpu.memory_space<hbm>> -> memref<80x64xf32, #tpu.memory_space<hbm>>
          %dma_start3A_33 = arith.constant 0 : i32
          %dma_start3A_34 = tpu.memref_slice %arg5[%arg0, %mul3A_27, %dma_start3A_33] : memref<2x10000x64xf32, #tpu.memory_space<hbm>> -> memref<1x80x64xf32, #tpu.memory_space<hbm>>
          %dma_start3A_35 = tpu.memref_squeeze %dma_start3A_34 : memref<1x80x64xf32, #tpu.memory_space<hbm>> -> memref<80x64xf32, #tpu.memory_space<hbm>>
          %dma_start3A_36 = arith.constant 0 : i32
          %dma_start3A_37 = arith.constant 0 : i32
          %dma_start3A_38 = tpu.memref_slice %arg9[%dma_start3A_36, %dma_start3A_37] : memref<100x64xf32, #tpu.memory_space<vmem>> -> memref<80x64xf32, #tpu.memory_space<vmem>>
          tpu.enqueue_dma source(%dma_start3A_38 : memref<80x64xf32, #tpu.memory_space<vmem>>) target(%dma_start3A_35 : memref<80x64xf32, #tpu.memory_space<hbm>>) target_semaphore(%run_scoped3A : memref<!tpu.dma_semaphore, #tpu.memory_space<semaphore_mem>>)
          %dma_wait3A = arith.constant 0 : i32
          %dma_wait3A_39 = arith.constant 0 : i32
          %dma_wait3A_40 = tpu.memref_slice %arg9[%dma_wait3A, %dma_wait3A_39] : memref<100x64xf32, #tpu.memory_space<vmem>> -> memref<80x64xf32, #tpu.memory_space<vmem>>
          %dma_wait3A_41 = arith.constant 0 : i32
          %dma_wait3A_42 = tpu.memref_slice %arg5[%arg0, %mul3A_27, %dma_wait3A_41] : memref<2x10000x64xf32, #tpu.memory_space<hbm>> -> memref<1x80x64xf32, #tpu.memory_space<hbm>>
          %dma_wait3A_43 = tpu.memref_squeeze %dma_wait3A_42 : memref<1x80x64xf32, #tpu.memory_space<hbm>> -> memref<80x64xf32, #tpu.memory_space<hbm>>
          %dma_wait3A_44 = arith.constant 0 : i32
          %dma_wait3A_45 = tpu.memref_slice %arg5[%arg0, %mul3A_27, %dma_wait3A_44] : memref<2x10000x64xf32, #tpu.memory_space<hbm>> -> memref<1x80x64xf32, #tpu.memory_space<hbm>>
          %dma_wait3A_46 = tpu.memref_squeeze %dma_wait3A_45 : memref<1x80x64xf32, #tpu.memory_space<hbm>> -> memref<80x64xf32, #tpu.memory_space<hbm>>
          %dma_wait3A_47 = arith.constant 0 : i32
          %dma_wait3A_48 = arith.constant 0 : i32
          %dma_wait3A_49 = tpu.memref_slice %arg9[%dma_wait3A_47, %dma_wait3A_48] : memref<100x64xf32, #tpu.memory_space<vmem>> -> memref<80x64xf32, #tpu.memory_space<vmem>>
          tpu.wait_dma2 semaphore(%run_scoped3A : memref<!tpu.dma_semaphore, #tpu.memory_space<semaphore_mem>>) src(%dma_wait3A_49 : memref<80x64xf32, #tpu.memory_space<vmem>>) dst(%dma_wait3A_46 : memref<80x64xf32, #tpu.memory_space<hbm>>)
          tpu.yield
        }) : () -> ()
      } else {
      }
    }
    %scan3A_19 = arith.constant 8 : i32
    return
  }
}

#map = affine_map<(d0, d1) -> (0, 0, 0)>
module attributes {stable_mosaic.version = 14 : i64} {
  func.func @_sc_aggregate(%arg0: i32, %arg1: i32, %arg2: memref<2x10000x64xf32, #tpu.memory_space<hbm>>, %arg3: memref<16x200x100xi32, #tpu.memory_space<hbm>>, %arg4: memref<16x200x100xi32, #tpu.memory_space<hbm>>, %arg5: memref<2x10000x64xf32, #tpu.memory_space<hbm>>, %arg6: memref<200x100xi32, #tpu.memory_space<vmem>>, %arg7: memref<200x100xi32, #tpu.memory_space<vmem>>, %arg8: memref<100x64xf32, #tpu.memory_space<vmem>>, %arg9: memref<100x64xf32, #tpu.memory_space<vmem>>, %arg10: memref<10000x64xf32, #tpu.memory_space<vmem_shared>>) attributes {dimension_semantics = [#tpu.dimension_semantics<core_parallel>, #tpu.dimension_semantics<subcore_parallel>], iteration_bounds = array<i64: 2, 16>, scalar_prefetch = 0 : i64, scratch_operands = 5 : i64, tpu.core_type = #tpu.core_type<sc_vector_subcore>, window_params = [{transform_indices = #map}, {transform_indices = #map}, {transform_indices = #map}, {transform_indices = #map}]} {
    "tpu.region"() ({
      %run_scoped3A = tpu.sem_alloc : memref<!tpu.dma_semaphore, #tpu.memory_space<semaphore_mem>>
      %dma_start3A = arith.constant 0 : i32
      %dma_start3A_20 = arith.constant 0 : i32
      %dma_start3A_21 = tpu.memref_slice %arg3[%arg1, %dma_start3A, %dma_start3A_20] : memref<16x200x100xi32, #tpu.memory_space<hbm>> -> memref<1x200x100xi32, #tpu.memory_space<hbm>>
      %dma_start3A_22 = tpu.memref_squeeze %dma_start3A_21 : memref<1x200x100xi32, #tpu.memory_space<hbm>> -> memref<200x100xi32, #tpu.memory_space<hbm>>
      %dma_start3A_23 = arith.constant 0 : i32
      %dma_start3A_24 = arith.constant 0 : i32
      %dma_start3A_25 = tpu.memref_slice %arg3[%arg1, %dma_start3A_23, %dma_start3A_24] : memref<16x200x100xi32, #tpu.memory_space<hbm>> -> memref<1x200x100xi32, #tpu.memory_space<hbm>>
      %dma_start3A_26 = tpu.memref_squeeze %dma_start3A_25 : memref<1x200x100xi32, #tpu.memory_space<hbm>> -> memref<200x100xi32, #tpu.memory_space<hbm>>
      tpu.enqueue_dma source(%dma_start3A_26 : memref<200x100xi32, #tpu.memory_space<hbm>>) target(%arg6 : memref<200x100xi32, #tpu.memory_space<vmem>>) target_semaphore(%run_scoped3A : memref<!tpu.dma_semaphore, #tpu.memory_space<semaphore_mem>>)
      %dma_wait3A = arith.constant 0 : i32
      %dma_wait3A_27 = arith.constant 0 : i32
      %dma_wait3A_28 = tpu.memref_slice %arg3[%arg1, %dma_wait3A, %dma_wait3A_27] : memref<16x200x100xi32, #tpu.memory_space<hbm>> -> memref<1x200x100xi32, #tpu.memory_space<hbm>>
      %dma_wait3A_29 = tpu.memref_squeeze %dma_wait3A_28 : memref<1x200x100xi32, #tpu.memory_space<hbm>> -> memref<200x100xi32, #tpu.memory_space<hbm>>
      %dma_wait3A_30 = arith.constant 0 : i32
      %dma_wait3A_31 = arith.constant 0 : i32
      %dma_wait3A_32 = tpu.memref_slice %arg3[%arg1, %dma_wait3A_30, %dma_wait3A_31] : memref<16x200x100xi32, #tpu.memory_space<hbm>> -> memref<1x200x100xi32, #tpu.memory_space<hbm>>
      %dma_wait3A_33 = tpu.memref_squeeze %dma_wait3A_32 : memref<1x200x100xi32, #tpu.memory_space<hbm>> -> memref<200x100xi32, #tpu.memory_space<hbm>>
      tpu.wait_dma2 semaphore(%run_scoped3A : memref<!tpu.dma_semaphore, #tpu.memory_space<semaphore_mem>>) src(%dma_wait3A_33 : memref<200x100xi32, #tpu.memory_space<hbm>>) dst(%arg6 : memref<200x100xi32, #tpu.memory_space<vmem>>)
      tpu.yield
    }) : () -> ()
    "tpu.region"() ({
      %run_scoped3A = tpu.sem_alloc : memref<!tpu.dma_semaphore, #tpu.memory_space<semaphore_mem>>
      %dma_start3A = arith.constant 0 : i32
      %dma_start3A_20 = arith.constant 0 : i32
      %dma_start3A_21 = tpu.memref_slice %arg4[%arg1, %dma_start3A, %dma_start3A_20] : memref<16x200x100xi32, #tpu.memory_space<hbm>> -> memref<1x200x100xi32, #tpu.memory_space<hbm>>
      %dma_start3A_22 = tpu.memref_squeeze %dma_start3A_21 : memref<1x200x100xi32, #tpu.memory_space<hbm>> -> memref<200x100xi32, #tpu.memory_space<hbm>>
      %dma_start3A_23 = arith.constant 0 : i32
      %dma_start3A_24 = arith.constant 0 : i32
      %dma_start3A_25 = tpu.memref_slice %arg4[%arg1, %dma_start3A_23, %dma_start3A_24] : memref<16x200x100xi32, #tpu.memory_space<hbm>> -> memref<1x200x100xi32, #tpu.memory_space<hbm>>
      %dma_start3A_26 = tpu.memref_squeeze %dma_start3A_25 : memref<1x200x100xi32, #tpu.memory_space<hbm>> -> memref<200x100xi32, #tpu.memory_space<hbm>>
      tpu.enqueue_dma source(%dma_start3A_26 : memref<200x100xi32, #tpu.memory_space<hbm>>) target(%arg7 : memref<200x100xi32, #tpu.memory_space<vmem>>) target_semaphore(%run_scoped3A : memref<!tpu.dma_semaphore, #tpu.memory_space<semaphore_mem>>)
      %dma_wait3A = arith.constant 0 : i32
      %dma_wait3A_27 = arith.constant 0 : i32
      %dma_wait3A_28 = tpu.memref_slice %arg4[%arg1, %dma_wait3A, %dma_wait3A_27] : memref<16x200x100xi32, #tpu.memory_space<hbm>> -> memref<1x200x100xi32, #tpu.memory_space<hbm>>
      %dma_wait3A_29 = tpu.memref_squeeze %dma_wait3A_28 : memref<1x200x100xi32, #tpu.memory_space<hbm>> -> memref<200x100xi32, #tpu.memory_space<hbm>>
      %dma_wait3A_30 = arith.constant 0 : i32
      %dma_wait3A_31 = arith.constant 0 : i32
      %dma_wait3A_32 = tpu.memref_slice %arg4[%arg1, %dma_wait3A_30, %dma_wait3A_31] : memref<16x200x100xi32, #tpu.memory_space<hbm>> -> memref<1x200x100xi32, #tpu.memory_space<hbm>>
      %dma_wait3A_33 = tpu.memref_squeeze %dma_wait3A_32 : memref<1x200x100xi32, #tpu.memory_space<hbm>> -> memref<200x100xi32, #tpu.memory_space<hbm>>
      tpu.wait_dma2 semaphore(%run_scoped3A : memref<!tpu.dma_semaphore, #tpu.memory_space<semaphore_mem>>) src(%dma_wait3A_33 : memref<200x100xi32, #tpu.memory_space<hbm>>) dst(%arg7 : memref<200x100xi32, #tpu.memory_space<vmem>>)
      tpu.yield
    }) : () -> ()
    %scan3A = arith.constant 0 : i32
    %scan3A_0 = arith.constant 400 : i32
    %scan3A_1 = arith.addi %scan3A, %scan3A_0 : i32
    %scan3A_2 = arith.constant 1 : i32
    scf.for %scan3A_20 = %scan3A to %scan3A_1 step %scan3A_2  : i32 {
      %broadcast_in_dim3A = arith.constant 0.000000e+00 : f32
      %broadcast_in_dim3A_21 = vector.broadcast %broadcast_in_dim3A : f32 to vector<16xf32>
      %jit3A = arith.constant 4 : i32
      %div3A = arith.divsi %scan3A_20, %jit3A : i32
      %sign3A = arith.constant 0 : i32
      %sign3A_22 = arith.cmpi sgt, %scan3A_20, %sign3A : i32
      %sign3A_23 = arith.extui %sign3A_22 : i1 to i32
      %sign3A_24 = arith.constant 0 : i32
      %sign3A_25 = arith.cmpi slt, %scan3A_20, %sign3A_24 : i32
      %sign3A_26 = arith.extui %sign3A_25 : i1 to i32
      %sign3A_27 = arith.subi %sign3A_23, %sign3A_26 : i32
      %sign3A_28 = arith.constant 0 : i32
      %sign3A_29 = arith.cmpi sgt, %jit3A, %sign3A_28 : i32
      %sign3A_30 = arith.extui %sign3A_29 : i1 to i32
      %sign3A_31 = arith.constant 0 : i32
      %sign3A_32 = arith.cmpi slt, %jit3A, %sign3A_31 : i32
      %sign3A_33 = arith.extui %sign3A_32 : i1 to i32
      %sign3A_34 = arith.subi %sign3A_30, %sign3A_33 : i32
      %ne3A = arith.cmpi ne, %sign3A_27, %sign3A_34 : i32
      %rem3A = arith.remsi %scan3A_20, %jit3A : i32
      %ne3A_35 = arith.constant 0 : i32
      %ne3A_36 = arith.cmpi ne, %rem3A, %ne3A_35 : i32
      %and3A = arith.andi %ne3A, %ne3A_36 : i1
      %sub3A = arith.constant 1 : i32
      %sub3A_37 = arith.subi %div3A, %sub3A : i32
      %select_n3A = arith.select %and3A, %sub3A_37, %div3A : i32
      %jit3A_38 = arith.constant 4 : i32
      %eq3A = arith.constant 0 : i32
      %eq3A_39 = arith.cmpi eq, %jit3A_38, %eq3A : i32
      %jit3A_40 = arith.constant 1 : i32
      %select_n3A_41 = arith.select %eq3A_39, %jit3A_40, %jit3A_38 : i32
      %rem3A_42 = arith.remsi %scan3A_20, %select_n3A_41 : i32
      %ne3A_43 = arith.constant 0 : i32
      %ne3A_44 = arith.cmpi ne, %rem3A_42, %ne3A_43 : i32
      %lt3A = arith.constant 0 : i32
      %lt3A_45 = arith.cmpi slt, %rem3A_42, %lt3A : i32
      %lt3A_46 = arith.constant 0 : i32
      %lt3A_47 = arith.cmpi slt, %select_n3A_41, %lt3A_46 : i32
      %ne3A_48 = arith.xori %lt3A_45, %lt3A_47 : i1
      %and3A_49 = arith.andi %ne3A_48, %ne3A_44 : i1
      %add3A = arith.addi %rem3A_42, %select_n3A_41 : i32
      %select_n3A_50 = arith.select %and3A_49, %add3A, %rem3A_42 : i32
      %mul3A = arith.constant 16 : i32
      %mul3A_51 = arith.muli %select_n3A_50, %mul3A : i32
      %swap3A = arith.index_cast %select_n3A : i32 to index
      %swap3A_52 = arith.index_cast %mul3A_51 : i32 to index
      %swap3A_53 = tpu.vector_load %arg8[%swap3A, %swap3A_52] {strides = array<i32>} : memref<100x64xf32, #tpu.memory_space<vmem>>, vector<1x16xf32>,
      %swap3A_54 = vector.shape_cast %swap3A_53 : vector<1x16xf32> to vector<16xf32>
      %swap3A_55 = vector.shape_cast %broadcast_in_dim3A_21 : vector<16xf32> to vector<1x16xf32>
      tpu.vector_store %arg8[%swap3A, %swap3A_52], %swap3A_55 {strides = array<i32>} : memref<100x64xf32, #tpu.memory_space<vmem>>, vector<1x16xf32>,
    }
    %scan3A_3 = arith.constant 400 : i32
    %scan3A_4 = arith.constant 0 : i32
    %scan3A_5 = arith.constant 8 : i32
    %scan3A_6 = arith.addi %scan3A_4, %scan3A_5 : i32
    %scan3A_7 = arith.constant 1 : i32
    scf.for %scan3A_20 = %scan3A_4 to %scan3A_6 step %scan3A_7  : i32 {
      %mul3A = arith.constant 16 : i32
      %mul3A_21 = arith.muli %scan3A_20, %mul3A : i32
      %add3A = arith.addi %arg1, %mul3A_21 : i32
      %lt3A = arith.constant 125 : i32
      %lt3A_22 = arith.cmpi slt, %add3A, %lt3A : i32
      %convert_element_type3A = arith.extui %lt3A_22 : i1 to i32
      %cond3A = arith.constant 0 : i32
      %cond3A_23 = arith.cmpi ne, %convert_element_type3A, %cond3A : i32
      scf.if %cond3A_23 {
        %mul3A_24 = arith.constant 80 : i32
        %mul3A_25 = arith.muli %add3A, %mul3A_24 : i32
        "tpu.region"() ({
          %run_scoped3A = tpu.sem_alloc : memref<!tpu.dma_semaphore, #tpu.memory_space<semaphore_mem>>
          %dma_start3A = arith.constant 0 : i32
          %dma_start3A_26 = arith.constant 0 : i32
          %dma_start3A_27 = tpu.memref_slice %arg8[%dma_start3A, %dma_start3A_26] : memref<100x64xf32, #tpu.memory_space<vmem>> -> memref<80x64xf32, #tpu.memory_space<vmem>>
          %dma_start3A_28 = arith.constant 0 : i32
          %dma_start3A_29 = tpu.memref_slice %arg10[%mul3A_25, %dma_start3A_28] : memref<10000x64xf32, #tpu.memory_space<vmem_shared>> -> memref<80x64xf32, #tpu.memory_space<vmem_shared>>
          %dma_start3A_30 = arith.constant 0 : i32
          %dma_start3A_31 = tpu.memref_slice %arg10[%mul3A_25, %dma_start3A_30] : memref<10000x64xf32, #tpu.memory_space<vmem_shared>> -> memref<80x64xf32, #tpu.memory_space<vmem_shared>>
          %dma_start3A_32 = arith.constant 0 : i32
          %dma_start3A_33 = arith.constant 0 : i32
          %dma_start3A_34 = tpu.memref_slice %arg8[%dma_start3A_32, %dma_start3A_33] : memref<100x64xf32, #tpu.memory_space<vmem>> -> memref<80x64xf32, #tpu.memory_space<vmem>>
          tpu.enqueue_dma source(%dma_start3A_34 : memref<80x64xf32, #tpu.memory_space<vmem>>) target(%dma_start3A_31 : memref<80x64xf32, #tpu.memory_space<vmem_shared>>) target_semaphore(%run_scoped3A : memref<!tpu.dma_semaphore, #tpu.memory_space<semaphore_mem>>)
          %dma_wait3A = arith.constant 0 : i32
          %dma_wait3A_35 = arith.constant 0 : i32
          %dma_wait3A_36 = tpu.memref_slice %arg8[%dma_wait3A, %dma_wait3A_35] : memref<100x64xf32, #tpu.memory_space<vmem>> -> memref<80x64xf32, #tpu.memory_space<vmem>>
          %dma_wait3A_37 = arith.constant 0 : i32
          %dma_wait3A_38 = tpu.memref_slice %arg10[%mul3A_25, %dma_wait3A_37] : memref<10000x64xf32, #tpu.memory_space<vmem_shared>> -> memref<80x64xf32, #tpu.memory_space<vmem_shared>>
          %dma_wait3A_39 = arith.constant 0 : i32
          %dma_wait3A_40 = tpu.memref_slice %arg10[%mul3A_25, %dma_wait3A_39] : memref<10000x64xf32, #tpu.memory_space<vmem_shared>> -> memref<80x64xf32, #tpu.memory_space<vmem_shared>>
          %dma_wait3A_41 = arith.constant 0 : i32
          %dma_wait3A_42 = arith.constant 0 : i32
          %dma_wait3A_43 = tpu.memref_slice %arg8[%dma_wait3A_41, %dma_wait3A_42] : memref<100x64xf32, #tpu.memory_space<vmem>> -> memref<80x64xf32, #tpu.memory_space<vmem>>
          tpu.wait_dma2 semaphore(%run_scoped3A : memref<!tpu.dma_semaphore, #tpu.memory_space<semaphore_mem>>) src(%dma_wait3A_43 : memref<80x64xf32, #tpu.memory_space<vmem>>) dst(%dma_wait3A_40 : memref<80x64xf32, #tpu.memory_space<vmem_shared>>)
          tpu.yield
        }) : () -> ()
      } else {
      }
    }
    %scan3A_8 = arith.constant 8 : i32
    %barrier3A = arith.constant 0 : index
    tpu.barrier barrier_id(%barrier3A)
    %scan3A_9 = arith.constant 0 : i32
    %scan3A_10 = arith.constant 200 : i32
    %scan3A_11 = arith.addi %scan3A_9, %scan3A_10 : i32
    %scan3A_12 = arith.constant 1 : i32
    scf.for %scan3A_20 = %scan3A_9 to %scan3A_11 step %scan3A_12  : i32 {
      "tpu.region"() ({
        %run_scoped3A = tpu.sem_alloc : memref<!tpu.dma_semaphore, #tpu.memory_space<semaphore_mem>>
        %dma_start3A = arith.constant 0 : i32
        %dma_start3A_21 = tpu.memref_slice %arg6[%scan3A_20, %dma_start3A] : memref<200x100xi32, #tpu.memory_space<vmem>> -> memref<1x100xi32, #tpu.memory_space<vmem>>
        %dma_start3A_22 = tpu.memref_squeeze %dma_start3A_21 : memref<1x100xi32, #tpu.memory_space<vmem>> -> memref<100xi32, #tpu.memory_space<vmem>>
        %dma_start3A_23 = arith.constant 0 : i32
        %dma_start3A_24 = arith.constant 0 : i32
        %dma_start3A_25 = tpu.memref_slice %arg2[%arg0, %dma_start3A_23, %dma_start3A_24] : memref<2x10000x64xf32, #tpu.memory_space<hbm>> -> memref<1x10000x64xf32, #tpu.memory_space<hbm>>
        %dma_start3A_26 = tpu.memref_squeeze %dma_start3A_25 : memref<1x10000x64xf32, #tpu.memory_space<hbm>> -> memref<10000x64xf32, #tpu.memory_space<hbm>>
        %dma_start3A_27 = arith.constant 0 : i32
        %dma_start3A_28 = arith.constant 0 : i32
        %dma_start3A_29 = tpu.memref_slice %dma_start3A_26[%dma_start3A_27, %dma_start3A_28] : memref<10000x64xf32, #tpu.memory_space<hbm>> -> memref<10000x64xf32, #tpu.memory_space<hbm>>
        tpu.enqueue_indirect_dma source(%dma_start3A_29 : memref<10000x64xf32, #tpu.memory_space<hbm>>) target(%arg8 : memref<100x64xf32, #tpu.memory_space<vmem>>) offsets(%dma_start3A_22 : memref<100xi32, #tpu.memory_space<vmem>>) semaphore(%run_scoped3A : memref<!tpu.dma_semaphore, #tpu.memory_space<semaphore_mem>>)
        %dma_wait3A = arith.constant 0 : i32
        %dma_wait3A_30 = tpu.memref_slice %arg6[%scan3A_20, %dma_wait3A] : memref<200x100xi32, #tpu.memory_space<vmem>> -> memref<1x100xi32, #tpu.memory_space<vmem>>
        %dma_wait3A_31 = tpu.memref_squeeze %dma_wait3A_30 : memref<1x100xi32, #tpu.memory_space<vmem>> -> memref<100xi32, #tpu.memory_space<vmem>>
        %dma_wait3A_32 = arith.constant 0 : i32
        %dma_wait3A_33 = arith.constant 0 : i32
        %dma_wait3A_34 = tpu.memref_slice %arg2[%arg0, %dma_wait3A_32, %dma_wait3A_33] : memref<2x10000x64xf32, #tpu.memory_space<hbm>> -> memref<1x10000x64xf32, #tpu.memory_space<hbm>>
        %dma_wait3A_35 = tpu.memref_squeeze %dma_wait3A_34 : memref<1x10000x64xf32, #tpu.memory_space<hbm>> -> memref<10000x64xf32, #tpu.memory_space<hbm>>
        %dma_wait3A_36 = arith.constant 0 : i32
        %dma_wait3A_37 = arith.constant 0 : i32
        %dma_wait3A_38 = tpu.memref_slice %dma_wait3A_35[%dma_wait3A_36, %dma_wait3A_37] : memref<10000x64xf32, #tpu.memory_space<hbm>> -> memref<10000x64xf32, #tpu.memory_space<hbm>>
        tpu.wait_indirect_dma semaphore(%run_scoped3A : memref<!tpu.dma_semaphore, #tpu.memory_space<semaphore_mem>>) src(%dma_wait3A_38 : memref<10000x64xf32, #tpu.memory_space<hbm>>) dst(%arg8 : memref<100x64xf32, #tpu.memory_space<vmem>>)
        tpu.yield
      }) : () -> ()
      "tpu.region"() ({
        %run_scoped3A = tpu.sem_alloc : memref<!tpu.dma_semaphore, #tpu.memory_space<semaphore_mem>>
        %dma_start3A = arith.constant 0 : i32
        %dma_start3A_21 = tpu.memref_slice %arg7[%scan3A_20, %dma_start3A] : memref<200x100xi32, #tpu.memory_space<vmem>> -> memref<1x100xi32, #tpu.memory_space<vmem>>
        %dma_start3A_22 = tpu.memref_squeeze %dma_start3A_21 : memref<1x100xi32, #tpu.memory_space<vmem>> -> memref<100xi32, #tpu.memory_space<vmem>>
        %dma_start3A_23 = arith.constant 0 : i32
        %dma_start3A_24 = arith.constant 0 : i32
        %dma_start3A_25 = tpu.memref_slice %arg10[%dma_start3A_23, %dma_start3A_24] : memref<10000x64xf32, #tpu.memory_space<vmem_shared>> -> memref<10000x64xf32, #tpu.memory_space<vmem_shared>>
        tpu.enqueue_indirect_dma source(%arg8 : memref<100x64xf32, #tpu.memory_space<vmem>>) target(%dma_start3A_25 : memref<10000x64xf32, #tpu.memory_space<vmem_shared>>) offsets(%dma_start3A_22 : memref<100xi32, #tpu.memory_space<vmem>>) semaphore(%run_scoped3A : memref<!tpu.dma_semaphore, #tpu.memory_space<semaphore_mem>>) {add = true}
        %dma_wait3A = arith.constant 0 : i32
        %dma_wait3A_26 = tpu.memref_slice %arg7[%scan3A_20, %dma_wait3A] : memref<200x100xi32, #tpu.memory_space<vmem>> -> memref<1x100xi32, #tpu.memory_space<vmem>>
        %dma_wait3A_27 = tpu.memref_squeeze %dma_wait3A_26 : memref<1x100xi32, #tpu.memory_space<vmem>> -> memref<100xi32, #tpu.memory_space<vmem>>
        %dma_wait3A_28 = arith.constant 0 : i32
        %dma_wait3A_29 = arith.constant 0 : i32
        %dma_wait3A_30 = tpu.memref_slice %arg10[%dma_wait3A_28, %dma_wait3A_29] : memref<10000x64xf32, #tpu.memory_space<vmem_shared>> -> memref<10000x64xf32, #tpu.memory_space<vmem_shared>>
        tpu.wait_indirect_dma semaphore(%run_scoped3A : memref<!tpu.dma_semaphore, #tpu.memory_space<semaphore_mem>>) src(%arg8 : memref<100x64xf32, #tpu.memory_space<vmem>>) dst(%dma_wait3A_30 : memref<10000x64xf32, #tpu.memory_space<vmem_shared>>)
        tpu.yield
      }) : () -> ()
    }
    %scan3A_13 = arith.constant 200 : i32
    %barrier3A_14 = arith.constant 0 : index
    tpu.barrier barrier_id(%barrier3A_14)
    %scan3A_15 = arith.constant 0 : i32
    %scan3A_16 = arith.constant 8 : i32
    %scan3A_17 = arith.addi %scan3A_15, %scan3A_16 : i32
    %scan3A_18 = arith.constant 1 : i32
    scf.for %scan3A_20 = %scan3A_15 to %scan3A_17 step %scan3A_18  : i32 {
      %mul3A = arith.constant 16 : i32
      %mul3A_21 = arith.muli %scan3A_20, %mul3A : i32
      %add3A = arith.addi %arg1, %mul3A_21 : i32
      %lt3A = arith.constant 125 : i32
      %lt3A_22 = arith.cmpi slt, %add3A, %lt3A : i32
      %convert_element_type3A = arith.extui %lt3A_22 : i1 to i32
      %cond3A = arith.constant 0 : i32
      %cond3A_23 = arith.cmpi ne, %convert_element_type3A, %cond3A : i32
      scf.if %cond3A_23 {
        %mul3A_24 = arith.constant 80 : i32
        %mul3A_25 = arith.muli %add3A, %mul3A_24 : i32
        "tpu.region"() ({
          %run_scoped3A = tpu.sem_alloc : memref<!tpu.dma_semaphore, #tpu.memory_space<semaphore_mem>>
          %dma_start3A = arith.constant 0 : i32
          %dma_start3A_28 = arith.constant 0 : i32
          %dma_start3A_29 = tpu.memref_slice %arg9[%dma_start3A, %dma_start3A_28] : memref<100x64xf32, #tpu.memory_space<vmem>> -> memref<80x64xf32, #tpu.memory_space<vmem>>
          %dma_start3A_30 = arith.constant 0 : i32
          %dma_start3A_31 = tpu.memref_slice %arg10[%mul3A_25, %dma_start3A_30] : memref<10000x64xf32, #tpu.memory_space<vmem_shared>> -> memref<80x64xf32, #tpu.memory_space<vmem_shared>>
          %dma_start3A_32 = arith.constant 0 : i32
          %dma_start3A_33 = arith.constant 0 : i32
          %dma_start3A_34 = tpu.memref_slice %arg9[%dma_start3A_32, %dma_start3A_33] : memref<100x64xf32, #tpu.memory_space<vmem>> -> memref<80x64xf32, #tpu.memory_space<vmem>>
          %dma_start3A_35 = arith.constant 0 : i32
          %dma_start3A_36 = tpu.memref_slice %arg10[%mul3A_25, %dma_start3A_35] : memref<10000x64xf32, #tpu.memory_space<vmem_shared>> -> memref<80x64xf32, #tpu.memory_space<vmem_shared>>
          tpu.enqueue_dma source(%dma_start3A_36 : memref<80x64xf32, #tpu.memory_space<vmem_shared>>) target(%dma_start3A_34 : memref<80x64xf32, #tpu.memory_space<vmem>>) target_semaphore(%run_scoped3A : memref<!tpu.dma_semaphore, #tpu.memory_space<semaphore_mem>>)
          %dma_wait3A = arith.constant 0 : i32
          %dma_wait3A_37 = arith.constant 0 : i32
          %dma_wait3A_38 = tpu.memref_slice %arg9[%dma_wait3A, %dma_wait3A_37] : memref<100x64xf32, #tpu.memory_space<vmem>> -> memref<80x64xf32, #tpu.memory_space<vmem>>
          %dma_wait3A_39 = arith.constant 0 : i32
          %dma_wait3A_40 = tpu.memref_slice %arg10[%mul3A_25, %dma_wait3A_39] : memref<10000x64xf32, #tpu.memory_space<vmem_shared>> -> memref<80x64xf32, #tpu.memory_space<vmem_shared>>
          %dma_wait3A_41 = arith.constant 0 : i32
          %dma_wait3A_42 = arith.constant 0 : i32
          %dma_wait3A_43 = tpu.memref_slice %arg9[%dma_wait3A_41, %dma_wait3A_42] : memref<100x64xf32, #tpu.memory_space<vmem>> -> memref<80x64xf32, #tpu.memory_space<vmem>>
          %dma_wait3A_44 = arith.constant 0 : i32
          %dma_wait3A_45 = tpu.memref_slice %arg10[%mul3A_25, %dma_wait3A_44] : memref<10000x64xf32, #tpu.memory_space<vmem_shared>> -> memref<80x64xf32, #tpu.memory_space<vmem_shared>>
          tpu.wait_dma2 semaphore(%run_scoped3A : memref<!tpu.dma_semaphore, #tpu.memory_space<semaphore_mem>>) src(%dma_wait3A_45 : memref<80x64xf32, #tpu.memory_space<vmem_shared>>) dst(%dma_wait3A_43 : memref<80x64xf32, #tpu.memory_space<vmem>>)
          tpu.yield
        }) : () -> ()
        %mul3A_26 = arith.constant 80 : i32
        %mul3A_27 = arith.muli %add3A, %mul3A_26 : i32
        "tpu.region"() ({
          %run_scoped3A = tpu.sem_alloc : memref<!tpu.dma_semaphore, #tpu.memory_space<semaphore_mem>>
          %dma_start3A = arith.constant 0 : i32
          %dma_start3A_28 = arith.constant 0 : i32
          %dma_start3A_29 = tpu.memref_slice %arg9[%dma_start3A, %dma_start3A_28] : memref<100x64xf32, #tpu.memory_space<vmem>> -> memref<80x64xf32, #tpu.memory_space<vmem>>
          %dma_start3A_30 = arith.constant 0 : i32
          %dma_start3A_31 = tpu.memref_slice %arg5[%arg0, %mul3A_27, %dma_start3A_30] : memref<2x10000x64xf32, #tpu.memory_space<hbm>> -> memref<1x80x64xf32, #tpu.memory_space<hbm>>
          %dma_start3A_32 = tpu.memref_squeeze %dma_start3A_31 : memref<1x80x64xf32, #tpu.memory_space<hbm>> -> memref<80x64xf32, #tpu.memory_space<hbm>>
          %dma_start3A_33 = arith.constant 0 : i32
          %dma_start3A_34 = tpu.memref_slice %arg5[%arg0, %mul3A_27, %dma_start3A_33] : memref<2x10000x64xf32, #tpu.memory_space<hbm>> -> memref<1x80x64xf32, #tpu.memory_space<hbm>>
          %dma_start3A_35 = tpu.memref_squeeze %dma_start3A_34 : memref<1x80x64xf32, #tpu.memory_space<hbm>> -> memref<80x64xf32, #tpu.memory_space<hbm>>
          %dma_start3A_36 = arith.constant 0 : i32
          %dma_start3A_37 = arith.constant 0 : i32
          %dma_start3A_38 = tpu.memref_slice %arg9[%dma_start3A_36, %dma_start3A_37] : memref<100x64xf32, #tpu.memory_space<vmem>> -> memref<80x64xf32, #tpu.memory_space<vmem>>
          tpu.enqueue_dma source(%dma_start3A_38 : memref<80x64xf32, #tpu.memory_space<vmem>>) target(%dma_start3A_35 : memref<80x64xf32, #tpu.memory_space<hbm>>) target_semaphore(%run_scoped3A : memref<!tpu.dma_semaphore, #tpu.memory_space<semaphore_mem>>)
          %dma_wait3A = arith.constant 0 : i32
          %dma_wait3A_39 = arith.constant 0 : i32
          %dma_wait3A_40 = tpu.memref_slice %arg9[%dma_wait3A, %dma_wait3A_39] : memref<100x64xf32, #tpu.memory_space<vmem>> -> memref<80x64xf32, #tpu.memory_space<vmem>>
          %dma_wait3A_41 = arith.constant 0 : i32
          %dma_wait3A_42 = tpu.memref_slice %arg5[%arg0, %mul3A_27, %dma_wait3A_41] : memref<2x10000x64xf32, #tpu.memory_space<hbm>> -> memref<1x80x64xf32, #tpu.memory_space<hbm>>
          %dma_wait3A_43 = tpu.memref_squeeze %dma_wait3A_42 : memref<1x80x64xf32, #tpu.memory_space<hbm>> -> memref<80x64xf32, #tpu.memory_space<hbm>>
          %dma_wait3A_44 = arith.constant 0 : i32
          %dma_wait3A_45 = tpu.memref_slice %arg5[%arg0, %mul3A_27, %dma_wait3A_44] : memref<2x10000x64xf32, #tpu.memory_space<hbm>> -> memref<1x80x64xf32, #tpu.memory_space<hbm>>
          %dma_wait3A_46 = tpu.memref_squeeze %dma_wait3A_45 : memref<1x80x64xf32, #tpu.memory_space<hbm>> -> memref<80x64xf32, #tpu.memory_space<hbm>>
          %dma_wait3A_47 = arith.constant 0 : i32
          %dma_wait3A_48 = arith.constant 0 : i32
          %dma_wait3A_49 = tpu.memref_slice %arg9[%dma_wait3A_47, %dma_wait3A_48] : memref<100x64xf32, #tpu.memory_space<vmem>> -> memref<80x64xf32, #tpu.memory_space<vmem>>
          tpu.wait_dma2 semaphore(%run_scoped3A : memref<!tpu.dma_semaphore, #tpu.memory_space<semaphore_mem>>) src(%dma_wait3A_49 : memref<80x64xf32, #tpu.memory_space<vmem>>) dst(%dma_wait3A_46 : memref<80x64xf32, #tpu.memory_space<hbm>>)
          tpu.yield
        }) : () -> ()
      } else {
      }
    }
    %scan3A_19 = arith.constant 8 : i32
    return
  }
}

module attributes {stable_mosaic.version = 14 : i64} {
  func.func @_proj_a_body(%arg0: i32, %arg1: memref<2000x128xf32, #tpu.memory_space<vmem>>, %arg2: memref<128x128xf32, #tpu.memory_space<vmem>>, %arg3: memref<1x128xf32, #tpu.memory_space<vmem>>, %arg4: memref<2000x128xf32, #tpu.memory_space<vmem>>) attributes {dimension_semantics = [#tpu.dimension_semantics<arbitrary>], iteration_bounds = array<i64: 5>, scalar_prefetch = 0 : i64, scratch_operands = 0 : i64, tpu.core_type = #tpu.core_type<tc>, window_params = [{transform_indices = @transform_0, window_bounds = array<i64: 2000, 128>}, {pipeline_mode = #tpu.pipeline_mode<synchronous>, transform_indices = @transform_1, window_bounds = array<i64: 128, 128>}, {pipeline_mode = #tpu.pipeline_mode<synchronous>, transform_indices = @transform_2, window_bounds = array<i64: 1, 128>}, {transform_indices = @transform_3, window_bounds = array<i64: 2000, 128>}]} {
    %get3A = arith.constant 0 : index
    %get3A_0 = arith.constant 0 : index
    %get3A_1 = vector.load %arg1[%get3A, %get3A_0] : memref<2000x128xf32, #tpu.memory_space<vmem>>, vector<2000x128xf32>
    %get3A_2 = arith.constant 0 : index
    %get3A_3 = arith.constant 0 : index
    %get3A_4 = vector.load %arg2[%get3A_2, %get3A_3] : memref<128x128xf32, #tpu.memory_space<vmem>>, vector<128x128xf32>
    %transpose3A = tpu.transpose %get3A_4, [1, 0] : vector<128x128xf32> -> vector<128x128xf32>
    %dot_general3A = arith.constant dense<0.000000e+00> : vector<2000x128xf32>
    %dot_general3A_5 = tpu.matmul %get3A_1, %transpose3A, %dot_general3A {dimension_numbers = #tpu.dot_dimension_numbers<[1], [0], [0], [1], [0, 0, 1, 1], [], []>, transpose_lhs_hint = false} : vector<2000x128xf32>, vector<128x128xf32>, vector<2000x128xf32> -> vector<2000x128xf32>
    %get3A_6 = arith.constant 0 : index
    %get3A_7 = arith.constant 0 : index
    %get3A_8 = vector.load %arg3[%get3A_6, %get3A_7] : memref<1x128xf32, #tpu.memory_space<vmem>>, vector<1x128xf32>
    %add3A = vector.broadcast %get3A_8 : vector<1x128xf32> to vector<2000x128xf32>
    %add3A_9 = arith.addf %dot_general3A_5, %add3A : vector<2000x128xf32>
    %swap3A = arith.constant 0 : index
    %swap3A_10 = arith.constant 0 : index
    %swap3A_11 = vector.load %arg4[%swap3A, %swap3A_10] : memref<2000x128xf32, #tpu.memory_space<vmem>>, vector<2000x128xf32>
    tpu.vector_store %arg4[%swap3A, %swap3A_10], %add3A_9 {strides = array<i32>} : memref<2000x128xf32, #tpu.memory_space<vmem>>, vector<2000x128xf32>,
    return
  }
  func.func @transform_0(%arg0: i32) -> (i32, i32) {
    %c0_i32 = arith.constant 0 : i32
    %c0_i32_0 = arith.constant 0 : i32
    return %arg0, %c0_i32 : i32, i32
  }
  func.func @transform_1(%arg0: i32) -> (i32, i32) {
    %c0_i32 = arith.constant 0 : i32
    %c0_i32_0 = arith.constant 0 : i32
    %c0_i32_1 = arith.constant 0 : i32
    return %c0_i32, %c0_i32_0 : i32, i32
  }
  func.func @transform_2(%arg0: i32) -> (i32, i32) {
    %c0_i32 = arith.constant 0 : i32
    %c0_i32_0 = arith.constant 0 : i32
    %c0_i32_1 = arith.constant 0 : i32
    return %c0_i32, %c0_i32_0 : i32, i32
  }
  func.func @transform_3(%arg0: i32) -> (i32, i32) {
    %c0_i32 = arith.constant 0 : i32
    %c0_i32_0 = arith.constant 0 : i32
    return %arg0, %c0_i32 : i32, i32
  }
}

module attributes {stable_mosaic.version = 14 : i64} {
  func.func @_stats_body(%arg0: memref<10000x128xf32, #tpu.memory_space<vmem>>, %arg1: memref<2x128xf32, #tpu.memory_space<vmem>>) attributes {dimension_semantics = [], scalar_prefetch = 0 : i64, scratch_operands = 0 : i64, tpu.core_type = #tpu.core_type<tc>} {
    %get3A = arith.constant 0 : index
    %get3A_0 = arith.constant 0 : index
    %get3A_1 = vector.load %arg0[%get3A, %get3A_0] : memref<10000x128xf32, #tpu.memory_space<vmem>>, vector<10000x128xf32>
    %reduce_sum3A = arith.constant dense<0.000000e+00> : vector<128xf32>
    %reduce_sum3A_2 = vector.multi_reduction <add>, %get3A_1, %reduce_sum3A [0] : vector<10000x128xf32> to vector<128xf32>
    %broadcast_in_dim3A = vector.shape_cast %reduce_sum3A_2 : vector<128xf32> to vector<1x128xf32>
    %div3A = arith.constant 1.000000e+04 : f32
    %div3A_3 = vector.broadcast %div3A : f32 to vector<1x128xf32>
    %div3A_4 = arith.divf %broadcast_in_dim3A, %div3A_3 : vector<1x128xf32>
    %sub3A = vector.broadcast %div3A_4 : vector<1x128xf32> to vector<10000x128xf32>
    %sub3A_5 = arith.subf %get3A_1, %sub3A : vector<10000x128xf32>
    %sub3A_6 = vector.broadcast %div3A_4 : vector<1x128xf32> to vector<10000x128xf32>
    %sub3A_7 = arith.subf %get3A_1, %sub3A_6 : vector<10000x128xf32>
    %mul3A = arith.mulf %sub3A_5, %sub3A_7 : vector<10000x128xf32>
    %reduce_sum3A_8 = arith.constant dense<0.000000e+00> : vector<128xf32>
    %reduce_sum3A_9 = vector.multi_reduction <add>, %mul3A, %reduce_sum3A_8 [0] : vector<10000x128xf32> to vector<128xf32>
    %broadcast_in_dim3A_10 = vector.shape_cast %reduce_sum3A_9 : vector<128xf32> to vector<1x128xf32>
    %div3A_11 = arith.constant 1.000000e+04 : f32
    %div3A_12 = vector.broadcast %div3A_11 : f32 to vector<1x128xf32>
    %div3A_13 = arith.divf %broadcast_in_dim3A_10, %div3A_12 : vector<1x128xf32>
    %concatenate3A = tpu.concatenate %div3A_4, %div3A_13 in 0 : vector<1x128xf32>, vector<1x128xf32> -> vector<2x128xf32>
    %swap3A = arith.constant 0 : index
    %swap3A_14 = arith.constant 0 : index
    %swap3A_15 = vector.load %arg1[%swap3A, %swap3A_14] : memref<2x128xf32, #tpu.memory_space<vmem>>, vector<2x128xf32>
    tpu.vector_store %arg1[%swap3A, %swap3A_14], %concatenate3A {strides = array<i32>} : memref<2x128xf32, #tpu.memory_space<vmem>>, vector<2x128xf32>,
    return
  }
}

module attributes {stable_mosaic.version = 14 : i64} {
  func.func @_proj_b_body(%arg0: i32, %arg1: memref<2000x128xf32, #tpu.memory_space<vmem>>, %arg2: memref<2x128xf32, #tpu.memory_space<vmem>>, %arg3: memref<1x128xf32, #tpu.memory_space<vmem>>, %arg4: memref<1x128xf32, #tpu.memory_space<vmem>>, %arg5: memref<2x2000x64xf32, #tpu.memory_space<vmem>>, %arg6: memref<2x2000x64xf32, #tpu.memory_space<vmem>>, %arg7: memref<2000x1xf32, #tpu.memory_space<vmem>>) attributes {dimension_semantics = [#tpu.dimension_semantics<arbitrary>], iteration_bounds = array<i64: 5>, scalar_prefetch = 0 : i64, scratch_operands = 0 : i64, tpu.core_type = #tpu.core_type<tc>, window_params = [{transform_indices = @transform_0, window_bounds = array<i64: 2000, 128>}, {pipeline_mode = #tpu.pipeline_mode<synchronous>, transform_indices = @transform_1, window_bounds = array<i64: 2, 128>}, {pipeline_mode = #tpu.pipeline_mode<synchronous>, transform_indices = @transform_2, window_bounds = array<i64: 1, 128>}, {pipeline_mode = #tpu.pipeline_mode<synchronous>, transform_indices = @transform_3, window_bounds = array<i64: 1, 128>}, {transform_indices = @transform_4, window_bounds = array<i64: 2, 2000, 64>}, {transform_indices = @transform_5, window_bounds = array<i64: 2, 2000, 64>}, {transform_indices = @transform_6, window_bounds = array<i64: 2000, 1>}]} {
    %get3A = arith.constant 0 : index
    %get3A_0 = arith.constant 0 : index
    %get3A_1 = vector.load %arg1[%get3A, %get3A_0] : memref<2000x128xf32, #tpu.memory_space<vmem>>, vector<2000x128xf32>
    %get3A_2 = arith.constant 0 : index
    %get3A_3 = arith.constant 0 : index
    %get3A_4 = vector.load %arg2[%get3A_2, %get3A_3] : memref<2x128xf32, #tpu.memory_space<vmem>>, vector<2x128xf32>
    %get3A_5 = arith.constant 0 : index
    %get3A_6 = arith.constant 0 : index
    %get3A_7 = vector.load %arg3[%get3A_5, %get3A_6] : memref<1x128xf32, #tpu.memory_space<vmem>>, vector<1x128xf32>
    %get3A_8 = arith.constant 0 : index
    %get3A_9 = arith.constant 0 : index
    %get3A_10 = vector.load %arg4[%get3A_8, %get3A_9] : memref<1x128xf32, #tpu.memory_space<vmem>>, vector<1x128xf32>
    %slice3A = vector.extract_strided_slice %get3A_4 {offsets = [0, 0], sizes = [1, 128], strides = [1, 1]} : vector<2x128xf32> to vector<1x128xf32>
    %slice3A_11 = vector.extract_strided_slice %get3A_4 {offsets = [1, 0], sizes = [1, 128], strides = [1, 1]} : vector<2x128xf32> to vector<1x128xf32>
    %sub3A = vector.broadcast %slice3A : vector<1x128xf32> to vector<2000x128xf32>
    %sub3A_12 = arith.subf %get3A_1, %sub3A : vector<2000x128xf32>
    %add3A = arith.constant 9.99999974E-6 : f32
    %add3A_13 = vector.broadcast %add3A : f32 to vector<1x128xf32>
    %add3A_14 = arith.addf %slice3A_11, %add3A_13 : vector<1x128xf32>
    %sqrt3A = math.sqrt %add3A_14 : vector<1x128xf32>
    %div3A = vector.broadcast %sqrt3A : vector<1x128xf32> to vector<2000x128xf32>
    %div3A_15 = arith.divf %sub3A_12, %div3A : vector<2000x128xf32>
    %mul3A = vector.broadcast %get3A_7 : vector<1x128xf32> to vector<2000x128xf32>
    %mul3A_16 = arith.mulf %div3A_15, %mul3A : vector<2000x128xf32>
    %add3A_17 = vector.broadcast %get3A_10 : vector<1x128xf32> to vector<2000x128xf32>
    %add3A_18 = arith.addf %mul3A_16, %add3A_17 : vector<2000x128xf32>
    %max3A = arith.constant 0.000000e+00 : f32
    %max3A_19 = vector.broadcast %max3A : f32 to vector<2000x128xf32>
    %max3A_20 = arith.maximumf %add3A_18, %max3A_19 : vector<2000x128xf32>
    %slice3A_21 = vector.extract_strided_slice %max3A_20 {offsets = [0, 0], sizes = [2000, 64], strides = [1, 1]} : vector<2000x128xf32> to vector<2000x64xf32>
    %swap3A = arith.constant 0 : index
    %swap3A_22 = arith.constant 0 : index
    %swap3A_23 = arith.constant 0 : index
    %swap3A_24 = vector.load %arg6[%swap3A, %swap3A_22, %swap3A_23] : memref<2x2000x64xf32, #tpu.memory_space<vmem>>, vector<1x2000x64xf32>
    %swap3A_25 = vector.shape_cast %swap3A_24 : vector<1x2000x64xf32> to vector<2000x64xf32>
    %swap3A_26 = vector.shape_cast %slice3A_21 : vector<2000x64xf32> to vector<1x2000x64xf32>
    tpu.vector_store %arg6[%swap3A, %swap3A_22, %swap3A_23], %swap3A_26 {strides = array<i32>} : memref<2x2000x64xf32, #tpu.memory_space<vmem>>, vector<1x2000x64xf32>,
    %slice3A_27 = vector.extract_strided_slice %max3A_20 {offsets = [0, 64], sizes = [2000, 64], strides = [1, 1]} : vector<2000x128xf32> to vector<2000x64xf32>
    %swap3A_28 = arith.constant 1 : index
    %swap3A_29 = arith.constant 0 : index
    %swap3A_30 = arith.constant 0 : index
    %swap3A_31 = vector.load %arg6[%swap3A_28, %swap3A_29, %swap3A_30] : memref<2x2000x64xf32, #tpu.memory_space<vmem>>, vector<1x2000x64xf32>
    %swap3A_32 = vector.shape_cast %swap3A_31 : vector<1x2000x64xf32> to vector<2000x64xf32>
    %swap3A_33 = vector.shape_cast %slice3A_27 : vector<2000x64xf32> to vector<1x2000x64xf32>
    tpu.vector_store %arg6[%swap3A_28, %swap3A_29, %swap3A_30], %swap3A_33 {strides = array<i32>} : memref<2x2000x64xf32, #tpu.memory_space<vmem>>, vector<1x2000x64xf32>,
    %get3A_34 = arith.constant 0 : index
    %get3A_35 = arith.constant 0 : index
    %get3A_36 = arith.constant 0 : index
    %get3A_37 = vector.load %arg5[%get3A_34, %get3A_35, %get3A_36] : memref<2x2000x64xf32, #tpu.memory_space<vmem>>, vector<1x2000x1xf32>
    %get3A_38 = vector.shape_cast %get3A_37 : vector<1x2000x1xf32> to vector<2000x1xf32>
    %max3A_39 = arith.constant 1.000000e+00 : f32
    %max3A_40 = vector.broadcast %max3A_39 : f32 to vector<2000x1xf32>
    %max3A_41 = arith.maximumf %get3A_38, %max3A_40 : vector<2000x1xf32>
    %swap3A_42 = arith.constant 0 : index
    %swap3A_43 = arith.constant 0 : index
    %swap3A_44 = vector.load %arg7[%swap3A_42, %swap3A_43] : memref<2000x1xf32, #tpu.memory_space<vmem>>, vector<2000x1xf32>
    tpu.vector_store %arg7[%swap3A_42, %swap3A_43], %max3A_41 {strides = array<i32>} : memref<2000x1xf32, #tpu.memory_space<vmem>>, vector<2000x1xf32>,
    return
  }
  func.func @transform_0(%arg0: i32) -> (i32, i32) {
    %c0_i32 = arith.constant 0 : i32
    %c0_i32_0 = arith.constant 0 : i32
    return %arg0, %c0_i32 : i32, i32
  }
  func.func @transform_1(%arg0: i32) -> (i32, i32) {
    %c0_i32 = arith.constant 0 : i32
    %c0_i32_0 = arith.constant 0 : i32
    %c0_i32_1 = arith.constant 0 : i32
    return %c0_i32, %c0_i32_0 : i32, i32
  }
  func.func @transform_2(%arg0: i32) -> (i32, i32) {
    %c0_i32 = arith.constant 0 : i32
    %c0_i32_0 = arith.constant 0 : i32
    %c0_i32_1 = arith.constant 0 : i32
    return %c0_i32, %c0_i32_0 : i32, i32
  }
  func.func @transform_3(%arg0: i32) -> (i32, i32) {
    %c0_i32 = arith.constant 0 : i32
    %c0_i32_0 = arith.constant 0 : i32
    %c0_i32_1 = arith.constant 0 : i32
    return %c0_i32, %c0_i32_0 : i32, i32
  }
  func.func @transform_4(%arg0: i32) -> (i32, i32, i32) {
    %c0_i32 = arith.constant 0 : i32
    %c0_i32_0 = arith.constant 0 : i32
    %c0_i32_1 = arith.constant 0 : i32
    return %c0_i32, %arg0, %c0_i32_0 : i32, i32, i32
  }
  func.func @transform_5(%arg0: i32) -> (i32, i32, i32) {
    %c0_i32 = arith.constant 0 : i32
    %c0_i32_0 = arith.constant 0 : i32
    %c0_i32_1 = arith.constant 0 : i32
    return %c0_i32, %arg0, %c0_i32_0 : i32, i32, i32
  }
  func.func @transform_6(%arg0: i32) -> (i32, i32) {
    %c0_i32 = arith.constant 0 : i32
    %c0_i32_0 = arith.constant 0 : i32
    return %arg0, %c0_i32 : i32, i32
  }
}

module attributes {stable_mosaic.version = 14 : i64} {
  func.func @_layer_a_body(%arg0: i32, %arg1: memref<2x2000x64xf32, #tpu.memory_space<vmem>>, %arg2: memref<2x2000x64xf32, #tpu.memory_space<vmem>>, %arg3: memref<2000x1xf32, #tpu.memory_space<vmem>>, %arg4: memref<128x128xf32, #tpu.memory_space<vmem>>, %arg5: memref<1x128xf32, #tpu.memory_space<vmem>>, %arg6: memref<128x128xf32, #tpu.memory_space<vmem>>, %arg7: memref<2000x128xf32, #tpu.memory_space<vmem>>) attributes {dimension_semantics = [#tpu.dimension_semantics<arbitrary>], iteration_bounds = array<i64: 5>, scalar_prefetch = 0 : i64, scratch_operands = 0 : i64, tpu.core_type = #tpu.core_type<tc>, window_params = [{transform_indices = @transform_0, window_bounds = array<i64: 2, 2000, 64>}, {transform_indices = @transform_1, window_bounds = array<i64: 2, 2000, 64>}, {transform_indices = @transform_2, window_bounds = array<i64: 2000, 1>}, {pipeline_mode = #tpu.pipeline_mode<synchronous>, transform_indices = @transform_3, window_bounds = array<i64: 128, 128>}, {pipeline_mode = #tpu.pipeline_mode<synchronous>, transform_indices = @transform_4, window_bounds = array<i64: 1, 128>}, {pipeline_mode = #tpu.pipeline_mode<synchronous>, transform_indices = @transform_5, window_bounds = array<i64: 128, 128>}, {transform_indices = @transform_6, window_bounds = array<i64: 2000, 128>}]} {
    %get3A = arith.constant 0 : index
    %get3A_0 = arith.constant 0 : index
    %get3A_1 = arith.constant 0 : index
    %get3A_2 = vector.load %arg1[%get3A, %get3A_0, %get3A_1] : memref<2x2000x64xf32, #tpu.memory_space<vmem>>, vector<1x2000x64xf32>
    %get3A_3 = vector.shape_cast %get3A_2 : vector<1x2000x64xf32> to vector<2000x64xf32>
    %get3A_4 = arith.constant 1 : index
    %get3A_5 = arith.constant 0 : index
    %get3A_6 = arith.constant 0 : index
    %get3A_7 = vector.load %arg1[%get3A_4, %get3A_5, %get3A_6] : memref<2x2000x64xf32, #tpu.memory_space<vmem>>, vector<1x2000x64xf32>
    %get3A_8 = vector.shape_cast %get3A_7 : vector<1x2000x64xf32> to vector<2000x64xf32>
    %concatenate3A = tpu.concatenate %get3A_3, %get3A_8 in 1 : vector<2000x64xf32>, vector<2000x64xf32> -> vector<2000x128xf32>
    %get3A_9 = arith.constant 0 : index
    %get3A_10 = arith.constant 0 : index
    %get3A_11 = arith.constant 0 : index
    %get3A_12 = vector.load %arg2[%get3A_9, %get3A_10, %get3A_11] : memref<2x2000x64xf32, #tpu.memory_space<vmem>>, vector<1x2000x64xf32>
    %get3A_13 = vector.shape_cast %get3A_12 : vector<1x2000x64xf32> to vector<2000x64xf32>
    %get3A_14 = arith.constant 1 : index
    %get3A_15 = arith.constant 0 : index
    %get3A_16 = arith.constant 0 : index
    %get3A_17 = vector.load %arg2[%get3A_14, %get3A_15, %get3A_16] : memref<2x2000x64xf32, #tpu.memory_space<vmem>>, vector<1x2000x64xf32>
    %get3A_18 = vector.shape_cast %get3A_17 : vector<1x2000x64xf32> to vector<2000x64xf32>
    %concatenate3A_19 = tpu.concatenate %get3A_13, %get3A_18 in 1 : vector<2000x64xf32>, vector<2000x64xf32> -> vector<2000x128xf32>
    %get3A_20 = arith.constant 0 : index
    %get3A_21 = arith.constant 0 : index
    %get3A_22 = vector.load %arg3[%get3A_20, %get3A_21] : memref<2000x1xf32, #tpu.memory_space<vmem>>, vector<2000x1xf32>
    %div3A = vector.broadcast %get3A_22 : vector<2000x1xf32> to vector<2000x128xf32>
    %div3A_23 = arith.divf %concatenate3A_19, %div3A : vector<2000x128xf32>
    %get3A_24 = arith.constant 0 : index
    %get3A_25 = arith.constant 0 : index
    %get3A_26 = vector.load %arg4[%get3A_24, %get3A_25] : memref<128x128xf32, #tpu.memory_space<vmem>>, vector<128x128xf32>
    %transpose3A = tpu.transpose %get3A_26, [1, 0] : vector<128x128xf32> -> vector<128x128xf32>
    %dot_general3A = arith.constant dense<0.000000e+00> : vector<2000x128xf32>
    %dot_general3A_27 = tpu.matmul %div3A_23, %transpose3A, %dot_general3A {dimension_numbers = #tpu.dot_dimension_numbers<[1], [0], [0], [1], [0, 0, 1, 1], [], []>, transpose_lhs_hint = false} : vector<2000x128xf32>, vector<128x128xf32>, vector<2000x128xf32> -> vector<2000x128xf32>
    %get3A_28 = arith.constant 0 : index
    %get3A_29 = arith.constant 0 : index
    %get3A_30 = vector.load %arg5[%get3A_28, %get3A_29] : memref<1x128xf32, #tpu.memory_space<vmem>>, vector<1x128xf32>
    %add3A = vector.broadcast %get3A_30 : vector<1x128xf32> to vector<2000x128xf32>
    %add3A_31 = arith.addf %dot_general3A_27, %add3A : vector<2000x128xf32>
    %get3A_32 = arith.constant 0 : index
    %get3A_33 = arith.constant 0 : index
    %get3A_34 = vector.load %arg6[%get3A_32, %get3A_33] : memref<128x128xf32, #tpu.memory_space<vmem>>, vector<128x128xf32>
    %transpose3A_35 = tpu.transpose %get3A_34, [1, 0] : vector<128x128xf32> -> vector<128x128xf32>
    %dot_general3A_36 = arith.constant dense<0.000000e+00> : vector<2000x128xf32>
    %dot_general3A_37 = tpu.matmul %concatenate3A, %transpose3A_35, %dot_general3A_36 {dimension_numbers = #tpu.dot_dimension_numbers<[1], [0], [0], [1], [0, 0, 1, 1], [], []>, transpose_lhs_hint = false} : vector<2000x128xf32>, vector<128x128xf32>, vector<2000x128xf32> -> vector<2000x128xf32>
    %add3A_38 = arith.addf %add3A_31, %dot_general3A_37 : vector<2000x128xf32>
    %swap3A = arith.constant 0 : index
    %swap3A_39 = arith.constant 0 : index
    %swap3A_40 = vector.load %arg7[%swap3A, %swap3A_39] : memref<2000x128xf32, #tpu.memory_space<vmem>>, vector<2000x128xf32>
    tpu.vector_store %arg7[%swap3A, %swap3A_39], %add3A_38 {strides = array<i32>} : memref<2000x128xf32, #tpu.memory_space<vmem>>, vector<2000x128xf32>,
    return
  }
  func.func @transform_0(%arg0: i32) -> (i32, i32, i32) {
    %c0_i32 = arith.constant 0 : i32
    %c0_i32_0 = arith.constant 0 : i32
    %c0_i32_1 = arith.constant 0 : i32
    return %c0_i32, %arg0, %c0_i32_0 : i32, i32, i32
  }
  func.func @transform_1(%arg0: i32) -> (i32, i32, i32) {
    %c0_i32 = arith.constant 0 : i32
    %c0_i32_0 = arith.constant 0 : i32
    %c0_i32_1 = arith.constant 0 : i32
    return %c0_i32, %arg0, %c0_i32_0 : i32, i32, i32
  }
  func.func @transform_2(%arg0: i32) -> (i32, i32) {
    %c0_i32 = arith.constant 0 : i32
    %c0_i32_0 = arith.constant 0 : i32
    return %arg0, %c0_i32 : i32, i32
  }
  func.func @transform_3(%arg0: i32) -> (i32, i32) {
    %c0_i32 = arith.constant 0 : i32
    %c0_i32_0 = arith.constant 0 : i32
    %c0_i32_1 = arith.constant 0 : i32
    return %c0_i32, %c0_i32_0 : i32, i32
  }
  func.func @transform_4(%arg0: i32) -> (i32, i32) {
    %c0_i32 = arith.constant 0 : i32
    %c0_i32_0 = arith.constant 0 : i32
    %c0_i32_1 = arith.constant 0 : i32
    return %c0_i32, %c0_i32_0 : i32, i32
  }
  func.func @transform_5(%arg0: i32) -> (i32, i32) {
    %c0_i32 = arith.constant 0 : i32
    %c0_i32_0 = arith.constant 0 : i32
    %c0_i32_1 = arith.constant 0 : i32
    return %c0_i32, %c0_i32_0 : i32, i32
  }
  func.func @transform_6(%arg0: i32) -> (i32, i32) {
    %c0_i32 = arith.constant 0 : i32
    %c0_i32_0 = arith.constant 0 : i32
    return %arg0, %c0_i32 : i32, i32
  }
}

module attributes {stable_mosaic.version = 14 : i64} {
  func.func @_layer_b_body(%arg0: i32, %arg1: memref<2000x128xf32, #tpu.memory_space<vmem>>, %arg2: memref<2x128xf32, #tpu.memory_space<vmem>>, %arg3: memref<1x128xf32, #tpu.memory_space<vmem>>, %arg4: memref<1x128xf32, #tpu.memory_space<vmem>>, %arg5: memref<2x2000x64xf32, #tpu.memory_space<vmem>>) attributes {dimension_semantics = [#tpu.dimension_semantics<arbitrary>], iteration_bounds = array<i64: 5>, scalar_prefetch = 0 : i64, scratch_operands = 0 : i64, tpu.core_type = #tpu.core_type<tc>, window_params = [{transform_indices = @transform_0, window_bounds = array<i64: 2000, 128>}, {pipeline_mode = #tpu.pipeline_mode<synchronous>, transform_indices = @transform_1, window_bounds = array<i64: 2, 128>}, {pipeline_mode = #tpu.pipeline_mode<synchronous>, transform_indices = @transform_2, window_bounds = array<i64: 1, 128>}, {pipeline_mode = #tpu.pipeline_mode<synchronous>, transform_indices = @transform_3, window_bounds = array<i64: 1, 128>}, {transform_indices = @transform_4, window_bounds = array<i64: 2, 2000, 64>}]} {
    %get3A = arith.constant 0 : index
    %get3A_0 = arith.constant 0 : index
    %get3A_1 = vector.load %arg1[%get3A, %get3A_0] : memref<2000x128xf32, #tpu.memory_space<vmem>>, vector<2000x128xf32>
    %get3A_2 = arith.constant 0 : index
    %get3A_3 = arith.constant 0 : index
    %get3A_4 = vector.load %arg2[%get3A_2, %get3A_3] : memref<2x128xf32, #tpu.memory_space<vmem>>, vector<2x128xf32>
    %get3A_5 = arith.constant 0 : index
    %get3A_6 = arith.constant 0 : index
    %get3A_7 = vector.load %arg3[%get3A_5, %get3A_6] : memref<1x128xf32, #tpu.memory_space<vmem>>, vector<1x128xf32>
    %get3A_8 = arith.constant 0 : index
    %get3A_9 = arith.constant 0 : index
    %get3A_10 = vector.load %arg4[%get3A_8, %get3A_9] : memref<1x128xf32, #tpu.memory_space<vmem>>, vector<1x128xf32>
    %slice3A = vector.extract_strided_slice %get3A_4 {offsets = [0, 0], sizes = [1, 128], strides = [1, 1]} : vector<2x128xf32> to vector<1x128xf32>
    %slice3A_11 = vector.extract_strided_slice %get3A_4 {offsets = [1, 0], sizes = [1, 128], strides = [1, 1]} : vector<2x128xf32> to vector<1x128xf32>
    %sub3A = vector.broadcast %slice3A : vector<1x128xf32> to vector<2000x128xf32>
    %sub3A_12 = arith.subf %get3A_1, %sub3A : vector<2000x128xf32>
    %add3A = arith.constant 9.99999974E-6 : f32
    %add3A_13 = vector.broadcast %add3A : f32 to vector<1x128xf32>
    %add3A_14 = arith.addf %slice3A_11, %add3A_13 : vector<1x128xf32>
    %sqrt3A = math.sqrt %add3A_14 : vector<1x128xf32>
    %div3A = vector.broadcast %sqrt3A : vector<1x128xf32> to vector<2000x128xf32>
    %div3A_15 = arith.divf %sub3A_12, %div3A : vector<2000x128xf32>
    %mul3A = vector.broadcast %get3A_7 : vector<1x128xf32> to vector<2000x128xf32>
    %mul3A_16 = arith.mulf %div3A_15, %mul3A : vector<2000x128xf32>
    %add3A_17 = vector.broadcast %get3A_10 : vector<1x128xf32> to vector<2000x128xf32>
    %add3A_18 = arith.addf %mul3A_16, %add3A_17 : vector<2000x128xf32>
    %max3A = arith.constant 0.000000e+00 : f32
    %max3A_19 = vector.broadcast %max3A : f32 to vector<2000x128xf32>
    %max3A_20 = arith.maximumf %add3A_18, %max3A_19 : vector<2000x128xf32>
    %slice3A_21 = vector.extract_strided_slice %max3A_20 {offsets = [0, 0], sizes = [2000, 64], strides = [1, 1]} : vector<2000x128xf32> to vector<2000x64xf32>
    %swap3A = arith.constant 0 : index
    %swap3A_22 = arith.constant 0 : index
    %swap3A_23 = arith.constant 0 : index
    %swap3A_24 = vector.load %arg5[%swap3A, %swap3A_22, %swap3A_23] : memref<2x2000x64xf32, #tpu.memory_space<vmem>>, vector<1x2000x64xf32>
    %swap3A_25 = vector.shape_cast %swap3A_24 : vector<1x2000x64xf32> to vector<2000x64xf32>
    %swap3A_26 = vector.shape_cast %slice3A_21 : vector<2000x64xf32> to vector<1x2000x64xf32>
    tpu.vector_store %arg5[%swap3A, %swap3A_22, %swap3A_23], %swap3A_26 {strides = array<i32>} : memref<2x2000x64xf32, #tpu.memory_space<vmem>>, vector<1x2000x64xf32>,
    %slice3A_27 = vector.extract_strided_slice %max3A_20 {offsets = [0, 64], sizes = [2000, 64], strides = [1, 1]} : vector<2000x128xf32> to vector<2000x64xf32>
    %swap3A_28 = arith.constant 1 : index
    %swap3A_29 = arith.constant 0 : index
    %swap3A_30 = arith.constant 0 : index
    %swap3A_31 = vector.load %arg5[%swap3A_28, %swap3A_29, %swap3A_30] : memref<2x2000x64xf32, #tpu.memory_space<vmem>>, vector<1x2000x64xf32>
    %swap3A_32 = vector.shape_cast %swap3A_31 : vector<1x2000x64xf32> to vector<2000x64xf32>
    %swap3A_33 = vector.shape_cast %slice3A_27 : vector<2000x64xf32> to vector<1x2000x64xf32>
    tpu.vector_store %arg5[%swap3A_28, %swap3A_29, %swap3A_30], %swap3A_33 {strides = array<i32>} : memref<2x2000x64xf32, #tpu.memory_space<vmem>>, vector<1x2000x64xf32>,
    return
  }
  func.func @transform_0(%arg0: i32) -> (i32, i32) {
    %c0_i32 = arith.constant 0 : i32
    %c0_i32_0 = arith.constant 0 : i32
    return %arg0, %c0_i32 : i32, i32
  }
  func.func @transform_1(%arg0: i32) -> (i32, i32) {
    %c0_i32 = arith.constant 0 : i32
    %c0_i32_0 = arith.constant 0 : i32
    %c0_i32_1 = arith.constant 0 : i32
    return %c0_i32, %c0_i32_0 : i32, i32
  }
  func.func @transform_2(%arg0: i32) -> (i32, i32) {
    %c0_i32 = arith.constant 0 : i32
    %c0_i32_0 = arith.constant 0 : i32
    %c0_i32_1 = arith.constant 0 : i32
    return %c0_i32, %c0_i32_0 : i32, i32
  }
  func.func @transform_3(%arg0: i32) -> (i32, i32) {
    %c0_i32 = arith.constant 0 : i32
    %c0_i32_0 = arith.constant 0 : i32
    %c0_i32_1 = arith.constant 0 : i32
    return %c0_i32, %c0_i32_0 : i32, i32
  }
  func.func @transform_4(%arg0: i32) -> (i32, i32, i32) {
    %c0_i32 = arith.constant 0 : i32
    %c0_i32_0 = arith.constant 0 : i32
    %c0_i32_1 = arith.constant 0 : i32
    return %c0_i32, %arg0, %c0_i32_0 : i32, i32, i32
  }
}

module attributes {stable_mosaic.version = 14 : i64} {
  func.func @_layer_b_body(%arg0: i32, %arg1: memref<2000x128xf32, #tpu.memory_space<vmem>>, %arg2: memref<2x128xf32, #tpu.memory_space<vmem>>, %arg3: memref<1x128xf32, #tpu.memory_space<vmem>>, %arg4: memref<1x128xf32, #tpu.memory_space<vmem>>, %arg5: memref<2x2000x64xf32, #tpu.memory_space<vmem>>, %arg6: memref<128x128xf32, #tpu.memory_space<vmem>>, %arg7: memref<1x128xf32, #tpu.memory_space<vmem>>, %arg8: memref<2x2000x64xf32, #tpu.memory_space<vmem>>) attributes {dimension_semantics = [#tpu.dimension_semantics<arbitrary>], iteration_bounds = array<i64: 5>, scalar_prefetch = 0 : i64, scratch_operands = 0 : i64, tpu.core_type = #tpu.core_type<tc>, window_params = [{transform_indices = @transform_0, window_bounds = array<i64: 2000, 128>}, {pipeline_mode = #tpu.pipeline_mode<synchronous>, transform_indices = @transform_1, window_bounds = array<i64: 2, 128>}, {pipeline_mode = #tpu.pipeline_mode<synchronous>, transform_indices = @transform_2, window_bounds = array<i64: 1, 128>}, {pipeline_mode = #tpu.pipeline_mode<synchronous>, transform_indices = @transform_3, window_bounds = array<i64: 1, 128>}, {transform_indices = @transform_4, window_bounds = array<i64: 2, 2000, 64>}, {pipeline_mode = #tpu.pipeline_mode<synchronous>, transform_indices = @transform_5, window_bounds = array<i64: 128, 128>}, {pipeline_mode = #tpu.pipeline_mode<synchronous>, transform_indices = @transform_6, window_bounds = array<i64: 1, 128>}, {transform_indices = @transform_7, window_bounds = array<i64: 2, 2000, 64>}]} {
    %get3A = arith.constant 0 : index
    %get3A_0 = arith.constant 0 : index
    %get3A_1 = vector.load %arg1[%get3A, %get3A_0] : memref<2000x128xf32, #tpu.memory_space<vmem>>, vector<2000x128xf32>
    %get3A_2 = arith.constant 0 : index
    %get3A_3 = arith.constant 0 : index
    %get3A_4 = vector.load %arg2[%get3A_2, %get3A_3] : memref<2x128xf32, #tpu.memory_space<vmem>>, vector<2x128xf32>
    %get3A_5 = arith.constant 0 : index
    %get3A_6 = arith.constant 0 : index
    %get3A_7 = vector.load %arg3[%get3A_5, %get3A_6] : memref<1x128xf32, #tpu.memory_space<vmem>>, vector<1x128xf32>
    %get3A_8 = arith.constant 0 : index
    %get3A_9 = arith.constant 0 : index
    %get3A_10 = vector.load %arg4[%get3A_8, %get3A_9] : memref<1x128xf32, #tpu.memory_space<vmem>>, vector<1x128xf32>
    %slice3A = vector.extract_strided_slice %get3A_4 {offsets = [0, 0], sizes = [1, 128], strides = [1, 1]} : vector<2x128xf32> to vector<1x128xf32>
    %slice3A_11 = vector.extract_strided_slice %get3A_4 {offsets = [1, 0], sizes = [1, 128], strides = [1, 1]} : vector<2x128xf32> to vector<1x128xf32>
    %sub3A = vector.broadcast %slice3A : vector<1x128xf32> to vector<2000x128xf32>
    %sub3A_12 = arith.subf %get3A_1, %sub3A : vector<2000x128xf32>
    %add3A = arith.constant 9.99999974E-6 : f32
    %add3A_13 = vector.broadcast %add3A : f32 to vector<1x128xf32>
    %add3A_14 = arith.addf %slice3A_11, %add3A_13 : vector<1x128xf32>
    %sqrt3A = math.sqrt %add3A_14 : vector<1x128xf32>
    %div3A = vector.broadcast %sqrt3A : vector<1x128xf32> to vector<2000x128xf32>
    %div3A_15 = arith.divf %sub3A_12, %div3A : vector<2000x128xf32>
    %mul3A = vector.broadcast %get3A_7 : vector<1x128xf32> to vector<2000x128xf32>
    %mul3A_16 = arith.mulf %div3A_15, %mul3A : vector<2000x128xf32>
    %add3A_17 = vector.broadcast %get3A_10 : vector<1x128xf32> to vector<2000x128xf32>
    %add3A_18 = arith.addf %mul3A_16, %add3A_17 : vector<2000x128xf32>
    %max3A = arith.constant 0.000000e+00 : f32
    %max3A_19 = vector.broadcast %max3A : f32 to vector<2000x128xf32>
    %max3A_20 = arith.maximumf %add3A_18, %max3A_19 : vector<2000x128xf32>
    %get3A_21 = arith.constant 0 : index
    %get3A_22 = arith.constant 0 : index
    %get3A_23 = arith.constant 0 : index
    %get3A_24 = vector.load %arg5[%get3A_21, %get3A_22, %get3A_23] : memref<2x2000x64xf32, #tpu.memory_space<vmem>>, vector<1x2000x64xf32>
    %get3A_25 = vector.shape_cast %get3A_24 : vector<1x2000x64xf32> to vector<2000x64xf32>
    %get3A_26 = arith.constant 1 : index
    %get3A_27 = arith.constant 0 : index
    %get3A_28 = arith.constant 0 : index
    %get3A_29 = vector.load %arg5[%get3A_26, %get3A_27, %get3A_28] : memref<2x2000x64xf32, #tpu.memory_space<vmem>>, vector<1x2000x64xf32>
    %get3A_30 = vector.shape_cast %get3A_29 : vector<1x2000x64xf32> to vector<2000x64xf32>
    %concatenate3A = tpu.concatenate %get3A_25, %get3A_30 in 1 : vector<2000x64xf32>, vector<2000x64xf32> -> vector<2000x128xf32>
    %get3A_31 = arith.constant 0 : index
    %get3A_32 = arith.constant 0 : index
    %get3A_33 = vector.load %arg6[%get3A_31, %get3A_32] : memref<128x128xf32, #tpu.memory_space<vmem>>, vector<128x128xf32>
    %transpose3A = tpu.transpose %get3A_33, [1, 0] : vector<128x128xf32> -> vector<128x128xf32>
    %dot_general3A = arith.constant dense<0.000000e+00> : vector<2000x128xf32>
    %dot_general3A_34 = tpu.matmul %concatenate3A, %transpose3A, %dot_general3A {dimension_numbers = #tpu.dot_dimension_numbers<[1], [0], [0], [1], [0, 0, 1, 1], [], []>, transpose_lhs_hint = false} : vector<2000x128xf32>, vector<128x128xf32>, vector<2000x128xf32> -> vector<2000x128xf32>
    %add3A_35 = arith.addf %max3A_20, %dot_general3A_34 : vector<2000x128xf32>
    %get3A_36 = arith.constant 0 : index
    %get3A_37 = arith.constant 0 : index
    %get3A_38 = vector.load %arg7[%get3A_36, %get3A_37] : memref<1x128xf32, #tpu.memory_space<vmem>>, vector<1x128xf32>
    %add3A_39 = vector.broadcast %get3A_38 : vector<1x128xf32> to vector<2000x128xf32>
    %add3A_40 = arith.addf %add3A_35, %add3A_39 : vector<2000x128xf32>
    %slice3A_41 = vector.extract_strided_slice %add3A_40 {offsets = [0, 0], sizes = [2000, 64], strides = [1, 1]} : vector<2000x128xf32> to vector<2000x64xf32>
    %swap3A = arith.constant 0 : index
    %swap3A_42 = arith.constant 0 : index
    %swap3A_43 = arith.constant 0 : index
    %swap3A_44 = vector.load %arg8[%swap3A, %swap3A_42, %swap3A_43] : memref<2x2000x64xf32, #tpu.memory_space<vmem>>, vector<1x2000x64xf32>
    %swap3A_45 = vector.shape_cast %swap3A_44 : vector<1x2000x64xf32> to vector<2000x64xf32>
    %swap3A_46 = vector.shape_cast %slice3A_41 : vector<2000x64xf32> to vector<1x2000x64xf32>
    tpu.vector_store %arg8[%swap3A, %swap3A_42, %swap3A_43], %swap3A_46 {strides = array<i32>} : memref<2x2000x64xf32, #tpu.memory_space<vmem>>, vector<1x2000x64xf32>,
    %slice3A_47 = vector.extract_strided_slice %add3A_40 {offsets = [0, 64], sizes = [2000, 64], strides = [1, 1]} : vector<2000x128xf32> to vector<2000x64xf32>
    %swap3A_48 = arith.constant 1 : index
    %swap3A_49 = arith.constant 0 : index
    %swap3A_50 = arith.constant 0 : index
    %swap3A_51 = vector.load %arg8[%swap3A_48, %swap3A_49, %swap3A_50] : memref<2x2000x64xf32, #tpu.memory_space<vmem>>, vector<1x2000x64xf32>
    %swap3A_52 = vector.shape_cast %swap3A_51 : vector<1x2000x64xf32> to vector<2000x64xf32>
    %swap3A_53 = vector.shape_cast %slice3A_47 : vector<2000x64xf32> to vector<1x2000x64xf32>
    tpu.vector_store %arg8[%swap3A_48, %swap3A_49, %swap3A_50], %swap3A_53 {strides = array<i32>} : memref<2x2000x64xf32, #tpu.memory_space<vmem>>, vector<1x2000x64xf32>,
    return
  }
  func.func @transform_0(%arg0: i32) -> (i32, i32) {
    %c0_i32 = arith.constant 0 : i32
    %c0_i32_0 = arith.constant 0 : i32
    return %arg0, %c0_i32 : i32, i32
  }
  func.func @transform_1(%arg0: i32) -> (i32, i32) {
    %c0_i32 = arith.constant 0 : i32
    %c0_i32_0 = arith.constant 0 : i32
    %c0_i32_1 = arith.constant 0 : i32
    return %c0_i32, %c0_i32_0 : i32, i32
  }
  func.func @transform_2(%arg0: i32) -> (i32, i32) {
    %c0_i32 = arith.constant 0 : i32
    %c0_i32_0 = arith.constant 0 : i32
    %c0_i32_1 = arith.constant 0 : i32
    return %c0_i32, %c0_i32_0 : i32, i32
  }
  func.func @transform_3(%arg0: i32) -> (i32, i32) {
    %c0_i32 = arith.constant 0 : i32
    %c0_i32_0 = arith.constant 0 : i32
    %c0_i32_1 = arith.constant 0 : i32
    return %c0_i32, %c0_i32_0 : i32, i32
  }
  func.func @transform_4(%arg0: i32) -> (i32, i32, i32) {
    %c0_i32 = arith.constant 0 : i32
    %c0_i32_0 = arith.constant 0 : i32
    %c0_i32_1 = arith.constant 0 : i32
    return %c0_i32, %arg0, %c0_i32_0 : i32, i32, i32
  }
  func.func @transform_5(%arg0: i32) -> (i32, i32) {
    %c0_i32 = arith.constant 0 : i32
    %c0_i32_0 = arith.constant 0 : i32
    %c0_i32_1 = arith.constant 0 : i32
    return %c0_i32, %c0_i32_0 : i32, i32
  }
  func.func @transform_6(%arg0: i32) -> (i32, i32) {
    %c0_i32 = arith.constant 0 : i32
    %c0_i32_0 = arith.constant 0 : i32
    %c0_i32_1 = arith.constant 0 : i32
    return %c0_i32, %c0_i32_0 : i32, i32
  }
  func.func @transform_7(%arg0: i32) -> (i32, i32, i32) {
    %c0_i32 = arith.constant 0 : i32
    %c0_i32_0 = arith.constant 0 : i32
    %c0_i32_1 = arith.constant 0 : i32
    return %c0_i32, %arg0, %c0_i32_0 : i32, i32, i32
  }
}

module attributes {stable_mosaic.version = 14 : i64} {
  func.func @_head_body(%arg0: i32, %arg1: memref<2x2000x64xf32, #tpu.memory_space<vmem>>, %arg2: memref<64x128xf32, #tpu.memory_space<vmem>>, %arg3: memref<1x64xf32, #tpu.memory_space<vmem>>, %arg4: memref<32x64xf32, #tpu.memory_space<vmem>>, %arg5: memref<1x32xf32, #tpu.memory_space<vmem>>, %arg6: memref<2x32xf32, #tpu.memory_space<vmem>>, %arg7: memref<1x2xf32, #tpu.memory_space<vmem>>, %arg8: memref<2000x2xf32, #tpu.memory_space<vmem>>, %arg9: memref<2000x128xf32, #tpu.memory_space<vmem>>) attributes {dimension_semantics = [#tpu.dimension_semantics<arbitrary>], iteration_bounds = array<i64: 5>, scalar_prefetch = 0 : i64, scratch_operands = 0 : i64, tpu.core_type = #tpu.core_type<tc>, window_params = [{transform_indices = @transform_0, window_bounds = array<i64: 2, 2000, 64>}, {pipeline_mode = #tpu.pipeline_mode<synchronous>, transform_indices = @transform_1, window_bounds = array<i64: 64, 128>}, {pipeline_mode = #tpu.pipeline_mode<synchronous>, transform_indices = @transform_2, window_bounds = array<i64: 1, 64>}, {pipeline_mode = #tpu.pipeline_mode<synchronous>, transform_indices = @transform_3, window_bounds = array<i64: 32, 64>}, {pipeline_mode = #tpu.pipeline_mode<synchronous>, transform_indices = @transform_4, window_bounds = array<i64: 1, 32>}, {pipeline_mode = #tpu.pipeline_mode<synchronous>, transform_indices = @transform_5, window_bounds = array<i64: 2, 32>}, {pipeline_mode = #tpu.pipeline_mode<synchronous>, transform_indices = @transform_6, window_bounds = array<i64: 1, 2>}, {transform_indices = @transform_7, window_bounds = array<i64: 2000, 2>}, {transform_indices = @transform_8, window_bounds = array<i64: 2000, 128>}]} {
    %get3A = arith.constant 0 : index
    %get3A_0 = arith.constant 0 : index
    %get3A_1 = arith.constant 0 : index
    %get3A_2 = vector.load %arg1[%get3A, %get3A_0, %get3A_1] : memref<2x2000x64xf32, #tpu.memory_space<vmem>>, vector<1x2000x64xf32>
    %get3A_3 = vector.shape_cast %get3A_2 : vector<1x2000x64xf32> to vector<2000x64xf32>
    %get3A_4 = arith.constant 1 : index
    %get3A_5 = arith.constant 0 : index
    %get3A_6 = arith.constant 0 : index
    %get3A_7 = vector.load %arg1[%get3A_4, %get3A_5, %get3A_6] : memref<2x2000x64xf32, #tpu.memory_space<vmem>>, vector<1x2000x64xf32>
    %get3A_8 = vector.shape_cast %get3A_7 : vector<1x2000x64xf32> to vector<2000x64xf32>
    %concatenate3A = tpu.concatenate %get3A_3, %get3A_8 in 1 : vector<2000x64xf32>, vector<2000x64xf32> -> vector<2000x128xf32>
    %swap3A = arith.constant 0 : index
    %swap3A_9 = arith.constant 0 : index
    %swap3A_10 = vector.load %arg9[%swap3A, %swap3A_9] : memref<2000x128xf32, #tpu.memory_space<vmem>>, vector<2000x128xf32>
    tpu.vector_store %arg9[%swap3A, %swap3A_9], %concatenate3A {strides = array<i32>} : memref<2000x128xf32, #tpu.memory_space<vmem>>, vector<2000x128xf32>,
    %get3A_11 = arith.constant 0 : index
    %get3A_12 = arith.constant 0 : index
    %get3A_13 = vector.load %arg2[%get3A_11, %get3A_12] : memref<64x128xf32, #tpu.memory_space<vmem>>, vector<64x128xf32>
    %transpose3A = tpu.transpose %get3A_13, [1, 0] : vector<64x128xf32> -> vector<128x64xf32>
    %dot_general3A = arith.constant dense<0.000000e+00> : vector<2000x64xf32>
    %dot_general3A_14 = tpu.matmul %concatenate3A, %transpose3A, %dot_general3A {dimension_numbers = #tpu.dot_dimension_numbers<[1], [0], [0], [1], [0, 0, 1, 1], [], []>, transpose_lhs_hint = false} : vector<2000x128xf32>, vector<128x64xf32>, vector<2000x64xf32> -> vector<2000x64xf32>
    %get3A_15 = arith.constant 0 : index
    %get3A_16 = arith.constant 0 : index
    %get3A_17 = vector.load %arg3[%get3A_15, %get3A_16] : memref<1x64xf32, #tpu.memory_space<vmem>>, vector<1x64xf32>
    %add3A = vector.broadcast %get3A_17 : vector<1x64xf32> to vector<2000x64xf32>
    %add3A_18 = arith.addf %dot_general3A_14, %add3A : vector<2000x64xf32>
    %max3A = arith.constant 0.000000e+00 : f32
    %max3A_19 = vector.broadcast %max3A : f32 to vector<2000x64xf32>
    %max3A_20 = arith.maximumf %add3A_18, %max3A_19 : vector<2000x64xf32>
    %get3A_21 = arith.constant 0 : index
    %get3A_22 = arith.constant 0 : index
    %get3A_23 = vector.load %arg4[%get3A_21, %get3A_22] : memref<32x64xf32, #tpu.memory_space<vmem>>, vector<32x64xf32>
    %transpose3A_24 = tpu.transpose %get3A_23, [1, 0] : vector<32x64xf32> -> vector<64x32xf32>
    %dot_general3A_25 = arith.constant dense<0.000000e+00> : vector<2000x32xf32>
    %dot_general3A_26 = tpu.matmul %max3A_20, %transpose3A_24, %dot_general3A_25 {dimension_numbers = #tpu.dot_dimension_numbers<[1], [0], [0], [1], [0, 0, 1, 1], [], []>, transpose_lhs_hint = false} : vector<2000x64xf32>, vector<64x32xf32>, vector<2000x32xf32> -> vector<2000x32xf32>
    %get3A_27 = arith.constant 0 : index
    %get3A_28 = arith.constant 0 : index
    %get3A_29 = vector.load %arg5[%get3A_27, %get3A_28] : memref<1x32xf32, #tpu.memory_space<vmem>>, vector<1x32xf32>
    %add3A_30 = vector.broadcast %get3A_29 : vector<1x32xf32> to vector<2000x32xf32>
    %add3A_31 = arith.addf %dot_general3A_26, %add3A_30 : vector<2000x32xf32>
    %max3A_32 = arith.constant 0.000000e+00 : f32
    %max3A_33 = vector.broadcast %max3A_32 : f32 to vector<2000x32xf32>
    %max3A_34 = arith.maximumf %add3A_31, %max3A_33 : vector<2000x32xf32>
    %get3A_35 = arith.constant 0 : index
    %get3A_36 = arith.constant 0 : index
    %get3A_37 = vector.load %arg6[%get3A_35, %get3A_36] : memref<2x32xf32, #tpu.memory_space<vmem>>, vector<2x32xf32>
    %transpose3A_38 = tpu.transpose %get3A_37, [1, 0] : vector<2x32xf32> -> vector<32x2xf32>
    %dot_general3A_39 = arith.constant dense<0.000000e+00> : vector<2000x2xf32>
    %dot_general3A_40 = tpu.matmul %max3A_34, %transpose3A_38, %dot_general3A_39 {dimension_numbers = #tpu.dot_dimension_numbers<[1], [0], [0], [1], [0, 0, 1, 1], [], []>, transpose_lhs_hint = false} : vector<2000x32xf32>, vector<32x2xf32>, vector<2000x2xf32> -> vector<2000x2xf32>
    %get3A_41 = arith.constant 0 : index
    %get3A_42 = arith.constant 0 : index
    %get3A_43 = vector.load %arg7[%get3A_41, %get3A_42] : memref<1x2xf32, #tpu.memory_space<vmem>>, vector<1x2xf32>
    %add3A_44 = vector.broadcast %get3A_43 : vector<1x2xf32> to vector<2000x2xf32>
    %add3A_45 = arith.addf %dot_general3A_40, %add3A_44 : vector<2000x2xf32>
    %swap3A_46 = arith.constant 0 : index
    %swap3A_47 = arith.constant 0 : index
    %swap3A_48 = vector.load %arg8[%swap3A_46, %swap3A_47] : memref<2000x2xf32, #tpu.memory_space<vmem>>, vector<2000x2xf32>
    tpu.vector_store %arg8[%swap3A_46, %swap3A_47], %add3A_45 {strides = array<i32>} : memref<2000x2xf32, #tpu.memory_space<vmem>>, vector<2000x2xf32>,
    return
  }
  func.func @transform_0(%arg0: i32) -> (i32, i32, i32) {
    %c0_i32 = arith.constant 0 : i32
    %c0_i32_0 = arith.constant 0 : i32
    %c0_i32_1 = arith.constant 0 : i32
    return %c0_i32, %arg0, %c0_i32_0 : i32, i32, i32
  }
  func.func @transform_1(%arg0: i32) -> (i32, i32) {
    %c0_i32 = arith.constant 0 : i32
    %c0_i32_0 = arith.constant 0 : i32
    %c0_i32_1 = arith.constant 0 : i32
    return %c0_i32, %c0_i32_0 : i32, i32
  }
  func.func @transform_2(%arg0: i32) -> (i32, i32) {
    %c0_i32 = arith.constant 0 : i32
    %c0_i32_0 = arith.constant 0 : i32
    %c0_i32_1 = arith.constant 0 : i32
    return %c0_i32, %c0_i32_0 : i32, i32
  }
  func.func @transform_3(%arg0: i32) -> (i32, i32) {
    %c0_i32 = arith.constant 0 : i32
    %c0_i32_0 = arith.constant 0 : i32
    %c0_i32_1 = arith.constant 0 : i32
    return %c0_i32, %c0_i32_0 : i32, i32
  }
  func.func @transform_4(%arg0: i32) -> (i32, i32) {
    %c0_i32 = arith.constant 0 : i32
    %c0_i32_0 = arith.constant 0 : i32
    %c0_i32_1 = arith.constant 0 : i32
    return %c0_i32, %c0_i32_0 : i32, i32
  }
  func.func @transform_5(%arg0: i32) -> (i32, i32) {
    %c0_i32 = arith.constant 0 : i32
    %c0_i32_0 = arith.constant 0 : i32
    %c0_i32_1 = arith.constant 0 : i32
    return %c0_i32, %c0_i32_0 : i32, i32
  }
  func.func @transform_6(%arg0: i32) -> (i32, i32) {
    %c0_i32 = arith.constant 0 : i32
    %c0_i32_0 = arith.constant 0 : i32
    %c0_i32_1 = arith.constant 0 : i32
    return %c0_i32, %c0_i32_0 : i32, i32
  }
  func.func @transform_7(%arg0: i32) -> (i32, i32) {
    %c0_i32 = arith.constant 0 : i32
    %c0_i32_0 = arith.constant 0 : i32
    return %arg0, %c0_i32 : i32, i32
  }
  func.func @transform_8(%arg0: i32) -> (i32, i32) {
    %c0_i32 = arith.constant 0 : i32
    %c0_i32_0 = arith.constant 0 : i32
    return %arg0, %c0_i32 : i32, i32
  }
}

</mosaic_0001>

<sc_bundles>
// kernel: kernel.31.cloned.1.call-start
scs
__scs_entry_jumppad:
0x0: {  	(pc) =	sbr.rel $0x88, $3  }
0x1: {  	(tag) =	ssettag $0x0;
	lr =	simm.s32 $0x1  }
0x2: {  	[smem:$0x3F8E] =	sst lr;
	_ =	strace $0xD0000000  }
0x3: {  	_ = 	snop  }
0x4: {  	_ = 	snop  }
0x5: {  	_ = 	snop  }
0x6: {  	_ = 	snop  }
0x7: {  	_ = 	snop  }
__scs_overlays_trampoline_lowered:
0x8: {  	[smem:$0x3F9D] =	sst s0  }
0x9: {  	[smem:$0x3F9E] =	sst s1  }
0xa: {  	[smem:$0x3F9F] =	sst s2  }
0xb: {  	[smem:$0x3FA0] =	sst s3  }
0xc: {  	[smem:$0x3FA1] =	sst s4  }
0xd: {  	[smem:$0x3FA2] =	sst s5  }
0xe: {  	[smem:$0x3FA3] =	sst s6  }
0xf: {  	[smem:$0x3FA4] =	sst s7  }
0x10: {  	[smem:$0x3FA5] =	sst s8  }
0x11: {  	[smem:$0x3FA6] =	sst s9;
	s0 =	simm.s32 @!p0 $0x0  }
0x12: {  	s1 =	sld [smem:$0x3F8C];
	s0 =	simm.s32 @p0 $0x1  }
0x13: {  	[smem:$0x3FA7] =	sst s0;
	s0 =	simm.s32 @!p1 $0x0  }
0x14: {  	s2 =	sld [smem:$0x3F8B];
	s0 =	simm.s32 @p1 $0x1  }
0x15: {  	[smem:$0x3FA8] =	sst s0;
	s0 =	simm.s32 @!p2 $0x0  }
0x16: {  	s3 =	sld [smem:$0x3FDB];
	s0 =	simm.s32 @p2 $0x1  }
0x17: {  	s4 =	simm.s32 $0x1BF5;
	[smem:$0x3FAA] =	sst s0  }
0x18: {  	s0 =	sld [smem:$0x3F8D];
	_ =	swait.ge [sflag:s4], $0x0  }
0x19: {  	s7 =	sld [smem:$0x3F8E]  }
0x1a: {  	s8 =	sadd.s32 $0xFFFFE003, lr  }
0x1b: {  	s9 =	sadd.s32 $0xFFFFFEF7, lr;
	s5 =	simm.s32 $0xFFFFFFFF;
	p2 =	slt.u32 s8, $0xFFFFF086  }
0x1c: {  	p1 =	slt.u32 s9, $0xF7A;
	s5 =	simm.s32 @!p2 $0x0  }
0x1d: {  	s5 =	simm.s32 @p1 $0x1;
	p0 =	seq.s32 s7, s2  }
0x1e: {  	s7 =	smul.u32 @!p0 $0xF7A, s2;
	p2 =	seq.s32 @!p0 s5, $0x0  }
0x1f: {  	s9 =	smul.u32 $0xF7A, s1;
	s8 =	simm.s32 @!p0 $0x1BF5;
	p2 =	por !p2, p0  }
0x20: {  	[sflag:s8] =	ssyncset.s32 @!p0 $0xFFFFF086;
	s6 =	sadd.s32 @!p0 s3, s7;
	s7 =	simm.s32 @!p0 $0x108  }
0x21: {  	s3 =	sadd.s32 s3, s9;
	s6 =	sadd.s32 @!p0 $0x88, s6;
	s7 =	simm.s32 @p2 $0x1082  }
0x22: {  	[simem:s7], [sflag:s8] =	dma.local @!p0 [hbm:s6], $0xF7A  }
0x23: {  	s9 =	sor.u32 $0xD0000000, s2;
	s6 =	simm.s32 $0x108;
	_ =	swait.ge @!p0 [sflag:s8], $0x0  }
0x24: {  	s3 =	sadd.s32 $0x88, s3;
	s6 =	simm.s32 @!p1 $0x1082;
	[sflag:s4] =	ssyncset.s32 $0xFFFFF086  }
0x25: {  	[simem:s6], [sflag:s4] =	dma.local [hbm:s3], $0xF7A  }
0x26: {  	[smem:$0x3F8E] =	sst s1;
	(tag) =	ssettag s2;
	_ =	strace s9  }
0x27: {  	s1 =	sld [smem:$0x3F9E]  }
0x28: {  	s2 =	sld [smem:$0x3F9F]  }
0x29: {  	s4 =	sld [smem:$0x3FA1]  }
0x2a: {  	p0 =	seq.s32 s5, $0x0;
	s5 =	sld [smem:$0x3FA2]  }
0x2b: {  	s6 =	sld [smem:$0x3FA3]  }
0x2c: {  	s7 =	sld [smem:$0x3FA4]  }
0x2d: {  	s3 =	simm.s32 $0x108;
	s8 =	sld [smem:$0x3FA5]  }
0x2e: {  	s3 =	simm.s32 @!p0 $0x1082;
	s9 =	sld [smem:$0x3FA6]  }
0x2f: {  	lr =	sadd.s32 s0, s3;
	s0 =	sld [smem:$0x3F9D]  }
0x30: {  	s3 =	sld [smem:$0x3FA0]  }
0x31: {  	[smem:$0x3FA9] =	sst s10  }
0x32: {  	s10 =	sld [smem:$0x3FA7];
	_ =	sdelay $0x3  }
0x33: {  	p0 =	seq.s32 s10, $0x1;
	s10 =	sld [smem:$0x3FA9];
	_ =	sdelay $0x3  }
0x34: {  	[smem:$0x3FA9] =	sst s10  }
0x35: {  	s10 =	sld [smem:$0x3FA8];
	_ =	sdelay $0x3  }
0x36: {  	p1 =	seq.s32 s10, $0x1;
	s10 =	sld [smem:$0x3FA9];
	_ =	sdelay $0x3  }
0x37: {  	[smem:$0x3FA9] =	sst s10  }
0x38: {  	s10 =	sld [smem:$0x3FAA]  }
0x39: {  	_ = 	snop;
	(pc) =	sbr.ind lr, $3  }
0x3a: {  	_ = 	snop  }
0x3b: {  	_ = 	snop  }
0x3c: {  	p2 =	seq.s32 s10, $0x1;
	s10 =	sld [smem:$0x3FA9]  }
0x3d: {  	_ =	shalt  }
0x3e: {  	_ =	shalt  }
0x3f: {  	_ =	shalt  }
0x40: {  	_ =	shalt  }
0x41: {  	_ =	shalt  }
0x42: {  	_ =	shalt  }
0x43: {  	_ =	shalt  }
0x44: {  	_ =	shalt  }
0x45: {  	_ =	shalt  }
0x46: {  	_ =	shalt  }
0x47: {  	_ =	shalt  }
0x48: {  	_ =	shalt  }
0x49: {  	_ =	shalt  }
0x4a: {  	_ =	shalt  }
0x4b: {  	_ =	shalt  }
0x4c: {  	_ =	shalt  }
0x4d: {  	_ =	shalt  }
0x4e: {  	_ =	shalt  }
0x4f: {  	_ =	shalt  }
0x50: {  	_ =	shalt  }
0x51: {  	_ =	shalt  }
0x52: {  	_ =	shalt  }
0x53: {  	_ =	shalt  }
0x54: {  	_ =	shalt  }
0x55: {  	_ =	shalt  }
0x56: {  	_ =	shalt  }
0x57: {  	_ =	shalt  }
0x58: {  	_ =	shalt  }
0x59: {  	_ =	shalt  }
0x5a: {  	_ =	shalt  }
0x5b: {  	_ =	shalt  }
0x5c: {  	_ =	shalt  }
0x5d: {  	_ =	shalt  }
0x5e: {  	_ =	shalt  }
0x5f: {  	_ =	shalt  }
0x60: {  	_ =	shalt  }
0x61: {  	_ =	shalt  }
0x62: {  	_ =	shalt  }
0x63: {  	_ =	shalt  }
0x64: {  	_ =	shalt  }
0x65: {  	_ =	shalt  }
0x66: {  	_ =	shalt  }
0x67: {  	_ =	shalt  }
0x68: {  	_ =	shalt  }
0x69: {  	_ =	shalt  }
0x6a: {  	_ =	shalt  }
0x6b: {  	_ =	shalt  }
0x6c: {  	_ =	shalt  }
0x6d: {  	_ =	shalt  }
0x6e: {  	_ =	shalt  }
0x6f: {  	_ =	shalt  }
0x70: {  	_ =	shalt  }
0x71: {  	_ =	shalt  }
0x72: {  	_ =	shalt  }
0x73: {  	_ =	shalt  }
0x74: {  	_ =	shalt  }
0x75: {  	_ =	shalt  }
0x76: {  	_ =	shalt  }
0x77: {  	_ =	shalt  }
0x78: {  	_ =	shalt  }
0x79: {  	_ =	shalt  }
0x7a: {  	_ =	shalt  }
0x7b: {  	_ =	shalt  }
0x7c: {  	_ =	shalt  }
0x7d: {  	_ =	shalt  }
0x7e: {  	_ =	shalt  }
0x7f: {  	_ =	shalt  }
0x80: {  	_ =	shalt  }
0x81: {  	_ =	shalt  }
0x82: {  	_ =	shalt  }
0x83: {  	_ =	shalt  }
0x84: {  	_ =	shalt  }
0x85: {  	_ =	shalt  }
0x86: {  	_ =	shalt  }
0x87: {  	_ =	shalt  }
.Lfunc_end0:
.L_simem_size_0:
called_computation_lowered:
.L_overlay_start_0:
0x88: {  	s2 =	sld [smem:$0x3FD9]  }
0x89: {  	s3 =	sld [smem:$0x3FFE];
	_ =	sdelay $0x1  }
0x8a: {  	s1 =	srdreg.scid  }
0x8b: {  	s0 =	sand.u32 $0x1, s1  }
0x8c: {  	s14 =	sshll.u32 s0, $0xA;
	s2 =	sadd.s32 s3, s2  }
0x8d: {  	s2 =	sadd.s32 s2, s14  }
0x8e: {  	[smem:$0x3FB5] =	sst s2  }
0x8f: {  	_ = 	snop  }
0x90: {  	s2 =	sld [smem:$0x3FD0];
	_ =	sdelay $0x2  }
0x91: {  	s15 =	simm.s32 $0xA;
	s4 =	simm.s32 $0x10  }
0x92: {  	[smem:s4], [sflag:s15] =	dma.local [hbm:s2], $0x1  }
0x93: {  	_ =	swait.eq [sflag:s15], $0x1  }
0x94: {  	[sflag:s15] =	ssyncset.done $0x0  }
0x95: {  	[sflag:s15] =	ssyncadd.s32 $0xFFFFFFFF  }
0x96: {  	s16 =	sld [smem:$0x11];
	(tm) =	ssettm $0x1  }
0x97: {  	s17 =	sld [smem:$0x3FFB];
	_ =	sdelay $0x3  }
0x98: {  	_ =	strace s17  }
0x99: {  	s3 =	sld [smem:$0x3FFC];
	_ =	sdelay $0x3  }
0x9a: {  	_ =	strace s3  }
0x9b: {  	s3 =	sld [smem:$0x3FFD];
	_ =	sdelay $0x3  }
0x9c: {  	_ =	strace s3  }
0x9d: {  	_ =	strace $0x8FFFFFFF  }
0x9e: {  	s18 =	sld [smem:$0x3FDB];
	_ =	sdelay $0x1  }
0x9f: {  	s19 =	simm.s32 $_scs_section_size  }
0xa0: {  	s5 =	simm.s32 $_size__tile_overlayer_lowered;
	s6 =	simm.s32 $_tile_overlayer_lowered  }
0xa1: {  	s22 =	simm.s32 $0x1BFF;
	s21 =	sshll.u32 s6, $0x1;
	s3 =	sadd.s32 s19, s18  }
0xa2: {  	s7 =	simm.s32 $0x0;
	s20 =	sshll.u32 s5, $0x1;
	s5 =	sadd.s32 s21, s3  }
0xa3: {  	[timem:s7], [sflag:s22] =	dma.local [hbm:s5], s20  }
0xa4: {  	_ =	swait.ge [sflag:s22], s20  }
0xa5: {  	s4 =	ssub.s32 $0x0, s20;
	[sflag:s22] =	ssyncset.done $0x0  }
0xa6: {  	[sflag:s22] =	ssyncadd.s32 s4;
	_ =	sdelay $0x1  }
0xa7: {  	s23 =	simm.s32 $0x1B8B  }
0xa8: {  	_ =	swait.ge [sflag:s23], $0x1  }
0xa9: {  	[sflag:s23] =	ssyncset.done $0x0  }
0xaa: {  	s25 =	simm.s32 $0x1B8E;
	s24 =	sld [smem:$0x3FFE];
	[sflag:s23] =	ssyncadd.s32 $0xFFFFFFFF  }
0xab: {  	s26 =	simm.s32 $execute0_lowered;
	[smem:$0x3FD2] =	sst s25  }
0xac: {  	s5 =	sshll.u32 s26, $0x1;
	_ =	strace $0x80000046;
	[dreg:$0x1] =	wrdreg $0xFFFFFFFF  }
0xad: {  	s28 =	simm.s32 $_size_execute0_lowered;
	s3 =	sadd.s32 s3, s5;
	[dreg:$0x0] =	wrdreg $0x0  }
0xae: {  	s5 =	sshll.u32 s28, $0x1;
	[dreg:$0x2] =	wrdreg s3  }
0xaf: {  	[dreg:$0x3] =	wrdreg s5  }
0xb0: {  	[dreg:$0x4] =	wrdreg $0xC0  }
0xb1: {  	_ =	task [dreg:s7], $0x5FFFF  }
0xb2: {  	[dreg:$0x1] =	wrdreg $0xFFFFFFFF  }
0xb3: {  	[dreg:$0x0] =	wrdreg $0x60  }
0xb4: {  	[dreg:$0x2] =	wrdreg s16  }
0xb5: {  	[dreg:$0x3] =	wrdreg s24  }
0xb6: {  	[dreg:$0x4] =	wrdreg $0xD4800  }
0xb7: {  	[dreg:$0x5] =	wrdreg $0x9  }
0xb8: {  	_ =	task.clear_ibuf [dreg:s7], $0x6FFFF;
	_ =	strace $0x90000046  }
0xb9: {  	s29 =	simm.s32 $0x9;
	_ =	strace $0x80000048  }
0xba: {  	_ =	swait.ge [sflag:s29], $0x1  }
0xbb: {  	[sflag:s29] =	ssyncadd.s32 $0xFFFFFFFF  }
0xbc: {  	_ =	strace $0x90000048  }
0xbd: {  	_ =	sfence  }
0xbe: {  	s30 =	sld [smem:$0x0];
	_ =	sdelay $0x2  }
0xbf: {  	s31 =	sshll.u32 s1, $0xD;
	s1 =	sshrl.u32 s1, $0x2  }
0xc0: {  	s3 =	sand.u32 $0x4000, s31;
	s1 =	sadd.s32 s1, s30  }
0xc1: {  	s0 =	sor.u32 s3, s0;
	s1 =	sshll.u32 s1, $0x11  }
0xc2: {  	s0 =	sor.u32 s1, s0  }
0xc3: {  	s0 =	sadd.s32 $0x8F2B, s0  }
0xc4: {  	[sflag:s0] =	ssyncadd.remote.s32 $0x1  }
0xc5: {  	_ =	sfence.sel $0xFFFF  }
0xc6: {  	[dreg:$0x0] =	wrdreg $0xFFFFFFFF;
	(pc) =	sbr.abs _section_cstart, $3  }
0xc7: {  	[dreg:$0x1] =	wrdreg $0xFFFFFFFF  }
0xc8: {  	_ =	task.clear_ibuf [dreg:s7], $0x2FFFF;
	_ =	strace $0x9FFFFFFF  }
0xc9: {  	(tm) =	ssettm $0x7FFFFFFF  }
tec
execute0_lowered:
.L_overlay_start_1:
0x0: {  	(tag) =	ssettag $0x1  }
0x1: {  	s14 =	stileid.u32;
	s4 =	srdreg.scid  }
0x2: {  	s3 =	smul.u32 $0xA28, s14;
	s4 =	sand.u32 $0x1, s4  }
0x3: {  	s0 =	rddreg [dreg:$0x0];
	s6 =	smul.u32 $0x13880, s4  }
0x4: {  	s8 =	sor.u32 $0x10, s14;
	s22 =	ssub.s32 $0x2, s4;
	s4 =	smul.u32 $0x9C400, s4  }
0x5: {  	s2 =	rddreg [dreg:$0x1];
	s12 =	sor.u32 $0x30, s14;
	s17 =	smul.u32 $0x5000, s8  }
0x6: {  	s1 =	simm.s32 $0x0;
	s16 =	sor.u32 $0x40, s14;
	s28 =	smul.u32 $0x1400, s12  }
0x7: {  	[smem:$0x7FF] =	sst s1;
	s18 =	sor.u32 $0x60, s14;
	s29 =	smul.u32 $0x1400, s16  }
0x8: {  	s9 =	sadd.s32 $0x1CE00, s2;
	s19 =	sor.u32 $0x70, s14;
	s31 =	smul.u32 $0x1400, s18  }
0x9: {  	p0 =	sgt.u32 s19, $0x7C;
	s5 =	sadd.s32 s3, s2;
	s7 =	sshrl.u32 s22, $0x1  }
0xa: {  	s3 =	smul.u32 $0x1400, s8;
	s8 =	sor.u32 $0x50, s14;
	s7 =	ssub.s32 s22, s7  }
0xb: {  	s2 =	sadd.s32 s0, s6;
	s6 =	sor.u32 $0x20, s14;
	s0 =	smul.u32 $0x1400, s14  }
0xc: {  	s25 =	sadd.s32 s4, s28;
	s30 =	smul.u32 $0x1400, s8;
	s22 =	sadd.s32 s4, s29  }
0xd: {  	s13 =	sadd.s32 s4, s3;
	s26 =	smul.u32 $0x1400, s6;
	s20 =	sshrl.u32 s25, $0x3  }
0xe: {  	s25 =	sadd.s32 s4, s31;
	s11 =	sadd.s32 s4, s0;
	s13 =	sshrl.u32 s13, $0x3  }
0xf: {  	s21 =	sadd.s32 s9, s20;
	s20 =	smul.u32 $0x5000, s6;
	s11 =	sshrl.u32 s11, $0x3  }
0x10: {  	s23 =	sadd.s32 s9, s13;
	s24 =	sadd.s32 s4, s26;
	s13 =	smul.u32 $0x5000, s18  }
0x11: {  	s10 =	sadd.s32 s9, s11;
	[dreg:$0x5] =	wrdreg s23;
	s11 =	sshrl.u32 s24, $0x3  }
0x12: {  	s23 =	sadd.s32 s4, s30;
	[dreg:$0x4] =	wrdreg s10;
	s10 =	smul.u32 $0x1400, s19  }
0x13: {  	s15 =	sadd.s32 s9, s11;
	s11 =	sshrl.u32 s22, $0x3;
	s22 =	smul.u32 $0x5000, s14  }
0x14: {  	[dreg:$0x7] =	wrdreg s21;
	s24 =	sshrl.u32 s23, $0x3;
	s23 =	smul.u32 $0x5000, s12  }
0x15: {  	s21 =	sadd.s32 $0x12A00, s5;
	s14 =	sadd.s32 $0x8600, s5;
	s12 =	smul.u32 $0x5000, s8  }
0x16: {  	[dreg:$0x6] =	wrdreg s15;
	s11 =	sadd.s32 s9, s11;
	s15 =	sshrl.u32 s25, $0x3  }
0x17: {  	s25 =	smul.u32 $0x5000, s16;
	[dreg:$0x8] =	wrdreg s11;
	s11 =	sadd.s32 s9, s24  }
0x18: {  	s4 =	sadd.s32 s4, s10;
	s6 =	sshrl.u32 s22, $0x2;
	s24 =	sshrl.u32 s17, $0x2  }
0x19: {  	s5 =	sshrl.u32 s23, $0x2;
	[dreg:$0x9] =	wrdreg s11;
	s11 =	sadd.s32 s9, s15  }
0x1a: {  	s22 =	smul.u32 $0x5000, s19;
	s4 =	sshrl.u32 s4, $0x3;
	[dreg:$0xa] =	wrdreg s11  }
0x1b: {  	s23 =	sshrl.u32 s12, $0x2;
	s11 =	rddreg [dreg:$0x2];
	s4 =	sadd.s32 s9, s4  }
0x1c: {  	s15 =	smax.u32 s7, $0x1;
	s7 =	simm.s32 $0x0;
	[dreg:$0xb] =	wrdreg s4  }
0x1d: {  	s16 =	sadd.s32 s6, s11;
	s17 =	sadd.s32 s24, s11;
	s4 =	sshrl.u32 s20, $0x2  }
0x1e: {  	s19 =	sadd.s32 s5, s11;
	s24 =	sshrl.u32 s13, $0x2;
	s26 =	sadd.s32 s26, s11  }
0x1f: {  	s28 =	sadd.s32 s28, s11;
	s29 =	sadd.s32 s29, s11;
	s30 =	sadd.s32 s30, s11  }
0x20: {  	s31 =	sadd.s32 s31, s11;
	s9 =	sadd.s32 s10, s11;
	s5 =	simm.s32 $0xBB80  }
0x21: {  	s6 =	simm.s32 $0x2;
	_ =	strace $0x80000047;
	[dreg:$0xc] =	wrdreg s21  }
0x22: {  	s21 =	sshrl.u32 s25, $0x2;
	s18 =	sadd.s32 s4, s11;
	s25 =	sshrl.u32 s22, $0x2  }
0x23: {  	s22 =	sadd.s32 s24, s11;
	s24 =	sadd.s32 s0, s11;
	s0 =	simm.s32 $0x1  }
0x24: {  	s4 =	simm.s32 $0x64;
	s20 =	sadd.s32 s21, s11;
	s21 =	sadd.s32 s23, s11  }
0x25: {  	v0 =	vimm.f32 $0.0e+00;
	s23 =	sadd.s32 s25, s11;
	s25 =	sadd.s32 s3, s11;
	s3 =	simm.s32 $0xA280  }
.LBB2_1:
0x26: {  	s8 =	rddreg [dreg:$0xc]  }
0x27: {  	[tilespmem:s1], [sflag:$0x1] =	stream.linear.gather [hbm4b:s8+s1], $0x5140, $0x38;
	[tilespmem:$0x170C0] =	vst v63  }
0x28: {  	_ =	swait.ge [sflag:s0], $0x5140  }
0x29: {  	[sflag:s0] =	ssyncset.done $0x0  }
0x2a: {  	s12 =	simm.s32 $0x5140;
	[sflag:s0] =	ssyncadd.s32 $0xFFFFAEC0  }
0x2b: {  	[tilespmem:s12], [sflag:$0x1] =	stream.linear.gather [hbm4b:s14+s1], $0x5140, $0x38;
	[tilespmem:$0x170C0] =	vst v63  }
0x2c: {  	s13 =	sand.u32 $0x7F00, s1;
	s10 =	sand.u32 $0x30, s1;
	_ =	swait.ge [sflag:s0], $0x5140  }
0x2d: {  	s8 =	simm.s32 $0x40;
	s12 =	sshrl.u32 s13, $0x2;
	[sflag:s0] =	ssyncset.done $0x0  }
0x2e: {  	s12 =	sor.u32 s10, s12;
	s10 =	simm.s32 $0x0;
	[sflag:s0] =	ssyncadd.s32 $0xFFFFAEC0  }
.LBB2_2:
0x2f: {  	p1 =	sne.s32 s8, $0x63C0  }
0x30: {  	[tilespmem:s12+$0xA280] =	vst v0;
	s10 =	sadd.s32 $0x10, s10;
	s12 =	smov.u32 s8;
	s8 =	sadd.s32 $0x40, s8  }
.Ltmp0:
0x31: {  	(pc) =	sbr.rel @p1 .LBB2_2-.Ltmp0, $4  }
0x32: {  	_ = 	snop  }
0x33: {  	s12 =	sand.u32 $0x7F00, s12  }
0x34: {  	s13 =	sand.u32 $0x30, s10;
	s12 =	sshrl.u32 s12, $0x2  }
0x35: {  	s12 =	sor.u32 s13, s12  }
0x36: {  	[tilespmem:s12+$0xA280] =	vst v0  }
0x37: {  	[spmem:s16] =	stream.linear.scatter [tilespmem:s3], [sflag:$0x1], $0x1400, $0x38;
	[tilespmem:$0x170C0] =	vst v63  }
0x38: {  	_ =	swait.ge [sflag:s0], $0x1400  }
0x39: {  	[sflag:s0] =	ssyncset.done $0x0  }
0x3a: {  	[sflag:s0] =	ssyncadd.s32 $0xFFFFEC00  }
0x3b: {  	[spmem:s17] =	stream.linear.scatter [tilespmem:s3], [sflag:$0x1], $0x1400, $0x38;
	[tilespmem:$0x170C0] =	vst v63  }
0x3c: {  	_ =	swait.ge [sflag:s0], $0x1400  }
0x3d: {  	[sflag:s0] =	ssyncset.done $0x0  }
0x3e: {  	[sflag:s0] =	ssyncadd.s32 $0xFFFFEC00  }
0x3f: {  	[spmem:s18] =	stream.linear.scatter [tilespmem:s3], [sflag:$0x1], $0x1400, $0x38;
	[tilespmem:$0x170C0] =	vst v63  }
0x40: {  	_ =	swait.ge [sflag:s0], $0x1400  }
0x41: {  	[sflag:s0] =	ssyncset.done $0x0  }
0x42: {  	[sflag:s0] =	ssyncadd.s32 $0xFFFFEC00  }
0x43: {  	[spmem:s19] =	stream.linear.scatter [tilespmem:s3], [sflag:$0x1], $0x1400, $0x38;
	[tilespmem:$0x170C0] =	vst v63  }
0x44: {  	_ =	swait.ge [sflag:s0], $0x1400  }
0x45: {  	[sflag:s0] =	ssyncset.done $0x0  }
0x46: {  	[sflag:s0] =	ssyncadd.s32 $0xFFFFEC00  }
0x47: {  	[spmem:s20] =	stream.linear.scatter [tilespmem:s3], [sflag:$0x1], $0x1400, $0x38;
	[tilespmem:$0x170C0] =	vst v63  }
0x48: {  	_ =	swait.ge [sflag:s0], $0x1400  }
0x49: {  	[sflag:s0] =	ssyncset.done $0x0  }
0x4a: {  	[sflag:s0] =	ssyncadd.s32 $0xFFFFEC00  }
0x4b: {  	[spmem:s21] =	stream.linear.scatter [tilespmem:s3], [sflag:$0x1], $0x1400, $0x38;
	[tilespmem:$0x170C0] =	vst v63  }
0x4c: {  	_ =	swait.ge [sflag:s0], $0x1400  }
0x4d: {  	[sflag:s0] =	ssyncset.done $0x0  }
0x4e: {  	[sflag:s0] =	ssyncadd.s32 $0xFFFFEC00  }
0x4f: {  	[spmem:s22] =	stream.linear.scatter [tilespmem:s3], [sflag:$0x1], $0x1400, $0x38;
	[tilespmem:$0x170C0] =	vst v63  }
0x50: {  	_ =	swait.ge [sflag:s0], $0x1400  }
0x51: {  	[sflag:s0] =	ssyncset.done $0x0  }
0x52: {  	s8 =	simm.s32 @!p0 $0xA280;
	[sflag:s0] =	ssyncadd.s32 $0xFFFFEC00  }
0x53: {  	[spmem:s23] =	stream.linear.scatter @!p0 [tilespmem:s8], [sflag:$0x1], $0x1400, $0x38;
	[tilespmem:$0x170C0] =	vst v63  }
0x54: {  	s8 =	simm.s32 @!p0 $0x1  }
0x55: {  	_ =	swait.ge @!p0 [sflag:s8], $0x1400  }
0x56: {  	[sflag:s8] =	ssyncset.done @!p0 $0x0  }
0x57: {  	[sflag:s8] =	ssyncadd.s32 @!p0 $0xFFFFEC00  }
0x58: {  	s12 =	simm.s32 $0x0;
	[bflag:$0x0] =	sbarrier.arrive $0xFFFF  }
0x59: {  	[tilespmem:s3], [sflag:$0x1] =	stream.indirect.gather [hbm4b:s2+s4], $0x40, s12, s4, $0xb8;
	[tilespmem:$0x170C0] =	vst v63  }
0x5a: {  	_ =	swait.ge [sflag:s0], $0x1900  }
0x5b: {  	[sflag:s0] =	ssyncset.done $0x0  }
0x5c: {  	s13 =	simm.s32 $0x5140;
	[sflag:s0] =	ssyncadd.s32 $0xFFFFE700  }
0x5d: {  	[spmem:s11] =	stream.indirect.scatter.add.f32 [tilespmem:s3], [sflag:$0x1], $0x40, s13, s4, $0xb8;
	[tilespmem:$0x170C0] =	vst v63  }
0x5e: {  	_ =	swait.ge [sflag:s0], $0x1900  }
0x5f: {  	s10 =	simm.s32 $0x340;
	s8 =	simm.s32 $0x1A0;
	[sflag:s0] =	ssyncset.done $0x0  }
.LBB2_4:
0x60: {  	s12 =	sshra.s32 s8, $0x2  }
0x61: {  	[sflag:s0] =	ssyncadd.s32 $0xFFFFE700;
	s8 =	smov.u32 s10;
	s13 =	sadd.s32 $0x1A0, s10  }
0x62: {  	[tilespmem:s3], [sflag:$0x1] =	stream.indirect.gather [hbm4b:s2+s4], $0x40, s12, s4, $0xb8;
	[tilespmem:$0x170C0] =	vst v63  }
0x63: {  	p1 =	sne.s32 s10, $0x14360;
	_ =	swait.ge [sflag:s0], $0x1900  }
.Ltmp1:
0x64: {  	[sflag:s0] =	ssyncset.done $0x0;
	(pc) =	sbr.rel @p1 .LBB2_4-.Ltmp1, $4  }
0x65: {  	s10 =	sadd.s32 $0x5140, s12;
	[sflag:s0] =	ssyncadd.s32 $0xFFFFE700  }
0x66: {  	[spmem:s11] =	stream.indirect.scatter.add.f32 [tilespmem:s3], [sflag:$0x1], $0x40, s10, s4, $0xb8;
	[tilespmem:$0x170C0] =	vst v63  }
0x67: {  	_ =	swait.ge [sflag:s0], $0x1900  }
0x68: {  	s10 =	smov.u32 s13;
	[sflag:s0] =	ssyncset.done $0x0  }
0x69: {  	s8 =	sshra.s32 s8, $0x2;
	[sflag:s0] =	ssyncadd.s32 $0xFFFFE700  }
0x6a: {  	[tilespmem:s3], [sflag:$0x1] =	stream.indirect.gather [hbm4b:s2+s4], $0x40, s8, s4, $0xb8;
	[tilespmem:$0x170C0] =	vst v63  }
0x6b: {  	_ =	swait.ge [sflag:s0], $0x1900  }
0x6c: {  	[sflag:s0] =	ssyncset.done $0x0  }
0x6d: {  	s8 =	sadd.s32 $0x5140, s8;
	[sflag:s0] =	ssyncadd.s32 $0xFFFFE700  }
0x6e: {  	[spmem:s11] =	stream.indirect.scatter.add.f32 [tilespmem:s3], [sflag:$0x1], $0x40, s8, s4, $0xb8;
	[tilespmem:$0x170C0] =	vst v63  }
0x6f: {  	_ =	swait.ge [sflag:s0], $0x1900  }
0x70: {  	[sflag:s0] =	ssyncset.done $0x0  }
0x71: {  	[sflag:s0] =	ssyncadd.s32 $0xFFFFE700  }
0x72: {  	[bflag:$0x0] =	sbarrier.arrive $0xFFFF  }
0x73: {  	[tilespmem:s5], [sflag:$0x2] =	stream.linear.gather [spmem:s24], $0x1400, $0x38;
	[tilespmem:$0x170C0] =	vst v63  }
0x74: {  	_ =	swait.ge [sflag:s6], $0x1400  }
0x75: {  	[sflag:s6] =	ssyncset.done $0x0  }
0x76: {  	s13 =	rddreg [dreg:$0x4];
	[sflag:s6] =	ssyncadd.s32 $0xFFFFEC00  }
0x77: {  	[hbm4b:s13+s1] =	stream.linear.scatter [tilespmem:s5], [sflag:$0x1], $0x1400, $0x38;
	[tilespmem:$0x170C0] =	vst v63  }
0x78: {  	_ =	swait.ge [sflag:s0], $0x1400  }
0x79: {  	[sflag:s0] =	ssyncset.done $0x0  }
0x7a: {  	[sflag:s0] =	ssyncadd.s32 $0xFFFFEC00  }
0x7b: {  	[tilespmem:s5], [sflag:$0x2] =	stream.linear.gather [spmem:s25], $0x1400, $0x38;
	[tilespmem:$0x170C0] =	vst v63  }
0x7c: {  	_ =	swait.ge [sflag:s6], $0x1400  }
0x7d: {  	[sflag:s6] =	ssyncset.done $0x0  }
0x7e: {  	s10 =	rddreg [dreg:$0x5];
	[sflag:s6] =	ssyncadd.s32 $0xFFFFEC00  }
0x7f: {  	[hbm4b:s10+s1] =	stream.linear.scatter [tilespmem:s5], [sflag:$0x1], $0x1400, $0x38;
	[tilespmem:$0x170C0] =	vst v63  }
0x80: {  	_ =	swait.ge [sflag:s0], $0x1400  }
0x81: {  	[sflag:s0] =	ssyncset.done $0x0  }
0x82: {  	[sflag:s0] =	ssyncadd.s32 $0xFFFFEC00  }
0x83: {  	[tilespmem:s5], [sflag:$0x2] =	stream.linear.gather [spmem:s26], $0x1400, $0x38;
	[tilespmem:$0x170C0] =	vst v63  }
0x84: {  	_ =	swait.ge [sflag:s6], $0x1400  }
0x85: {  	[sflag:s6] =	ssyncset.done $0x0  }
0x86: {  	s12 =	rddreg [dreg:$0x6];
	[sflag:s6] =	ssyncadd.s32 $0xFFFFEC00  }
0x87: {  	[hbm4b:s12+s1] =	stream.linear.scatter [tilespmem:s5], [sflag:$0x1], $0x1400, $0x38;
	[tilespmem:$0x170C0] =	vst v63  }
0x88: {  	_ =	swait.ge [sflag:s0], $0x1400  }
0x89: {  	[sflag:s0] =	ssyncset.done $0x0  }
0x8a: {  	[sflag:s0] =	ssyncadd.s32 $0xFFFFEC00  }
0x8b: {  	[tilespmem:s5], [sflag:$0x2] =	stream.linear.gather [spmem:s28], $0x1400, $0x38;
	[tilespmem:$0x170C0] =	vst v63  }
0x8c: {  	_ =	swait.ge [sflag:s6], $0x1400  }
0x8d: {  	[sflag:s6] =	ssyncset.done $0x0  }
0x8e: {  	s13 =	rddreg [dreg:$0x7];
	[sflag:s6] =	ssyncadd.s32 $0xFFFFEC00  }
0x8f: {  	[hbm4b:s13+s1] =	stream.linear.scatter [tilespmem:s5], [sflag:$0x1], $0x1400, $0x38;
	[tilespmem:$0x170C0] =	vst v63  }
0x90: {  	_ =	swait.ge [sflag:s0], $0x1400  }
0x91: {  	[sflag:s0] =	ssyncset.done $0x0  }
0x92: {  	[sflag:s0] =	ssyncadd.s32 $0xFFFFEC00  }
0x93: {  	[tilespmem:s5], [sflag:$0x2] =	stream.linear.gather [spmem:s29], $0x1400, $0x38;
	[tilespmem:$0x170C0] =	vst v63  }
0x94: {  	_ =	swait.ge [sflag:s6], $0x1400  }
0x95: {  	[sflag:s6] =	ssyncset.done $0x0  }
0x96: {  	s10 =	rddreg [dreg:$0x8];
	[sflag:s6] =	ssyncadd.s32 $0xFFFFEC00  }
0x97: {  	[hbm4b:s10+s1] =	stream.linear.scatter [tilespmem:s5], [sflag:$0x1], $0x1400, $0x38;
	[tilespmem:$0x170C0] =	vst v63  }
0x98: {  	_ =	swait.ge [sflag:s0], $0x1400  }
0x99: {  	[sflag:s0] =	ssyncset.done $0x0  }
0x9a: {  	[sflag:s0] =	ssyncadd.s32 $0xFFFFEC00  }
0x9b: {  	[tilespmem:s5], [sflag:$0x2] =	stream.linear.gather [spmem:s30], $0x1400, $0x38;
	[tilespmem:$0x170C0] =	vst v63  }
0x9c: {  	_ =	swait.ge [sflag:s6], $0x1400  }
0x9d: {  	[sflag:s6] =	ssyncset.done $0x0  }
0x9e: {  	s12 =	rddreg [dreg:$0x9];
	[sflag:s6] =	ssyncadd.s32 $0xFFFFEC00  }
0x9f: {  	[hbm4b:s12+s1] =	stream.linear.scatter [tilespmem:s5], [sflag:$0x1], $0x1400, $0x38;
	[tilespmem:$0x170C0] =	vst v63  }
0xa0: {  	_ =	swait.ge [sflag:s0], $0x1400  }
0xa1: {  	[sflag:s0] =	ssyncset.done $0x0  }
0xa2: {  	[sflag:s0] =	ssyncadd.s32 $0xFFFFEC00  }
0xa3: {  	[tilespmem:s5], [sflag:$0x2] =	stream.linear.gather [spmem:s31], $0x1400, $0x38;
	[tilespmem:$0x170C0] =	vst v63  }
0xa4: {  	_ =	swait.ge [sflag:s6], $0x1400  }
0xa5: {  	[sflag:s6] =	ssyncset.done $0x0  }
0xa6: {  	s13 =	rddreg [dreg:$0xa];
	[sflag:s6] =	ssyncadd.s32 $0xFFFFEC00  }
0xa7: {  	[hbm4b:s13+s1] =	stream.linear.scatter [tilespmem:s5], [sflag:$0x1], $0x1400, $0x38;
	[tilespmem:$0x170C0] =	vst v63  }
0xa8: {  	_ =	swait.ge [sflag:s0], $0x1400  }
0xa9: {  	[sflag:s0] =	ssyncset.done $0x0  }
0xaa: {  	s8 =	simm.s32 @!p0 $0xBB80;
	s10 =	simm.s32 @!p0 $0x2;
	[sflag:s0] =	ssyncadd.s32 $0xFFFFEC00  }
0xab: {  	[tilespmem:s8], [sflag:$0x2] =	stream.linear.gather @!p0 [spmem:s9], $0x1400, $0x38;
	[tilespmem:$0x170C0] =	vst v63  }
0xac: {  	s7 =	sadd.s32 $0x1, s7;
	_ =	swait.ge @!p0 [sflag:s10], $0x1400  }
0xad: {  	p1 =	sne.s32 s7, s15;
	[sflag:s10] =	ssyncset.done @!p0 $0x0  }
0xae: {  	s12 =	rddreg [dreg:$0xb];
	[sflag:s10] =	ssyncadd.s32 @!p0 $0xFFFFEC00;
	s10 =	simm.s32 @!p0 $0x0  }
0xaf: {  	[hbm4b:s12+s10] =	stream.linear.scatter @!p0 [tilespmem:s8], [sflag:$0x1], $0x1400, $0x38;
	[tilespmem:$0x170C0] =	vst v63  }
.Ltmp2:
0xb0: {  	_ = 	snop;
	(pc) =	sbr.rel @p1 .LBB2_1-.Ltmp2, $4  }
0xb1: {  	s8 =	simm.s32 @!p0 $0x1  }
0xb2: {  	_ =	swait.ge @!p0 [sflag:s8], $0x1400  }
0xb3: {  	[sflag:s8] =	ssyncset.done @!p0 $0x0  }
0xb4: {  	[sflag:s8] =	ssyncadd.s32 @!p0 $0xFFFFEC00  }
0xb5: {  	_ =	sfence.sel $0x180000  }
0xb6: {  	[bflag:$0x0] =	sbarrier.arrive $0xFFFF  }
0xb7: {  	_ =	strace $0x90000047  }
0xb8: {  	s0 =	stileid.u32;
	[bflag:$0x2] =	sbarrier.arrive $0xFFFF  }
0xb9: {  	p0 =	sne.s32 s0, $0x0;
	s0 =	rddreg [dreg:$0x3]  }
0xba: {  	s0 =	sadd.s32 @!p0 $0x100000, s0  }
0xbb: {  	[sflag:s0] =	ssyncadd.tile.s32 @!p0 $0x1;
	_ =	shalt  }
.Lfunc_end2:
_tile_overlayer_lowered:
.L_overlay_start_2:
0xbc: {  	(tag) =	ssettag $0x2  }
0xbd: {  	s0 =	rddreg [dreg:$0x0];
	s2 =	stileid.u32  }
0xbe: {  	s1 =	rddreg [dreg:$0x1];
	p0 =	sne.s32 s2, $0x0  }
0xbf: {  	s3 =	rddreg [dreg:$0x2];
	[bflag:$0x3] =	sbarrier.arrive $0xFFFF;
	s2 =	simm.s32 @!p0 $0x1C01  }
0xc0: {  	[timem:s3], [sflag:s2] =	dma.local @!p0 [hbm:s0], s1  }
0xc1: {  	s0 =	simm.s32 @!p0 $0x1  }
0xc2: {  	_ =	swait.ge @!p0 [sflag:s0], s1  }
0xc3: {  	s1 =	ssub.s32 @!p0 $0x0, s1;
	[sflag:s0] =	ssyncset.done @!p0 $0x0  }
0xc4: {  	[sflag:s0] =	ssyncadd.s32 @!p0 s1  }
0xc5: {  	[bflag:$0x3] =	sbarrier.arrive $0xFFFF  }
0xc6: {  	_ =	shalt  }

// kernel: kernel.34.cloned.1.call-start
scs
__scs_entry_jumppad:
0x0: {  	(pc) =	sbr.rel $0x88, $3  }
0x1: {  	(tag) =	ssettag $0x0;
	lr =	simm.s32 $0x1  }
0x2: {  	[smem:$0x3F8E] =	sst lr;
	_ =	strace $0xD0000000  }
0x3: {  	_ = 	snop  }
0x4: {  	_ = 	snop  }
0x5: {  	_ = 	snop  }
0x6: {  	_ = 	snop  }
0x7: {  	_ = 	snop  }
__scs_overlays_trampoline_lowered:
0x8: {  	[smem:$0x3F9D] =	sst s0  }
0x9: {  	[smem:$0x3F9E] =	sst s1  }
0xa: {  	[smem:$0x3F9F] =	sst s2  }
0xb: {  	[smem:$0x3FA0] =	sst s3  }
0xc: {  	[smem:$0x3FA1] =	sst s4  }
0xd: {  	[smem:$0x3FA2] =	sst s5  }
0xe: {  	[smem:$0x3FA3] =	sst s6  }
0xf: {  	[smem:$0x3FA4] =	sst s7  }
0x10: {  	[smem:$0x3FA5] =	sst s8  }
0x11: {  	[smem:$0x3FA6] =	sst s9;
	s0 =	simm.s32 @!p0 $0x0  }
0x12: {  	s1 =	sld [smem:$0x3F8C];
	s0 =	simm.s32 @p0 $0x1  }
0x13: {  	[smem:$0x3FA7] =	sst s0;
	s0 =	simm.s32 @!p1 $0x0  }
0x14: {  	s2 =	sld [smem:$0x3F8B];
	s0 =	simm.s32 @p1 $0x1  }
0x15: {  	[smem:$0x3FA8] =	sst s0;
	s0 =	simm.s32 @!p2 $0x0  }
0x16: {  	s3 =	sld [smem:$0x3FDB];
	s0 =	simm.s32 @p2 $0x1  }
0x17: {  	s4 =	simm.s32 $0x1BF5;
	[smem:$0x3FAA] =	sst s0  }
0x18: {  	s0 =	sld [smem:$0x3F8D];
	_ =	swait.ge [sflag:s4], $0x0  }
0x19: {  	s7 =	sld [smem:$0x3F8E]  }
0x1a: {  	s8 =	sadd.s32 $0xFFFFE003, lr  }
0x1b: {  	s9 =	sadd.s32 $0xFFFFFEF7, lr;
	s5 =	simm.s32 $0xFFFFFFFF;
	p2 =	slt.u32 s8, $0xFFFFF086  }
0x1c: {  	p1 =	slt.u32 s9, $0xF7A;
	s5 =	simm.s32 @!p2 $0x0  }
0x1d: {  	s5 =	simm.s32 @p1 $0x1;
	p0 =	seq.s32 s7, s2  }
0x1e: {  	s7 =	smul.u32 @!p0 $0xF7A, s2;
	p2 =	seq.s32 @!p0 s5, $0x0  }
0x1f: {  	s9 =	smul.u32 $0xF7A, s1;
	s8 =	simm.s32 @!p0 $0x1BF5;
	p2 =	por !p2, p0  }
0x20: {  	[sflag:s8] =	ssyncset.s32 @!p0 $0xFFFFF086;
	s6 =	sadd.s32 @!p0 s3, s7;
	s7 =	simm.s32 @!p0 $0x108  }
0x21: {  	s3 =	sadd.s32 s3, s9;
	s6 =	sadd.s32 @!p0 $0x88, s6;
	s7 =	simm.s32 @p2 $0x1082  }
0x22: {  	[simem:s7], [sflag:s8] =	dma.local @!p0 [hbm:s6], $0xF7A  }
0x23: {  	s9 =	sor.u32 $0xD0000000, s2;
	s6 =	simm.s32 $0x108;
	_ =	swait.ge @!p0 [sflag:s8], $0x0  }
0x24: {  	s3 =	sadd.s32 $0x88, s3;
	s6 =	simm.s32 @!p1 $0x1082;
	[sflag:s4] =	ssyncset.s32 $0xFFFFF086  }
0x25: {  	[simem:s6], [sflag:s4] =	dma.local [hbm:s3], $0xF7A  }
0x26: {  	[smem:$0x3F8E] =	sst s1;
	(tag) =	ssettag s2;
	_ =	strace s9  }
0x27: {  	s1 =	sld [smem:$0x3F9E]  }
0x28: {  	s2 =	sld [smem:$0x3F9F]  }
0x29: {  	s4 =	sld [smem:$0x3FA1]  }
0x2a: {  	p0 =	seq.s32 s5, $0x0;
	s5 =	sld [smem:$0x3FA2]  }
0x2b: {  	s6 =	sld [smem:$0x3FA3]  }
0x2c: {  	s7 =	sld [smem:$0x3FA4]  }
0x2d: {  	s3 =	simm.s32 $0x108;
	s8 =	sld [smem:$0x3FA5]  }
0x2e: {  	s3 =	simm.s32 @!p0 $0x1082;
	s9 =	sld [smem:$0x3FA6]  }
0x2f: {  	lr =	sadd.s32 s0, s3;
	s0 =	sld [smem:$0x3F9D]  }
0x30: {  	s3 =	sld [smem:$0x3FA0]  }
0x31: {  	[smem:$0x3FA9] =	sst s10  }
0x32: {  	s10 =	sld [smem:$0x3FA7];
	_ =	sdelay $0x3  }
0x33: {  	p0 =	seq.s32 s10, $0x1;
	s10 =	sld [smem:$0x3FA9];
	_ =	sdelay $0x3  }
0x34: {  	[smem:$0x3FA9] =	sst s10  }
0x35: {  	s10 =	sld [smem:$0x3FA8];
	_ =	sdelay $0x3  }
0x36: {  	p1 =	seq.s32 s10, $0x1;
	s10 =	sld [smem:$0x3FA9];
	_ =	sdelay $0x3  }
0x37: {  	[smem:$0x3FA9] =	sst s10  }
0x38: {  	s10 =	sld [smem:$0x3FAA]  }
0x39: {  	_ = 	snop;
	(pc) =	sbr.ind lr, $3  }
0x3a: {  	_ = 	snop  }
0x3b: {  	_ = 	snop  }
0x3c: {  	p2 =	seq.s32 s10, $0x1;
	s10 =	sld [smem:$0x3FA9]  }
0x3d: {  	_ =	shalt  }
0x3e: {  	_ =	shalt  }
0x3f: {  	_ =	shalt  }
0x40: {  	_ =	shalt  }
0x41: {  	_ =	shalt  }
0x42: {  	_ =	shalt  }
0x43: {  	_ =	shalt  }
0x44: {  	_ =	shalt  }
0x45: {  	_ =	shalt  }
0x46: {  	_ =	shalt  }
0x47: {  	_ =	shalt  }
0x48: {  	_ =	shalt  }
0x49: {  	_ =	shalt  }
0x4a: {  	_ =	shalt  }
0x4b: {  	_ =	shalt  }
0x4c: {  	_ =	shalt  }
0x4d: {  	_ =	shalt  }
0x4e: {  	_ =	shalt  }
0x4f: {  	_ =	shalt  }
0x50: {  	_ =	shalt  }
0x51: {  	_ =	shalt  }
0x52: {  	_ =	shalt  }
0x53: {  	_ =	shalt  }
0x54: {  	_ =	shalt  }
0x55: {  	_ =	shalt  }
0x56: {  	_ =	shalt  }
0x57: {  	_ =	shalt  }
0x58: {  	_ =	shalt  }
0x59: {  	_ =	shalt  }
0x5a: {  	_ =	shalt  }
0x5b: {  	_ =	shalt  }
0x5c: {  	_ =	shalt  }
0x5d: {  	_ =	shalt  }
0x5e: {  	_ =	shalt  }
0x5f: {  	_ =	shalt  }
0x60: {  	_ =	shalt  }
0x61: {  	_ =	shalt  }
0x62: {  	_ =	shalt  }
0x63: {  	_ =	shalt  }
0x64: {  	_ =	shalt  }
0x65: {  	_ =	shalt  }
0x66: {  	_ =	shalt  }
0x67: {  	_ =	shalt  }
0x68: {  	_ =	shalt  }
0x69: {  	_ =	shalt  }
0x6a: {  	_ =	shalt  }
0x6b: {  	_ =	shalt  }
0x6c: {  	_ =	shalt  }
0x6d: {  	_ =	shalt  }
0x6e: {  	_ =	shalt  }
0x6f: {  	_ =	shalt  }
0x70: {  	_ =	shalt  }
0x71: {  	_ =	shalt  }
0x72: {  	_ =	shalt  }
0x73: {  	_ =	shalt  }
0x74: {  	_ =	shalt  }
0x75: {  	_ =	shalt  }
0x76: {  	_ =	shalt  }
0x77: {  	_ =	shalt  }
0x78: {  	_ =	shalt  }
0x79: {  	_ =	shalt  }
0x7a: {  	_ =	shalt  }
0x7b: {  	_ =	shalt  }
0x7c: {  	_ =	shalt  }
0x7d: {  	_ =	shalt  }
0x7e: {  	_ =	shalt  }
0x7f: {  	_ =	shalt  }
0x80: {  	_ =	shalt  }
0x81: {  	_ =	shalt  }
0x82: {  	_ =	shalt  }
0x83: {  	_ =	shalt  }
0x84: {  	_ =	shalt  }
0x85: {  	_ =	shalt  }
0x86: {  	_ =	shalt  }
0x87: {  	_ =	shalt  }
.Lfunc_end0:
.L_simem_size_0:
called_computation.1_lowered:
.L_overlay_start_0:
0x88: {  	s2 =	sld [smem:$0x3FD9]  }
0x89: {  	s3 =	sld [smem:$0x3FFE];
	_ =	sdelay $0x1  }
0x8a: {  	s1 =	srdreg.scid  }
0x8b: {  	s0 =	sand.u32 $0x1, s1  }
0x8c: {  	s14 =	sshll.u32 s0, $0xA;
	s2 =	sadd.s32 s3, s2  }
0x8d: {  	s2 =	sadd.s32 s2, s14  }
0x8e: {  	[smem:$0x3FB5] =	sst s2  }
0x8f: {  	_ = 	snop  }
0x90: {  	s2 =	sld [smem:$0x3FD0];
	_ =	sdelay $0x2  }
0x91: {  	s15 =	simm.s32 $0xA;
	s4 =	simm.s32 $0x10  }
0x92: {  	[smem:s4], [sflag:s15] =	dma.local [hbm:s2], $0x1  }
0x93: {  	_ =	swait.eq [sflag:s15], $0x1  }
0x94: {  	[sflag:s15] =	ssyncset.done $0x0  }
0x95: {  	[sflag:s15] =	ssyncadd.s32 $0xFFFFFFFF  }
0x96: {  	s16 =	sld [smem:$0x11];
	(tm) =	ssettm $0x1  }
0x97: {  	s17 =	sld [smem:$0x3FFB];
	_ =	sdelay $0x3  }
0x98: {  	_ =	strace s17  }
0x99: {  	s3 =	sld [smem:$0x3FFC];
	_ =	sdelay $0x3  }
0x9a: {  	_ =	strace s3  }
0x9b: {  	s3 =	sld [smem:$0x3FFD];
	_ =	sdelay $0x3  }
0x9c: {  	_ =	strace s3  }
0x9d: {  	_ =	strace $0x8FFFFFFF  }
0x9e: {  	s18 =	sld [smem:$0x3FDB];
	_ =	sdelay $0x1  }
0x9f: {  	s19 =	simm.s32 $_scs_section_size  }
0xa0: {  	s5 =	simm.s32 $_size__tile_overlayer_lowered;
	s6 =	simm.s32 $_tile_overlayer_lowered  }
0xa1: {  	s22 =	simm.s32 $0x1BFF;
	s21 =	sshll.u32 s6, $0x1;
	s3 =	sadd.s32 s19, s18  }
0xa2: {  	s7 =	simm.s32 $0x0;
	s20 =	sshll.u32 s5, $0x1;
	s5 =	sadd.s32 s21, s3  }
0xa3: {  	[timem:s7], [sflag:s22] =	dma.local [hbm:s5], s20  }
0xa4: {  	_ =	swait.ge [sflag:s22], s20  }
0xa5: {  	s4 =	ssub.s32 $0x0, s20;
	[sflag:s22] =	ssyncset.done $0x0  }
0xa6: {  	[sflag:s22] =	ssyncadd.s32 s4;
	_ =	sdelay $0x1  }
0xa7: {  	s23 =	simm.s32 $0x1B8B  }
0xa8: {  	_ =	swait.ge [sflag:s23], $0x1  }
0xa9: {  	[sflag:s23] =	ssyncset.done $0x0  }
0xaa: {  	s25 =	simm.s32 $0x1B8E;
	s24 =	sld [smem:$0x3FFE];
	[sflag:s23] =	ssyncadd.s32 $0xFFFFFFFF  }
0xab: {  	s26 =	simm.s32 $execute0_lowered;
	[smem:$0x3FD2] =	sst s25  }
0xac: {  	s5 =	sshll.u32 s26, $0x1;
	_ =	strace $0x80000049;
	[dreg:$0x1] =	wrdreg $0xFFFFFFFF  }
0xad: {  	s28 =	simm.s32 $_size_execute0_lowered;
	s3 =	sadd.s32 s3, s5;
	[dreg:$0x0] =	wrdreg $0x0  }
0xae: {  	s5 =	sshll.u32 s28, $0x1;
	[dreg:$0x2] =	wrdreg s3  }
0xaf: {  	[dreg:$0x3] =	wrdreg s5  }
0xb0: {  	[dreg:$0x4] =	wrdreg $0xC0  }
0xb1: {  	_ =	task [dreg:s7], $0x5FFFF  }
0xb2: {  	[dreg:$0x1] =	wrdreg $0xFFFFFFFF  }
0xb3: {  	[dreg:$0x0] =	wrdreg $0x60  }
0xb4: {  	[dreg:$0x2] =	wrdreg s16  }
0xb5: {  	[dreg:$0x3] =	wrdreg s24  }
0xb6: {  	[dreg:$0x4] =	wrdreg $0xD4800  }
0xb7: {  	[dreg:$0x5] =	wrdreg $0x9  }
0xb8: {  	_ =	task.clear_ibuf [dreg:s7], $0x6FFFF;
	_ =	strace $0x90000049  }
0xb9: {  	s29 =	simm.s32 $0x9;
	_ =	strace $0x8000004B  }
0xba: {  	_ =	swait.ge [sflag:s29], $0x1  }
0xbb: {  	[sflag:s29] =	ssyncadd.s32 $0xFFFFFFFF  }
0xbc: {  	_ =	strace $0x9000004B  }
0xbd: {  	_ =	sfence  }
0xbe: {  	s30 =	sld [smem:$0x0];
	_ =	sdelay $0x2  }
0xbf: {  	s31 =	sshll.u32 s1, $0xD;
	s1 =	sshrl.u32 s1, $0x2  }
0xc0: {  	s3 =	sand.u32 $0x4000, s31;
	s1 =	sadd.s32 s1, s30  }
0xc1: {  	s0 =	sor.u32 s3, s0;
	s1 =	sshll.u32 s1, $0x11  }
0xc2: {  	s0 =	sor.u32 s1, s0  }
0xc3: {  	s0 =	sadd.s32 $0x8F2B, s0  }
0xc4: {  	[sflag:s0] =	ssyncadd.remote.s32 $0x1  }
0xc5: {  	_ =	sfence.sel $0xFFFF  }
0xc6: {  	[dreg:$0x0] =	wrdreg $0xFFFFFFFF;
	(pc) =	sbr.abs _section_cstart, $3  }
0xc7: {  	[dreg:$0x1] =	wrdreg $0xFFFFFFFF  }
0xc8: {  	_ =	task.clear_ibuf [dreg:s7], $0x2FFFF;
	_ =	strace $0x9FFFFFFF  }
0xc9: {  	(tm) =	ssettm $0x7FFFFFFF  }
tec
execute0_lowered:
.L_overlay_start_1:
0x0: {  	(tag) =	ssettag $0x1  }
0x1: {  	s14 =	stileid.u32;
	s4 =	srdreg.scid  }
0x2: {  	s3 =	smul.u32 $0xA28, s14;
	s4 =	sand.u32 $0x1, s4  }
0x3: {  	s0 =	rddreg [dreg:$0x0];
	s6 =	smul.u32 $0x13880, s4  }
0x4: {  	s8 =	sor.u32 $0x10, s14;
	s22 =	ssub.s32 $0x2, s4;
	s4 =	smul.u32 $0x9C400, s4  }
0x5: {  	s2 =	rddreg [dreg:$0x1];
	s12 =	sor.u32 $0x30, s14;
	s17 =	smul.u32 $0x5000, s8  }
0x6: {  	s1 =	simm.s32 $0x0;
	s16 =	sor.u32 $0x40, s14;
	s28 =	smul.u32 $0x1400, s12  }
0x7: {  	[smem:$0x7FF] =	sst s1;
	s18 =	sor.u32 $0x60, s14;
	s29 =	smul.u32 $0x1400, s16  }
0x8: {  	s9 =	sadd.s32 $0x6B000, s2;
	s19 =	sor.u32 $0x70, s14;
	s31 =	smul.u32 $0x1400, s18  }
0x9: {  	p0 =	sgt.u32 s19, $0x7C;
	s5 =	sadd.s32 s3, s2;
	s7 =	sshrl.u32 s22, $0x1  }
0xa: {  	s3 =	smul.u32 $0x1400, s8;
	s8 =	sor.u32 $0x50, s14;
	s7 =	ssub.s32 s22, s7  }
0xb: {  	s2 =	sadd.s32 s0, s6;
	s6 =	sor.u32 $0x20, s14;
	s0 =	smul.u32 $0x1400, s14  }
0xc: {  	s25 =	sadd.s32 s4, s28;
	s30 =	smul.u32 $0x1400, s8;
	s22 =	sadd.s32 s4, s29  }
0xd: {  	s13 =	sadd.s32 s4, s3;
	s26 =	smul.u32 $0x1400, s6;
	s20 =	sshrl.u32 s25, $0x3  }
0xe: {  	s25 =	sadd.s32 s4, s31;
	s11 =	sadd.s32 s4, s0;
	s13 =	sshrl.u32 s13, $0x3  }
0xf: {  	s21 =	sadd.s32 s9, s20;
	s20 =	smul.u32 $0x5000, s6;
	s11 =	sshrl.u32 s11, $0x3  }
0x10: {  	s23 =	sadd.s32 s9, s13;
	s24 =	sadd.s32 s4, s26;
	s13 =	smul.u32 $0x5000, s18  }
0x11: {  	s10 =	sadd.s32 s9, s11;
	[dreg:$0x5] =	wrdreg s23;
	s11 =	sshrl.u32 s24, $0x3  }
0x12: {  	s23 =	sadd.s32 s4, s30;
	[dreg:$0x4] =	wrdreg s10;
	s10 =	smul.u32 $0x1400, s19  }
0x13: {  	s15 =	sadd.s32 s9, s11;
	s11 =	sshrl.u32 s22, $0x3;
	s22 =	smul.u32 $0x5000, s14  }
0x14: {  	[dreg:$0x7] =	wrdreg s21;
	s24 =	sshrl.u32 s23, $0x3;
	s23 =	smul.u32 $0x5000, s12  }
0x15: {  	s21 =	sadd.s32 $0x12A00, s5;
	s14 =	sadd.s32 $0x8600, s5;
	s12 =	smul.u32 $0x5000, s8  }
0x16: {  	[dreg:$0x6] =	wrdreg s15;
	s11 =	sadd.s32 s9, s11;
	s15 =	sshrl.u32 s25, $0x3  }
0x17: {  	s25 =	smul.u32 $0x5000, s16;
	[dreg:$0x8] =	wrdreg s11;
	s11 =	sadd.s32 s9, s24  }
0x18: {  	s4 =	sadd.s32 s4, s10;
	s6 =	sshrl.u32 s22, $0x2;
	s24 =	sshrl.u32 s17, $0x2  }
0x19: {  	s5 =	sshrl.u32 s23, $0x2;
	[dreg:$0x9] =	wrdreg s11;
	s11 =	sadd.s32 s9, s15  }
0x1a: {  	s22 =	smul.u32 $0x5000, s19;
	s4 =	sshrl.u32 s4, $0x3;
	[dreg:$0xa] =	wrdreg s11  }
0x1b: {  	s23 =	sshrl.u32 s12, $0x2;
	s11 =	rddreg [dreg:$0x2];
	s4 =	sadd.s32 s9, s4  }
0x1c: {  	s15 =	smax.u32 s7, $0x1;
	s7 =	simm.s32 $0x0;
	[dreg:$0xb] =	wrdreg s4  }
0x1d: {  	s16 =	sadd.s32 s6, s11;
	s17 =	sadd.s32 s24, s11;
	s4 =	sshrl.u32 s20, $0x2  }
0x1e: {  	s19 =	sadd.s32 s5, s11;
	s24 =	sshrl.u32 s13, $0x2;
	s26 =	sadd.s32 s26, s11  }
0x1f: {  	s28 =	sadd.s32 s28, s11;
	s29 =	sadd.s32 s29, s11;
	s30 =	sadd.s32 s30, s11  }
0x20: {  	s31 =	sadd.s32 s31, s11;
	s9 =	sadd.s32 s10, s11;
	s5 =	simm.s32 $0xBB80  }
0x21: {  	s6 =	simm.s32 $0x2;
	_ =	strace $0x8000004A;
	[dreg:$0xc] =	wrdreg s21  }
0x22: {  	s21 =	sshrl.u32 s25, $0x2;
	s18 =	sadd.s32 s4, s11;
	s25 =	sshrl.u32 s22, $0x2  }
0x23: {  	s22 =	sadd.s32 s24, s11;
	s24 =	sadd.s32 s0, s11;
	s0 =	simm.s32 $0x1  }
0x24: {  	s4 =	simm.s32 $0x64;
	s20 =	sadd.s32 s21, s11;
	s21 =	sadd.s32 s23, s11  }
0x25: {  	v0 =	vimm.f32 $0.0e+00;
	s23 =	sadd.s32 s25, s11;
	s25 =	sadd.s32 s3, s11;
	s3 =	simm.s32 $0xA280  }
.LBB2_1:
0x26: {  	s8 =	rddreg [dreg:$0xc]  }
0x27: {  	[tilespmem:s1], [sflag:$0x1] =	stream.linear.gather [hbm4b:s8+s1], $0x5140, $0x38;
	[tilespmem:$0x170C0] =	vst v63  }
0x28: {  	_ =	swait.ge [sflag:s0], $0x5140  }
0x29: {  	[sflag:s0] =	ssyncset.done $0x0  }
0x2a: {  	s12 =	simm.s32 $0x5140;
	[sflag:s0] =	ssyncadd.s32 $0xFFFFAEC0  }
0x2b: {  	[tilespmem:s12], [sflag:$0x1] =	stream.linear.gather [hbm4b:s14+s1], $0x5140, $0x38;
	[tilespmem:$0x170C0] =	vst v63  }
0x2c: {  	s13 =	sand.u32 $0x7F00, s1;
	s10 =	sand.u32 $0x30, s1;
	_ =	swait.ge [sflag:s0], $0x5140  }
0x2d: {  	s8 =	simm.s32 $0x40;
	s12 =	sshrl.u32 s13, $0x2;
	[sflag:s0] =	ssyncset.done $0x0  }
0x2e: {  	s12 =	sor.u32 s10, s12;
	s10 =	simm.s32 $0x0;
	[sflag:s0] =	ssyncadd.s32 $0xFFFFAEC0  }
.LBB2_2:
0x2f: {  	p1 =	sne.s32 s8, $0x63C0  }
0x30: {  	[tilespmem:s12+$0xA280] =	vst v0;
	s10 =	sadd.s32 $0x10, s10;
	s12 =	smov.u32 s8;
	s8 =	sadd.s32 $0x40, s8  }
.Ltmp0:
0x31: {  	(pc) =	sbr.rel @p1 .LBB2_2-.Ltmp0, $4  }
0x32: {  	_ = 	snop  }
0x33: {  	s12 =	sand.u32 $0x7F00, s12  }
0x34: {  	s13 =	sand.u32 $0x30, s10;
	s12 =	sshrl.u32 s12, $0x2  }
0x35: {  	s12 =	sor.u32 s13, s12  }
0x36: {  	[tilespmem:s12+$0xA280] =	vst v0  }
0x37: {  	[spmem:s16] =	stream.linear.scatter [tilespmem:s3], [sflag:$0x1], $0x1400, $0x38;
	[tilespmem:$0x170C0] =	vst v63  }
0x38: {  	_ =	swait.ge [sflag:s0], $0x1400  }
0x39: {  	[sflag:s0] =	ssyncset.done $0x0  }
0x3a: {  	[sflag:s0] =	ssyncadd.s32 $0xFFFFEC00  }
0x3b: {  	[spmem:s17] =	stream.linear.scatter [tilespmem:s3], [sflag:$0x1], $0x1400, $0x38;
	[tilespmem:$0x170C0] =	vst v63  }
0x3c: {  	_ =	swait.ge [sflag:s0], $0x1400  }
0x3d: {  	[sflag:s0] =	ssyncset.done $0x0  }
0x3e: {  	[sflag:s0] =	ssyncadd.s32 $0xFFFFEC00  }
0x3f: {  	[spmem:s18] =	stream.linear.scatter [tilespmem:s3], [sflag:$0x1], $0x1400, $0x38;
	[tilespmem:$0x170C0] =	vst v63  }
0x40: {  	_ =	swait.ge [sflag:s0], $0x1400  }
0x41: {  	[sflag:s0] =	ssyncset.done $0x0  }
0x42: {  	[sflag:s0] =	ssyncadd.s32 $0xFFFFEC00  }
0x43: {  	[spmem:s19] =	stream.linear.scatter [tilespmem:s3], [sflag:$0x1], $0x1400, $0x38;
	[tilespmem:$0x170C0] =	vst v63  }
0x44: {  	_ =	swait.ge [sflag:s0], $0x1400  }
0x45: {  	[sflag:s0] =	ssyncset.done $0x0  }
0x46: {  	[sflag:s0] =	ssyncadd.s32 $0xFFFFEC00  }
0x47: {  	[spmem:s20] =	stream.linear.scatter [tilespmem:s3], [sflag:$0x1], $0x1400, $0x38;
	[tilespmem:$0x170C0] =	vst v63  }
0x48: {  	_ =	swait.ge [sflag:s0], $0x1400  }
0x49: {  	[sflag:s0] =	ssyncset.done $0x0  }
0x4a: {  	[sflag:s0] =	ssyncadd.s32 $0xFFFFEC00  }
0x4b: {  	[spmem:s21] =	stream.linear.scatter [tilespmem:s3], [sflag:$0x1], $0x1400, $0x38;
	[tilespmem:$0x170C0] =	vst v63  }
0x4c: {  	_ =	swait.ge [sflag:s0], $0x1400  }
0x4d: {  	[sflag:s0] =	ssyncset.done $0x0  }
0x4e: {  	[sflag:s0] =	ssyncadd.s32 $0xFFFFEC00  }
0x4f: {  	[spmem:s22] =	stream.linear.scatter [tilespmem:s3], [sflag:$0x1], $0x1400, $0x38;
	[tilespmem:$0x170C0] =	vst v63  }
0x50: {  	_ =	swait.ge [sflag:s0], $0x1400  }
0x51: {  	[sflag:s0] =	ssyncset.done $0x0  }
0x52: {  	s8 =	simm.s32 @!p0 $0xA280;
	[sflag:s0] =	ssyncadd.s32 $0xFFFFEC00  }
0x53: {  	[spmem:s23] =	stream.linear.scatter @!p0 [tilespmem:s8], [sflag:$0x1], $0x1400, $0x38;
	[tilespmem:$0x170C0] =	vst v63  }
0x54: {  	s8 =	simm.s32 @!p0 $0x1  }
0x55: {  	_ =	swait.ge @!p0 [sflag:s8], $0x1400  }
0x56: {  	[sflag:s8] =	ssyncset.done @!p0 $0x0  }
0x57: {  	[sflag:s8] =	ssyncadd.s32 @!p0 $0xFFFFEC00  }
0x58: {  	s12 =	simm.s32 $0x0;
	[bflag:$0x0] =	sbarrier.arrive $0xFFFF  }
0x59: {  	[tilespmem:s3], [sflag:$0x1] =	stream.indirect.gather [hbm4b:s2+s4], $0x40, s12, s4, $0xb8;
	[tilespmem:$0x170C0] =	vst v63  }
0x5a: {  	_ =	swait.ge [sflag:s0], $0x1900  }
0x5b: {  	[sflag:s0] =	ssyncset.done $0x0  }
0x5c: {  	s13 =	simm.s32 $0x5140;
	[sflag:s0] =	ssyncadd.s32 $0xFFFFE700  }
0x5d: {  	[spmem:s11] =	stream.indirect.scatter.add.f32 [tilespmem:s3], [sflag:$0x1], $0x40, s13, s4, $0xb8;
	[tilespmem:$0x170C0] =	vst v63  }
0x5e: {  	_ =	swait.ge [sflag:s0], $0x1900  }
0x5f: {  	s10 =	simm.s32 $0x340;
	s8 =	simm.s32 $0x1A0;
	[sflag:s0] =	ssyncset.done $0x0  }
.LBB2_4:
0x60: {  	s12 =	sshra.s32 s8, $0x2  }
0x61: {  	[sflag:s0] =	ssyncadd.s32 $0xFFFFE700;
	s8 =	smov.u32 s10;
	s13 =	sadd.s32 $0x1A0, s10  }
0x62: {  	[tilespmem:s3], [sflag:$0x1] =	stream.indirect.gather [hbm4b:s2+s4], $0x40, s12, s4, $0xb8;
	[tilespmem:$0x170C0] =	vst v63  }
0x63: {  	p1 =	sne.s32 s10, $0x14360;
	_ =	swait.ge [sflag:s0], $0x1900  }
.Ltmp1:
0x64: {  	[sflag:s0] =	ssyncset.done $0x0;
	(pc) =	sbr.rel @p1 .LBB2_4-.Ltmp1, $4  }
0x65: {  	s10 =	sadd.s32 $0x5140, s12;
	[sflag:s0] =	ssyncadd.s32 $0xFFFFE700  }
0x66: {  	[spmem:s11] =	stream.indirect.scatter.add.f32 [tilespmem:s3], [sflag:$0x1], $0x40, s10, s4, $0xb8;
	[tilespmem:$0x170C0] =	vst v63  }
0x67: {  	_ =	swait.ge [sflag:s0], $0x1900  }
0x68: {  	s10 =	smov.u32 s13;
	[sflag:s0] =	ssyncset.done $0x0  }
0x69: {  	s8 =	sshra.s32 s8, $0x2;
	[sflag:s0] =	ssyncadd.s32 $0xFFFFE700  }
0x6a: {  	[tilespmem:s3], [sflag:$0x1] =	stream.indirect.gather [hbm4b:s2+s4], $0x40, s8, s4, $0xb8;
	[tilespmem:$0x170C0] =	vst v63  }
0x6b: {  	_ =	swait.ge [sflag:s0], $0x1900  }
0x6c: {  	[sflag:s0] =	ssyncset.done $0x0  }
0x6d: {  	s8 =	sadd.s32 $0x5140, s8;
	[sflag:s0] =	ssyncadd.s32 $0xFFFFE700  }
0x6e: {  	[spmem:s11] =	stream.indirect.scatter.add.f32 [tilespmem:s3], [sflag:$0x1], $0x40, s8, s4, $0xb8;
	[tilespmem:$0x170C0] =	vst v63  }
0x6f: {  	_ =	swait.ge [sflag:s0], $0x1900  }
0x70: {  	[sflag:s0] =	ssyncset.done $0x0  }
0x71: {  	[sflag:s0] =	ssyncadd.s32 $0xFFFFE700  }
0x72: {  	[bflag:$0x0] =	sbarrier.arrive $0xFFFF  }
0x73: {  	[tilespmem:s5], [sflag:$0x2] =	stream.linear.gather [spmem:s24], $0x1400, $0x38;
	[tilespmem:$0x170C0] =	vst v63  }
0x74: {  	_ =	swait.ge [sflag:s6], $0x1400  }
0x75: {  	[sflag:s6] =	ssyncset.done $0x0  }
0x76: {  	s13 =	rddreg [dreg:$0x4];
	[sflag:s6] =	ssyncadd.s32 $0xFFFFEC00  }
0x77: {  	[hbm4b:s13+s1] =	stream.linear.scatter [tilespmem:s5], [sflag:$0x1], $0x1400, $0x38;
	[tilespmem:$0x170C0] =	vst v63  }
0x78: {  	_ =	swait.ge [sflag:s0], $0x1400  }
0x79: {  	[sflag:s0] =	ssyncset.done $0x0  }
0x7a: {  	[sflag:s0] =	ssyncadd.s32 $0xFFFFEC00  }
0x7b: {  	[tilespmem:s5], [sflag:$0x2] =	stream.linear.gather [spmem:s25], $0x1400, $0x38;
	[tilespmem:$0x170C0] =	vst v63  }
0x7c: {  	_ =	swait.ge [sflag:s6], $0x1400  }
0x7d: {  	[sflag:s6] =	ssyncset.done $0x0  }
0x7e: {  	s10 =	rddreg [dreg:$0x5];
	[sflag:s6] =	ssyncadd.s32 $0xFFFFEC00  }
0x7f: {  	[hbm4b:s10+s1] =	stream.linear.scatter [tilespmem:s5], [sflag:$0x1], $0x1400, $0x38;
	[tilespmem:$0x170C0] =	vst v63  }
0x80: {  	_ =	swait.ge [sflag:s0], $0x1400  }
0x81: {  	[sflag:s0] =	ssyncset.done $0x0  }
0x82: {  	[sflag:s0] =	ssyncadd.s32 $0xFFFFEC00  }
0x83: {  	[tilespmem:s5], [sflag:$0x2] =	stream.linear.gather [spmem:s26], $0x1400, $0x38;
	[tilespmem:$0x170C0] =	vst v63  }
0x84: {  	_ =	swait.ge [sflag:s6], $0x1400  }
0x85: {  	[sflag:s6] =	ssyncset.done $0x0  }
0x86: {  	s12 =	rddreg [dreg:$0x6];
	[sflag:s6] =	ssyncadd.s32 $0xFFFFEC00  }
0x87: {  	[hbm4b:s12+s1] =	stream.linear.scatter [tilespmem:s5], [sflag:$0x1], $0x1400, $0x38;
	[tilespmem:$0x170C0] =	vst v63  }
0x88: {  	_ =	swait.ge [sflag:s0], $0x1400  }
0x89: {  	[sflag:s0] =	ssyncset.done $0x0  }
0x8a: {  	[sflag:s0] =	ssyncadd.s32 $0xFFFFEC00  }
0x8b: {  	[tilespmem:s5], [sflag:$0x2] =	stream.linear.gather [spmem:s28], $0x1400, $0x38;
	[tilespmem:$0x170C0] =	vst v63  }
0x8c: {  	_ =	swait.ge [sflag:s6], $0x1400  }
0x8d: {  	[sflag:s6] =	ssyncset.done $0x0  }
0x8e: {  	s13 =	rddreg [dreg:$0x7];
	[sflag:s6] =	ssyncadd.s32 $0xFFFFEC00  }
0x8f: {  	[hbm4b:s13+s1] =	stream.linear.scatter [tilespmem:s5], [sflag:$0x1], $0x1400, $0x38;
	[tilespmem:$0x170C0] =	vst v63  }
0x90: {  	_ =	swait.ge [sflag:s0], $0x1400  }
0x91: {  	[sflag:s0] =	ssyncset.done $0x0  }
0x92: {  	[sflag:s0] =	ssyncadd.s32 $0xFFFFEC00  }
0x93: {  	[tilespmem:s5], [sflag:$0x2] =	stream.linear.gather [spmem:s29], $0x1400, $0x38;
	[tilespmem:$0x170C0] =	vst v63  }
0x94: {  	_ =	swait.ge [sflag:s6], $0x1400  }
0x95: {  	[sflag:s6] =	ssyncset.done $0x0  }
0x96: {  	s10 =	rddreg [dreg:$0x8];
	[sflag:s6] =	ssyncadd.s32 $0xFFFFEC00  }
0x97: {  	[hbm4b:s10+s1] =	stream.linear.scatter [tilespmem:s5], [sflag:$0x1], $0x1400, $0x38;
	[tilespmem:$0x170C0] =	vst v63  }
0x98: {  	_ =	swait.ge [sflag:s0], $0x1400  }
0x99: {  	[sflag:s0] =	ssyncset.done $0x0  }
0x9a: {  	[sflag:s0] =	ssyncadd.s32 $0xFFFFEC00  }
0x9b: {  	[tilespmem:s5], [sflag:$0x2] =	stream.linear.gather [spmem:s30], $0x1400, $0x38;
	[tilespmem:$0x170C0] =	vst v63  }
0x9c: {  	_ =	swait.ge [sflag:s6], $0x1400  }
0x9d: {  	[sflag:s6] =	ssyncset.done $0x0  }
0x9e: {  	s12 =	rddreg [dreg:$0x9];
	[sflag:s6] =	ssyncadd.s32 $0xFFFFEC00  }
0x9f: {  	[hbm4b:s12+s1] =	stream.linear.scatter [tilespmem:s5], [sflag:$0x1], $0x1400, $0x38;
	[tilespmem:$0x170C0] =	vst v63  }
0xa0: {  	_ =	swait.ge [sflag:s0], $0x1400  }
0xa1: {  	[sflag:s0] =	ssyncset.done $0x0  }
0xa2: {  	[sflag:s0] =	ssyncadd.s32 $0xFFFFEC00  }
0xa3: {  	[tilespmem:s5], [sflag:$0x2] =	stream.linear.gather [spmem:s31], $0x1400, $0x38;
	[tilespmem:$0x170C0] =	vst v63  }
0xa4: {  	_ =	swait.ge [sflag:s6], $0x1400  }
0xa5: {  	[sflag:s6] =	ssyncset.done $0x0  }
0xa6: {  	s13 =	rddreg [dreg:$0xa];
	[sflag:s6] =	ssyncadd.s32 $0xFFFFEC00  }
0xa7: {  	[hbm4b:s13+s1] =	stream.linear.scatter [tilespmem:s5], [sflag:$0x1], $0x1400, $0x38;
	[tilespmem:$0x170C0] =	vst v63  }
0xa8: {  	_ =	swait.ge [sflag:s0], $0x1400  }
0xa9: {  	[sflag:s0] =	ssyncset.done $0x0  }
0xaa: {  	s8 =	simm.s32 @!p0 $0xBB80;
	s10 =	simm.s32 @!p0 $0x2;
	[sflag:s0] =	ssyncadd.s32 $0xFFFFEC00  }
0xab: {  	[tilespmem:s8], [sflag:$0x2] =	stream.linear.gather @!p0 [spmem:s9], $0x1400, $0x38;
	[tilespmem:$0x170C0] =	vst v63  }
0xac: {  	s7 =	sadd.s32 $0x1, s7;
	_ =	swait.ge @!p0 [sflag:s10], $0x1400  }
0xad: {  	p1 =	sne.s32 s7, s15;
	[sflag:s10] =	ssyncset.done @!p0 $0x0  }
0xae: {  	s12 =	rddreg [dreg:$0xb];
	[sflag:s10] =	ssyncadd.s32 @!p0 $0xFFFFEC00;
	s10 =	simm.s32 @!p0 $0x0  }
0xaf: {  	[hbm4b:s12+s10] =	stream.linear.scatter @!p0 [tilespmem:s8], [sflag:$0x1], $0x1400, $0x38;
	[tilespmem:$0x170C0] =	vst v63  }
.Ltmp2:
0xb0: {  	_ = 	snop;
	(pc) =	sbr.rel @p1 .LBB2_1-.Ltmp2, $4  }
0xb1: {  	s8 =	simm.s32 @!p0 $0x1  }
0xb2: {  	_ =	swait.ge @!p0 [sflag:s8], $0x1400  }
0xb3: {  	[sflag:s8] =	ssyncset.done @!p0 $0x0  }
0xb4: {  	[sflag:s8] =	ssyncadd.s32 @!p0 $0xFFFFEC00  }
0xb5: {  	_ =	sfence.sel $0x180000  }
0xb6: {  	[bflag:$0x0] =	sbarrier.arrive $0xFFFF  }
0xb7: {  	_ =	strace $0x9000004A  }
0xb8: {  	s0 =	stileid.u32;
	[bflag:$0x2] =	sbarrier.arrive $0xFFFF  }
0xb9: {  	p0 =	sne.s32 s0, $0x0;
	s0 =	rddreg [dreg:$0x3]  }
0xba: {  	s0 =	sadd.s32 @!p0 $0x100000, s0  }
0xbb: {  	[sflag:s0] =	ssyncadd.tile.s32 @!p0 $0x1;
	_ =	shalt  }
.Lfunc_end2:
_tile_overlayer_lowered:
.L_overlay_start_2:
0xbc: {  	(tag) =	ssettag $0x2  }
0xbd: {  	s0 =	rddreg [dreg:$0x0];
	s2 =	stileid.u32  }
0xbe: {  	s1 =	rddreg [dreg:$0x1];
	p0 =	sne.s32 s2, $0x0  }
0xbf: {  	s3 =	rddreg [dreg:$0x2];
	[bflag:$0x3] =	sbarrier.arrive $0xFFFF;
	s2 =	simm.s32 @!p0 $0x1C01  }
0xc0: {  	[timem:s3], [sflag:s2] =	dma.local @!p0 [hbm:s0], s1  }
0xc1: {  	s0 =	simm.s32 @!p0 $0x1  }
0xc2: {  	_ =	swait.ge @!p0 [sflag:s0], s1  }
0xc3: {  	s1 =	ssub.s32 @!p0 $0x0, s1;
	[sflag:s0] =	ssyncset.done @!p0 $0x0  }
0xc4: {  	[sflag:s0] =	ssyncadd.s32 @!p0 s1  }
0xc5: {  	[bflag:$0x3] =	sbarrier.arrive $0xFFFF  }
0xc6: {  	_ =	shalt  }

// kernel: kernel.37.cloned.1.call-start
scs
__scs_entry_jumppad:
0x0: {  	(pc) =	sbr.rel $0x88, $3  }
0x1: {  	(tag) =	ssettag $0x0;
	lr =	simm.s32 $0x1  }
0x2: {  	[smem:$0x3F8E] =	sst lr;
	_ =	strace $0xD0000000  }
0x3: {  	_ = 	snop  }
0x4: {  	_ = 	snop  }
0x5: {  	_ = 	snop  }
0x6: {  	_ = 	snop  }
0x7: {  	_ = 	snop  }
__scs_overlays_trampoline_lowered:
0x8: {  	[smem:$0x3F9D] =	sst s0  }
0x9: {  	[smem:$0x3F9E] =	sst s1  }
0xa: {  	[smem:$0x3F9F] =	sst s2  }
0xb: {  	[smem:$0x3FA0] =	sst s3  }
0xc: {  	[smem:$0x3FA1] =	sst s4  }
0xd: {  	[smem:$0x3FA2] =	sst s5  }
0xe: {  	[smem:$0x3FA3] =	sst s6  }
0xf: {  	[smem:$0x3FA4] =	sst s7  }
0x10: {  	[smem:$0x3FA5] =	sst s8  }
0x11: {  	[smem:$0x3FA6] =	sst s9;
	s0 =	simm.s32 @!p0 $0x0  }
0x12: {  	s1 =	sld [smem:$0x3F8C];
	s0 =	simm.s32 @p0 $0x1  }
0x13: {  	[smem:$0x3FA7] =	sst s0;
	s0 =	simm.s32 @!p1 $0x0  }
0x14: {  	s2 =	sld [smem:$0x3F8B];
	s0 =	simm.s32 @p1 $0x1  }
0x15: {  	[smem:$0x3FA8] =	sst s0;
	s0 =	simm.s32 @!p2 $0x0  }
0x16: {  	s3 =	sld [smem:$0x3FDB];
	s0 =	simm.s32 @p2 $0x1  }
0x17: {  	s4 =	simm.s32 $0x1BF5;
	[smem:$0x3FAA] =	sst s0  }
0x18: {  	s0 =	sld [smem:$0x3F8D];
	_ =	swait.ge [sflag:s4], $0x0  }
0x19: {  	s7 =	sld [smem:$0x3F8E]  }
0x1a: {  	s8 =	sadd.s32 $0xFFFFE003, lr  }
0x1b: {  	s9 =	sadd.s32 $0xFFFFFEF7, lr;
	s5 =	simm.s32 $0xFFFFFFFF;
	p2 =	slt.u32 s8, $0xFFFFF086  }
0x1c: {  	p1 =	slt.u32 s9, $0xF7A;
	s5 =	simm.s32 @!p2 $0x0  }
0x1d: {  	s5 =	simm.s32 @p1 $0x1;
	p0 =	seq.s32 s7, s2  }
0x1e: {  	s7 =	smul.u32 @!p0 $0xF7A, s2;
	p2 =	seq.s32 @!p0 s5, $0x0  }
0x1f: {  	s9 =	smul.u32 $0xF7A, s1;
	s8 =	simm.s32 @!p0 $0x1BF5;
	p2 =	por !p2, p0  }
0x20: {  	[sflag:s8] =	ssyncset.s32 @!p0 $0xFFFFF086;
	s6 =	sadd.s32 @!p0 s3, s7;
	s7 =	simm.s32 @!p0 $0x108  }
0x21: {  	s3 =	sadd.s32 s3, s9;
	s6 =	sadd.s32 @!p0 $0x88, s6;
	s7 =	simm.s32 @p2 $0x1082  }
0x22: {  	[simem:s7], [sflag:s8] =	dma.local @!p0 [hbm:s6], $0xF7A  }
0x23: {  	s9 =	sor.u32 $0xD0000000, s2;
	s6 =	simm.s32 $0x108;
	_ =	swait.ge @!p0 [sflag:s8], $0x0  }
0x24: {  	s3 =	sadd.s32 $0x88, s3;
	s6 =	simm.s32 @!p1 $0x1082;
	[sflag:s4] =	ssyncset.s32 $0xFFFFF086  }
0x25: {  	[simem:s6], [sflag:s4] =	dma.local [hbm:s3], $0xF7A  }
0x26: {  	[smem:$0x3F8E] =	sst s1;
	(tag) =	ssettag s2;
	_ =	strace s9  }
0x27: {  	s1 =	sld [smem:$0x3F9E]  }
0x28: {  	s2 =	sld [smem:$0x3F9F]  }
0x29: {  	s4 =	sld [smem:$0x3FA1]  }
0x2a: {  	p0 =	seq.s32 s5, $0x0;
	s5 =	sld [smem:$0x3FA2]  }
0x2b: {  	s6 =	sld [smem:$0x3FA3]  }
0x2c: {  	s7 =	sld [smem:$0x3FA4]  }
0x2d: {  	s3 =	simm.s32 $0x108;
	s8 =	sld [smem:$0x3FA5]  }
0x2e: {  	s3 =	simm.s32 @!p0 $0x1082;
	s9 =	sld [smem:$0x3FA6]  }
0x2f: {  	lr =	sadd.s32 s0, s3;
	s0 =	sld [smem:$0x3F9D]  }
0x30: {  	s3 =	sld [smem:$0x3FA0]  }
0x31: {  	[smem:$0x3FA9] =	sst s10  }
0x32: {  	s10 =	sld [smem:$0x3FA7];
	_ =	sdelay $0x3  }
0x33: {  	p0 =	seq.s32 s10, $0x1;
	s10 =	sld [smem:$0x3FA9];
	_ =	sdelay $0x3  }
0x34: {  	[smem:$0x3FA9] =	sst s10  }
0x35: {  	s10 =	sld [smem:$0x3FA8];
	_ =	sdelay $0x3  }
0x36: {  	p1 =	seq.s32 s10, $0x1;
	s10 =	sld [smem:$0x3FA9];
	_ =	sdelay $0x3  }
0x37: {  	[smem:$0x3FA9] =	sst s10  }
0x38: {  	s10 =	sld [smem:$0x3FAA]  }
0x39: {  	_ = 	snop;
	(pc) =	sbr.ind lr, $3  }
0x3a: {  	_ = 	snop  }
0x3b: {  	_ = 	snop  }
0x3c: {  	p2 =	seq.s32 s10, $0x1;
	s10 =	sld [smem:$0x3FA9]  }
0x3d: {  	_ =	shalt  }
0x3e: {  	_ =	shalt  }
0x3f: {  	_ =	shalt  }
0x40: {  	_ =	shalt  }
0x41: {  	_ =	shalt  }
0x42: {  	_ =	shalt  }
0x43: {  	_ =	shalt  }
0x44: {  	_ =	shalt  }
0x45: {  	_ =	shalt  }
0x46: {  	_ =	shalt  }
0x47: {  	_ =	shalt  }
0x48: {  	_ =	shalt  }
0x49: {  	_ =	shalt  }
0x4a: {  	_ =	shalt  }
0x4b: {  	_ =	shalt  }
0x4c: {  	_ =	shalt  }
0x4d: {  	_ =	shalt  }
0x4e: {  	_ =	shalt  }
0x4f: {  	_ =	shalt  }
0x50: {  	_ =	shalt  }
0x51: {  	_ =	shalt  }
0x52: {  	_ =	shalt  }
0x53: {  	_ =	shalt  }
0x54: {  	_ =	shalt  }
0x55: {  	_ =	shalt  }
0x56: {  	_ =	shalt  }
0x57: {  	_ =	shalt  }
0x58: {  	_ =	shalt  }
0x59: {  	_ =	shalt  }
0x5a: {  	_ =	shalt  }
0x5b: {  	_ =	shalt  }
0x5c: {  	_ =	shalt  }
0x5d: {  	_ =	shalt  }
0x5e: {  	_ =	shalt  }
0x5f: {  	_ =	shalt  }
0x60: {  	_ =	shalt  }
0x61: {  	_ =	shalt  }
0x62: {  	_ =	shalt  }
0x63: {  	_ =	shalt  }
0x64: {  	_ =	shalt  }
0x65: {  	_ =	shalt  }
0x66: {  	_ =	shalt  }
0x67: {  	_ =	shalt  }
0x68: {  	_ =	shalt  }
0x69: {  	_ =	shalt  }
0x6a: {  	_ =	shalt  }
0x6b: {  	_ =	shalt  }
0x6c: {  	_ =	shalt  }
0x6d: {  	_ =	shalt  }
0x6e: {  	_ =	shalt  }
0x6f: {  	_ =	shalt  }
0x70: {  	_ =	shalt  }
0x71: {  	_ =	shalt  }
0x72: {  	_ =	shalt  }
0x73: {  	_ =	shalt  }
0x74: {  	_ =	shalt  }
0x75: {  	_ =	shalt  }
0x76: {  	_ =	shalt  }
0x77: {  	_ =	shalt  }
0x78: {  	_ =	shalt  }
0x79: {  	_ =	shalt  }
0x7a: {  	_ =	shalt  }
0x7b: {  	_ =	shalt  }
0x7c: {  	_ =	shalt  }
0x7d: {  	_ =	shalt  }
0x7e: {  	_ =	shalt  }
0x7f: {  	_ =	shalt  }
0x80: {  	_ =	shalt  }
0x81: {  	_ =	shalt  }
0x82: {  	_ =	shalt  }
0x83: {  	_ =	shalt  }
0x84: {  	_ =	shalt  }
0x85: {  	_ =	shalt  }
0x86: {  	_ =	shalt  }
0x87: {  	_ =	shalt  }
.Lfunc_end0:
.L_simem_size_0:
called_computation.2_lowered:
.L_overlay_start_0:
0x88: {  	s2 =	sld [smem:$0x3FD9]  }
0x89: {  	s3 =	sld [smem:$0x3FFE];
	_ =	sdelay $0x1  }
0x8a: {  	s1 =	srdreg.scid  }
0x8b: {  	s0 =	sand.u32 $0x1, s1  }
0x8c: {  	s14 =	sshll.u32 s0, $0xA;
	s2 =	sadd.s32 s3, s2  }
0x8d: {  	s2 =	sadd.s32 s2, s14  }
0x8e: {  	[smem:$0x3FB5] =	sst s2  }
0x8f: {  	_ = 	snop  }
0x90: {  	s2 =	sld [smem:$0x3FD0];
	_ =	sdelay $0x2  }
0x91: {  	s15 =	simm.s32 $0xA;
	s4 =	simm.s32 $0x10  }
0x92: {  	[smem:s4], [sflag:s15] =	dma.local [hbm:s2], $0x1  }
0x93: {  	_ =	swait.eq [sflag:s15], $0x1  }
0x94: {  	[sflag:s15] =	ssyncset.done $0x0  }
0x95: {  	[sflag:s15] =	ssyncadd.s32 $0xFFFFFFFF  }
0x96: {  	s16 =	sld [smem:$0x11];
	(tm) =	ssettm $0x1  }
0x97: {  	s17 =	sld [smem:$0x3FFB];
	_ =	sdelay $0x3  }
0x98: {  	_ =	strace s17  }
0x99: {  	s3 =	sld [smem:$0x3FFC];
	_ =	sdelay $0x3  }
0x9a: {  	_ =	strace s3  }
0x9b: {  	s3 =	sld [smem:$0x3FFD];
	_ =	sdelay $0x3  }
0x9c: {  	_ =	strace s3  }
0x9d: {  	_ =	strace $0x8FFFFFFF  }
0x9e: {  	s18 =	sld [smem:$0x3FDB];
	_ =	sdelay $0x1  }
0x9f: {  	s19 =	simm.s32 $_scs_section_size  }
0xa0: {  	s5 =	simm.s32 $_size__tile_overlayer_lowered;
	s6 =	simm.s32 $_tile_overlayer_lowered  }
0xa1: {  	s22 =	simm.s32 $0x1BFF;
	s21 =	sshll.u32 s6, $0x1;
	s3 =	sadd.s32 s19, s18  }
0xa2: {  	s7 =	simm.s32 $0x0;
	s20 =	sshll.u32 s5, $0x1;
	s5 =	sadd.s32 s21, s3  }
0xa3: {  	[timem:s7], [sflag:s22] =	dma.local [hbm:s5], s20  }
0xa4: {  	_ =	swait.ge [sflag:s22], s20  }
0xa5: {  	s4 =	ssub.s32 $0x0, s20;
	[sflag:s22] =	ssyncset.done $0x0  }
0xa6: {  	[sflag:s22] =	ssyncadd.s32 s4;
	_ =	sdelay $0x1  }
0xa7: {  	s23 =	simm.s32 $0x1B8B  }
0xa8: {  	_ =	swait.ge [sflag:s23], $0x1  }
0xa9: {  	[sflag:s23] =	ssyncset.done $0x0  }
0xaa: {  	s25 =	simm.s32 $0x1B8E;
	s24 =	sld [smem:$0x3FFE];
	[sflag:s23] =	ssyncadd.s32 $0xFFFFFFFF  }
0xab: {  	s26 =	simm.s32 $execute0_lowered;
	[smem:$0x3FD2] =	sst s25  }
0xac: {  	s5 =	sshll.u32 s26, $0x1;
	_ =	strace $0x8000004C;
	[dreg:$0x1] =	wrdreg $0xFFFFFFFF  }
0xad: {  	s28 =	simm.s32 $_size_execute0_lowered;
	s3 =	sadd.s32 s3, s5;
	[dreg:$0x0] =	wrdreg $0x0  }
0xae: {  	s5 =	sshll.u32 s28, $0x1;
	[dreg:$0x2] =	wrdreg s3  }
0xaf: {  	[dreg:$0x3] =	wrdreg s5  }
0xb0: {  	[dreg:$0x4] =	wrdreg $0xC0  }
0xb1: {  	_ =	task [dreg:s7], $0x5FFFF  }
0xb2: {  	[dreg:$0x1] =	wrdreg $0xFFFFFFFF  }
0xb3: {  	[dreg:$0x0] =	wrdreg $0x60  }
0xb4: {  	[dreg:$0x2] =	wrdreg s16  }
0xb5: {  	[dreg:$0x3] =	wrdreg s24  }
0xb6: {  	[dreg:$0x4] =	wrdreg $0xD4800  }
0xb7: {  	[dreg:$0x5] =	wrdreg $0x9  }
0xb8: {  	_ =	task.clear_ibuf [dreg:s7], $0x6FFFF;
	_ =	strace $0x9000004C  }
0xb9: {  	s29 =	simm.s32 $0x9;
	_ =	strace $0x8000004E  }
0xba: {  	_ =	swait.ge [sflag:s29], $0x1  }
0xbb: {  	[sflag:s29] =	ssyncadd.s32 $0xFFFFFFFF  }
0xbc: {  	_ =	strace $0x9000004E  }
0xbd: {  	_ =	sfence  }
0xbe: {  	s30 =	sld [smem:$0x0];
	_ =	sdelay $0x2  }
0xbf: {  	s31 =	sshll.u32 s1, $0xD;
	s1 =	sshrl.u32 s1, $0x2  }
0xc0: {  	s3 =	sand.u32 $0x4000, s31;
	s1 =	sadd.s32 s1, s30  }
0xc1: {  	s0 =	sor.u32 s3, s0;
	s1 =	sshll.u32 s1, $0x11  }
0xc2: {  	s0 =	sor.u32 s1, s0  }
0xc3: {  	s0 =	sadd.s32 $0x8F2B, s0  }
0xc4: {  	[sflag:s0] =	ssyncadd.remote.s32 $0x1  }
0xc5: {  	_ =	sfence.sel $0xFFFF  }
0xc6: {  	[dreg:$0x0] =	wrdreg $0xFFFFFFFF;
	(pc) =	sbr.abs _section_cstart, $3  }
0xc7: {  	[dreg:$0x1] =	wrdreg $0xFFFFFFFF  }
0xc8: {  	_ =	task.clear_ibuf [dreg:s7], $0x2FFFF;
	_ =	strace $0x9FFFFFFF  }
0xc9: {  	(tm) =	ssettm $0x7FFFFFFF  }
tec
execute0_lowered:
.L_overlay_start_1:
0x0: {  	(tag) =	ssettag $0x1  }
0x1: {  	s14 =	stileid.u32;
	s4 =	srdreg.scid  }
0x2: {  	s3 =	smul.u32 $0xA28, s14;
	s4 =	sand.u32 $0x1, s4  }
0x3: {  	s0 =	rddreg [dreg:$0x0];
	s6 =	smul.u32 $0x13880, s4  }
0x4: {  	s8 =	sor.u32 $0x10, s14;
	s22 =	ssub.s32 $0x2, s4;
	s4 =	smul.u32 $0x9C400, s4  }
0x5: {  	s2 =	rddreg [dreg:$0x1];
	s12 =	sor.u32 $0x30, s14;
	s17 =	smul.u32 $0x5000, s8  }
0x6: {  	s1 =	simm.s32 $0x0;
	s16 =	sor.u32 $0x40, s14;
	s28 =	smul.u32 $0x1400, s12  }
0x7: {  	[smem:$0x7FF] =	sst s1;
	s18 =	sor.u32 $0x60, s14;
	s29 =	smul.u32 $0x1400, s16  }
0x8: {  	s9 =	sadd.s32 $0x6B000, s2;
	s19 =	sor.u32 $0x70, s14;
	s31 =	smul.u32 $0x1400, s18  }
0x9: {  	p0 =	sgt.u32 s19, $0x7C;
	s5 =	sadd.s32 s3, s2;
	s7 =	sshrl.u32 s22, $0x1  }
0xa: {  	s3 =	smul.u32 $0x1400, s8;
	s8 =	sor.u32 $0x50, s14;
	s7 =	ssub.s32 s22, s7  }
0xb: {  	s2 =	sadd.s32 s0, s6;
	s6 =	sor.u32 $0x20, s14;
	s0 =	smul.u32 $0x1400, s14  }
0xc: {  	s25 =	sadd.s32 s4, s28;
	s30 =	smul.u32 $0x1400, s8;
	s22 =	sadd.s32 s4, s29  }
0xd: {  	s13 =	sadd.s32 s4, s3;
	s26 =	smul.u32 $0x1400, s6;
	s20 =	sshrl.u32 s25, $0x3  }
0xe: {  	s25 =	sadd.s32 s4, s31;
	s11 =	sadd.s32 s4, s0;
	s13 =	sshrl.u32 s13, $0x3  }
0xf: {  	s21 =	sadd.s32 s9, s20;
	s20 =	smul.u32 $0x5000, s6;
	s11 =	sshrl.u32 s11, $0x3  }
0x10: {  	s23 =	sadd.s32 s9, s13;
	s24 =	sadd.s32 s4, s26;
	s13 =	smul.u32 $0x5000, s18  }
0x11: {  	s10 =	sadd.s32 s9, s11;
	[dreg:$0x5] =	wrdreg s23;
	s11 =	sshrl.u32 s24, $0x3  }
0x12: {  	s23 =	sadd.s32 s4, s30;
	[dreg:$0x4] =	wrdreg s10;
	s10 =	smul.u32 $0x1400, s19  }
0x13: {  	s15 =	sadd.s32 s9, s11;
	s11 =	sshrl.u32 s22, $0x3;
	s22 =	smul.u32 $0x5000, s14  }
0x14: {  	[dreg:$0x7] =	wrdreg s21;
	s24 =	sshrl.u32 s23, $0x3;
	s23 =	smul.u32 $0x5000, s12  }
0x15: {  	s21 =	sadd.s32 $0x12A00, s5;
	s14 =	sadd.s32 $0x8600, s5;
	s12 =	smul.u32 $0x5000, s8  }
0x16: {  	[dreg:$0x6] =	wrdreg s15;
	s11 =	sadd.s32 s9, s11;
	s15 =	sshrl.u32 s25, $0x3  }
0x17: {  	s25 =	smul.u32 $0x5000, s16;
	[dreg:$0x8] =	wrdreg s11;
	s11 =	sadd.s32 s9, s24  }
0x18: {  	s4 =	sadd.s32 s4, s10;
	s6 =	sshrl.u32 s22, $0x2;
	s24 =	sshrl.u32 s17, $0x2  }
0x19: {  	s5 =	sshrl.u32 s23, $0x2;
	[dreg:$0x9] =	wrdreg s11;
	s11 =	sadd.s32 s9, s15  }
0x1a: {  	s22 =	smul.u32 $0x5000, s19;
	s4 =	sshrl.u32 s4, $0x3;
	[dreg:$0xa] =	wrdreg s11  }
0x1b: {  	s23 =	sshrl.u32 s12, $0x2;
	s11 =	rddreg [dreg:$0x2];
	s4 =	sadd.s32 s9, s4  }
0x1c: {  	s15 =	smax.u32 s7, $0x1;
	s7 =	simm.s32 $0x0;
	[dreg:$0xb] =	wrdreg s4  }
0x1d: {  	s16 =	sadd.s32 s6, s11;
	s17 =	sadd.s32 s24, s11;
	s4 =	sshrl.u32 s20, $0x2  }
0x1e: {  	s19 =	sadd.s32 s5, s11;
	s24 =	sshrl.u32 s13, $0x2;
	s26 =	sadd.s32 s26, s11  }
0x1f: {  	s28 =	sadd.s32 s28, s11;
	s29 =	sadd.s32 s29, s11;
	s30 =	sadd.s32 s30, s11  }
0x20: {  	s31 =	sadd.s32 s31, s11;
	s9 =	sadd.s32 s10, s11;
	s5 =	simm.s32 $0xBB80  }
0x21: {  	s6 =	simm.s32 $0x2;
	_ =	strace $0x8000004D;
	[dreg:$0xc] =	wrdreg s21  }
0x22: {  	s21 =	sshrl.u32 s25, $0x2;
	s18 =	sadd.s32 s4, s11;
	s25 =	sshrl.u32 s22, $0x2  }
0x23: {  	s22 =	sadd.s32 s24, s11;
	s24 =	sadd.s32 s0, s11;
	s0 =	simm.s32 $0x1  }
0x24: {  	s4 =	simm.s32 $0x64;
	s20 =	sadd.s32 s21, s11;
	s21 =	sadd.s32 s23, s11  }
0x25: {  	v0 =	vimm.f32 $0.0e+00;
	s23 =	sadd.s32 s25, s11;
	s25 =	sadd.s32 s3, s11;
	s3 =	simm.s32 $0xA280  }
.LBB2_1:
0x26: {  	s8 =	rddreg [dreg:$0xc]  }
0x27: {  	[tilespmem:s1], [sflag:$0x1] =	stream.linear.gather [hbm4b:s8+s1], $0x5140, $0x38;
	[tilespmem:$0x170C0] =	vst v63  }
0x28: {  	_ =	swait.ge [sflag:s0], $0x5140  }
0x29: {  	[sflag:s0] =	ssyncset.done $0x0  }
0x2a: {  	s12 =	simm.s32 $0x5140;
	[sflag:s0] =	ssyncadd.s32 $0xFFFFAEC0  }
0x2b: {  	[tilespmem:s12], [sflag:$0x1] =	stream.linear.gather [hbm4b:s14+s1], $0x5140, $0x38;
	[tilespmem:$0x170C0] =	vst v63  }
0x2c: {  	s13 =	sand.u32 $0x7F00, s1;
	s10 =	sand.u32 $0x30, s1;
	_ =	swait.ge [sflag:s0], $0x5140  }
0x2d: {  	s8 =	simm.s32 $0x40;
	s12 =	sshrl.u32 s13, $0x2;
	[sflag:s0] =	ssyncset.done $0x0  }
0x2e: {  	s12 =	sor.u32 s10, s12;
	s10 =	simm.s32 $0x0;
	[sflag:s0] =	ssyncadd.s32 $0xFFFFAEC0  }
.LBB2_2:
0x2f: {  	p1 =	sne.s32 s8, $0x63C0  }
0x30: {  	[tilespmem:s12+$0xA280] =	vst v0;
	s10 =	sadd.s32 $0x10, s10;
	s12 =	smov.u32 s8;
	s8 =	sadd.s32 $0x40, s8  }
.Ltmp0:
0x31: {  	(pc) =	sbr.rel @p1 .LBB2_2-.Ltmp0, $4  }
0x32: {  	_ = 	snop  }
0x33: {  	s12 =	sand.u32 $0x7F00, s12  }
0x34: {  	s13 =	sand.u32 $0x30, s10;
	s12 =	sshrl.u32 s12, $0x2  }
0x35: {  	s12 =	sor.u32 s13, s12  }
0x36: {  	[tilespmem:s12+$0xA280] =	vst v0  }
0x37: {  	[spmem:s16] =	stream.linear.scatter [tilespmem:s3], [sflag:$0x1], $0x1400, $0x38;
	[tilespmem:$0x170C0] =	vst v63  }
0x38: {  	_ =	swait.ge [sflag:s0], $0x1400  }
0x39: {  	[sflag:s0] =	ssyncset.done $0x0  }
0x3a: {  	[sflag:s0] =	ssyncadd.s32 $0xFFFFEC00  }
0x3b: {  	[spmem:s17] =	stream.linear.scatter [tilespmem:s3], [sflag:$0x1], $0x1400, $0x38;
	[tilespmem:$0x170C0] =	vst v63  }
0x3c: {  	_ =	swait.ge [sflag:s0], $0x1400  }
0x3d: {  	[sflag:s0] =	ssyncset.done $0x0  }
0x3e: {  	[sflag:s0] =	ssyncadd.s32 $0xFFFFEC00  }
0x3f: {  	[spmem:s18] =	stream.linear.scatter [tilespmem:s3], [sflag:$0x1], $0x1400, $0x38;
	[tilespmem:$0x170C0] =	vst v63  }
0x40: {  	_ =	swait.ge [sflag:s0], $0x1400  }
0x41: {  	[sflag:s0] =	ssyncset.done $0x0  }
0x42: {  	[sflag:s0] =	ssyncadd.s32 $0xFFFFEC00  }
0x43: {  	[spmem:s19] =	stream.linear.scatter [tilespmem:s3], [sflag:$0x1], $0x1400, $0x38;
	[tilespmem:$0x170C0] =	vst v63  }
0x44: {  	_ =	swait.ge [sflag:s0], $0x1400  }
0x45: {  	[sflag:s0] =	ssyncset.done $0x0  }
0x46: {  	[sflag:s0] =	ssyncadd.s32 $0xFFFFEC00  }
0x47: {  	[spmem:s20] =	stream.linear.scatter [tilespmem:s3], [sflag:$0x1], $0x1400, $0x38;
	[tilespmem:$0x170C0] =	vst v63  }
0x48: {  	_ =	swait.ge [sflag:s0], $0x1400  }
0x49: {  	[sflag:s0] =	ssyncset.done $0x0  }
0x4a: {  	[sflag:s0] =	ssyncadd.s32 $0xFFFFEC00  }
0x4b: {  	[spmem:s21] =	stream.linear.scatter [tilespmem:s3], [sflag:$0x1], $0x1400, $0x38;
	[tilespmem:$0x170C0] =	vst v63  }
0x4c: {  	_ =	swait.ge [sflag:s0], $0x1400  }
0x4d: {  	[sflag:s0] =	ssyncset.done $0x0  }
0x4e: {  	[sflag:s0] =	ssyncadd.s32 $0xFFFFEC00  }
0x4f: {  	[spmem:s22] =	stream.linear.scatter [tilespmem:s3], [sflag:$0x1], $0x1400, $0x38;
	[tilespmem:$0x170C0] =	vst v63  }
0x50: {  	_ =	swait.ge [sflag:s0], $0x1400  }
0x51: {  	[sflag:s0] =	ssyncset.done $0x0  }
0x52: {  	s8 =	simm.s32 @!p0 $0xA280;
	[sflag:s0] =	ssyncadd.s32 $0xFFFFEC00  }
0x53: {  	[spmem:s23] =	stream.linear.scatter @!p0 [tilespmem:s8], [sflag:$0x1], $0x1400, $0x38;
	[tilespmem:$0x170C0] =	vst v63  }
0x54: {  	s8 =	simm.s32 @!p0 $0x1  }
0x55: {  	_ =	swait.ge @!p0 [sflag:s8], $0x1400  }
0x56: {  	[sflag:s8] =	ssyncset.done @!p0 $0x0  }
0x57: {  	[sflag:s8] =	ssyncadd.s32 @!p0 $0xFFFFEC00  }
0x58: {  	s12 =	simm.s32 $0x0;
	[bflag:$0x0] =	sbarrier.arrive $0xFFFF  }
0x59: {  	[tilespmem:s3], [sflag:$0x1] =	stream.indirect.gather [hbm4b:s2+s4], $0x40, s12, s4, $0xb8;
	[tilespmem:$0x170C0] =	vst v63  }
0x5a: {  	_ =	swait.ge [sflag:s0], $0x1900  }
0x5b: {  	[sflag:s0] =	ssyncset.done $0x0  }
0x5c: {  	s13 =	simm.s32 $0x5140;
	[sflag:s0] =	ssyncadd.s32 $0xFFFFE700  }
0x5d: {  	[spmem:s11] =	stream.indirect.scatter.add.f32 [tilespmem:s3], [sflag:$0x1], $0x40, s13, s4, $0xb8;
	[tilespmem:$0x170C0] =	vst v63  }
0x5e: {  	_ =	swait.ge [sflag:s0], $0x1900  }
0x5f: {  	s10 =	simm.s32 $0x340;
	s8 =	simm.s32 $0x1A0;
	[sflag:s0] =	ssyncset.done $0x0  }
.LBB2_4:
0x60: {  	s12 =	sshra.s32 s8, $0x2  }
0x61: {  	[sflag:s0] =	ssyncadd.s32 $0xFFFFE700;
	s8 =	smov.u32 s10;
	s13 =	sadd.s32 $0x1A0, s10  }
0x62: {  	[tilespmem:s3], [sflag:$0x1] =	stream.indirect.gather [hbm4b:s2+s4], $0x40, s12, s4, $0xb8;
	[tilespmem:$0x170C0] =	vst v63  }
0x63: {  	p1 =	sne.s32 s10, $0x14360;
	_ =	swait.ge [sflag:s0], $0x1900  }
.Ltmp1:
0x64: {  	[sflag:s0] =	ssyncset.done $0x0;
	(pc) =	sbr.rel @p1 .LBB2_4-.Ltmp1, $4  }
0x65: {  	s10 =	sadd.s32 $0x5140, s12;
	[sflag:s0] =	ssyncadd.s32 $0xFFFFE700  }
0x66: {  	[spmem:s11] =	stream.indirect.scatter.add.f32 [tilespmem:s3], [sflag:$0x1], $0x40, s10, s4, $0xb8;
	[tilespmem:$0x170C0] =	vst v63  }
0x67: {  	_ =	swait.ge [sflag:s0], $0x1900  }
0x68: {  	s10 =	smov.u32 s13;
	[sflag:s0] =	ssyncset.done $0x0  }
0x69: {  	s8 =	sshra.s32 s8, $0x2;
	[sflag:s0] =	ssyncadd.s32 $0xFFFFE700  }
0x6a: {  	[tilespmem:s3], [sflag:$0x1] =	stream.indirect.gather [hbm4b:s2+s4], $0x40, s8, s4, $0xb8;
	[tilespmem:$0x170C0] =	vst v63  }
0x6b: {  	_ =	swait.ge [sflag:s0], $0x1900  }
0x6c: {  	[sflag:s0] =	ssyncset.done $0x0  }
0x6d: {  	s8 =	sadd.s32 $0x5140, s8;
	[sflag:s0] =	ssyncadd.s32 $0xFFFFE700  }
0x6e: {  	[spmem:s11] =	stream.indirect.scatter.add.f32 [tilespmem:s3], [sflag:$0x1], $0x40, s8, s4, $0xb8;
	[tilespmem:$0x170C0] =	vst v63  }
0x6f: {  	_ =	swait.ge [sflag:s0], $0x1900  }
0x70: {  	[sflag:s0] =	ssyncset.done $0x0  }
0x71: {  	[sflag:s0] =	ssyncadd.s32 $0xFFFFE700  }
0x72: {  	[bflag:$0x0] =	sbarrier.arrive $0xFFFF  }
0x73: {  	[tilespmem:s5], [sflag:$0x2] =	stream.linear.gather [spmem:s24], $0x1400, $0x38;
	[tilespmem:$0x170C0] =	vst v63  }
0x74: {  	_ =	swait.ge [sflag:s6], $0x1400  }
0x75: {  	[sflag:s6] =	ssyncset.done $0x0  }
0x76: {  	s13 =	rddreg [dreg:$0x4];
	[sflag:s6] =	ssyncadd.s32 $0xFFFFEC00  }
0x77: {  	[hbm4b:s13+s1] =	stream.linear.scatter [tilespmem:s5], [sflag:$0x1], $0x1400, $0x38;
	[tilespmem:$0x170C0] =	vst v63  }
0x78: {  	_ =	swait.ge [sflag:s0], $0x1400  }
0x79: {  	[sflag:s0] =	ssyncset.done $0x0  }
0x7a: {  	[sflag:s0] =	ssyncadd.s32 $0xFFFFEC00  }
0x7b: {  	[tilespmem:s5], [sflag:$0x2] =	stream.linear.gather [spmem:s25], $0x1400, $0x38;
	[tilespmem:$0x170C0] =	vst v63  }
0x7c: {  	_ =	swait.ge [sflag:s6], $0x1400  }
0x7d: {  	[sflag:s6] =	ssyncset.done $0x0  }
0x7e: {  	s10 =	rddreg [dreg:$0x5];
	[sflag:s6] =	ssyncadd.s32 $0xFFFFEC00  }
0x7f: {  	[hbm4b:s10+s1] =	stream.linear.scatter [tilespmem:s5], [sflag:$0x1], $0x1400, $0x38;
	[tilespmem:$0x170C0] =	vst v63  }
0x80: {  	_ =	swait.ge [sflag:s0], $0x1400  }
0x81: {  	[sflag:s0] =	ssyncset.done $0x0  }
0x82: {  	[sflag:s0] =	ssyncadd.s32 $0xFFFFEC00  }
0x83: {  	[tilespmem:s5], [sflag:$0x2] =	stream.linear.gather [spmem:s26], $0x1400, $0x38;
	[tilespmem:$0x170C0] =	vst v63  }
0x84: {  	_ =	swait.ge [sflag:s6], $0x1400  }
0x85: {  	[sflag:s6] =	ssyncset.done $0x0  }
0x86: {  	s12 =	rddreg [dreg:$0x6];
	[sflag:s6] =	ssyncadd.s32 $0xFFFFEC00  }
0x87: {  	[hbm4b:s12+s1] =	stream.linear.scatter [tilespmem:s5], [sflag:$0x1], $0x1400, $0x38;
	[tilespmem:$0x170C0] =	vst v63  }
0x88: {  	_ =	swait.ge [sflag:s0], $0x1400  }
0x89: {  	[sflag:s0] =	ssyncset.done $0x0  }
0x8a: {  	[sflag:s0] =	ssyncadd.s32 $0xFFFFEC00  }
0x8b: {  	[tilespmem:s5], [sflag:$0x2] =	stream.linear.gather [spmem:s28], $0x1400, $0x38;
	[tilespmem:$0x170C0] =	vst v63  }
0x8c: {  	_ =	swait.ge [sflag:s6], $0x1400  }
0x8d: {  	[sflag:s6] =	ssyncset.done $0x0  }
0x8e: {  	s13 =	rddreg [dreg:$0x7];
	[sflag:s6] =	ssyncadd.s32 $0xFFFFEC00  }
0x8f: {  	[hbm4b:s13+s1] =	stream.linear.scatter [tilespmem:s5], [sflag:$0x1], $0x1400, $0x38;
	[tilespmem:$0x170C0] =	vst v63  }
0x90: {  	_ =	swait.ge [sflag:s0], $0x1400  }
0x91: {  	[sflag:s0] =	ssyncset.done $0x0  }
0x92: {  	[sflag:s0] =	ssyncadd.s32 $0xFFFFEC00  }
0x93: {  	[tilespmem:s5], [sflag:$0x2] =	stream.linear.gather [spmem:s29], $0x1400, $0x38;
	[tilespmem:$0x170C0] =	vst v63  }
0x94: {  	_ =	swait.ge [sflag:s6], $0x1400  }
0x95: {  	[sflag:s6] =	ssyncset.done $0x0  }
0x96: {  	s10 =	rddreg [dreg:$0x8];
	[sflag:s6] =	ssyncadd.s32 $0xFFFFEC00  }
0x97: {  	[hbm4b:s10+s1] =	stream.linear.scatter [tilespmem:s5], [sflag:$0x1], $0x1400, $0x38;
	[tilespmem:$0x170C0] =	vst v63  }
0x98: {  	_ =	swait.ge [sflag:s0], $0x1400  }
0x99: {  	[sflag:s0] =	ssyncset.done $0x0  }
0x9a: {  	[sflag:s0] =	ssyncadd.s32 $0xFFFFEC00  }
0x9b: {  	[tilespmem:s5], [sflag:$0x2] =	stream.linear.gather [spmem:s30], $0x1400, $0x38;
	[tilespmem:$0x170C0] =	vst v63  }
0x9c: {  	_ =	swait.ge [sflag:s6], $0x1400  }
0x9d: {  	[sflag:s6] =	ssyncset.done $0x0  }
0x9e: {  	s12 =	rddreg [dreg:$0x9];
	[sflag:s6] =	ssyncadd.s32 $0xFFFFEC00  }
0x9f: {  	[hbm4b:s12+s1] =	stream.linear.scatter [tilespmem:s5], [sflag:$0x1], $0x1400, $0x38;
	[tilespmem:$0x170C0] =	vst v63  }
0xa0: {  	_ =	swait.ge [sflag:s0], $0x1400  }
0xa1: {  	[sflag:s0] =	ssyncset.done $0x0  }
0xa2: {  	[sflag:s0] =	ssyncadd.s32 $0xFFFFEC00  }
0xa3: {  	[tilespmem:s5], [sflag:$0x2] =	stream.linear.gather [spmem:s31], $0x1400, $0x38;
	[tilespmem:$0x170C0] =	vst v63  }
0xa4: {  	_ =	swait.ge [sflag:s6], $0x1400  }
0xa5: {  	[sflag:s6] =	ssyncset.done $0x0  }
0xa6: {  	s13 =	rddreg [dreg:$0xa];
	[sflag:s6] =	ssyncadd.s32 $0xFFFFEC00  }
0xa7: {  	[hbm4b:s13+s1] =	stream.linear.scatter [tilespmem:s5], [sflag:$0x1], $0x1400, $0x38;
	[tilespmem:$0x170C0] =	vst v63  }
0xa8: {  	_ =	swait.ge [sflag:s0], $0x1400  }
0xa9: {  	[sflag:s0] =	ssyncset.done $0x0  }
0xaa: {  	s8 =	simm.s32 @!p0 $0xBB80;
	s10 =	simm.s32 @!p0 $0x2;
	[sflag:s0] =	ssyncadd.s32 $0xFFFFEC00  }
0xab: {  	[tilespmem:s8], [sflag:$0x2] =	stream.linear.gather @!p0 [spmem:s9], $0x1400, $0x38;
	[tilespmem:$0x170C0] =	vst v63  }
0xac: {  	s7 =	sadd.s32 $0x1, s7;
	_ =	swait.ge @!p0 [sflag:s10], $0x1400  }
0xad: {  	p1 =	sne.s32 s7, s15;
	[sflag:s10] =	ssyncset.done @!p0 $0x0  }
0xae: {  	s12 =	rddreg [dreg:$0xb];
	[sflag:s10] =	ssyncadd.s32 @!p0 $0xFFFFEC00;
	s10 =	simm.s32 @!p0 $0x0  }
0xaf: {  	[hbm4b:s12+s10] =	stream.linear.scatter @!p0 [tilespmem:s8], [sflag:$0x1], $0x1400, $0x38;
	[tilespmem:$0x170C0] =	vst v63  }
.Ltmp2:
0xb0: {  	_ = 	snop;
	(pc) =	sbr.rel @p1 .LBB2_1-.Ltmp2, $4  }
0xb1: {  	s8 =	simm.s32 @!p0 $0x1  }
0xb2: {  	_ =	swait.ge @!p0 [sflag:s8], $0x1400  }
0xb3: {  	[sflag:s8] =	ssyncset.done @!p0 $0x0  }
0xb4: {  	[sflag:s8] =	ssyncadd.s32 @!p0 $0xFFFFEC00  }
0xb5: {  	_ =	sfence.sel $0x180000  }
0xb6: {  	[bflag:$0x0] =	sbarrier.arrive $0xFFFF  }
0xb7: {  	_ =	strace $0x9000004D  }
0xb8: {  	s0 =	stileid.u32;
	[bflag:$0x2] =	sbarrier.arrive $0xFFFF  }
0xb9: {  	p0 =	sne.s32 s0, $0x0;
	s0 =	rddreg [dreg:$0x3]  }
0xba: {  	s0 =	sadd.s32 @!p0 $0x100000, s0  }
0xbb: {  	[sflag:s0] =	ssyncadd.tile.s32 @!p0 $0x1;
	_ =	shalt  }
.Lfunc_end2:
_tile_overlayer_lowered:
.L_overlay_start_2:
0xbc: {  	(tag) =	ssettag $0x2  }
0xbd: {  	s0 =	rddreg [dreg:$0x0];
	s2 =	stileid.u32  }
0xbe: {  	s1 =	rddreg [dreg:$0x1];
	p0 =	sne.s32 s2, $0x0  }
0xbf: {  	s3 =	rddreg [dreg:$0x2];
	[bflag:$0x3] =	sbarrier.arrive $0xFFFF;
	s2 =	simm.s32 @!p0 $0x1C01  }
0xc0: {  	[timem:s3], [sflag:s2] =	dma.local @!p0 [hbm:s0], s1  }
0xc1: {  	s0 =	simm.s32 @!p0 $0x1  }
0xc2: {  	_ =	swait.ge @!p0 [sflag:s0], s1  }
0xc3: {  	s1 =	ssub.s32 @!p0 $0x0, s1;
	[sflag:s0] =	ssyncset.done @!p0 $0x0  }
0xc4: {  	[sflag:s0] =	ssyncadd.s32 @!p0 s1  }
0xc5: {  	[bflag:$0x3] =	sbarrier.arrive $0xFFFF  }
0xc6: {  	_ =	shalt  }

// kernel: kernel.40.cloned.1.call-start
scs
__scs_entry_jumppad:
0x0: {  	(pc) =	sbr.rel $0x88, $3  }
0x1: {  	(tag) =	ssettag $0x0;
	lr =	simm.s32 $0x1  }
0x2: {  	[smem:$0x3F8E] =	sst lr;
	_ =	strace $0xD0000000  }
0x3: {  	_ = 	snop  }
0x4: {  	_ = 	snop  }
0x5: {  	_ = 	snop  }
0x6: {  	_ = 	snop  }
0x7: {  	_ = 	snop  }
__scs_overlays_trampoline_lowered:
0x8: {  	[smem:$0x3F9D] =	sst s0  }
0x9: {  	[smem:$0x3F9E] =	sst s1  }
0xa: {  	[smem:$0x3F9F] =	sst s2  }
0xb: {  	[smem:$0x3FA0] =	sst s3  }
0xc: {  	[smem:$0x3FA1] =	sst s4  }
0xd: {  	[smem:$0x3FA2] =	sst s5  }
0xe: {  	[smem:$0x3FA3] =	sst s6  }
0xf: {  	[smem:$0x3FA4] =	sst s7  }
0x10: {  	[smem:$0x3FA5] =	sst s8  }
0x11: {  	[smem:$0x3FA6] =	sst s9;
	s0 =	simm.s32 @!p0 $0x0  }
0x12: {  	s1 =	sld [smem:$0x3F8C];
	s0 =	simm.s32 @p0 $0x1  }
0x13: {  	[smem:$0x3FA7] =	sst s0;
	s0 =	simm.s32 @!p1 $0x0  }
0x14: {  	s2 =	sld [smem:$0x3F8B];
	s0 =	simm.s32 @p1 $0x1  }
0x15: {  	[smem:$0x3FA8] =	sst s0;
	s0 =	simm.s32 @!p2 $0x0  }
0x16: {  	s3 =	sld [smem:$0x3FDB];
	s0 =	simm.s32 @p2 $0x1  }
0x17: {  	s4 =	simm.s32 $0x1BF5;
	[smem:$0x3FAA] =	sst s0  }
0x18: {  	s0 =	sld [smem:$0x3F8D];
	_ =	swait.ge [sflag:s4], $0x0  }
0x19: {  	s7 =	sld [smem:$0x3F8E]  }
0x1a: {  	s8 =	sadd.s32 $0xFFFFE003, lr  }
0x1b: {  	s9 =	sadd.s32 $0xFFFFFEF7, lr;
	s5 =	simm.s32 $0xFFFFFFFF;
	p2 =	slt.u32 s8, $0xFFFFF086  }
0x1c: {  	p1 =	slt.u32 s9, $0xF7A;
	s5 =	simm.s32 @!p2 $0x0  }
0x1d: {  	s5 =	simm.s32 @p1 $0x1;
	p0 =	seq.s32 s7, s2  }
0x1e: {  	s7 =	smul.u32 @!p0 $0xF7A, s2;
	p2 =	seq.s32 @!p0 s5, $0x0  }
0x1f: {  	s9 =	smul.u32 $0xF7A, s1;
	s8 =	simm.s32 @!p0 $0x1BF5;
	p2 =	por !p2, p0  }
0x20: {  	[sflag:s8] =	ssyncset.s32 @!p0 $0xFFFFF086;
	s6 =	sadd.s32 @!p0 s3, s7;
	s7 =	simm.s32 @!p0 $0x108  }
0x21: {  	s3 =	sadd.s32 s3, s9;
	s6 =	sadd.s32 @!p0 $0x88, s6;
	s7 =	simm.s32 @p2 $0x1082  }
0x22: {  	[simem:s7], [sflag:s8] =	dma.local @!p0 [hbm:s6], $0xF7A  }
0x23: {  	s9 =	sor.u32 $0xD0000000, s2;
	s6 =	simm.s32 $0x108;
	_ =	swait.ge @!p0 [sflag:s8], $0x0  }
0x24: {  	s3 =	sadd.s32 $0x88, s3;
	s6 =	simm.s32 @!p1 $0x1082;
	[sflag:s4] =	ssyncset.s32 $0xFFFFF086  }
0x25: {  	[simem:s6], [sflag:s4] =	dma.local [hbm:s3], $0xF7A  }
0x26: {  	[smem:$0x3F8E] =	sst s1;
	(tag) =	ssettag s2;
	_ =	strace s9  }
0x27: {  	s1 =	sld [smem:$0x3F9E]  }
0x28: {  	s2 =	sld [smem:$0x3F9F]  }
0x29: {  	s4 =	sld [smem:$0x3FA1]  }
0x2a: {  	p0 =	seq.s32 s5, $0x0;
	s5 =	sld [smem:$0x3FA2]  }
0x2b: {  	s6 =	sld [smem:$0x3FA3]  }
0x2c: {  	s7 =	sld [smem:$0x3FA4]  }
0x2d: {  	s3 =	simm.s32 $0x108;
	s8 =	sld [smem:$0x3FA5]  }
0x2e: {  	s3 =	simm.s32 @!p0 $0x1082;
	s9 =	sld [smem:$0x3FA6]  }
0x2f: {  	lr =	sadd.s32 s0, s3;
	s0 =	sld [smem:$0x3F9D]  }
0x30: {  	s3 =	sld [smem:$0x3FA0]  }
0x31: {  	[smem:$0x3FA9] =	sst s10  }
0x32: {  	s10 =	sld [smem:$0x3FA7];
	_ =	sdelay $0x3  }
0x33: {  	p0 =	seq.s32 s10, $0x1;
	s10 =	sld [smem:$0x3FA9];
	_ =	sdelay $0x3  }
0x34: {  	[smem:$0x3FA9] =	sst s10  }
0x35: {  	s10 =	sld [smem:$0x3FA8];
	_ =	sdelay $0x3  }
0x36: {  	p1 =	seq.s32 s10, $0x1;
	s10 =	sld [smem:$0x3FA9];
	_ =	sdelay $0x3  }
0x37: {  	[smem:$0x3FA9] =	sst s10  }
0x38: {  	s10 =	sld [smem:$0x3FAA]  }
0x39: {  	_ = 	snop;
	(pc) =	sbr.ind lr, $3  }
0x3a: {  	_ = 	snop  }
0x3b: {  	_ = 	snop  }
0x3c: {  	p2 =	seq.s32 s10, $0x1;
	s10 =	sld [smem:$0x3FA9]  }
0x3d: {  	_ =	shalt  }
0x3e: {  	_ =	shalt  }
0x3f: {  	_ =	shalt  }
0x40: {  	_ =	shalt  }
0x41: {  	_ =	shalt  }
0x42: {  	_ =	shalt  }
0x43: {  	_ =	shalt  }
0x44: {  	_ =	shalt  }
0x45: {  	_ =	shalt  }
0x46: {  	_ =	shalt  }
0x47: {  	_ =	shalt  }
0x48: {  	_ =	shalt  }
0x49: {  	_ =	shalt  }
0x4a: {  	_ =	shalt  }
0x4b: {  	_ =	shalt  }
0x4c: {  	_ =	shalt  }
0x4d: {  	_ =	shalt  }
0x4e: {  	_ =	shalt  }
0x4f: {  	_ =	shalt  }
0x50: {  	_ =	shalt  }
0x51: {  	_ =	shalt  }
0x52: {  	_ =	shalt  }
0x53: {  	_ =	shalt  }
0x54: {  	_ =	shalt  }
0x55: {  	_ =	shalt  }
0x56: {  	_ =	shalt  }
0x57: {  	_ =	shalt  }
0x58: {  	_ =	shalt  }
0x59: {  	_ =	shalt  }
0x5a: {  	_ =	shalt  }
0x5b: {  	_ =	shalt  }
0x5c: {  	_ =	shalt  }
0x5d: {  	_ =	shalt  }
0x5e: {  	_ =	shalt  }
0x5f: {  	_ =	shalt  }
0x60: {  	_ =	shalt  }
0x61: {  	_ =	shalt  }
0x62: {  	_ =	shalt  }
0x63: {  	_ =	shalt  }
0x64: {  	_ =	shalt  }
0x65: {  	_ =	shalt  }
0x66: {  	_ =	shalt  }
0x67: {  	_ =	shalt  }
0x68: {  	_ =	shalt  }
0x69: {  	_ =	shalt  }
0x6a: {  	_ =	shalt  }
0x6b: {  	_ =	shalt  }
0x6c: {  	_ =	shalt  }
0x6d: {  	_ =	shalt  }
0x6e: {  	_ =	shalt  }
0x6f: {  	_ =	shalt  }
0x70: {  	_ =	shalt  }
0x71: {  	_ =	shalt  }
0x72: {  	_ =	shalt  }
0x73: {  	_ =	shalt  }
0x74: {  	_ =	shalt  }
0x75: {  	_ =	shalt  }
0x76: {  	_ =	shalt  }
0x77: {  	_ =	shalt  }
0x78: {  	_ =	shalt  }
0x79: {  	_ =	shalt  }
0x7a: {  	_ =	shalt  }
0x7b: {  	_ =	shalt  }
0x7c: {  	_ =	shalt  }
0x7d: {  	_ =	shalt  }
0x7e: {  	_ =	shalt  }
0x7f: {  	_ =	shalt  }
0x80: {  	_ =	shalt  }
0x81: {  	_ =	shalt  }
0x82: {  	_ =	shalt  }
0x83: {  	_ =	shalt  }
0x84: {  	_ =	shalt  }
0x85: {  	_ =	shalt  }
0x86: {  	_ =	shalt  }
0x87: {  	_ =	shalt  }
.Lfunc_end0:
.L_simem_size_0:
called_computation.3_lowered:
.L_overlay_start_0:
0x88: {  	s2 =	sld [smem:$0x3FD9]  }
0x89: {  	s3 =	sld [smem:$0x3FFE];
	_ =	sdelay $0x1  }
0x8a: {  	s1 =	srdreg.scid  }
0x8b: {  	s0 =	sand.u32 $0x1, s1  }
0x8c: {  	s14 =	sshll.u32 s0, $0xA;
	s2 =	sadd.s32 s3, s2  }
0x8d: {  	s2 =	sadd.s32 s2, s14  }
0x8e: {  	[smem:$0x3FB5] =	sst s2  }
0x8f: {  	_ = 	snop  }
0x90: {  	s2 =	sld [smem:$0x3FD0];
	_ =	sdelay $0x2  }
0x91: {  	s15 =	simm.s32 $0xA;
	s4 =	simm.s32 $0x10  }
0x92: {  	[smem:s4], [sflag:s15] =	dma.local [hbm:s2], $0x1  }
0x93: {  	_ =	swait.eq [sflag:s15], $0x1  }
0x94: {  	[sflag:s15] =	ssyncset.done $0x0  }
0x95: {  	[sflag:s15] =	ssyncadd.s32 $0xFFFFFFFF  }
0x96: {  	s16 =	sld [smem:$0x11];
	(tm) =	ssettm $0x1  }
0x97: {  	s17 =	sld [smem:$0x3FFB];
	_ =	sdelay $0x3  }
0x98: {  	_ =	strace s17  }
0x99: {  	s3 =	sld [smem:$0x3FFC];
	_ =	sdelay $0x3  }
0x9a: {  	_ =	strace s3  }
0x9b: {  	s3 =	sld [smem:$0x3FFD];
	_ =	sdelay $0x3  }
0x9c: {  	_ =	strace s3  }
0x9d: {  	_ =	strace $0x8FFFFFFF  }
0x9e: {  	s18 =	sld [smem:$0x3FDB];
	_ =	sdelay $0x1  }
0x9f: {  	s19 =	simm.s32 $_scs_section_size  }
0xa0: {  	s5 =	simm.s32 $_size__tile_overlayer_lowered;
	s6 =	simm.s32 $_tile_overlayer_lowered  }
0xa1: {  	s22 =	simm.s32 $0x1BFF;
	s21 =	sshll.u32 s6, $0x1;
	s3 =	sadd.s32 s19, s18  }
0xa2: {  	s7 =	simm.s32 $0x0;
	s20 =	sshll.u32 s5, $0x1;
	s5 =	sadd.s32 s21, s3  }
0xa3: {  	[timem:s7], [sflag:s22] =	dma.local [hbm:s5], s20  }
0xa4: {  	_ =	swait.ge [sflag:s22], s20  }
0xa5: {  	s4 =	ssub.s32 $0x0, s20;
	[sflag:s22] =	ssyncset.done $0x0  }
0xa6: {  	[sflag:s22] =	ssyncadd.s32 s4;
	_ =	sdelay $0x1  }
0xa7: {  	s23 =	simm.s32 $0x1B8B  }
0xa8: {  	_ =	swait.ge [sflag:s23], $0x1  }
0xa9: {  	[sflag:s23] =	ssyncset.done $0x0  }
0xaa: {  	s25 =	simm.s32 $0x1B8E;
	s24 =	sld [smem:$0x3FFE];
	[sflag:s23] =	ssyncadd.s32 $0xFFFFFFFF  }
0xab: {  	s26 =	simm.s32 $execute0_lowered;
	[smem:$0x3FD2] =	sst s25  }
0xac: {  	s5 =	sshll.u32 s26, $0x1;
	_ =	strace $0x8000004F;
	[dreg:$0x1] =	wrdreg $0xFFFFFFFF  }
0xad: {  	s28 =	simm.s32 $_size_execute0_lowered;
	s3 =	sadd.s32 s3, s5;
	[dreg:$0x0] =	wrdreg $0x0  }
0xae: {  	s5 =	sshll.u32 s28, $0x1;
	[dreg:$0x2] =	wrdreg s3  }
0xaf: {  	[dreg:$0x3] =	wrdreg s5  }
0xb0: {  	[dreg:$0x4] =	wrdreg $0xC0  }
0xb1: {  	_ =	task [dreg:s7], $0x5FFFF  }
0xb2: {  	[dreg:$0x1] =	wrdreg $0xFFFFFFFF  }
0xb3: {  	[dreg:$0x0] =	wrdreg $0x60  }
0xb4: {  	[dreg:$0x2] =	wrdreg s16  }
0xb5: {  	[dreg:$0x3] =	wrdreg s24  }
0xb6: {  	[dreg:$0x4] =	wrdreg $0xD4800  }
0xb7: {  	[dreg:$0x5] =	wrdreg $0x9  }
0xb8: {  	_ =	task.clear_ibuf [dreg:s7], $0x6FFFF;
	_ =	strace $0x9000004F  }
0xb9: {  	s29 =	simm.s32 $0x9;
	_ =	strace $0x80000051  }
0xba: {  	_ =	swait.ge [sflag:s29], $0x1  }
0xbb: {  	[sflag:s29] =	ssyncadd.s32 $0xFFFFFFFF  }
0xbc: {  	_ =	strace $0x90000051  }
0xbd: {  	_ =	sfence  }
0xbe: {  	s30 =	sld [smem:$0x0];
	_ =	sdelay $0x2  }
0xbf: {  	s31 =	sshll.u32 s1, $0xD;
	s1 =	sshrl.u32 s1, $0x2  }
0xc0: {  	s3 =	sand.u32 $0x4000, s31;
	s1 =	sadd.s32 s1, s30  }
0xc1: {  	s0 =	sor.u32 s3, s0;
	s1 =	sshll.u32 s1, $0x11  }
0xc2: {  	s0 =	sor.u32 s1, s0  }
0xc3: {  	s0 =	sadd.s32 $0x8F2B, s0  }
0xc4: {  	[sflag:s0] =	ssyncadd.remote.s32 $0x1  }
0xc5: {  	_ =	sfence.sel $0xFFFF  }
0xc6: {  	[dreg:$0x0] =	wrdreg $0xFFFFFFFF;
	(pc) =	sbr.abs _section_cstart, $3  }
0xc7: {  	[dreg:$0x1] =	wrdreg $0xFFFFFFFF  }
0xc8: {  	_ =	task.clear_ibuf [dreg:s7], $0x2FFFF;
	_ =	strace $0x9FFFFFFF  }
0xc9: {  	(tm) =	ssettm $0x7FFFFFFF  }
tec
execute0_lowered:
.L_overlay_start_1:
0x0: {  	(tag) =	ssettag $0x1  }
0x1: {  	s14 =	stileid.u32;
	s4 =	srdreg.scid  }
0x2: {  	s3 =	smul.u32 $0xA28, s14;
	s4 =	sand.u32 $0x1, s4  }
0x3: {  	s0 =	rddreg [dreg:$0x0];
	s6 =	smul.u32 $0x13880, s4  }
0x4: {  	s8 =	sor.u32 $0x10, s14;
	s22 =	ssub.s32 $0x2, s4;
	s4 =	smul.u32 $0x9C400, s4  }
0x5: {  	s2 =	rddreg [dreg:$0x1];
	s12 =	sor.u32 $0x30, s14;
	s17 =	smul.u32 $0x5000, s8  }
0x6: {  	s1 =	simm.s32 $0x0;
	s16 =	sor.u32 $0x40, s14;
	s28 =	smul.u32 $0x1400, s12  }
0x7: {  	[smem:$0x7FF] =	sst s1;
	s18 =	sor.u32 $0x60, s14;
	s29 =	smul.u32 $0x1400, s16  }
0x8: {  	s9 =	sadd.s32 $0x6B000, s2;
	s19 =	sor.u32 $0x70, s14;
	s31 =	smul.u32 $0x1400, s18  }
0x9: {  	p0 =	sgt.u32 s19, $0x7C;
	s5 =	sadd.s32 s3, s2;
	s7 =	sshrl.u32 s22, $0x1  }
0xa: {  	s3 =	smul.u32 $0x1400, s8;
	s8 =	sor.u32 $0x50, s14;
	s7 =	ssub.s32 s22, s7  }
0xb: {  	s2 =	sadd.s32 s0, s6;
	s6 =	sor.u32 $0x20, s14;
	s0 =	smul.u32 $0x1400, s14  }
0xc: {  	s25 =	sadd.s32 s4, s28;
	s30 =	smul.u32 $0x1400, s8;
	s22 =	sadd.s32 s4, s29  }
0xd: {  	s13 =	sadd.s32 s4, s3;
	s26 =	smul.u32 $0x1400, s6;
	s20 =	sshrl.u32 s25, $0x3  }
0xe: {  	s25 =	sadd.s32 s4, s31;
	s11 =	sadd.s32 s4, s0;
	s13 =	sshrl.u32 s13, $0x3  }
0xf: {  	s21 =	sadd.s32 s9, s20;
	s20 =	smul.u32 $0x5000, s6;
	s11 =	sshrl.u32 s11, $0x3  }
0x10: {  	s23 =	sadd.s32 s9, s13;
	s24 =	sadd.s32 s4, s26;
	s13 =	smul.u32 $0x5000, s18  }
0x11: {  	s10 =	sadd.s32 s9, s11;
	[dreg:$0x5] =	wrdreg s23;
	s11 =	sshrl.u32 s24, $0x3  }
0x12: {  	s23 =	sadd.s32 s4, s30;
	[dreg:$0x4] =	wrdreg s10;
	s10 =	smul.u32 $0x1400, s19  }
0x13: {  	s15 =	sadd.s32 s9, s11;
	s11 =	sshrl.u32 s22, $0x3;
	s22 =	smul.u32 $0x5000, s14  }
0x14: {  	[dreg:$0x7] =	wrdreg s21;
	s24 =	sshrl.u32 s23, $0x3;
	s23 =	smul.u32 $0x5000, s12  }
0x15: {  	s21 =	sadd.s32 $0x12A00, s5;
	s14 =	sadd.s32 $0x8600, s5;
	s12 =	smul.u32 $0x5000, s8  }
0x16: {  	[dreg:$0x6] =	wrdreg s15;
	s11 =	sadd.s32 s9, s11;
	s15 =	sshrl.u32 s25, $0x3  }
0x17: {  	s25 =	smul.u32 $0x5000, s16;
	[dreg:$0x8] =	wrdreg s11;
	s11 =	sadd.s32 s9, s24  }
0x18: {  	s4 =	sadd.s32 s4, s10;
	s6 =	sshrl.u32 s22, $0x2;
	s24 =	sshrl.u32 s17, $0x2  }
0x19: {  	s5 =	sshrl.u32 s23, $0x2;
	[dreg:$0x9] =	wrdreg s11;
	s11 =	sadd.s32 s9, s15  }
0x1a: {  	s22 =	smul.u32 $0x5000, s19;
	s4 =	sshrl.u32 s4, $0x3;
	[dreg:$0xa] =	wrdreg s11  }
0x1b: {  	s23 =	sshrl.u32 s12, $0x2;
	s11 =	rddreg [dreg:$0x2];
	s4 =	sadd.s32 s9, s4  }
0x1c: {  	s15 =	smax.u32 s7, $0x1;
	s7 =	simm.s32 $0x0;
	[dreg:$0xb] =	wrdreg s4  }
0x1d: {  	s16 =	sadd.s32 s6, s11;
	s17 =	sadd.s32 s24, s11;
	s4 =	sshrl.u32 s20, $0x2  }
0x1e: {  	s19 =	sadd.s32 s5, s11;
	s24 =	sshrl.u32 s13, $0x2;
	s26 =	sadd.s32 s26, s11  }
0x1f: {  	s28 =	sadd.s32 s28, s11;
	s29 =	sadd.s32 s29, s11;
	s30 =	sadd.s32 s30, s11  }
0x20: {  	s31 =	sadd.s32 s31, s11;
	s9 =	sadd.s32 s10, s11;
	s5 =	simm.s32 $0xBB80  }
0x21: {  	s6 =	simm.s32 $0x2;
	_ =	strace $0x80000050;
	[dreg:$0xc] =	wrdreg s21  }
0x22: {  	s21 =	sshrl.u32 s25, $0x2;
	s18 =	sadd.s32 s4, s11;
	s25 =	sshrl.u32 s22, $0x2  }
0x23: {  	s22 =	sadd.s32 s24, s11;
	s24 =	sadd.s32 s0, s11;
	s0 =	simm.s32 $0x1  }
0x24: {  	s4 =	simm.s32 $0x64;
	s20 =	sadd.s32 s21, s11;
	s21 =	sadd.s32 s23, s11  }
0x25: {  	v0 =	vimm.f32 $0.0e+00;
	s23 =	sadd.s32 s25, s11;
	s25 =	sadd.s32 s3, s11;
	s3 =	simm.s32 $0xA280  }
.LBB2_1:
0x26: {  	s8 =	rddreg [dreg:$0xc]  }
0x27: {  	[tilespmem:s1], [sflag:$0x1] =	stream.linear.gather [hbm4b:s8+s1], $0x5140, $0x38;
	[tilespmem:$0x170C0] =	vst v63  }
0x28: {  	_ =	swait.ge [sflag:s0], $0x5140  }
0x29: {  	[sflag:s0] =	ssyncset.done $0x0  }
0x2a: {  	s12 =	simm.s32 $0x5140;
	[sflag:s0] =	ssyncadd.s32 $0xFFFFAEC0  }
0x2b: {  	[tilespmem:s12], [sflag:$0x1] =	stream.linear.gather [hbm4b:s14+s1], $0x5140, $0x38;
	[tilespmem:$0x170C0] =	vst v63  }
0x2c: {  	s13 =	sand.u32 $0x7F00, s1;
	s10 =	sand.u32 $0x30, s1;
	_ =	swait.ge [sflag:s0], $0x5140  }
0x2d: {  	s8 =	simm.s32 $0x40;
	s12 =	sshrl.u32 s13, $0x2;
	[sflag:s0] =	ssyncset.done $0x0  }
0x2e: {  	s12 =	sor.u32 s10, s12;
	s10 =	simm.s32 $0x0;
	[sflag:s0] =	ssyncadd.s32 $0xFFFFAEC0  }
.LBB2_2:
0x2f: {  	p1 =	sne.s32 s8, $0x63C0  }
0x30: {  	[tilespmem:s12+$0xA280] =	vst v0;
	s10 =	sadd.s32 $0x10, s10;
	s12 =	smov.u32 s8;
	s8 =	sadd.s32 $0x40, s8  }
.Ltmp0:
0x31: {  	(pc) =	sbr.rel @p1 .LBB2_2-.Ltmp0, $4  }
0x32: {  	_ = 	snop  }
0x33: {  	s12 =	sand.u32 $0x7F00, s12  }
0x34: {  	s13 =	sand.u32 $0x30, s10;
	s12 =	sshrl.u32 s12, $0x2  }
0x35: {  	s12 =	sor.u32 s13, s12  }
0x36: {  	[tilespmem:s12+$0xA280] =	vst v0  }
0x37: {  	[spmem:s16] =	stream.linear.scatter [tilespmem:s3], [sflag:$0x1], $0x1400, $0x38;
	[tilespmem:$0x170C0] =	vst v63  }
0x38: {  	_ =	swait.ge [sflag:s0], $0x1400  }
0x39: {  	[sflag:s0] =	ssyncset.done $0x0  }
0x3a: {  	[sflag:s0] =	ssyncadd.s32 $0xFFFFEC00  }
0x3b: {  	[spmem:s17] =	stream.linear.scatter [tilespmem:s3], [sflag:$0x1], $0x1400, $0x38;
	[tilespmem:$0x170C0] =	vst v63  }
0x3c: {  	_ =	swait.ge [sflag:s0], $0x1400  }
0x3d: {  	[sflag:s0] =	ssyncset.done $0x0  }
0x3e: {  	[sflag:s0] =	ssyncadd.s32 $0xFFFFEC00  }
0x3f: {  	[spmem:s18] =	stream.linear.scatter [tilespmem:s3], [sflag:$0x1], $0x1400, $0x38;
	[tilespmem:$0x170C0] =	vst v63  }
0x40: {  	_ =	swait.ge [sflag:s0], $0x1400  }
0x41: {  	[sflag:s0] =	ssyncset.done $0x0  }
0x42: {  	[sflag:s0] =	ssyncadd.s32 $0xFFFFEC00  }
0x43: {  	[spmem:s19] =	stream.linear.scatter [tilespmem:s3], [sflag:$0x1], $0x1400, $0x38;
	[tilespmem:$0x170C0] =	vst v63  }
0x44: {  	_ =	swait.ge [sflag:s0], $0x1400  }
0x45: {  	[sflag:s0] =	ssyncset.done $0x0  }
0x46: {  	[sflag:s0] =	ssyncadd.s32 $0xFFFFEC00  }
0x47: {  	[spmem:s20] =	stream.linear.scatter [tilespmem:s3], [sflag:$0x1], $0x1400, $0x38;
	[tilespmem:$0x170C0] =	vst v63  }
0x48: {  	_ =	swait.ge [sflag:s0], $0x1400  }
0x49: {  	[sflag:s0] =	ssyncset.done $0x0  }
0x4a: {  	[sflag:s0] =	ssyncadd.s32 $0xFFFFEC00  }
0x4b: {  	[spmem:s21] =	stream.linear.scatter [tilespmem:s3], [sflag:$0x1], $0x1400, $0x38;
	[tilespmem:$0x170C0] =	vst v63  }
0x4c: {  	_ =	swait.ge [sflag:s0], $0x1400  }
0x4d: {  	[sflag:s0] =	ssyncset.done $0x0  }
0x4e: {  	[sflag:s0] =	ssyncadd.s32 $0xFFFFEC00  }
0x4f: {  	[spmem:s22] =	stream.linear.scatter [tilespmem:s3], [sflag:$0x1], $0x1400, $0x38;
	[tilespmem:$0x170C0] =	vst v63  }
0x50: {  	_ =	swait.ge [sflag:s0], $0x1400  }
0x51: {  	[sflag:s0] =	ssyncset.done $0x0  }
0x52: {  	s8 =	simm.s32 @!p0 $0xA280;
	[sflag:s0] =	ssyncadd.s32 $0xFFFFEC00  }
0x53: {  	[spmem:s23] =	stream.linear.scatter @!p0 [tilespmem:s8], [sflag:$0x1], $0x1400, $0x38;
	[tilespmem:$0x170C0] =	vst v63  }
0x54: {  	s8 =	simm.s32 @!p0 $0x1  }
0x55: {  	_ =	swait.ge @!p0 [sflag:s8], $0x1400  }
0x56: {  	[sflag:s8] =	ssyncset.done @!p0 $0x0  }
0x57: {  	[sflag:s8] =	ssyncadd.s32 @!p0 $0xFFFFEC00  }
0x58: {  	s12 =	simm.s32 $0x0;
	[bflag:$0x0] =	sbarrier.arrive $0xFFFF  }
0x59: {  	[tilespmem:s3], [sflag:$0x1] =	stream.indirect.gather [hbm4b:s2+s4], $0x40, s12, s4, $0xb8;
	[tilespmem:$0x170C0] =	vst v63  }
0x5a: {  	_ =	swait.ge [sflag:s0], $0x1900  }
0x5b: {  	[sflag:s0] =	ssyncset.done $0x0  }
0x5c: {  	s13 =	simm.s32 $0x5140;
	[sflag:s0] =	ssyncadd.s32 $0xFFFFE700  }
0x5d: {  	[spmem:s11] =	stream.indirect.scatter.add.f32 [tilespmem:s3], [sflag:$0x1], $0x40, s13, s4, $0xb8;
	[tilespmem:$0x170C0] =	vst v63  }
0x5e: {  	_ =	swait.ge [sflag:s0], $0x1900  }
0x5f: {  	s10 =	simm.s32 $0x340;
	s8 =	simm.s32 $0x1A0;
	[sflag:s0] =	ssyncset.done $0x0  }
.LBB2_4:
0x60: {  	s12 =	sshra.s32 s8, $0x2  }
0x61: {  	[sflag:s0] =	ssyncadd.s32 $0xFFFFE700;
	s8 =	smov.u32 s10;
	s13 =	sadd.s32 $0x1A0, s10  }
0x62: {  	[tilespmem:s3], [sflag:$0x1] =	stream.indirect.gather [hbm4b:s2+s4], $0x40, s12, s4, $0xb8;
	[tilespmem:$0x170C0] =	vst v63  }
0x63: {  	p1 =	sne.s32 s10, $0x14360;
	_ =	swait.ge [sflag:s0], $0x1900  }
.Ltmp1:
0x64: {  	[sflag:s0] =	ssyncset.done $0x0;
	(pc) =	sbr.rel @p1 .LBB2_4-.Ltmp1, $4  }
0x65: {  	s10 =	sadd.s32 $0x5140, s12;
	[sflag:s0] =	ssyncadd.s32 $0xFFFFE700  }
0x66: {  	[spmem:s11] =	stream.indirect.scatter.add.f32 [tilespmem:s3], [sflag:$0x1], $0x40, s10, s4, $0xb8;
	[tilespmem:$0x170C0] =	vst v63  }
0x67: {  	_ =	swait.ge [sflag:s0], $0x1900  }
0x68: {  	s10 =	smov.u32 s13;
	[sflag:s0] =	ssyncset.done $0x0  }
0x69: {  	s8 =	sshra.s32 s8, $0x2;
	[sflag:s0] =	ssyncadd.s32 $0xFFFFE700  }
0x6a: {  	[tilespmem:s3], [sflag:$0x1] =	stream.indirect.gather [hbm4b:s2+s4], $0x40, s8, s4, $0xb8;
	[tilespmem:$0x170C0] =	vst v63  }
0x6b: {  	_ =	swait.ge [sflag:s0], $0x1900  }
0x6c: {  	[sflag:s0] =	ssyncset.done $0x0  }
0x6d: {  	s8 =	sadd.s32 $0x5140, s8;
	[sflag:s0] =	ssyncadd.s32 $0xFFFFE700  }
0x6e: {  	[spmem:s11] =	stream.indirect.scatter.add.f32 [tilespmem:s3], [sflag:$0x1], $0x40, s8, s4, $0xb8;
	[tilespmem:$0x170C0] =	vst v63  }
0x6f: {  	_ =	swait.ge [sflag:s0], $0x1900  }
0x70: {  	[sflag:s0] =	ssyncset.done $0x0  }
0x71: {  	[sflag:s0] =	ssyncadd.s32 $0xFFFFE700  }
0x72: {  	[bflag:$0x0] =	sbarrier.arrive $0xFFFF  }
0x73: {  	[tilespmem:s5], [sflag:$0x2] =	stream.linear.gather [spmem:s24], $0x1400, $0x38;
	[tilespmem:$0x170C0] =	vst v63  }
0x74: {  	_ =	swait.ge [sflag:s6], $0x1400  }
0x75: {  	[sflag:s6] =	ssyncset.done $0x0  }
0x76: {  	s13 =	rddreg [dreg:$0x4];
	[sflag:s6] =	ssyncadd.s32 $0xFFFFEC00  }
0x77: {  	[hbm4b:s13+s1] =	stream.linear.scatter [tilespmem:s5], [sflag:$0x1], $0x1400, $0x38;
	[tilespmem:$0x170C0] =	vst v63  }
0x78: {  	_ =	swait.ge [sflag:s0], $0x1400  }
0x79: {  	[sflag:s0] =	ssyncset.done $0x0  }
0x7a: {  	[sflag:s0] =	ssyncadd.s32 $0xFFFFEC00  }
0x7b: {  	[tilespmem:s5], [sflag:$0x2] =	stream.linear.gather [spmem:s25], $0x1400, $0x38;
	[tilespmem:$0x170C0] =	vst v63  }
0x7c: {  	_ =	swait.ge [sflag:s6], $0x1400  }
0x7d: {  	[sflag:s6] =	ssyncset.done $0x0  }
0x7e: {  	s10 =	rddreg [dreg:$0x5];
	[sflag:s6] =	ssyncadd.s32 $0xFFFFEC00  }
0x7f: {  	[hbm4b:s10+s1] =	stream.linear.scatter [tilespmem:s5], [sflag:$0x1], $0x1400, $0x38;
	[tilespmem:$0x170C0] =	vst v63  }
0x80: {  	_ =	swait.ge [sflag:s0], $0x1400  }
0x81: {  	[sflag:s0] =	ssyncset.done $0x0  }
0x82: {  	[sflag:s0] =	ssyncadd.s32 $0xFFFFEC00  }
0x83: {  	[tilespmem:s5], [sflag:$0x2] =	stream.linear.gather [spmem:s26], $0x1400, $0x38;
	[tilespmem:$0x170C0] =	vst v63  }
0x84: {  	_ =	swait.ge [sflag:s6], $0x1400  }
0x85: {  	[sflag:s6] =	ssyncset.done $0x0  }
0x86: {  	s12 =	rddreg [dreg:$0x6];
	[sflag:s6] =	ssyncadd.s32 $0xFFFFEC00  }
0x87: {  	[hbm4b:s12+s1] =	stream.linear.scatter [tilespmem:s5], [sflag:$0x1], $0x1400, $0x38;
	[tilespmem:$0x170C0] =	vst v63  }
0x88: {  	_ =	swait.ge [sflag:s0], $0x1400  }
0x89: {  	[sflag:s0] =	ssyncset.done $0x0  }
0x8a: {  	[sflag:s0] =	ssyncadd.s32 $0xFFFFEC00  }
0x8b: {  	[tilespmem:s5], [sflag:$0x2] =	stream.linear.gather [spmem:s28], $0x1400, $0x38;
	[tilespmem:$0x170C0] =	vst v63  }
0x8c: {  	_ =	swait.ge [sflag:s6], $0x1400  }
0x8d: {  	[sflag:s6] =	ssyncset.done $0x0  }
0x8e: {  	s13 =	rddreg [dreg:$0x7];
	[sflag:s6] =	ssyncadd.s32 $0xFFFFEC00  }
0x8f: {  	[hbm4b:s13+s1] =	stream.linear.scatter [tilespmem:s5], [sflag:$0x1], $0x1400, $0x38;
	[tilespmem:$0x170C0] =	vst v63  }
0x90: {  	_ =	swait.ge [sflag:s0], $0x1400  }
0x91: {  	[sflag:s0] =	ssyncset.done $0x0  }
0x92: {  	[sflag:s0] =	ssyncadd.s32 $0xFFFFEC00  }
0x93: {  	[tilespmem:s5], [sflag:$0x2] =	stream.linear.gather [spmem:s29], $0x1400, $0x38;
	[tilespmem:$0x170C0] =	vst v63  }
0x94: {  	_ =	swait.ge [sflag:s6], $0x1400  }
0x95: {  	[sflag:s6] =	ssyncset.done $0x0  }
0x96: {  	s10 =	rddreg [dreg:$0x8];
	[sflag:s6] =	ssyncadd.s32 $0xFFFFEC00  }
0x97: {  	[hbm4b:s10+s1] =	stream.linear.scatter [tilespmem:s5], [sflag:$0x1], $0x1400, $0x38;
	[tilespmem:$0x170C0] =	vst v63  }
0x98: {  	_ =	swait.ge [sflag:s0], $0x1400  }
0x99: {  	[sflag:s0] =	ssyncset.done $0x0  }
0x9a: {  	[sflag:s0] =	ssyncadd.s32 $0xFFFFEC00  }
0x9b: {  	[tilespmem:s5], [sflag:$0x2] =	stream.linear.gather [spmem:s30], $0x1400, $0x38;
	[tilespmem:$0x170C0] =	vst v63  }
0x9c: {  	_ =	swait.ge [sflag:s6], $0x1400  }
0x9d: {  	[sflag:s6] =	ssyncset.done $0x0  }
0x9e: {  	s12 =	rddreg [dreg:$0x9];
	[sflag:s6] =	ssyncadd.s32 $0xFFFFEC00  }
0x9f: {  	[hbm4b:s12+s1] =	stream.linear.scatter [tilespmem:s5], [sflag:$0x1], $0x1400, $0x38;
	[tilespmem:$0x170C0] =	vst v63  }
0xa0: {  	_ =	swait.ge [sflag:s0], $0x1400  }
0xa1: {  	[sflag:s0] =	ssyncset.done $0x0  }
0xa2: {  	[sflag:s0] =	ssyncadd.s32 $0xFFFFEC00  }
0xa3: {  	[tilespmem:s5], [sflag:$0x2] =	stream.linear.gather [spmem:s31], $0x1400, $0x38;
	[tilespmem:$0x170C0] =	vst v63  }
0xa4: {  	_ =	swait.ge [sflag:s6], $0x1400  }
0xa5: {  	[sflag:s6] =	ssyncset.done $0x0  }
0xa6: {  	s13 =	rddreg [dreg:$0xa];
	[sflag:s6] =	ssyncadd.s32 $0xFFFFEC00  }
0xa7: {  	[hbm4b:s13+s1] =	stream.linear.scatter [tilespmem:s5], [sflag:$0x1], $0x1400, $0x38;
	[tilespmem:$0x170C0] =	vst v63  }
0xa8: {  	_ =	swait.ge [sflag:s0], $0x1400  }
0xa9: {  	[sflag:s0] =	ssyncset.done $0x0  }
0xaa: {  	s8 =	simm.s32 @!p0 $0xBB80;
	s10 =	simm.s32 @!p0 $0x2;
	[sflag:s0] =	ssyncadd.s32 $0xFFFFEC00  }
0xab: {  	[tilespmem:s8], [sflag:$0x2] =	stream.linear.gather @!p0 [spmem:s9], $0x1400, $0x38;
	[tilespmem:$0x170C0] =	vst v63  }
0xac: {  	s7 =	sadd.s32 $0x1, s7;
	_ =	swait.ge @!p0 [sflag:s10], $0x1400  }
0xad: {  	p1 =	sne.s32 s7, s15;
	[sflag:s10] =	ssyncset.done @!p0 $0x0  }
0xae: {  	s12 =	rddreg [dreg:$0xb];
	[sflag:s10] =	ssyncadd.s32 @!p0 $0xFFFFEC00;
	s10 =	simm.s32 @!p0 $0x0  }
0xaf: {  	[hbm4b:s12+s10] =	stream.linear.scatter @!p0 [tilespmem:s8], [sflag:$0x1], $0x1400, $0x38;
	[tilespmem:$0x170C0] =	vst v63  }
.Ltmp2:
0xb0: {  	_ = 	snop;
	(pc) =	sbr.rel @p1 .LBB2_1-.Ltmp2, $4  }
0xb1: {  	s8 =	simm.s32 @!p0 $0x1  }
0xb2: {  	_ =	swait.ge @!p0 [sflag:s8], $0x1400  }
0xb3: {  	[sflag:s8] =	ssyncset.done @!p0 $0x0  }
0xb4: {  	[sflag:s8] =	ssyncadd.s32 @!p0 $0xFFFFEC00  }
0xb5: {  	_ =	sfence.sel $0x180000  }
0xb6: {  	[bflag:$0x0] =	sbarrier.arrive $0xFFFF  }
0xb7: {  	_ =	strace $0x90000050  }
0xb8: {  	s0 =	stileid.u32;
	[bflag:$0x2] =	sbarrier.arrive $0xFFFF  }
0xb9: {  	p0 =	sne.s32 s0, $0x0;
	s0 =	rddreg [dreg:$0x3]  }
0xba: {  	s0 =	sadd.s32 @!p0 $0x100000, s0  }
0xbb: {  	[sflag:s0] =	ssyncadd.tile.s32 @!p0 $0x1;
	_ =	shalt  }
.Lfunc_end2:
_tile_overlayer_lowered:
.L_overlay_start_2:
0xbc: {  	(tag) =	ssettag $0x2  }
0xbd: {  	s0 =	rddreg [dreg:$0x0];
	s2 =	stileid.u32  }
0xbe: {  	s1 =	rddreg [dreg:$0x1];
	p0 =	sne.s32 s2, $0x0  }
0xbf: {  	s3 =	rddreg [dreg:$0x2];
	[bflag:$0x3] =	sbarrier.arrive $0xFFFF;
	s2 =	simm.s32 @!p0 $0x1C01  }
0xc0: {  	[timem:s3], [sflag:s2] =	dma.local @!p0 [hbm:s0], s1  }
0xc1: {  	s0 =	simm.s32 @!p0 $0x1  }
0xc2: {  	_ =	swait.ge @!p0 [sflag:s0], s1  }
0xc3: {  	s1 =	ssub.s32 @!p0 $0x0, s1;
	[sflag:s0] =	ssyncset.done @!p0 $0x0  }
0xc4: {  	[sflag:s0] =	ssyncadd.s32 @!p0 s1  }
0xc5: {  	[bflag:$0x3] =	sbarrier.arrive $0xFFFF  }
0xc6: {  	_ =	shalt  }

// kernel: kernel.43.cloned.1.call-start
scs
__scs_entry_jumppad:
0x0: {  	(pc) =	sbr.rel $0x88, $3  }
0x1: {  	(tag) =	ssettag $0x0;
	lr =	simm.s32 $0x1  }
0x2: {  	[smem:$0x3F8E] =	sst lr;
	_ =	strace $0xD0000000  }
0x3: {  	_ = 	snop  }
0x4: {  	_ = 	snop  }
0x5: {  	_ = 	snop  }
0x6: {  	_ = 	snop  }
0x7: {  	_ = 	snop  }
__scs_overlays_trampoline_lowered:
0x8: {  	[smem:$0x3F9D] =	sst s0  }
0x9: {  	[smem:$0x3F9E] =	sst s1  }
0xa: {  	[smem:$0x3F9F] =	sst s2  }
0xb: {  	[smem:$0x3FA0] =	sst s3  }
0xc: {  	[smem:$0x3FA1] =	sst s4  }
0xd: {  	[smem:$0x3FA2] =	sst s5  }
0xe: {  	[smem:$0x3FA3] =	sst s6  }
0xf: {  	[smem:$0x3FA4] =	sst s7  }
0x10: {  	[smem:$0x3FA5] =	sst s8  }
0x11: {  	[smem:$0x3FA6] =	sst s9;
	s0 =	simm.s32 @!p0 $0x0  }
0x12: {  	s1 =	sld [smem:$0x3F8C];
	s0 =	simm.s32 @p0 $0x1  }
0x13: {  	[smem:$0x3FA7] =	sst s0;
	s0 =	simm.s32 @!p1 $0x0  }
0x14: {  	s2 =	sld [smem:$0x3F8B];
	s0 =	simm.s32 @p1 $0x1  }
0x15: {  	[smem:$0x3FA8] =	sst s0;
	s0 =	simm.s32 @!p2 $0x0  }
0x16: {  	s3 =	sld [smem:$0x3FDB];
	s0 =	simm.s32 @p2 $0x1  }
0x17: {  	s4 =	simm.s32 $0x1BF5;
	[smem:$0x3FAA] =	sst s0  }
0x18: {  	s0 =	sld [smem:$0x3F8D];
	_ =	swait.ge [sflag:s4], $0x0  }
0x19: {  	s7 =	sld [smem:$0x3F8E]  }
0x1a: {  	s8 =	sadd.s32 $0xFFFFE003, lr  }
0x1b: {  	s9 =	sadd.s32 $0xFFFFFEF7, lr;
	s5 =	simm.s32 $0xFFFFFFFF;
	p2 =	slt.u32 s8, $0xFFFFF086  }
0x1c: {  	p1 =	slt.u32 s9, $0xF7A;
	s5 =	simm.s32 @!p2 $0x0  }
0x1d: {  	s5 =	simm.s32 @p1 $0x1;
	p0 =	seq.s32 s7, s2  }
0x1e: {  	s7 =	smul.u32 @!p0 $0xF7A, s2;
	p2 =	seq.s32 @!p0 s5, $0x0  }
0x1f: {  	s9 =	smul.u32 $0xF7A, s1;
	s8 =	simm.s32 @!p0 $0x1BF5;
	p2 =	por !p2, p0  }
0x20: {  	[sflag:s8] =	ssyncset.s32 @!p0 $0xFFFFF086;
	s6 =	sadd.s32 @!p0 s3, s7;
	s7 =	simm.s32 @!p0 $0x108  }
0x21: {  	s3 =	sadd.s32 s3, s9;
	s6 =	sadd.s32 @!p0 $0x88, s6;
	s7 =	simm.s32 @p2 $0x1082  }
0x22: {  	[simem:s7], [sflag:s8] =	dma.local @!p0 [hbm:s6], $0xF7A  }
0x23: {  	s9 =	sor.u32 $0xD0000000, s2;
	s6 =	simm.s32 $0x108;
	_ =	swait.ge @!p0 [sflag:s8], $0x0  }
0x24: {  	s3 =	sadd.s32 $0x88, s3;
	s6 =	simm.s32 @!p1 $0x1082;
	[sflag:s4] =	ssyncset.s32 $0xFFFFF086  }
0x25: {  	[simem:s6], [sflag:s4] =	dma.local [hbm:s3], $0xF7A  }
0x26: {  	[smem:$0x3F8E] =	sst s1;
	(tag) =	ssettag s2;
	_ =	strace s9  }
0x27: {  	s1 =	sld [smem:$0x3F9E]  }
0x28: {  	s2 =	sld [smem:$0x3F9F]  }
0x29: {  	s4 =	sld [smem:$0x3FA1]  }
0x2a: {  	p0 =	seq.s32 s5, $0x0;
	s5 =	sld [smem:$0x3FA2]  }
0x2b: {  	s6 =	sld [smem:$0x3FA3]  }
0x2c: {  	s7 =	sld [smem:$0x3FA4]  }
0x2d: {  	s3 =	simm.s32 $0x108;
	s8 =	sld [smem:$0x3FA5]  }
0x2e: {  	s3 =	simm.s32 @!p0 $0x1082;
	s9 =	sld [smem:$0x3FA6]  }
0x2f: {  	lr =	sadd.s32 s0, s3;
	s0 =	sld [smem:$0x3F9D]  }
0x30: {  	s3 =	sld [smem:$0x3FA0]  }
0x31: {  	[smem:$0x3FA9] =	sst s10  }
0x32: {  	s10 =	sld [smem:$0x3FA7];
	_ =	sdelay $0x3  }
0x33: {  	p0 =	seq.s32 s10, $0x1;
	s10 =	sld [smem:$0x3FA9];
	_ =	sdelay $0x3  }
0x34: {  	[smem:$0x3FA9] =	sst s10  }
0x35: {  	s10 =	sld [smem:$0x3FA8];
	_ =	sdelay $0x3  }
0x36: {  	p1 =	seq.s32 s10, $0x1;
	s10 =	sld [smem:$0x3FA9];
	_ =	sdelay $0x3  }
0x37: {  	[smem:$0x3FA9] =	sst s10  }
0x38: {  	s10 =	sld [smem:$0x3FAA]  }
0x39: {  	_ = 	snop;
	(pc) =	sbr.ind lr, $3  }
0x3a: {  	_ = 	snop  }
0x3b: {  	_ = 	snop  }
0x3c: {  	p2 =	seq.s32 s10, $0x1;
	s10 =	sld [smem:$0x3FA9]  }
0x3d: {  	_ =	shalt  }
0x3e: {  	_ =	shalt  }
0x3f: {  	_ =	shalt  }
0x40: {  	_ =	shalt  }
0x41: {  	_ =	shalt  }
0x42: {  	_ =	shalt  }
0x43: {  	_ =	shalt  }
0x44: {  	_ =	shalt  }
0x45: {  	_ =	shalt  }
0x46: {  	_ =	shalt  }
0x47: {  	_ =	shalt  }
0x48: {  	_ =	shalt  }
0x49: {  	_ =	shalt  }
0x4a: {  	_ =	shalt  }
0x4b: {  	_ =	shalt  }
0x4c: {  	_ =	shalt  }
0x4d: {  	_ =	shalt  }
0x4e: {  	_ =	shalt  }
0x4f: {  	_ =	shalt  }
0x50: {  	_ =	shalt  }
0x51: {  	_ =	shalt  }
0x52: {  	_ =	shalt  }
0x53: {  	_ =	shalt  }
0x54: {  	_ =	shalt  }
0x55: {  	_ =	shalt  }
0x56: {  	_ =	shalt  }
0x57: {  	_ =	shalt  }
0x58: {  	_ =	shalt  }
0x59: {  	_ =	shalt  }
0x5a: {  	_ =	shalt  }
0x5b: {  	_ =	shalt  }
0x5c: {  	_ =	shalt  }
0x5d: {  	_ =	shalt  }
0x5e: {  	_ =	shalt  }
0x5f: {  	_ =	shalt  }
0x60: {  	_ =	shalt  }
0x61: {  	_ =	shalt  }
0x62: {  	_ =	shalt  }
0x63: {  	_ =	shalt  }
0x64: {  	_ =	shalt  }
0x65: {  	_ =	shalt  }
0x66: {  	_ =	shalt  }
0x67: {  	_ =	shalt  }
0x68: {  	_ =	shalt  }
0x69: {  	_ =	shalt  }
0x6a: {  	_ =	shalt  }
0x6b: {  	_ =	shalt  }
0x6c: {  	_ =	shalt  }
0x6d: {  	_ =	shalt  }
0x6e: {  	_ =	shalt  }
0x6f: {  	_ =	shalt  }
0x70: {  	_ =	shalt  }
0x71: {  	_ =	shalt  }
0x72: {  	_ =	shalt  }
0x73: {  	_ =	shalt  }
0x74: {  	_ =	shalt  }
0x75: {  	_ =	shalt  }
0x76: {  	_ =	shalt  }
0x77: {  	_ =	shalt  }
0x78: {  	_ =	shalt  }
0x79: {  	_ =	shalt  }
0x7a: {  	_ =	shalt  }
0x7b: {  	_ =	shalt  }
0x7c: {  	_ =	shalt  }
0x7d: {  	_ =	shalt  }
0x7e: {  	_ =	shalt  }
0x7f: {  	_ =	shalt  }
0x80: {  	_ =	shalt  }
0x81: {  	_ =	shalt  }
0x82: {  	_ =	shalt  }
0x83: {  	_ =	shalt  }
0x84: {  	_ =	shalt  }
0x85: {  	_ =	shalt  }
0x86: {  	_ =	shalt  }
0x87: {  	_ =	shalt  }
.Lfunc_end0:
.L_simem_size_0:
called_computation.4_lowered:
.L_overlay_start_0:
0x88: {  	s2 =	sld [smem:$0x3FD9]  }
0x89: {  	s3 =	sld [smem:$0x3FFE];
	_ =	sdelay $0x1  }
0x8a: {  	s1 =	srdreg.scid  }
0x8b: {  	s0 =	sand.u32 $0x1, s1  }
0x8c: {  	s14 =	sshll.u32 s0, $0xA;
	s2 =	sadd.s32 s3, s2  }
0x8d: {  	s2 =	sadd.s32 s2, s14  }
0x8e: {  	[smem:$0x3FB5] =	sst s2  }
0x8f: {  	_ = 	snop  }
0x90: {  	s2 =	sld [smem:$0x3FD0];
	_ =	sdelay $0x2  }
0x91: {  	s15 =	simm.s32 $0xA;
	s4 =	simm.s32 $0x10  }
0x92: {  	[smem:s4], [sflag:s15] =	dma.local [hbm:s2], $0x1  }
0x93: {  	_ =	swait.eq [sflag:s15], $0x1  }
0x94: {  	[sflag:s15] =	ssyncset.done $0x0  }
0x95: {  	[sflag:s15] =	ssyncadd.s32 $0xFFFFFFFF  }
0x96: {  	s16 =	sld [smem:$0x11];
	(tm) =	ssettm $0x1  }
0x97: {  	s17 =	sld [smem:$0x3FFB];
	_ =	sdelay $0x3  }
0x98: {  	_ =	strace s17  }
0x99: {  	s3 =	sld [smem:$0x3FFC];
	_ =	sdelay $0x3  }
0x9a: {  	_ =	strace s3  }
0x9b: {  	s3 =	sld [smem:$0x3FFD];
	_ =	sdelay $0x3  }
0x9c: {  	_ =	strace s3  }
0x9d: {  	_ =	strace $0x8FFFFFFF  }
0x9e: {  	s18 =	sld [smem:$0x3FDB];
	_ =	sdelay $0x1  }
0x9f: {  	s19 =	simm.s32 $_scs_section_size  }
0xa0: {  	s5 =	simm.s32 $_size__tile_overlayer_lowered;
	s6 =	simm.s32 $_tile_overlayer_lowered  }
0xa1: {  	s22 =	simm.s32 $0x1BFF;
	s21 =	sshll.u32 s6, $0x1;
	s3 =	sadd.s32 s19, s18  }
0xa2: {  	s7 =	simm.s32 $0x0;
	s20 =	sshll.u32 s5, $0x1;
	s5 =	sadd.s32 s21, s3  }
0xa3: {  	[timem:s7], [sflag:s22] =	dma.local [hbm:s5], s20  }
0xa4: {  	_ =	swait.ge [sflag:s22], s20  }
0xa5: {  	s4 =	ssub.s32 $0x0, s20;
	[sflag:s22] =	ssyncset.done $0x0  }
0xa6: {  	[sflag:s22] =	ssyncadd.s32 s4;
	_ =	sdelay $0x1  }
0xa7: {  	s23 =	simm.s32 $0x1B8B  }
0xa8: {  	_ =	swait.ge [sflag:s23], $0x1  }
0xa9: {  	[sflag:s23] =	ssyncset.done $0x0  }
0xaa: {  	s25 =	simm.s32 $0x1B8E;
	s24 =	sld [smem:$0x3FFE];
	[sflag:s23] =	ssyncadd.s32 $0xFFFFFFFF  }
0xab: {  	s26 =	simm.s32 $execute0_lowered;
	[smem:$0x3FD2] =	sst s25  }
0xac: {  	s5 =	sshll.u32 s26, $0x1;
	_ =	strace $0x80000052;
	[dreg:$0x1] =	wrdreg $0xFFFFFFFF  }
0xad: {  	s28 =	simm.s32 $_size_execute0_lowered;
	s3 =	sadd.s32 s3, s5;
	[dreg:$0x0] =	wrdreg $0x0  }
0xae: {  	s5 =	sshll.u32 s28, $0x1;
	[dreg:$0x2] =	wrdreg s3  }
0xaf: {  	[dreg:$0x3] =	wrdreg s5  }
0xb0: {  	[dreg:$0x4] =	wrdreg $0xC0  }
0xb1: {  	_ =	task [dreg:s7], $0x5FFFF  }
0xb2: {  	[dreg:$0x1] =	wrdreg $0xFFFFFFFF  }
0xb3: {  	[dreg:$0x0] =	wrdreg $0x60  }
0xb4: {  	[dreg:$0x2] =	wrdreg s16  }
0xb5: {  	[dreg:$0x3] =	wrdreg s24  }
0xb6: {  	[dreg:$0x4] =	wrdreg $0xD4800  }
0xb7: {  	[dreg:$0x5] =	wrdreg $0x9  }
0xb8: {  	_ =	task.clear_ibuf [dreg:s7], $0x6FFFF;
	_ =	strace $0x90000052  }
0xb9: {  	s29 =	simm.s32 $0x9;
	_ =	strace $0x80000054  }
0xba: {  	_ =	swait.ge [sflag:s29], $0x1  }
0xbb: {  	[sflag:s29] =	ssyncadd.s32 $0xFFFFFFFF  }
0xbc: {  	_ =	strace $0x90000054  }
0xbd: {  	_ =	sfence  }
0xbe: {  	s30 =	sld [smem:$0x0];
	_ =	sdelay $0x2  }
0xbf: {  	s31 =	sshll.u32 s1, $0xD;
	s1 =	sshrl.u32 s1, $0x2  }
0xc0: {  	s3 =	sand.u32 $0x4000, s31;
	s1 =	sadd.s32 s1, s30  }
0xc1: {  	s0 =	sor.u32 s3, s0;
	s1 =	sshll.u32 s1, $0x11  }
0xc2: {  	s0 =	sor.u32 s1, s0  }
0xc3: {  	s0 =	sadd.s32 $0x8F2B, s0  }
0xc4: {  	[sflag:s0] =	ssyncadd.remote.s32 $0x1  }
0xc5: {  	_ =	sfence.sel $0xFFFF  }
0xc6: {  	[dreg:$0x0] =	wrdreg $0xFFFFFFFF;
	(pc) =	sbr.abs _section_cstart, $3  }
0xc7: {  	[dreg:$0x1] =	wrdreg $0xFFFFFFFF  }
0xc8: {  	_ =	task.clear_ibuf [dreg:s7], $0x2FFFF;
	_ =	strace $0x9FFFFFFF  }
0xc9: {  	(tm) =	ssettm $0x7FFFFFFF  }
tec
execute0_lowered:
.L_overlay_start_1:
0x0: {  	(tag) =	ssettag $0x1  }
0x1: {  	s14 =	stileid.u32;
	s4 =	srdreg.scid  }
0x2: {  	s3 =	smul.u32 $0xA28, s14;
	s4 =	sand.u32 $0x1, s4  }
0x3: {  	s0 =	rddreg [dreg:$0x0];
	s6 =	smul.u32 $0x13880, s4  }
0x4: {  	s8 =	sor.u32 $0x10, s14;
	s22 =	ssub.s32 $0x2, s4;
	s4 =	smul.u32 $0x9C400, s4  }
0x5: {  	s2 =	rddreg [dreg:$0x1];
	s12 =	sor.u32 $0x30, s14;
	s17 =	smul.u32 $0x5000, s8  }
0x6: {  	s1 =	simm.s32 $0x0;
	s16 =	sor.u32 $0x40, s14;
	s28 =	smul.u32 $0x1400, s12  }
0x7: {  	[smem:$0x7FF] =	sst s1;
	s18 =	sor.u32 $0x60, s14;
	s29 =	smul.u32 $0x1400, s16  }
0x8: {  	s9 =	sadd.s32 $0x6B000, s2;
	s19 =	sor.u32 $0x70, s14;
	s31 =	smul.u32 $0x1400, s18  }
0x9: {  	p0 =	sgt.u32 s19, $0x7C;
	s5 =	sadd.s32 s3, s2;
	s7 =	sshrl.u32 s22, $0x1  }
0xa: {  	s3 =	smul.u32 $0x1400, s8;
	s8 =	sor.u32 $0x50, s14;
	s7 =	ssub.s32 s22, s7  }
0xb: {  	s2 =	sadd.s32 s0, s6;
	s6 =	sor.u32 $0x20, s14;
	s0 =	smul.u32 $0x1400, s14  }
0xc: {  	s25 =	sadd.s32 s4, s28;
	s30 =	smul.u32 $0x1400, s8;
	s22 =	sadd.s32 s4, s29  }
0xd: {  	s13 =	sadd.s32 s4, s3;
	s26 =	smul.u32 $0x1400, s6;
	s20 =	sshrl.u32 s25, $0x3  }
0xe: {  	s25 =	sadd.s32 s4, s31;
	s11 =	sadd.s32 s4, s0;
	s13 =	sshrl.u32 s13, $0x3  }
0xf: {  	s21 =	sadd.s32 s9, s20;
	s20 =	smul.u32 $0x5000, s6;
	s11 =	sshrl.u32 s11, $0x3  }
0x10: {  	s23 =	sadd.s32 s9, s13;
	s24 =	sadd.s32 s4, s26;
	s13 =	smul.u32 $0x5000, s18  }
0x11: {  	s10 =	sadd.s32 s9, s11;
	[dreg:$0x5] =	wrdreg s23;
	s11 =	sshrl.u32 s24, $0x3  }
0x12: {  	s23 =	sadd.s32 s4, s30;
	[dreg:$0x4] =	wrdreg s10;
	s10 =	smul.u32 $0x1400, s19  }
0x13: {  	s15 =	sadd.s32 s9, s11;
	s11 =	sshrl.u32 s22, $0x3;
	s22 =	smul.u32 $0x5000, s14  }
0x14: {  	[dreg:$0x7] =	wrdreg s21;
	s24 =	sshrl.u32 s23, $0x3;
	s23 =	smul.u32 $0x5000, s12  }
0x15: {  	s21 =	sadd.s32 $0x12A00, s5;
	s14 =	sadd.s32 $0x8600, s5;
	s12 =	smul.u32 $0x5000, s8  }
0x16: {  	[dreg:$0x6] =	wrdreg s15;
	s11 =	sadd.s32 s9, s11;
	s15 =	sshrl.u32 s25, $0x3  }
0x17: {  	s25 =	smul.u32 $0x5000, s16;
	[dreg:$0x8] =	wrdreg s11;
	s11 =	sadd.s32 s9, s24  }
0x18: {  	s4 =	sadd.s32 s4, s10;
	s6 =	sshrl.u32 s22, $0x2;
	s24 =	sshrl.u32 s17, $0x2  }
0x19: {  	s5 =	sshrl.u32 s23, $0x2;
	[dreg:$0x9] =	wrdreg s11;
	s11 =	sadd.s32 s9, s15  }
0x1a: {  	s22 =	smul.u32 $0x5000, s19;
	s4 =	sshrl.u32 s4, $0x3;
	[dreg:$0xa] =	wrdreg s11  }
0x1b: {  	s23 =	sshrl.u32 s12, $0x2;
	s11 =	rddreg [dreg:$0x2];
	s4 =	sadd.s32 s9, s4  }
0x1c: {  	s15 =	smax.u32 s7, $0x1;
	s7 =	simm.s32 $0x0;
	[dreg:$0xb] =	wrdreg s4  }
0x1d: {  	s16 =	sadd.s32 s6, s11;
	s17 =	sadd.s32 s24, s11;
	s4 =	sshrl.u32 s20, $0x2  }
0x1e: {  	s19 =	sadd.s32 s5, s11;
	s24 =	sshrl.u32 s13, $0x2;
	s26 =	sadd.s32 s26, s11  }
0x1f: {  	s28 =	sadd.s32 s28, s11;
	s29 =	sadd.s32 s29, s11;
	s30 =	sadd.s32 s30, s11  }
0x20: {  	s31 =	sadd.s32 s31, s11;
	s9 =	sadd.s32 s10, s11;
	s5 =	simm.s32 $0xBB80  }
0x21: {  	s6 =	simm.s32 $0x2;
	_ =	strace $0x80000053;
	[dreg:$0xc] =	wrdreg s21  }
0x22: {  	s21 =	sshrl.u32 s25, $0x2;
	s18 =	sadd.s32 s4, s11;
	s25 =	sshrl.u32 s22, $0x2  }
0x23: {  	s22 =	sadd.s32 s24, s11;
	s24 =	sadd.s32 s0, s11;
	s0 =	simm.s32 $0x1  }
0x24: {  	s4 =	simm.s32 $0x64;
	s20 =	sadd.s32 s21, s11;
	s21 =	sadd.s32 s23, s11  }
0x25: {  	v0 =	vimm.f32 $0.0e+00;
	s23 =	sadd.s32 s25, s11;
	s25 =	sadd.s32 s3, s11;
	s3 =	simm.s32 $0xA280  }
.LBB2_1:
0x26: {  	s8 =	rddreg [dreg:$0xc]  }
0x27: {  	[tilespmem:s1], [sflag:$0x1] =	stream.linear.gather [hbm4b:s8+s1], $0x5140, $0x38;
	[tilespmem:$0x170C0] =	vst v63  }
0x28: {  	_ =	swait.ge [sflag:s0], $0x5140  }
0x29: {  	[sflag:s0] =	ssyncset.done $0x0  }
0x2a: {  	s12 =	simm.s32 $0x5140;
	[sflag:s0] =	ssyncadd.s32 $0xFFFFAEC0  }
0x2b: {  	[tilespmem:s12], [sflag:$0x1] =	stream.linear.gather [hbm4b:s14+s1], $0x5140, $0x38;
	[tilespmem:$0x170C0] =	vst v63  }
0x2c: {  	s13 =	sand.u32 $0x7F00, s1;
	s10 =	sand.u32 $0x30, s1;
	_ =	swait.ge [sflag:s0], $0x5140  }
0x2d: {  	s8 =	simm.s32 $0x40;
	s12 =	sshrl.u32 s13, $0x2;
	[sflag:s0] =	ssyncset.done $0x0  }
0x2e: {  	s12 =	sor.u32 s10, s12;
	s10 =	simm.s32 $0x0;
	[sflag:s0] =	ssyncadd.s32 $0xFFFFAEC0  }
.LBB2_2:
0x2f: {  	p1 =	sne.s32 s8, $0x63C0  }
0x30: {  	[tilespmem:s12+$0xA280] =	vst v0;
	s10 =	sadd.s32 $0x10, s10;
	s12 =	smov.u32 s8;
	s8 =	sadd.s32 $0x40, s8  }
.Ltmp0:
0x31: {  	(pc) =	sbr.rel @p1 .LBB2_2-.Ltmp0, $4  }
0x32: {  	_ = 	snop  }
0x33: {  	s12 =	sand.u32 $0x7F00, s12  }
0x34: {  	s13 =	sand.u32 $0x30, s10;
	s12 =	sshrl.u32 s12, $0x2  }
0x35: {  	s12 =	sor.u32 s13, s12  }
0x36: {  	[tilespmem:s12+$0xA280] =	vst v0  }
0x37: {  	[spmem:s16] =	stream.linear.scatter [tilespmem:s3], [sflag:$0x1], $0x1400, $0x38;
	[tilespmem:$0x170C0] =	vst v63  }
0x38: {  	_ =	swait.ge [sflag:s0], $0x1400  }
0x39: {  	[sflag:s0] =	ssyncset.done $0x0  }
0x3a: {  	[sflag:s0] =	ssyncadd.s32 $0xFFFFEC00  }
0x3b: {  	[spmem:s17] =	stream.linear.scatter [tilespmem:s3], [sflag:$0x1], $0x1400, $0x38;
	[tilespmem:$0x170C0] =	vst v63  }
0x3c: {  	_ =	swait.ge [sflag:s0], $0x1400  }
0x3d: {  	[sflag:s0] =	ssyncset.done $0x0  }
0x3e: {  	[sflag:s0] =	ssyncadd.s32 $0xFFFFEC00  }
0x3f: {  	[spmem:s18] =	stream.linear.scatter [tilespmem:s3], [sflag:$0x1], $0x1400, $0x38;
	[tilespmem:$0x170C0] =	vst v63  }
0x40: {  	_ =	swait.ge [sflag:s0], $0x1400  }
0x41: {  	[sflag:s0] =	ssyncset.done $0x0  }
0x42: {  	[sflag:s0] =	ssyncadd.s32 $0xFFFFEC00  }
0x43: {  	[spmem:s19] =	stream.linear.scatter [tilespmem:s3], [sflag:$0x1], $0x1400, $0x38;
	[tilespmem:$0x170C0] =	vst v63  }
0x44: {  	_ =	swait.ge [sflag:s0], $0x1400  }
0x45: {  	[sflag:s0] =	ssyncset.done $0x0  }
0x46: {  	[sflag:s0] =	ssyncadd.s32 $0xFFFFEC00  }
0x47: {  	[spmem:s20] =	stream.linear.scatter [tilespmem:s3], [sflag:$0x1], $0x1400, $0x38;
	[tilespmem:$0x170C0] =	vst v63  }
0x48: {  	_ =	swait.ge [sflag:s0], $0x1400  }
0x49: {  	[sflag:s0] =	ssyncset.done $0x0  }
0x4a: {  	[sflag:s0] =	ssyncadd.s32 $0xFFFFEC00  }
0x4b: {  	[spmem:s21] =	stream.linear.scatter [tilespmem:s3], [sflag:$0x1], $0x1400, $0x38;
	[tilespmem:$0x170C0] =	vst v63  }
0x4c: {  	_ =	swait.ge [sflag:s0], $0x1400  }
0x4d: {  	[sflag:s0] =	ssyncset.done $0x0  }
0x4e: {  	[sflag:s0] =	ssyncadd.s32 $0xFFFFEC00  }
0x4f: {  	[spmem:s22] =	stream.linear.scatter [tilespmem:s3], [sflag:$0x1], $0x1400, $0x38;
	[tilespmem:$0x170C0] =	vst v63  }
0x50: {  	_ =	swait.ge [sflag:s0], $0x1400  }
0x51: {  	[sflag:s0] =	ssyncset.done $0x0  }
0x52: {  	s8 =	simm.s32 @!p0 $0xA280;
	[sflag:s0] =	ssyncadd.s32 $0xFFFFEC00  }
0x53: {  	[spmem:s23] =	stream.linear.scatter @!p0 [tilespmem:s8], [sflag:$0x1], $0x1400, $0x38;
	[tilespmem:$0x170C0] =	vst v63  }
0x54: {  	s8 =	simm.s32 @!p0 $0x1  }
0x55: {  	_ =	swait.ge @!p0 [sflag:s8], $0x1400  }
0x56: {  	[sflag:s8] =	ssyncset.done @!p0 $0x0  }
0x57: {  	[sflag:s8] =	ssyncadd.s32 @!p0 $0xFFFFEC00  }
0x58: {  	s12 =	simm.s32 $0x0;
	[bflag:$0x0] =	sbarrier.arrive $0xFFFF  }
0x59: {  	[tilespmem:s3], [sflag:$0x1] =	stream.indirect.gather [hbm4b:s2+s4], $0x40, s12, s4, $0xb8;
	[tilespmem:$0x170C0] =	vst v63  }
0x5a: {  	_ =	swait.ge [sflag:s0], $0x1900  }
0x5b: {  	[sflag:s0] =	ssyncset.done $0x0  }
0x5c: {  	s13 =	simm.s32 $0x5140;
	[sflag:s0] =	ssyncadd.s32 $0xFFFFE700  }
0x5d: {  	[spmem:s11] =	stream.indirect.scatter.add.f32 [tilespmem:s3], [sflag:$0x1], $0x40, s13, s4, $0xb8;
	[tilespmem:$0x170C0] =	vst v63  }
0x5e: {  	_ =	swait.ge [sflag:s0], $0x1900  }
0x5f: {  	s10 =	simm.s32 $0x340;
	s8 =	simm.s32 $0x1A0;
	[sflag:s0] =	ssyncset.done $0x0  }
.LBB2_4:
0x60: {  	s12 =	sshra.s32 s8, $0x2  }
0x61: {  	[sflag:s0] =	ssyncadd.s32 $0xFFFFE700;
	s8 =	smov.u32 s10;
	s13 =	sadd.s32 $0x1A0, s10  }
0x62: {  	[tilespmem:s3], [sflag:$0x1] =	stream.indirect.gather [hbm4b:s2+s4], $0x40, s12, s4, $0xb8;
	[tilespmem:$0x170C0] =	vst v63  }
0x63: {  	p1 =	sne.s32 s10, $0x14360;
	_ =	swait.ge [sflag:s0], $0x1900  }
.Ltmp1:
0x64: {  	[sflag:s0] =	ssyncset.done $0x0;
	(pc) =	sbr.rel @p1 .LBB2_4-.Ltmp1, $4  }
0x65: {  	s10 =	sadd.s32 $0x5140, s12;
	[sflag:s0] =	ssyncadd.s32 $0xFFFFE700  }
0x66: {  	[spmem:s11] =	stream.indirect.scatter.add.f32 [tilespmem:s3], [sflag:$0x1], $0x40, s10, s4, $0xb8;
	[tilespmem:$0x170C0] =	vst v63  }
0x67: {  	_ =	swait.ge [sflag:s0], $0x1900  }
0x68: {  	s10 =	smov.u32 s13;
	[sflag:s0] =	ssyncset.done $0x0  }
0x69: {  	s8 =	sshra.s32 s8, $0x2;
	[sflag:s0] =	ssyncadd.s32 $0xFFFFE700  }
0x6a: {  	[tilespmem:s3], [sflag:$0x1] =	stream.indirect.gather [hbm4b:s2+s4], $0x40, s8, s4, $0xb8;
	[tilespmem:$0x170C0] =	vst v63  }
0x6b: {  	_ =	swait.ge [sflag:s0], $0x1900  }
0x6c: {  	[sflag:s0] =	ssyncset.done $0x0  }
0x6d: {  	s8 =	sadd.s32 $0x5140, s8;
	[sflag:s0] =	ssyncadd.s32 $0xFFFFE700  }
0x6e: {  	[spmem:s11] =	stream.indirect.scatter.add.f32 [tilespmem:s3], [sflag:$0x1], $0x40, s8, s4, $0xb8;
	[tilespmem:$0x170C0] =	vst v63  }
0x6f: {  	_ =	swait.ge [sflag:s0], $0x1900  }
0x70: {  	[sflag:s0] =	ssyncset.done $0x0  }
0x71: {  	[sflag:s0] =	ssyncadd.s32 $0xFFFFE700  }
0x72: {  	[bflag:$0x0] =	sbarrier.arrive $0xFFFF  }
0x73: {  	[tilespmem:s5], [sflag:$0x2] =	stream.linear.gather [spmem:s24], $0x1400, $0x38;
	[tilespmem:$0x170C0] =	vst v63  }
0x74: {  	_ =	swait.ge [sflag:s6], $0x1400  }
0x75: {  	[sflag:s6] =	ssyncset.done $0x0  }
0x76: {  	s13 =	rddreg [dreg:$0x4];
	[sflag:s6] =	ssyncadd.s32 $0xFFFFEC00  }
0x77: {  	[hbm4b:s13+s1] =	stream.linear.scatter [tilespmem:s5], [sflag:$0x1], $0x1400, $0x38;
	[tilespmem:$0x170C0] =	vst v63  }
0x78: {  	_ =	swait.ge [sflag:s0], $0x1400  }
0x79: {  	[sflag:s0] =	ssyncset.done $0x0  }
0x7a: {  	[sflag:s0] =	ssyncadd.s32 $0xFFFFEC00  }
0x7b: {  	[tilespmem:s5], [sflag:$0x2] =	stream.linear.gather [spmem:s25], $0x1400, $0x38;
	[tilespmem:$0x170C0] =	vst v63  }
0x7c: {  	_ =	swait.ge [sflag:s6], $0x1400  }
0x7d: {  	[sflag:s6] =	ssyncset.done $0x0  }
0x7e: {  	s10 =	rddreg [dreg:$0x5];
	[sflag:s6] =	ssyncadd.s32 $0xFFFFEC00  }
0x7f: {  	[hbm4b:s10+s1] =	stream.linear.scatter [tilespmem:s5], [sflag:$0x1], $0x1400, $0x38;
	[tilespmem:$0x170C0] =	vst v63  }
0x80: {  	_ =	swait.ge [sflag:s0], $0x1400  }
0x81: {  	[sflag:s0] =	ssyncset.done $0x0  }
0x82: {  	[sflag:s0] =	ssyncadd.s32 $0xFFFFEC00  }
0x83: {  	[tilespmem:s5], [sflag:$0x2] =	stream.linear.gather [spmem:s26], $0x1400, $0x38;
	[tilespmem:$0x170C0] =	vst v63  }
0x84: {  	_ =	swait.ge [sflag:s6], $0x1400  }
0x85: {  	[sflag:s6] =	ssyncset.done $0x0  }
0x86: {  	s12 =	rddreg [dreg:$0x6];
	[sflag:s6] =	ssyncadd.s32 $0xFFFFEC00  }
0x87: {  	[hbm4b:s12+s1] =	stream.linear.scatter [tilespmem:s5], [sflag:$0x1], $0x1400, $0x38;
	[tilespmem:$0x170C0] =	vst v63  }
0x88: {  	_ =	swait.ge [sflag:s0], $0x1400  }
0x89: {  	[sflag:s0] =	ssyncset.done $0x0  }
0x8a: {  	[sflag:s0] =	ssyncadd.s32 $0xFFFFEC00  }
0x8b: {  	[tilespmem:s5], [sflag:$0x2] =	stream.linear.gather [spmem:s28], $0x1400, $0x38;
	[tilespmem:$0x170C0] =	vst v63  }
0x8c: {  	_ =	swait.ge [sflag:s6], $0x1400  }
0x8d: {  	[sflag:s6] =	ssyncset.done $0x0  }
0x8e: {  	s13 =	rddreg [dreg:$0x7];
	[sflag:s6] =	ssyncadd.s32 $0xFFFFEC00  }
0x8f: {  	[hbm4b:s13+s1] =	stream.linear.scatter [tilespmem:s5], [sflag:$0x1], $0x1400, $0x38;
	[tilespmem:$0x170C0] =	vst v63  }
0x90: {  	_ =	swait.ge [sflag:s0], $0x1400  }
0x91: {  	[sflag:s0] =	ssyncset.done $0x0  }
0x92: {  	[sflag:s0] =	ssyncadd.s32 $0xFFFFEC00  }
0x93: {  	[tilespmem:s5], [sflag:$0x2] =	stream.linear.gather [spmem:s29], $0x1400, $0x38;
	[tilespmem:$0x170C0] =	vst v63  }
0x94: {  	_ =	swait.ge [sflag:s6], $0x1400  }
0x95: {  	[sflag:s6] =	ssyncset.done $0x0  }
0x96: {  	s10 =	rddreg [dreg:$0x8];
	[sflag:s6] =	ssyncadd.s32 $0xFFFFEC00  }
0x97: {  	[hbm4b:s10+s1] =	stream.linear.scatter [tilespmem:s5], [sflag:$0x1], $0x1400, $0x38;
	[tilespmem:$0x170C0] =	vst v63  }
0x98: {  	_ =	swait.ge [sflag:s0], $0x1400  }
0x99: {  	[sflag:s0] =	ssyncset.done $0x0  }
0x9a: {  	[sflag:s0] =	ssyncadd.s32 $0xFFFFEC00  }
0x9b: {  	[tilespmem:s5], [sflag:$0x2] =	stream.linear.gather [spmem:s30], $0x1400, $0x38;
	[tilespmem:$0x170C0] =	vst v63  }
0x9c: {  	_ =	swait.ge [sflag:s6], $0x1400  }
0x9d: {  	[sflag:s6] =	ssyncset.done $0x0  }
0x9e: {  	s12 =	rddreg [dreg:$0x9];
	[sflag:s6] =	ssyncadd.s32 $0xFFFFEC00  }
0x9f: {  	[hbm4b:s12+s1] =	stream.linear.scatter [tilespmem:s5], [sflag:$0x1], $0x1400, $0x38;
	[tilespmem:$0x170C0] =	vst v63  }
0xa0: {  	_ =	swait.ge [sflag:s0], $0x1400  }
0xa1: {  	[sflag:s0] =	ssyncset.done $0x0  }
0xa2: {  	[sflag:s0] =	ssyncadd.s32 $0xFFFFEC00  }
0xa3: {  	[tilespmem:s5], [sflag:$0x2] =	stream.linear.gather [spmem:s31], $0x1400, $0x38;
	[tilespmem:$0x170C0] =	vst v63  }
0xa4: {  	_ =	swait.ge [sflag:s6], $0x1400  }
0xa5: {  	[sflag:s6] =	ssyncset.done $0x0  }
0xa6: {  	s13 =	rddreg [dreg:$0xa];
	[sflag:s6] =	ssyncadd.s32 $0xFFFFEC00  }
0xa7: {  	[hbm4b:s13+s1] =	stream.linear.scatter [tilespmem:s5], [sflag:$0x1], $0x1400, $0x38;
	[tilespmem:$0x170C0] =	vst v63  }
0xa8: {  	_ =	swait.ge [sflag:s0], $0x1400  }
0xa9: {  	[sflag:s0] =	ssyncset.done $0x0  }
0xaa: {  	s8 =	simm.s32 @!p0 $0xBB80;
	s10 =	simm.s32 @!p0 $0x2;
	[sflag:s0] =	ssyncadd.s32 $0xFFFFEC00  }
0xab: {  	[tilespmem:s8], [sflag:$0x2] =	stream.linear.gather @!p0 [spmem:s9], $0x1400, $0x38;
	[tilespmem:$0x170C0] =	vst v63  }
0xac: {  	s7 =	sadd.s32 $0x1, s7;
	_ =	swait.ge @!p0 [sflag:s10], $0x1400  }
0xad: {  	p1 =	sne.s32 s7, s15;
	[sflag:s10] =	ssyncset.done @!p0 $0x0  }
0xae: {  	s12 =	rddreg [dreg:$0xb];
	[sflag:s10] =	ssyncadd.s32 @!p0 $0xFFFFEC00;
	s10 =	simm.s32 @!p0 $0x0  }
0xaf: {  	[hbm4b:s12+s10] =	stream.linear.scatter @!p0 [tilespmem:s8], [sflag:$0x1], $0x1400, $0x38;
	[tilespmem:$0x170C0] =	vst v63  }
.Ltmp2:
0xb0: {  	_ = 	snop;
	(pc) =	sbr.rel @p1 .LBB2_1-.Ltmp2, $4  }
0xb1: {  	s8 =	simm.s32 @!p0 $0x1  }
0xb2: {  	_ =	swait.ge @!p0 [sflag:s8], $0x1400  }
0xb3: {  	[sflag:s8] =	ssyncset.done @!p0 $0x0  }
0xb4: {  	[sflag:s8] =	ssyncadd.s32 @!p0 $0xFFFFEC00  }
0xb5: {  	_ =	sfence.sel $0x180000  }
0xb6: {  	[bflag:$0x0] =	sbarrier.arrive $0xFFFF  }
0xb7: {  	_ =	strace $0x90000053  }
0xb8: {  	s0 =	stileid.u32;
	[bflag:$0x2] =	sbarrier.arrive $0xFFFF  }
0xb9: {  	p0 =	sne.s32 s0, $0x0;
	s0 =	rddreg [dreg:$0x3]  }
0xba: {  	s0 =	sadd.s32 @!p0 $0x100000, s0  }
0xbb: {  	[sflag:s0] =	ssyncadd.tile.s32 @!p0 $0x1;
	_ =	shalt  }
.Lfunc_end2:
_tile_overlayer_lowered:
.L_overlay_start_2:
0xbc: {  	(tag) =	ssettag $0x2  }
0xbd: {  	s0 =	rddreg [dreg:$0x0];
	s2 =	stileid.u32  }
0xbe: {  	s1 =	rddreg [dreg:$0x1];
	p0 =	sne.s32 s2, $0x0  }
0xbf: {  	s3 =	rddreg [dreg:$0x2];
	[bflag:$0x3] =	sbarrier.arrive $0xFFFF;
	s2 =	simm.s32 @!p0 $0x1C01  }
0xc0: {  	[timem:s3], [sflag:s2] =	dma.local @!p0 [hbm:s0], s1  }
0xc1: {  	s0 =	simm.s32 @!p0 $0x1  }
0xc2: {  	_ =	swait.ge @!p0 [sflag:s0], s1  }
0xc3: {  	s1 =	ssub.s32 @!p0 $0x0, s1;
	[sflag:s0] =	ssyncset.done @!p0 $0x0  }
0xc4: {  	[sflag:s0] =	ssyncadd.s32 @!p0 s1  }
0xc5: {  	[bflag:$0x3] =	sbarrier.arrive $0xFFFF  }
0xc6: {  	_ =	shalt  }

// kernel: kernel.46.cloned.1.call-start
scs
__scs_entry_jumppad:
0x0: {  	(pc) =	sbr.rel $0x88, $3  }
0x1: {  	(tag) =	ssettag $0x0;
	lr =	simm.s32 $0x1  }
0x2: {  	[smem:$0x3F8E] =	sst lr;
	_ =	strace $0xD0000000  }
0x3: {  	_ = 	snop  }
0x4: {  	_ = 	snop  }
0x5: {  	_ = 	snop  }
0x6: {  	_ = 	snop  }
0x7: {  	_ = 	snop  }
__scs_overlays_trampoline_lowered:
0x8: {  	[smem:$0x3F9D] =	sst s0  }
0x9: {  	[smem:$0x3F9E] =	sst s1  }
0xa: {  	[smem:$0x3F9F] =	sst s2  }
0xb: {  	[smem:$0x3FA0] =	sst s3  }
0xc: {  	[smem:$0x3FA1] =	sst s4  }
0xd: {  	[smem:$0x3FA2] =	sst s5  }
0xe: {  	[smem:$0x3FA3] =	sst s6  }
0xf: {  	[smem:$0x3FA4] =	sst s7  }
0x10: {  	[smem:$0x3FA5] =	sst s8  }
0x11: {  	[smem:$0x3FA6] =	sst s9;
	s0 =	simm.s32 @!p0 $0x0  }
0x12: {  	s1 =	sld [smem:$0x3F8C];
	s0 =	simm.s32 @p0 $0x1  }
0x13: {  	[smem:$0x3FA7] =	sst s0;
	s0 =	simm.s32 @!p1 $0x0  }
0x14: {  	s2 =	sld [smem:$0x3F8B];
	s0 =	simm.s32 @p1 $0x1  }
0x15: {  	[smem:$0x3FA8] =	sst s0;
	s0 =	simm.s32 @!p2 $0x0  }
0x16: {  	s3 =	sld [smem:$0x3FDB];
	s0 =	simm.s32 @p2 $0x1  }
0x17: {  	s4 =	simm.s32 $0x1BF5;
	[smem:$0x3FAA] =	sst s0  }
0x18: {  	s0 =	sld [smem:$0x3F8D];
	_ =	swait.ge [sflag:s4], $0x0  }
0x19: {  	s7 =	sld [smem:$0x3F8E]  }
0x1a: {  	s8 =	sadd.s32 $0xFFFFE003, lr  }
0x1b: {  	s9 =	sadd.s32 $0xFFFFFEF7, lr;
	s5 =	simm.s32 $0xFFFFFFFF;
	p2 =	slt.u32 s8, $0xFFFFF086  }
0x1c: {  	p1 =	slt.u32 s9, $0xF7A;
	s5 =	simm.s32 @!p2 $0x0  }
0x1d: {  	s5 =	simm.s32 @p1 $0x1;
	p0 =	seq.s32 s7, s2  }
0x1e: {  	s7 =	smul.u32 @!p0 $0xF7A, s2;
	p2 =	seq.s32 @!p0 s5, $0x0  }
0x1f: {  	s9 =	smul.u32 $0xF7A, s1;
	s8 =	simm.s32 @!p0 $0x1BF5;
	p2 =	por !p2, p0  }
0x20: {  	[sflag:s8] =	ssyncset.s32 @!p0 $0xFFFFF086;
	s6 =	sadd.s32 @!p0 s3, s7;
	s7 =	simm.s32 @!p0 $0x108  }
0x21: {  	s3 =	sadd.s32 s3, s9;
	s6 =	sadd.s32 @!p0 $0x88, s6;
	s7 =	simm.s32 @p2 $0x1082  }
0x22: {  	[simem:s7], [sflag:s8] =	dma.local @!p0 [hbm:s6], $0xF7A  }
0x23: {  	s9 =	sor.u32 $0xD0000000, s2;
	s6 =	simm.s32 $0x108;
	_ =	swait.ge @!p0 [sflag:s8], $0x0  }
0x24: {  	s3 =	sadd.s32 $0x88, s3;
	s6 =	simm.s32 @!p1 $0x1082;
	[sflag:s4] =	ssyncset.s32 $0xFFFFF086  }
0x25: {  	[simem:s6], [sflag:s4] =	dma.local [hbm:s3], $0xF7A  }
0x26: {  	[smem:$0x3F8E] =	sst s1;
	(tag) =	ssettag s2;
	_ =	strace s9  }
0x27: {  	s1 =	sld [smem:$0x3F9E]  }
0x28: {  	s2 =	sld [smem:$0x3F9F]  }
0x29: {  	s4 =	sld [smem:$0x3FA1]  }
0x2a: {  	p0 =	seq.s32 s5, $0x0;
	s5 =	sld [smem:$0x3FA2]  }
0x2b: {  	s6 =	sld [smem:$0x3FA3]  }
0x2c: {  	s7 =	sld [smem:$0x3FA4]  }
0x2d: {  	s3 =	simm.s32 $0x108;
	s8 =	sld [smem:$0x3FA5]  }
0x2e: {  	s3 =	simm.s32 @!p0 $0x1082;
	s9 =	sld [smem:$0x3FA6]  }
0x2f: {  	lr =	sadd.s32 s0, s3;
	s0 =	sld [smem:$0x3F9D]  }
0x30: {  	s3 =	sld [smem:$0x3FA0]  }
0x31: {  	[smem:$0x3FA9] =	sst s10  }
0x32: {  	s10 =	sld [smem:$0x3FA7];
	_ =	sdelay $0x3  }
0x33: {  	p0 =	seq.s32 s10, $0x1;
	s10 =	sld [smem:$0x3FA9];
	_ =	sdelay $0x3  }
0x34: {  	[smem:$0x3FA9] =	sst s10  }
0x35: {  	s10 =	sld [smem:$0x3FA8];
	_ =	sdelay $0x3  }
0x36: {  	p1 =	seq.s32 s10, $0x1;
	s10 =	sld [smem:$0x3FA9];
	_ =	sdelay $0x3  }
0x37: {  	[smem:$0x3FA9] =	sst s10  }
0x38: {  	s10 =	sld [smem:$0x3FAA]  }
0x39: {  	_ = 	snop;
	(pc) =	sbr.ind lr, $3  }
0x3a: {  	_ = 	snop  }
0x3b: {  	_ = 	snop  }
0x3c: {  	p2 =	seq.s32 s10, $0x1;
	s10 =	sld [smem:$0x3FA9]  }
0x3d: {  	_ =	shalt  }
0x3e: {  	_ =	shalt  }
0x3f: {  	_ =	shalt  }
0x40: {  	_ =	shalt  }
0x41: {  	_ =	shalt  }
0x42: {  	_ =	shalt  }
0x43: {  	_ =	shalt  }
0x44: {  	_ =	shalt  }
0x45: {  	_ =	shalt  }
0x46: {  	_ =	shalt  }
0x47: {  	_ =	shalt  }
0x48: {  	_ =	shalt  }
0x49: {  	_ =	shalt  }
0x4a: {  	_ =	shalt  }
0x4b: {  	_ =	shalt  }
0x4c: {  	_ =	shalt  }
0x4d: {  	_ =	shalt  }
0x4e: {  	_ =	shalt  }
0x4f: {  	_ =	shalt  }
0x50: {  	_ =	shalt  }
0x51: {  	_ =	shalt  }
0x52: {  	_ =	shalt  }
0x53: {  	_ =	shalt  }
0x54: {  	_ =	shalt  }
0x55: {  	_ =	shalt  }
0x56: {  	_ =	shalt  }
0x57: {  	_ =	shalt  }
0x58: {  	_ =	shalt  }
0x59: {  	_ =	shalt  }
0x5a: {  	_ =	shalt  }
0x5b: {  	_ =	shalt  }
0x5c: {  	_ =	shalt  }
0x5d: {  	_ =	shalt  }
0x5e: {  	_ =	shalt  }
0x5f: {  	_ =	shalt  }
0x60: {  	_ =	shalt  }
0x61: {  	_ =	shalt  }
0x62: {  	_ =	shalt  }
0x63: {  	_ =	shalt  }
0x64: {  	_ =	shalt  }
0x65: {  	_ =	shalt  }
0x66: {  	_ =	shalt  }
0x67: {  	_ =	shalt  }
0x68: {  	_ =	shalt  }
0x69: {  	_ =	shalt  }
0x6a: {  	_ =	shalt  }
0x6b: {  	_ =	shalt  }
0x6c: {  	_ =	shalt  }
0x6d: {  	_ =	shalt  }
0x6e: {  	_ =	shalt  }
0x6f: {  	_ =	shalt  }
0x70: {  	_ =	shalt  }
0x71: {  	_ =	shalt  }
0x72: {  	_ =	shalt  }
0x73: {  	_ =	shalt  }
0x74: {  	_ =	shalt  }
0x75: {  	_ =	shalt  }
0x76: {  	_ =	shalt  }
0x77: {  	_ =	shalt  }
0x78: {  	_ =	shalt  }
0x79: {  	_ =	shalt  }
0x7a: {  	_ =	shalt  }
0x7b: {  	_ =	shalt  }
0x7c: {  	_ =	shalt  }
0x7d: {  	_ =	shalt  }
0x7e: {  	_ =	shalt  }
0x7f: {  	_ =	shalt  }
0x80: {  	_ =	shalt  }
0x81: {  	_ =	shalt  }
0x82: {  	_ =	shalt  }
0x83: {  	_ =	shalt  }
0x84: {  	_ =	shalt  }
0x85: {  	_ =	shalt  }
0x86: {  	_ =	shalt  }
0x87: {  	_ =	shalt  }
.Lfunc_end0:
.L_simem_size_0:
called_computation.5_lowered:
.L_overlay_start_0:
0x88: {  	s2 =	sld [smem:$0x3FD9]  }
0x89: {  	s3 =	sld [smem:$0x3FFE];
	_ =	sdelay $0x1  }
0x8a: {  	s1 =	srdreg.scid  }
0x8b: {  	s0 =	sand.u32 $0x1, s1  }
0x8c: {  	s14 =	sshll.u32 s0, $0xA;
	s2 =	sadd.s32 s3, s2  }
0x8d: {  	s2 =	sadd.s32 s2, s14  }
0x8e: {  	[smem:$0x3FB5] =	sst s2  }
0x8f: {  	_ = 	snop  }
0x90: {  	s2 =	sld [smem:$0x3FD0];
	_ =	sdelay $0x2  }
0x91: {  	s15 =	simm.s32 $0xA;
	s4 =	simm.s32 $0x10  }
0x92: {  	[smem:s4], [sflag:s15] =	dma.local [hbm:s2], $0x1  }
0x93: {  	_ =	swait.eq [sflag:s15], $0x1  }
0x94: {  	[sflag:s15] =	ssyncset.done $0x0  }
0x95: {  	[sflag:s15] =	ssyncadd.s32 $0xFFFFFFFF  }
0x96: {  	s16 =	sld [smem:$0x11];
	(tm) =	ssettm $0x1  }
0x97: {  	s17 =	sld [smem:$0x3FFB];
	_ =	sdelay $0x3  }
0x98: {  	_ =	strace s17  }
0x99: {  	s3 =	sld [smem:$0x3FFC];
	_ =	sdelay $0x3  }
0x9a: {  	_ =	strace s3  }
0x9b: {  	s3 =	sld [smem:$0x3FFD];
	_ =	sdelay $0x3  }
0x9c: {  	_ =	strace s3  }
0x9d: {  	_ =	strace $0x8FFFFFFF  }
0x9e: {  	s18 =	sld [smem:$0x3FDB];
	_ =	sdelay $0x1  }
0x9f: {  	s19 =	simm.s32 $_scs_section_size  }
0xa0: {  	s5 =	simm.s32 $_size__tile_overlayer_lowered;
	s6 =	simm.s32 $_tile_overlayer_lowered  }
0xa1: {  	s22 =	simm.s32 $0x1BFF;
	s21 =	sshll.u32 s6, $0x1;
	s3 =	sadd.s32 s19, s18  }
0xa2: {  	s7 =	simm.s32 $0x0;
	s20 =	sshll.u32 s5, $0x1;
	s5 =	sadd.s32 s21, s3  }
0xa3: {  	[timem:s7], [sflag:s22] =	dma.local [hbm:s5], s20  }
0xa4: {  	_ =	swait.ge [sflag:s22], s20  }
0xa5: {  	s4 =	ssub.s32 $0x0, s20;
	[sflag:s22] =	ssyncset.done $0x0  }
0xa6: {  	[sflag:s22] =	ssyncadd.s32 s4;
	_ =	sdelay $0x1  }
0xa7: {  	s23 =	simm.s32 $0x1B8B  }
0xa8: {  	_ =	swait.ge [sflag:s23], $0x1  }
0xa9: {  	[sflag:s23] =	ssyncset.done $0x0  }
0xaa: {  	s25 =	simm.s32 $0x1B8E;
	s24 =	sld [smem:$0x3FFE];
	[sflag:s23] =	ssyncadd.s32 $0xFFFFFFFF  }
0xab: {  	s26 =	simm.s32 $execute0_lowered;
	[smem:$0x3FD2] =	sst s25  }
0xac: {  	s5 =	sshll.u32 s26, $0x1;
	_ =	strace $0x80000055;
	[dreg:$0x1] =	wrdreg $0xFFFFFFFF  }
0xad: {  	s28 =	simm.s32 $_size_execute0_lowered;
	s3 =	sadd.s32 s3, s5;
	[dreg:$0x0] =	wrdreg $0x0  }
0xae: {  	s5 =	sshll.u32 s28, $0x1;
	[dreg:$0x2] =	wrdreg s3  }
0xaf: {  	[dreg:$0x3] =	wrdreg s5  }
0xb0: {  	[dreg:$0x4] =	wrdreg $0xC0  }
0xb1: {  	_ =	task [dreg:s7], $0x5FFFF  }
0xb2: {  	[dreg:$0x1] =	wrdreg $0xFFFFFFFF  }
0xb3: {  	[dreg:$0x0] =	wrdreg $0x60  }
0xb4: {  	[dreg:$0x2] =	wrdreg s16  }
0xb5: {  	[dreg:$0x3] =	wrdreg s24  }
0xb6: {  	[dreg:$0x4] =	wrdreg $0xD4800  }
0xb7: {  	[dreg:$0x5] =	wrdreg $0x9  }
0xb8: {  	_ =	task.clear_ibuf [dreg:s7], $0x6FFFF;
	_ =	strace $0x90000055  }
0xb9: {  	s29 =	simm.s32 $0x9;
	_ =	strace $0x80000057  }
0xba: {  	_ =	swait.ge [sflag:s29], $0x1  }
0xbb: {  	[sflag:s29] =	ssyncadd.s32 $0xFFFFFFFF  }
0xbc: {  	_ =	strace $0x90000057  }
0xbd: {  	_ =	sfence  }
0xbe: {  	s30 =	sld [smem:$0x0];
	_ =	sdelay $0x2  }
0xbf: {  	s31 =	sshll.u32 s1, $0xD;
	s1 =	sshrl.u32 s1, $0x2  }
0xc0: {  	s3 =	sand.u32 $0x4000, s31;
	s1 =	sadd.s32 s1, s30  }
0xc1: {  	s0 =	sor.u32 s3, s0;
	s1 =	sshll.u32 s1, $0x11  }
0xc2: {  	s0 =	sor.u32 s1, s0  }
0xc3: {  	s0 =	sadd.s32 $0x8F2B, s0  }
0xc4: {  	[sflag:s0] =	ssyncadd.remote.s32 $0x1  }
0xc5: {  	_ =	sfence.sel $0xFFFF  }
0xc6: {  	[dreg:$0x0] =	wrdreg $0xFFFFFFFF;
	(pc) =	sbr.abs _section_cstart, $3  }
0xc7: {  	[dreg:$0x1] =	wrdreg $0xFFFFFFFF  }
0xc8: {  	_ =	task.clear_ibuf [dreg:s7], $0x2FFFF;
	_ =	strace $0x9FFFFFFF  }
0xc9: {  	(tm) =	ssettm $0x7FFFFFFF  }
tec
execute0_lowered:
.L_overlay_start_1:
0x0: {  	(tag) =	ssettag $0x1  }
0x1: {  	s14 =	stileid.u32;
	s4 =	srdreg.scid  }
0x2: {  	s3 =	smul.u32 $0xA28, s14;
	s4 =	sand.u32 $0x1, s4  }
0x3: {  	s0 =	rddreg [dreg:$0x0];
	s6 =	smul.u32 $0x13880, s4  }
0x4: {  	s8 =	sor.u32 $0x10, s14;
	s22 =	ssub.s32 $0x2, s4;
	s4 =	smul.u32 $0x9C400, s4  }
0x5: {  	s2 =	rddreg [dreg:$0x1];
	s12 =	sor.u32 $0x30, s14;
	s17 =	smul.u32 $0x5000, s8  }
0x6: {  	s1 =	simm.s32 $0x0;
	s16 =	sor.u32 $0x40, s14;
	s28 =	smul.u32 $0x1400, s12  }
0x7: {  	[smem:$0x7FF] =	sst s1;
	s18 =	sor.u32 $0x60, s14;
	s29 =	smul.u32 $0x1400, s16  }
0x8: {  	s9 =	sadd.s32 $0x6B000, s2;
	s19 =	sor.u32 $0x70, s14;
	s31 =	smul.u32 $0x1400, s18  }
0x9: {  	p0 =	sgt.u32 s19, $0x7C;
	s5 =	sadd.s32 s3, s2;
	s7 =	sshrl.u32 s22, $0x1  }
0xa: {  	s3 =	smul.u32 $0x1400, s8;
	s8 =	sor.u32 $0x50, s14;
	s7 =	ssub.s32 s22, s7  }
0xb: {  	s2 =	sadd.s32 s0, s6;
	s6 =	sor.u32 $0x20, s14;
	s0 =	smul.u32 $0x1400, s14  }
0xc: {  	s25 =	sadd.s32 s4, s28;
	s30 =	smul.u32 $0x1400, s8;
	s22 =	sadd.s32 s4, s29  }
0xd: {  	s13 =	sadd.s32 s4, s3;
	s26 =	smul.u32 $0x1400, s6;
	s20 =	sshrl.u32 s25, $0x3  }
0xe: {  	s25 =	sadd.s32 s4, s31;
	s11 =	sadd.s32 s4, s0;
	s13 =	sshrl.u32 s13, $0x3  }
0xf: {  	s21 =	sadd.s32 s9, s20;
	s20 =	smul.u32 $0x5000, s6;
	s11 =	sshrl.u32 s11, $0x3  }
0x10: {  	s23 =	sadd.s32 s9, s13;
	s24 =	sadd.s32 s4, s26;
	s13 =	smul.u32 $0x5000, s18  }
0x11: {  	s10 =	sadd.s32 s9, s11;
	[dreg:$0x5] =	wrdreg s23;
	s11 =	sshrl.u32 s24, $0x3  }
0x12: {  	s23 =	sadd.s32 s4, s30;
	[dreg:$0x4] =	wrdreg s10;
	s10 =	smul.u32 $0x1400, s19  }
0x13: {  	s15 =	sadd.s32 s9, s11;
	s11 =	sshrl.u32 s22, $0x3;
	s22 =	smul.u32 $0x5000, s14  }
0x14: {  	[dreg:$0x7] =	wrdreg s21;
	s24 =	sshrl.u32 s23, $0x3;
	s23 =	smul.u32 $0x5000, s12  }
0x15: {  	s21 =	sadd.s32 $0x12A00, s5;
	s14 =	sadd.s32 $0x8600, s5;
	s12 =	smul.u32 $0x5000, s8  }
0x16: {  	[dreg:$0x6] =	wrdreg s15;
	s11 =	sadd.s32 s9, s11;
	s15 =	sshrl.u32 s25, $0x3  }
0x17: {  	s25 =	smul.u32 $0x5000, s16;
	[dreg:$0x8] =	wrdreg s11;
	s11 =	sadd.s32 s9, s24  }
0x18: {  	s4 =	sadd.s32 s4, s10;
	s6 =	sshrl.u32 s22, $0x2;
	s24 =	sshrl.u32 s17, $0x2  }
0x19: {  	s5 =	sshrl.u32 s23, $0x2;
	[dreg:$0x9] =	wrdreg s11;
	s11 =	sadd.s32 s9, s15  }
0x1a: {  	s22 =	smul.u32 $0x5000, s19;
	s4 =	sshrl.u32 s4, $0x3;
	[dreg:$0xa] =	wrdreg s11  }
0x1b: {  	s23 =	sshrl.u32 s12, $0x2;
	s11 =	rddreg [dreg:$0x2];
	s4 =	sadd.s32 s9, s4  }
0x1c: {  	s15 =	smax.u32 s7, $0x1;
	s7 =	simm.s32 $0x0;
	[dreg:$0xb] =	wrdreg s4  }
0x1d: {  	s16 =	sadd.s32 s6, s11;
	s17 =	sadd.s32 s24, s11;
	s4 =	sshrl.u32 s20, $0x2  }
0x1e: {  	s19 =	sadd.s32 s5, s11;
	s24 =	sshrl.u32 s13, $0x2;
	s26 =	sadd.s32 s26, s11  }
0x1f: {  	s28 =	sadd.s32 s28, s11;
	s29 =	sadd.s32 s29, s11;
	s30 =	sadd.s32 s30, s11  }
0x20: {  	s31 =	sadd.s32 s31, s11;
	s9 =	sadd.s32 s10, s11;
	s5 =	simm.s32 $0xBB80  }
0x21: {  	s6 =	simm.s32 $0x2;
	_ =	strace $0x80000056;
	[dreg:$0xc] =	wrdreg s21  }
0x22: {  	s21 =	sshrl.u32 s25, $0x2;
	s18 =	sadd.s32 s4, s11;
	s25 =	sshrl.u32 s22, $0x2  }
0x23: {  	s22 =	sadd.s32 s24, s11;
	s24 =	sadd.s32 s0, s11;
	s0 =	simm.s32 $0x1  }
0x24: {  	s4 =	simm.s32 $0x64;
	s20 =	sadd.s32 s21, s11;
	s21 =	sadd.s32 s23, s11  }
0x25: {  	v0 =	vimm.f32 $0.0e+00;
	s23 =	sadd.s32 s25, s11;
	s25 =	sadd.s32 s3, s11;
	s3 =	simm.s32 $0xA280  }
.LBB2_1:
0x26: {  	s8 =	rddreg [dreg:$0xc]  }
0x27: {  	[tilespmem:s1], [sflag:$0x1] =	stream.linear.gather [hbm4b:s8+s1], $0x5140, $0x38;
	[tilespmem:$0x170C0] =	vst v63  }
0x28: {  	_ =	swait.ge [sflag:s0], $0x5140  }
0x29: {  	[sflag:s0] =	ssyncset.done $0x0  }
0x2a: {  	s12 =	simm.s32 $0x5140;
	[sflag:s0] =	ssyncadd.s32 $0xFFFFAEC0  }
0x2b: {  	[tilespmem:s12], [sflag:$0x1] =	stream.linear.gather [hbm4b:s14+s1], $0x5140, $0x38;
	[tilespmem:$0x170C0] =	vst v63  }
0x2c: {  	s13 =	sand.u32 $0x7F00, s1;
	s10 =	sand.u32 $0x30, s1;
	_ =	swait.ge [sflag:s0], $0x5140  }
0x2d: {  	s8 =	simm.s32 $0x40;
	s12 =	sshrl.u32 s13, $0x2;
	[sflag:s0] =	ssyncset.done $0x0  }
0x2e: {  	s12 =	sor.u32 s10, s12;
	s10 =	simm.s32 $0x0;
	[sflag:s0] =	ssyncadd.s32 $0xFFFFAEC0  }
.LBB2_2:
0x2f: {  	p1 =	sne.s32 s8, $0x63C0  }
0x30: {  	[tilespmem:s12+$0xA280] =	vst v0;
	s10 =	sadd.s32 $0x10, s10;
	s12 =	smov.u32 s8;
	s8 =	sadd.s32 $0x40, s8  }
.Ltmp0:
0x31: {  	(pc) =	sbr.rel @p1 .LBB2_2-.Ltmp0, $4  }
0x32: {  	_ = 	snop  }
0x33: {  	s12 =	sand.u32 $0x7F00, s12  }
0x34: {  	s13 =	sand.u32 $0x30, s10;
	s12 =	sshrl.u32 s12, $0x2  }
0x35: {  	s12 =	sor.u32 s13, s12  }
0x36: {  	[tilespmem:s12+$0xA280] =	vst v0  }
0x37: {  	[spmem:s16] =	stream.linear.scatter [tilespmem:s3], [sflag:$0x1], $0x1400, $0x38;
	[tilespmem:$0x170C0] =	vst v63  }
0x38: {  	_ =	swait.ge [sflag:s0], $0x1400  }
0x39: {  	[sflag:s0] =	ssyncset.done $0x0  }
0x3a: {  	[sflag:s0] =	ssyncadd.s32 $0xFFFFEC00  }
0x3b: {  	[spmem:s17] =	stream.linear.scatter [tilespmem:s3], [sflag:$0x1], $0x1400, $0x38;
	[tilespmem:$0x170C0] =	vst v63  }
0x3c: {  	_ =	swait.ge [sflag:s0], $0x1400  }
0x3d: {  	[sflag:s0] =	ssyncset.done $0x0  }
0x3e: {  	[sflag:s0] =	ssyncadd.s32 $0xFFFFEC00  }
0x3f: {  	[spmem:s18] =	stream.linear.scatter [tilespmem:s3], [sflag:$0x1], $0x1400, $0x38;
	[tilespmem:$0x170C0] =	vst v63  }
0x40: {  	_ =	swait.ge [sflag:s0], $0x1400  }
0x41: {  	[sflag:s0] =	ssyncset.done $0x0  }
0x42: {  	[sflag:s0] =	ssyncadd.s32 $0xFFFFEC00  }
0x43: {  	[spmem:s19] =	stream.linear.scatter [tilespmem:s3], [sflag:$0x1], $0x1400, $0x38;
	[tilespmem:$0x170C0] =	vst v63  }
0x44: {  	_ =	swait.ge [sflag:s0], $0x1400  }
0x45: {  	[sflag:s0] =	ssyncset.done $0x0  }
0x46: {  	[sflag:s0] =	ssyncadd.s32 $0xFFFFEC00  }
0x47: {  	[spmem:s20] =	stream.linear.scatter [tilespmem:s3], [sflag:$0x1], $0x1400, $0x38;
	[tilespmem:$0x170C0] =	vst v63  }
0x48: {  	_ =	swait.ge [sflag:s0], $0x1400  }
0x49: {  	[sflag:s0] =	ssyncset.done $0x0  }
0x4a: {  	[sflag:s0] =	ssyncadd.s32 $0xFFFFEC00  }
0x4b: {  	[spmem:s21] =	stream.linear.scatter [tilespmem:s3], [sflag:$0x1], $0x1400, $0x38;
	[tilespmem:$0x170C0] =	vst v63  }
0x4c: {  	_ =	swait.ge [sflag:s0], $0x1400  }
0x4d: {  	[sflag:s0] =	ssyncset.done $0x0  }
0x4e: {  	[sflag:s0] =	ssyncadd.s32 $0xFFFFEC00  }
0x4f: {  	[spmem:s22] =	stream.linear.scatter [tilespmem:s3], [sflag:$0x1], $0x1400, $0x38;
	[tilespmem:$0x170C0] =	vst v63  }
0x50: {  	_ =	swait.ge [sflag:s0], $0x1400  }
0x51: {  	[sflag:s0] =	ssyncset.done $0x0  }
0x52: {  	s8 =	simm.s32 @!p0 $0xA280;
	[sflag:s0] =	ssyncadd.s32 $0xFFFFEC00  }
0x53: {  	[spmem:s23] =	stream.linear.scatter @!p0 [tilespmem:s8], [sflag:$0x1], $0x1400, $0x38;
	[tilespmem:$0x170C0] =	vst v63  }
0x54: {  	s8 =	simm.s32 @!p0 $0x1  }
0x55: {  	_ =	swait.ge @!p0 [sflag:s8], $0x1400  }
0x56: {  	[sflag:s8] =	ssyncset.done @!p0 $0x0  }
0x57: {  	[sflag:s8] =	ssyncadd.s32 @!p0 $0xFFFFEC00  }
0x58: {  	s12 =	simm.s32 $0x0;
	[bflag:$0x0] =	sbarrier.arrive $0xFFFF  }
0x59: {  	[tilespmem:s3], [sflag:$0x1] =	stream.indirect.gather [hbm4b:s2+s4], $0x40, s12, s4, $0xb8;
	[tilespmem:$0x170C0] =	vst v63  }
0x5a: {  	_ =	swait.ge [sflag:s0], $0x1900  }
0x5b: {  	[sflag:s0] =	ssyncset.done $0x0  }
0x5c: {  	s13 =	simm.s32 $0x5140;
	[sflag:s0] =	ssyncadd.s32 $0xFFFFE700  }
0x5d: {  	[spmem:s11] =	stream.indirect.scatter.add.f32 [tilespmem:s3], [sflag:$0x1], $0x40, s13, s4, $0xb8;
	[tilespmem:$0x170C0] =	vst v63  }
0x5e: {  	_ =	swait.ge [sflag:s0], $0x1900  }
0x5f: {  	s10 =	simm.s32 $0x340;
	s8 =	simm.s32 $0x1A0;
	[sflag:s0] =	ssyncset.done $0x0  }
.LBB2_4:
0x60: {  	s12 =	sshra.s32 s8, $0x2  }
0x61: {  	[sflag:s0] =	ssyncadd.s32 $0xFFFFE700;
	s8 =	smov.u32 s10;
	s13 =	sadd.s32 $0x1A0, s10  }
0x62: {  	[tilespmem:s3], [sflag:$0x1] =	stream.indirect.gather [hbm4b:s2+s4], $0x40, s12, s4, $0xb8;
	[tilespmem:$0x170C0] =	vst v63  }
0x63: {  	p1 =	sne.s32 s10, $0x14360;
	_ =	swait.ge [sflag:s0], $0x1900  }
.Ltmp1:
0x64: {  	[sflag:s0] =	ssyncset.done $0x0;
	(pc) =	sbr.rel @p1 .LBB2_4-.Ltmp1, $4  }
0x65: {  	s10 =	sadd.s32 $0x5140, s12;
	[sflag:s0] =	ssyncadd.s32 $0xFFFFE700  }
0x66: {  	[spmem:s11] =	stream.indirect.scatter.add.f32 [tilespmem:s3], [sflag:$0x1], $0x40, s10, s4, $0xb8;
	[tilespmem:$0x170C0] =	vst v63  }
0x67: {  	_ =	swait.ge [sflag:s0], $0x1900  }
0x68: {  	s10 =	smov.u32 s13;
	[sflag:s0] =	ssyncset.done $0x0  }
0x69: {  	s8 =	sshra.s32 s8, $0x2;
	[sflag:s0] =	ssyncadd.s32 $0xFFFFE700  }
0x6a: {  	[tilespmem:s3], [sflag:$0x1] =	stream.indirect.gather [hbm4b:s2+s4], $0x40, s8, s4, $0xb8;
	[tilespmem:$0x170C0] =	vst v63  }
0x6b: {  	_ =	swait.ge [sflag:s0], $0x1900  }
0x6c: {  	[sflag:s0] =	ssyncset.done $0x0  }
0x6d: {  	s8 =	sadd.s32 $0x5140, s8;
	[sflag:s0] =	ssyncadd.s32 $0xFFFFE700  }
0x6e: {  	[spmem:s11] =	stream.indirect.scatter.add.f32 [tilespmem:s3], [sflag:$0x1], $0x40, s8, s4, $0xb8;
	[tilespmem:$0x170C0] =	vst v63  }
0x6f: {  	_ =	swait.ge [sflag:s0], $0x1900  }
0x70: {  	[sflag:s0] =	ssyncset.done $0x0  }
0x71: {  	[sflag:s0] =	ssyncadd.s32 $0xFFFFE700  }
0x72: {  	[bflag:$0x0] =	sbarrier.arrive $0xFFFF  }
0x73: {  	[tilespmem:s5], [sflag:$0x2] =	stream.linear.gather [spmem:s24], $0x1400, $0x38;
	[tilespmem:$0x170C0] =	vst v63  }
0x74: {  	_ =	swait.ge [sflag:s6], $0x1400  }
0x75: {  	[sflag:s6] =	ssyncset.done $0x0  }
0x76: {  	s13 =	rddreg [dreg:$0x4];
	[sflag:s6] =	ssyncadd.s32 $0xFFFFEC00  }
0x77: {  	[hbm4b:s13+s1] =	stream.linear.scatter [tilespmem:s5], [sflag:$0x1], $0x1400, $0x38;
	[tilespmem:$0x170C0] =	vst v63  }
0x78: {  	_ =	swait.ge [sflag:s0], $0x1400  }
0x79: {  	[sflag:s0] =	ssyncset.done $0x0  }
0x7a: {  	[sflag:s0] =	ssyncadd.s32 $0xFFFFEC00  }
0x7b: {  	[tilespmem:s5], [sflag:$0x2] =	stream.linear.gather [spmem:s25], $0x1400, $0x38;
	[tilespmem:$0x170C0] =	vst v63  }
0x7c: {  	_ =	swait.ge [sflag:s6], $0x1400  }
0x7d: {  	[sflag:s6] =	ssyncset.done $0x0  }
0x7e: {  	s10 =	rddreg [dreg:$0x5];
	[sflag:s6] =	ssyncadd.s32 $0xFFFFEC00  }
0x7f: {  	[hbm4b:s10+s1] =	stream.linear.scatter [tilespmem:s5], [sflag:$0x1], $0x1400, $0x38;
	[tilespmem:$0x170C0] =	vst v63  }
0x80: {  	_ =	swait.ge [sflag:s0], $0x1400  }
0x81: {  	[sflag:s0] =	ssyncset.done $0x0  }
0x82: {  	[sflag:s0] =	ssyncadd.s32 $0xFFFFEC00  }
0x83: {  	[tilespmem:s5], [sflag:$0x2] =	stream.linear.gather [spmem:s26], $0x1400, $0x38;
	[tilespmem:$0x170C0] =	vst v63  }
0x84: {  	_ =	swait.ge [sflag:s6], $0x1400  }
0x85: {  	[sflag:s6] =	ssyncset.done $0x0  }
0x86: {  	s12 =	rddreg [dreg:$0x6];
	[sflag:s6] =	ssyncadd.s32 $0xFFFFEC00  }
0x87: {  	[hbm4b:s12+s1] =	stream.linear.scatter [tilespmem:s5], [sflag:$0x1], $0x1400, $0x38;
	[tilespmem:$0x170C0] =	vst v63  }
0x88: {  	_ =	swait.ge [sflag:s0], $0x1400  }
0x89: {  	[sflag:s0] =	ssyncset.done $0x0  }
0x8a: {  	[sflag:s0] =	ssyncadd.s32 $0xFFFFEC00  }
0x8b: {  	[tilespmem:s5], [sflag:$0x2] =	stream.linear.gather [spmem:s28], $0x1400, $0x38;
	[tilespmem:$0x170C0] =	vst v63  }
0x8c: {  	_ =	swait.ge [sflag:s6], $0x1400  }
0x8d: {  	[sflag:s6] =	ssyncset.done $0x0  }
0x8e: {  	s13 =	rddreg [dreg:$0x7];
	[sflag:s6] =	ssyncadd.s32 $0xFFFFEC00  }
0x8f: {  	[hbm4b:s13+s1] =	stream.linear.scatter [tilespmem:s5], [sflag:$0x1], $0x1400, $0x38;
	[tilespmem:$0x170C0] =	vst v63  }
0x90: {  	_ =	swait.ge [sflag:s0], $0x1400  }
0x91: {  	[sflag:s0] =	ssyncset.done $0x0  }
0x92: {  	[sflag:s0] =	ssyncadd.s32 $0xFFFFEC00  }
0x93: {  	[tilespmem:s5], [sflag:$0x2] =	stream.linear.gather [spmem:s29], $0x1400, $0x38;
	[tilespmem:$0x170C0] =	vst v63  }
0x94: {  	_ =	swait.ge [sflag:s6], $0x1400  }
0x95: {  	[sflag:s6] =	ssyncset.done $0x0  }
0x96: {  	s10 =	rddreg [dreg:$0x8];
	[sflag:s6] =	ssyncadd.s32 $0xFFFFEC00  }
0x97: {  	[hbm4b:s10+s1] =	stream.linear.scatter [tilespmem:s5], [sflag:$0x1], $0x1400, $0x38;
	[tilespmem:$0x170C0] =	vst v63  }
0x98: {  	_ =	swait.ge [sflag:s0], $0x1400  }
0x99: {  	[sflag:s0] =	ssyncset.done $0x0  }
0x9a: {  	[sflag:s0] =	ssyncadd.s32 $0xFFFFEC00  }
0x9b: {  	[tilespmem:s5], [sflag:$0x2] =	stream.linear.gather [spmem:s30], $0x1400, $0x38;
	[tilespmem:$0x170C0] =	vst v63  }
0x9c: {  	_ =	swait.ge [sflag:s6], $0x1400  }
0x9d: {  	[sflag:s6] =	ssyncset.done $0x0  }
0x9e: {  	s12 =	rddreg [dreg:$0x9];
	[sflag:s6] =	ssyncadd.s32 $0xFFFFEC00  }
0x9f: {  	[hbm4b:s12+s1] =	stream.linear.scatter [tilespmem:s5], [sflag:$0x1], $0x1400, $0x38;
	[tilespmem:$0x170C0] =	vst v63  }
0xa0: {  	_ =	swait.ge [sflag:s0], $0x1400  }
0xa1: {  	[sflag:s0] =	ssyncset.done $0x0  }
0xa2: {  	[sflag:s0] =	ssyncadd.s32 $0xFFFFEC00  }
0xa3: {  	[tilespmem:s5], [sflag:$0x2] =	stream.linear.gather [spmem:s31], $0x1400, $0x38;
	[tilespmem:$0x170C0] =	vst v63  }
0xa4: {  	_ =	swait.ge [sflag:s6], $0x1400  }
0xa5: {  	[sflag:s6] =	ssyncset.done $0x0  }
0xa6: {  	s13 =	rddreg [dreg:$0xa];
	[sflag:s6] =	ssyncadd.s32 $0xFFFFEC00  }
0xa7: {  	[hbm4b:s13+s1] =	stream.linear.scatter [tilespmem:s5], [sflag:$0x1], $0x1400, $0x38;
	[tilespmem:$0x170C0] =	vst v63  }
0xa8: {  	_ =	swait.ge [sflag:s0], $0x1400  }
0xa9: {  	[sflag:s0] =	ssyncset.done $0x0  }
0xaa: {  	s8 =	simm.s32 @!p0 $0xBB80;
	s10 =	simm.s32 @!p0 $0x2;
	[sflag:s0] =	ssyncadd.s32 $0xFFFFEC00  }
0xab: {  	[tilespmem:s8], [sflag:$0x2] =	stream.linear.gather @!p0 [spmem:s9], $0x1400, $0x38;
	[tilespmem:$0x170C0] =	vst v63  }
0xac: {  	s7 =	sadd.s32 $0x1, s7;
	_ =	swait.ge @!p0 [sflag:s10], $0x1400  }
0xad: {  	p1 =	sne.s32 s7, s15;
	[sflag:s10] =	ssyncset.done @!p0 $0x0  }
0xae: {  	s12 =	rddreg [dreg:$0xb];
	[sflag:s10] =	ssyncadd.s32 @!p0 $0xFFFFEC00;
	s10 =	simm.s32 @!p0 $0x0  }
0xaf: {  	[hbm4b:s12+s10] =	stream.linear.scatter @!p0 [tilespmem:s8], [sflag:$0x1], $0x1400, $0x38;
	[tilespmem:$0x170C0] =	vst v63  }
.Ltmp2:
0xb0: {  	_ = 	snop;
	(pc) =	sbr.rel @p1 .LBB2_1-.Ltmp2, $4  }
0xb1: {  	s8 =	simm.s32 @!p0 $0x1  }
0xb2: {  	_ =	swait.ge @!p0 [sflag:s8], $0x1400  }
0xb3: {  	[sflag:s8] =	ssyncset.done @!p0 $0x0  }
0xb4: {  	[sflag:s8] =	ssyncadd.s32 @!p0 $0xFFFFEC00  }
0xb5: {  	_ =	sfence.sel $0x180000  }
0xb6: {  	[bflag:$0x0] =	sbarrier.arrive $0xFFFF  }
0xb7: {  	_ =	strace $0x90000056  }
0xb8: {  	s0 =	stileid.u32;
	[bflag:$0x2] =	sbarrier.arrive $0xFFFF  }
0xb9: {  	p0 =	sne.s32 s0, $0x0;
	s0 =	rddreg [dreg:$0x3]  }
0xba: {  	s0 =	sadd.s32 @!p0 $0x100000, s0  }
0xbb: {  	[sflag:s0] =	ssyncadd.tile.s32 @!p0 $0x1;
	_ =	shalt  }
.Lfunc_end2:
_tile_overlayer_lowered:
.L_overlay_start_2:
0xbc: {  	(tag) =	ssettag $0x2  }
0xbd: {  	s0 =	rddreg [dreg:$0x0];
	s2 =	stileid.u32  }
0xbe: {  	s1 =	rddreg [dreg:$0x1];
	p0 =	sne.s32 s2, $0x0  }
0xbf: {  	s3 =	rddreg [dreg:$0x2];
	[bflag:$0x3] =	sbarrier.arrive $0xFFFF;
	s2 =	simm.s32 @!p0 $0x1C01  }
0xc0: {  	[timem:s3], [sflag:s2] =	dma.local @!p0 [hbm:s0], s1  }
0xc1: {  	s0 =	simm.s32 @!p0 $0x1  }
0xc2: {  	_ =	swait.ge @!p0 [sflag:s0], s1  }
0xc3: {  	s1 =	ssub.s32 @!p0 $0x0, s1;
	[sflag:s0] =	ssyncset.done @!p0 $0x0  }
0xc4: {  	[sflag:s0] =	ssyncadd.s32 @!p0 s1  }
0xc5: {  	[bflag:$0x3] =	sbarrier.arrive $0xFFFF  }
0xc6: {  	_ =	shalt  }

// kernel: kernel.49.cloned.1.call-start
scs
__scs_entry_jumppad:
0x0: {  	(pc) =	sbr.rel $0x88, $3  }
0x1: {  	(tag) =	ssettag $0x0;
	lr =	simm.s32 $0x1  }
0x2: {  	[smem:$0x3F8E] =	sst lr;
	_ =	strace $0xD0000000  }
0x3: {  	_ = 	snop  }
0x4: {  	_ = 	snop  }
0x5: {  	_ = 	snop  }
0x6: {  	_ = 	snop  }
0x7: {  	_ = 	snop  }
__scs_overlays_trampoline_lowered:
0x8: {  	[smem:$0x3F9D] =	sst s0  }
0x9: {  	[smem:$0x3F9E] =	sst s1  }
0xa: {  	[smem:$0x3F9F] =	sst s2  }
0xb: {  	[smem:$0x3FA0] =	sst s3  }
0xc: {  	[smem:$0x3FA1] =	sst s4  }
0xd: {  	[smem:$0x3FA2] =	sst s5  }
0xe: {  	[smem:$0x3FA3] =	sst s6  }
0xf: {  	[smem:$0x3FA4] =	sst s7  }
0x10: {  	[smem:$0x3FA5] =	sst s8  }
0x11: {  	[smem:$0x3FA6] =	sst s9;
	s0 =	simm.s32 @!p0 $0x0  }
0x12: {  	s1 =	sld [smem:$0x3F8C];
	s0 =	simm.s32 @p0 $0x1  }
0x13: {  	[smem:$0x3FA7] =	sst s0;
	s0 =	simm.s32 @!p1 $0x0  }
0x14: {  	s2 =	sld [smem:$0x3F8B];
	s0 =	simm.s32 @p1 $0x1  }
0x15: {  	[smem:$0x3FA8] =	sst s0;
	s0 =	simm.s32 @!p2 $0x0  }
0x16: {  	s3 =	sld [smem:$0x3FDB];
	s0 =	simm.s32 @p2 $0x1  }
0x17: {  	s4 =	simm.s32 $0x1BF5;
	[smem:$0x3FAA] =	sst s0  }
0x18: {  	s0 =	sld [smem:$0x3F8D];
	_ =	swait.ge [sflag:s4], $0x0  }
0x19: {  	s7 =	sld [smem:$0x3F8E]  }
0x1a: {  	s8 =	sadd.s32 $0xFFFFE003, lr  }
0x1b: {  	s9 =	sadd.s32 $0xFFFFFEF7, lr;
	s5 =	simm.s32 $0xFFFFFFFF;
	p2 =	slt.u32 s8, $0xFFFFF086  }
0x1c: {  	p1 =	slt.u32 s9, $0xF7A;
	s5 =	simm.s32 @!p2 $0x0  }
0x1d: {  	s5 =	simm.s32 @p1 $0x1;
	p0 =	seq.s32 s7, s2  }
0x1e: {  	s7 =	smul.u32 @!p0 $0xF7A, s2;
	p2 =	seq.s32 @!p0 s5, $0x0  }
0x1f: {  	s9 =	smul.u32 $0xF7A, s1;
	s8 =	simm.s32 @!p0 $0x1BF5;
	p2 =	por !p2, p0  }
0x20: {  	[sflag:s8] =	ssyncset.s32 @!p0 $0xFFFFF086;
	s6 =	sadd.s32 @!p0 s3, s7;
	s7 =	simm.s32 @!p0 $0x108  }
0x21: {  	s3 =	sadd.s32 s3, s9;
	s6 =	sadd.s32 @!p0 $0x88, s6;
	s7 =	simm.s32 @p2 $0x1082  }
0x22: {  	[simem:s7], [sflag:s8] =	dma.local @!p0 [hbm:s6], $0xF7A  }
0x23: {  	s9 =	sor.u32 $0xD0000000, s2;
	s6 =	simm.s32 $0x108;
	_ =	swait.ge @!p0 [sflag:s8], $0x0  }
0x24: {  	s3 =	sadd.s32 $0x88, s3;
	s6 =	simm.s32 @!p1 $0x1082;
	[sflag:s4] =	ssyncset.s32 $0xFFFFF086  }
0x25: {  	[simem:s6], [sflag:s4] =	dma.local [hbm:s3], $0xF7A  }
0x26: {  	[smem:$0x3F8E] =	sst s1;
	(tag) =	ssettag s2;
	_ =	strace s9  }
0x27: {  	s1 =	sld [smem:$0x3F9E]  }
0x28: {  	s2 =	sld [smem:$0x3F9F]  }
0x29: {  	s4 =	sld [smem:$0x3FA1]  }
0x2a: {  	p0 =	seq.s32 s5, $0x0;
	s5 =	sld [smem:$0x3FA2]  }
0x2b: {  	s6 =	sld [smem:$0x3FA3]  }
0x2c: {  	s7 =	sld [smem:$0x3FA4]  }
0x2d: {  	s3 =	simm.s32 $0x108;
	s8 =	sld [smem:$0x3FA5]  }
0x2e: {  	s3 =	simm.s32 @!p0 $0x1082;
	s9 =	sld [smem:$0x3FA6]  }
0x2f: {  	lr =	sadd.s32 s0, s3;
	s0 =	sld [smem:$0x3F9D]  }
0x30: {  	s3 =	sld [smem:$0x3FA0]  }
0x31: {  	[smem:$0x3FA9] =	sst s10  }
0x32: {  	s10 =	sld [smem:$0x3FA7];
	_ =	sdelay $0x3  }
0x33: {  	p0 =	seq.s32 s10, $0x1;
	s10 =	sld [smem:$0x3FA9];
	_ =	sdelay $0x3  }
0x34: {  	[smem:$0x3FA9] =	sst s10  }
0x35: {  	s10 =	sld [smem:$0x3FA8];
	_ =	sdelay $0x3  }
0x36: {  	p1 =	seq.s32 s10, $0x1;
	s10 =	sld [smem:$0x3FA9];
	_ =	sdelay $0x3  }
0x37: {  	[smem:$0x3FA9] =	sst s10  }
0x38: {  	s10 =	sld [smem:$0x3FAA]  }
0x39: {  	_ = 	snop;
	(pc) =	sbr.ind lr, $3  }
0x3a: {  	_ = 	snop  }
0x3b: {  	_ = 	snop  }
0x3c: {  	p2 =	seq.s32 s10, $0x1;
	s10 =	sld [smem:$0x3FA9]  }
0x3d: {  	_ =	shalt  }
0x3e: {  	_ =	shalt  }
0x3f: {  	_ =	shalt  }
0x40: {  	_ =	shalt  }
0x41: {  	_ =	shalt  }
0x42: {  	_ =	shalt  }
0x43: {  	_ =	shalt  }
0x44: {  	_ =	shalt  }
0x45: {  	_ =	shalt  }
0x46: {  	_ =	shalt  }
0x47: {  	_ =	shalt  }
0x48: {  	_ =	shalt  }
0x49: {  	_ =	shalt  }
0x4a: {  	_ =	shalt  }
0x4b: {  	_ =	shalt  }
0x4c: {  	_ =	shalt  }
0x4d: {  	_ =	shalt  }
0x4e: {  	_ =	shalt  }
0x4f: {  	_ =	shalt  }
0x50: {  	_ =	shalt  }
0x51: {  	_ =	shalt  }
0x52: {  	_ =	shalt  }
0x53: {  	_ =	shalt  }
0x54: {  	_ =	shalt  }
0x55: {  	_ =	shalt  }
0x56: {  	_ =	shalt  }
0x57: {  	_ =	shalt  }
0x58: {  	_ =	shalt  }
0x59: {  	_ =	shalt  }
0x5a: {  	_ =	shalt  }
0x5b: {  	_ =	shalt  }
0x5c: {  	_ =	shalt  }
0x5d: {  	_ =	shalt  }
0x5e: {  	_ =	shalt  }
0x5f: {  	_ =	shalt  }
0x60: {  	_ =	shalt  }
0x61: {  	_ =	shalt  }
0x62: {  	_ =	shalt  }
0x63: {  	_ =	shalt  }
0x64: {  	_ =	shalt  }
0x65: {  	_ =	shalt  }
0x66: {  	_ =	shalt  }
0x67: {  	_ =	shalt  }
0x68: {  	_ =	shalt  }
0x69: {  	_ =	shalt  }
0x6a: {  	_ =	shalt  }
0x6b: {  	_ =	shalt  }
0x6c: {  	_ =	shalt  }
0x6d: {  	_ =	shalt  }
0x6e: {  	_ =	shalt  }
0x6f: {  	_ =	shalt  }
0x70: {  	_ =	shalt  }
0x71: {  	_ =	shalt  }
0x72: {  	_ =	shalt  }
0x73: {  	_ =	shalt  }
0x74: {  	_ =	shalt  }
0x75: {  	_ =	shalt  }
0x76: {  	_ =	shalt  }
0x77: {  	_ =	shalt  }
0x78: {  	_ =	shalt  }
0x79: {  	_ =	shalt  }
0x7a: {  	_ =	shalt  }
0x7b: {  	_ =	shalt  }
0x7c: {  	_ =	shalt  }
0x7d: {  	_ =	shalt  }
0x7e: {  	_ =	shalt  }
0x7f: {  	_ =	shalt  }
0x80: {  	_ =	shalt  }
0x81: {  	_ =	shalt  }
0x82: {  	_ =	shalt  }
0x83: {  	_ =	shalt  }
0x84: {  	_ =	shalt  }
0x85: {  	_ =	shalt  }
0x86: {  	_ =	shalt  }
0x87: {  	_ =	shalt  }
.Lfunc_end0:
.L_simem_size_0:
called_computation.6_lowered:
.L_overlay_start_0:
0x88: {  	s2 =	sld [smem:$0x3FD9]  }
0x89: {  	s3 =	sld [smem:$0x3FFE];
	_ =	sdelay $0x1  }
0x8a: {  	s1 =	srdreg.scid  }
0x8b: {  	s0 =	sand.u32 $0x1, s1  }
0x8c: {  	s14 =	sshll.u32 s0, $0xA;
	s2 =	sadd.s32 s3, s2  }
0x8d: {  	s2 =	sadd.s32 s2, s14  }
0x8e: {  	[smem:$0x3FB5] =	sst s2  }
0x8f: {  	_ = 	snop  }
0x90: {  	s2 =	sld [smem:$0x3FD0];
	_ =	sdelay $0x2  }
0x91: {  	s15 =	simm.s32 $0xA;
	s4 =	simm.s32 $0x10  }
0x92: {  	[smem:s4], [sflag:s15] =	dma.local [hbm:s2], $0x1  }
0x93: {  	_ =	swait.eq [sflag:s15], $0x1  }
0x94: {  	[sflag:s15] =	ssyncset.done $0x0  }
0x95: {  	[sflag:s15] =	ssyncadd.s32 $0xFFFFFFFF  }
0x96: {  	s16 =	sld [smem:$0x11];
	(tm) =	ssettm $0x1  }
0x97: {  	s17 =	sld [smem:$0x3FFB];
	_ =	sdelay $0x3  }
0x98: {  	_ =	strace s17  }
0x99: {  	s3 =	sld [smem:$0x3FFC];
	_ =	sdelay $0x3  }
0x9a: {  	_ =	strace s3  }
0x9b: {  	s3 =	sld [smem:$0x3FFD];
	_ =	sdelay $0x3  }
0x9c: {  	_ =	strace s3  }
0x9d: {  	_ =	strace $0x8FFFFFFF  }
0x9e: {  	s18 =	sld [smem:$0x3FDB];
	_ =	sdelay $0x1  }
0x9f: {  	s19 =	simm.s32 $_scs_section_size  }
0xa0: {  	s5 =	simm.s32 $_size__tile_overlayer_lowered;
	s6 =	simm.s32 $_tile_overlayer_lowered  }
0xa1: {  	s22 =	simm.s32 $0x1BFF;
	s21 =	sshll.u32 s6, $0x1;
	s3 =	sadd.s32 s19, s18  }
0xa2: {  	s7 =	simm.s32 $0x0;
	s20 =	sshll.u32 s5, $0x1;
	s5 =	sadd.s32 s21, s3  }
0xa3: {  	[timem:s7], [sflag:s22] =	dma.local [hbm:s5], s20  }
0xa4: {  	_ =	swait.ge [sflag:s22], s20  }
0xa5: {  	s4 =	ssub.s32 $0x0, s20;
	[sflag:s22] =	ssyncset.done $0x0  }
0xa6: {  	[sflag:s22] =	ssyncadd.s32 s4;
	_ =	sdelay $0x1  }
0xa7: {  	s23 =	simm.s32 $0x1B8B  }
0xa8: {  	_ =	swait.ge [sflag:s23], $0x1  }
0xa9: {  	[sflag:s23] =	ssyncset.done $0x0  }
0xaa: {  	s25 =	simm.s32 $0x1B8E;
	s24 =	sld [smem:$0x3FFE];
	[sflag:s23] =	ssyncadd.s32 $0xFFFFFFFF  }
0xab: {  	s26 =	simm.s32 $execute0_lowered;
	[smem:$0x3FD2] =	sst s25  }
0xac: {  	s5 =	sshll.u32 s26, $0x1;
	_ =	strace $0x80000058;
	[dreg:$0x1] =	wrdreg $0xFFFFFFFF  }
0xad: {  	s28 =	simm.s32 $_size_execute0_lowered;
	s3 =	sadd.s32 s3, s5;
	[dreg:$0x0] =	wrdreg $0x0  }
0xae: {  	s5 =	sshll.u32 s28, $0x1;
	[dreg:$0x2] =	wrdreg s3  }
0xaf: {  	[dreg:$0x3] =	wrdreg s5  }
0xb0: {  	[dreg:$0x4] =	wrdreg $0xC0  }
0xb1: {  	_ =	task [dreg:s7], $0x5FFFF  }
0xb2: {  	[dreg:$0x1] =	wrdreg $0xFFFFFFFF  }
0xb3: {  	[dreg:$0x0] =	wrdreg $0x60  }
0xb4: {  	[dreg:$0x2] =	wrdreg s16  }
0xb5: {  	[dreg:$0x3] =	wrdreg s24  }
0xb6: {  	[dreg:$0x4] =	wrdreg $0xD4800  }
0xb7: {  	[dreg:$0x5] =	wrdreg $0x9  }
0xb8: {  	_ =	task.clear_ibuf [dreg:s7], $0x6FFFF;
	_ =	strace $0x90000058  }
0xb9: {  	s29 =	simm.s32 $0x9;
	_ =	strace $0x8000005A  }
0xba: {  	_ =	swait.ge [sflag:s29], $0x1  }
0xbb: {  	[sflag:s29] =	ssyncadd.s32 $0xFFFFFFFF  }
0xbc: {  	_ =	strace $0x9000005A  }
0xbd: {  	_ =	sfence  }
0xbe: {  	s30 =	sld [smem:$0x0];
	_ =	sdelay $0x2  }
0xbf: {  	s31 =	sshll.u32 s1, $0xD;
	s1 =	sshrl.u32 s1, $0x2  }
0xc0: {  	s3 =	sand.u32 $0x4000, s31;
	s1 =	sadd.s32 s1, s30  }
0xc1: {  	s0 =	sor.u32 s3, s0;
	s1 =	sshll.u32 s1, $0x11  }
0xc2: {  	s0 =	sor.u32 s1, s0  }
0xc3: {  	s0 =	sadd.s32 $0x8F2B, s0  }
0xc4: {  	[sflag:s0] =	ssyncadd.remote.s32 $0x1  }
0xc5: {  	_ =	sfence.sel $0xFFFF  }
0xc6: {  	[dreg:$0x0] =	wrdreg $0xFFFFFFFF;
	(pc) =	sbr.abs _section_cstart, $3  }
0xc7: {  	[dreg:$0x1] =	wrdreg $0xFFFFFFFF  }
0xc8: {  	_ =	task.clear_ibuf [dreg:s7], $0x2FFFF;
	_ =	strace $0x9FFFFFFF  }
0xc9: {  	(tm) =	ssettm $0x7FFFFFFF  }
tec
execute0_lowered:
.L_overlay_start_1:
0x0: {  	(tag) =	ssettag $0x1  }
0x1: {  	s14 =	stileid.u32;
	s4 =	srdreg.scid  }
0x2: {  	s3 =	smul.u32 $0xA28, s14;
	s4 =	sand.u32 $0x1, s4  }
0x3: {  	s0 =	rddreg [dreg:$0x0];
	s6 =	smul.u32 $0x13880, s4  }
0x4: {  	s8 =	sor.u32 $0x10, s14;
	s22 =	ssub.s32 $0x2, s4;
	s4 =	smul.u32 $0x9C400, s4  }
0x5: {  	s2 =	rddreg [dreg:$0x1];
	s12 =	sor.u32 $0x30, s14;
	s17 =	smul.u32 $0x5000, s8  }
0x6: {  	s1 =	simm.s32 $0x0;
	s16 =	sor.u32 $0x40, s14;
	s28 =	smul.u32 $0x1400, s12  }
0x7: {  	[smem:$0x7FF] =	sst s1;
	s18 =	sor.u32 $0x60, s14;
	s29 =	smul.u32 $0x1400, s16  }
0x8: {  	s9 =	sadd.s32 $0x6B000, s2;
	s19 =	sor.u32 $0x70, s14;
	s31 =	smul.u32 $0x1400, s18  }
0x9: {  	p0 =	sgt.u32 s19, $0x7C;
	s5 =	sadd.s32 s3, s2;
	s7 =	sshrl.u32 s22, $0x1  }
0xa: {  	s3 =	smul.u32 $0x1400, s8;
	s8 =	sor.u32 $0x50, s14;
	s7 =	ssub.s32 s22, s7  }
0xb: {  	s2 =	sadd.s32 s0, s6;
	s6 =	sor.u32 $0x20, s14;
	s0 =	smul.u32 $0x1400, s14  }
0xc: {  	s25 =	sadd.s32 s4, s28;
	s30 =	smul.u32 $0x1400, s8;
	s22 =	sadd.s32 s4, s29  }
0xd: {  	s13 =	sadd.s32 s4, s3;
	s26 =	smul.u32 $0x1400, s6;
	s20 =	sshrl.u32 s25, $0x3  }
0xe: {  	s25 =	sadd.s32 s4, s31;
	s11 =	sadd.s32 s4, s0;
	s13 =	sshrl.u32 s13, $0x3  }
0xf: {  	s21 =	sadd.s32 s9, s20;
	s20 =	smul.u32 $0x5000, s6;
	s11 =	sshrl.u32 s11, $0x3  }
0x10: {  	s23 =	sadd.s32 s9, s13;
	s24 =	sadd.s32 s4, s26;
	s13 =	smul.u32 $0x5000, s18  }
0x11: {  	s10 =	sadd.s32 s9, s11;
	[dreg:$0x5] =	wrdreg s23;
	s11 =	sshrl.u32 s24, $0x3  }
0x12: {  	s23 =	sadd.s32 s4, s30;
	[dreg:$0x4] =	wrdreg s10;
	s10 =	smul.u32 $0x1400, s19  }
0x13: {  	s15 =	sadd.s32 s9, s11;
	s11 =	sshrl.u32 s22, $0x3;
	s22 =	smul.u32 $0x5000, s14  }
0x14: {  	[dreg:$0x7] =	wrdreg s21;
	s24 =	sshrl.u32 s23, $0x3;
	s23 =	smul.u32 $0x5000, s12  }
0x15: {  	s21 =	sadd.s32 $0x12A00, s5;
	s14 =	sadd.s32 $0x8600, s5;
	s12 =	smul.u32 $0x5000, s8  }
0x16: {  	[dreg:$0x6] =	wrdreg s15;
	s11 =	sadd.s32 s9, s11;
	s15 =	sshrl.u32 s25, $0x3  }
0x17: {  	s25 =	smul.u32 $0x5000, s16;
	[dreg:$0x8] =	wrdreg s11;
	s11 =	sadd.s32 s9, s24  }
0x18: {  	s4 =	sadd.s32 s4, s10;
	s6 =	sshrl.u32 s22, $0x2;
	s24 =	sshrl.u32 s17, $0x2  }
0x19: {  	s5 =	sshrl.u32 s23, $0x2;
	[dreg:$0x9] =	wrdreg s11;
	s11 =	sadd.s32 s9, s15  }
0x1a: {  	s22 =	smul.u32 $0x5000, s19;
	s4 =	sshrl.u32 s4, $0x3;
	[dreg:$0xa] =	wrdreg s11  }
0x1b: {  	s23 =	sshrl.u32 s12, $0x2;
	s11 =	rddreg [dreg:$0x2];
	s4 =	sadd.s32 s9, s4  }
0x1c: {  	s15 =	smax.u32 s7, $0x1;
	s7 =	simm.s32 $0x0;
	[dreg:$0xb] =	wrdreg s4  }
0x1d: {  	s16 =	sadd.s32 s6, s11;
	s17 =	sadd.s32 s24, s11;
	s4 =	sshrl.u32 s20, $0x2  }
0x1e: {  	s19 =	sadd.s32 s5, s11;
	s24 =	sshrl.u32 s13, $0x2;
	s26 =	sadd.s32 s26, s11  }
0x1f: {  	s28 =	sadd.s32 s28, s11;
	s29 =	sadd.s32 s29, s11;
	s30 =	sadd.s32 s30, s11  }
0x20: {  	s31 =	sadd.s32 s31, s11;
	s9 =	sadd.s32 s10, s11;
	s5 =	simm.s32 $0xBB80  }
0x21: {  	s6 =	simm.s32 $0x2;
	_ =	strace $0x80000059;
	[dreg:$0xc] =	wrdreg s21  }
0x22: {  	s21 =	sshrl.u32 s25, $0x2;
	s18 =	sadd.s32 s4, s11;
	s25 =	sshrl.u32 s22, $0x2  }
0x23: {  	s22 =	sadd.s32 s24, s11;
	s24 =	sadd.s32 s0, s11;
	s0 =	simm.s32 $0x1  }
0x24: {  	s4 =	simm.s32 $0x64;
	s20 =	sadd.s32 s21, s11;
	s21 =	sadd.s32 s23, s11  }
0x25: {  	v0 =	vimm.f32 $0.0e+00;
	s23 =	sadd.s32 s25, s11;
	s25 =	sadd.s32 s3, s11;
	s3 =	simm.s32 $0xA280  }
.LBB2_1:
0x26: {  	s8 =	rddreg [dreg:$0xc]  }
0x27: {  	[tilespmem:s1], [sflag:$0x1] =	stream.linear.gather [hbm4b:s8+s1], $0x5140, $0x38;
	[tilespmem:$0x170C0] =	vst v63  }
0x28: {  	_ =	swait.ge [sflag:s0], $0x5140  }
0x29: {  	[sflag:s0] =	ssyncset.done $0x0  }
0x2a: {  	s12 =	simm.s32 $0x5140;
	[sflag:s0] =	ssyncadd.s32 $0xFFFFAEC0  }
0x2b: {  	[tilespmem:s12], [sflag:$0x1] =	stream.linear.gather [hbm4b:s14+s1], $0x5140, $0x38;
	[tilespmem:$0x170C0] =	vst v63  }
0x2c: {  	s13 =	sand.u32 $0x7F00, s1;
	s10 =	sand.u32 $0x30, s1;
	_ =	swait.ge [sflag:s0], $0x5140  }
0x2d: {  	s8 =	simm.s32 $0x40;
	s12 =	sshrl.u32 s13, $0x2;
	[sflag:s0] =	ssyncset.done $0x0  }
0x2e: {  	s12 =	sor.u32 s10, s12;
	s10 =	simm.s32 $0x0;
	[sflag:s0] =	ssyncadd.s32 $0xFFFFAEC0  }
.LBB2_2:
0x2f: {  	p1 =	sne.s32 s8, $0x63C0  }
0x30: {  	[tilespmem:s12+$0xA280] =	vst v0;
	s10 =	sadd.s32 $0x10, s10;
	s12 =	smov.u32 s8;
	s8 =	sadd.s32 $0x40, s8  }
.Ltmp0:
0x31: {  	(pc) =	sbr.rel @p1 .LBB2_2-.Ltmp0, $4  }
0x32: {  	_ = 	snop  }
0x33: {  	s12 =	sand.u32 $0x7F00, s12  }
0x34: {  	s13 =	sand.u32 $0x30, s10;
	s12 =	sshrl.u32 s12, $0x2  }
0x35: {  	s12 =	sor.u32 s13, s12  }
0x36: {  	[tilespmem:s12+$0xA280] =	vst v0  }
0x37: {  	[spmem:s16] =	stream.linear.scatter [tilespmem:s3], [sflag:$0x1], $0x1400, $0x38;
	[tilespmem:$0x170C0] =	vst v63  }
0x38: {  	_ =	swait.ge [sflag:s0], $0x1400  }
0x39: {  	[sflag:s0] =	ssyncset.done $0x0  }
0x3a: {  	[sflag:s0] =	ssyncadd.s32 $0xFFFFEC00  }
0x3b: {  	[spmem:s17] =	stream.linear.scatter [tilespmem:s3], [sflag:$0x1], $0x1400, $0x38;
	[tilespmem:$0x170C0] =	vst v63  }
0x3c: {  	_ =	swait.ge [sflag:s0], $0x1400  }
0x3d: {  	[sflag:s0] =	ssyncset.done $0x0  }
0x3e: {  	[sflag:s0] =	ssyncadd.s32 $0xFFFFEC00  }
0x3f: {  	[spmem:s18] =	stream.linear.scatter [tilespmem:s3], [sflag:$0x1], $0x1400, $0x38;
	[tilespmem:$0x170C0] =	vst v63  }
0x40: {  	_ =	swait.ge [sflag:s0], $0x1400  }
0x41: {  	[sflag:s0] =	ssyncset.done $0x0  }
0x42: {  	[sflag:s0] =	ssyncadd.s32 $0xFFFFEC00  }
0x43: {  	[spmem:s19] =	stream.linear.scatter [tilespmem:s3], [sflag:$0x1], $0x1400, $0x38;
	[tilespmem:$0x170C0] =	vst v63  }
0x44: {  	_ =	swait.ge [sflag:s0], $0x1400  }
0x45: {  	[sflag:s0] =	ssyncset.done $0x0  }
0x46: {  	[sflag:s0] =	ssyncadd.s32 $0xFFFFEC00  }
0x47: {  	[spmem:s20] =	stream.linear.scatter [tilespmem:s3], [sflag:$0x1], $0x1400, $0x38;
	[tilespmem:$0x170C0] =	vst v63  }
0x48: {  	_ =	swait.ge [sflag:s0], $0x1400  }
0x49: {  	[sflag:s0] =	ssyncset.done $0x0  }
0x4a: {  	[sflag:s0] =	ssyncadd.s32 $0xFFFFEC00  }
0x4b: {  	[spmem:s21] =	stream.linear.scatter [tilespmem:s3], [sflag:$0x1], $0x1400, $0x38;
	[tilespmem:$0x170C0] =	vst v63  }
0x4c: {  	_ =	swait.ge [sflag:s0], $0x1400  }
0x4d: {  	[sflag:s0] =	ssyncset.done $0x0  }
0x4e: {  	[sflag:s0] =	ssyncadd.s32 $0xFFFFEC00  }
0x4f: {  	[spmem:s22] =	stream.linear.scatter [tilespmem:s3], [sflag:$0x1], $0x1400, $0x38;
	[tilespmem:$0x170C0] =	vst v63  }
0x50: {  	_ =	swait.ge [sflag:s0], $0x1400  }
0x51: {  	[sflag:s0] =	ssyncset.done $0x0  }
0x52: {  	s8 =	simm.s32 @!p0 $0xA280;
	[sflag:s0] =	ssyncadd.s32 $0xFFFFEC00  }
0x53: {  	[spmem:s23] =	stream.linear.scatter @!p0 [tilespmem:s8], [sflag:$0x1], $0x1400, $0x38;
	[tilespmem:$0x170C0] =	vst v63  }
0x54: {  	s8 =	simm.s32 @!p0 $0x1  }
0x55: {  	_ =	swait.ge @!p0 [sflag:s8], $0x1400  }
0x56: {  	[sflag:s8] =	ssyncset.done @!p0 $0x0  }
0x57: {  	[sflag:s8] =	ssyncadd.s32 @!p0 $0xFFFFEC00  }
0x58: {  	s12 =	simm.s32 $0x0;
	[bflag:$0x0] =	sbarrier.arrive $0xFFFF  }
0x59: {  	[tilespmem:s3], [sflag:$0x1] =	stream.indirect.gather [hbm4b:s2+s4], $0x40, s12, s4, $0xb8;
	[tilespmem:$0x170C0] =	vst v63  }
0x5a: {  	_ =	swait.ge [sflag:s0], $0x1900  }
0x5b: {  	[sflag:s0] =	ssyncset.done $0x0  }
0x5c: {  	s13 =	simm.s32 $0x5140;
	[sflag:s0] =	ssyncadd.s32 $0xFFFFE700  }
0x5d: {  	[spmem:s11] =	stream.indirect.scatter.add.f32 [tilespmem:s3], [sflag:$0x1], $0x40, s13, s4, $0xb8;
	[tilespmem:$0x170C0] =	vst v63  }
0x5e: {  	_ =	swait.ge [sflag:s0], $0x1900  }
0x5f: {  	s10 =	simm.s32 $0x340;
	s8 =	simm.s32 $0x1A0;
	[sflag:s0] =	ssyncset.done $0x0  }
.LBB2_4:
0x60: {  	s12 =	sshra.s32 s8, $0x2  }
0x61: {  	[sflag:s0] =	ssyncadd.s32 $0xFFFFE700;
	s8 =	smov.u32 s10;
	s13 =	sadd.s32 $0x1A0, s10  }
0x62: {  	[tilespmem:s3], [sflag:$0x1] =	stream.indirect.gather [hbm4b:s2+s4], $0x40, s12, s4, $0xb8;
	[tilespmem:$0x170C0] =	vst v63  }
0x63: {  	p1 =	sne.s32 s10, $0x14360;
	_ =	swait.ge [sflag:s0], $0x1900  }
.Ltmp1:
0x64: {  	[sflag:s0] =	ssyncset.done $0x0;
	(pc) =	sbr.rel @p1 .LBB2_4-.Ltmp1, $4  }
0x65: {  	s10 =	sadd.s32 $0x5140, s12;
	[sflag:s0] =	ssyncadd.s32 $0xFFFFE700  }
0x66: {  	[spmem:s11] =	stream.indirect.scatter.add.f32 [tilespmem:s3], [sflag:$0x1], $0x40, s10, s4, $0xb8;
	[tilespmem:$0x170C0] =	vst v63  }
0x67: {  	_ =	swait.ge [sflag:s0], $0x1900  }
0x68: {  	s10 =	smov.u32 s13;
	[sflag:s0] =	ssyncset.done $0x0  }
0x69: {  	s8 =	sshra.s32 s8, $0x2;
	[sflag:s0] =	ssyncadd.s32 $0xFFFFE700  }
0x6a: {  	[tilespmem:s3], [sflag:$0x1] =	stream.indirect.gather [hbm4b:s2+s4], $0x40, s8, s4, $0xb8;
	[tilespmem:$0x170C0] =	vst v63  }
0x6b: {  	_ =	swait.ge [sflag:s0], $0x1900  }
0x6c: {  	[sflag:s0] =	ssyncset.done $0x0  }
0x6d: {  	s8 =	sadd.s32 $0x5140, s8;
	[sflag:s0] =	ssyncadd.s32 $0xFFFFE700  }
0x6e: {  	[spmem:s11] =	stream.indirect.scatter.add.f32 [tilespmem:s3], [sflag:$0x1], $0x40, s8, s4, $0xb8;
	[tilespmem:$0x170C0] =	vst v63  }
0x6f: {  	_ =	swait.ge [sflag:s0], $0x1900  }
0x70: {  	[sflag:s0] =	ssyncset.done $0x0  }
0x71: {  	[sflag:s0] =	ssyncadd.s32 $0xFFFFE700  }
0x72: {  	[bflag:$0x0] =	sbarrier.arrive $0xFFFF  }
0x73: {  	[tilespmem:s5], [sflag:$0x2] =	stream.linear.gather [spmem:s24], $0x1400, $0x38;
	[tilespmem:$0x170C0] =	vst v63  }
0x74: {  	_ =	swait.ge [sflag:s6], $0x1400  }
0x75: {  	[sflag:s6] =	ssyncset.done $0x0  }
0x76: {  	s13 =	rddreg [dreg:$0x4];
	[sflag:s6] =	ssyncadd.s32 $0xFFFFEC00  }
0x77: {  	[hbm4b:s13+s1] =	stream.linear.scatter [tilespmem:s5], [sflag:$0x1], $0x1400, $0x38;
	[tilespmem:$0x170C0] =	vst v63  }
0x78: {  	_ =	swait.ge [sflag:s0], $0x1400  }
0x79: {  	[sflag:s0] =	ssyncset.done $0x0  }
0x7a: {  	[sflag:s0] =	ssyncadd.s32 $0xFFFFEC00  }
0x7b: {  	[tilespmem:s5], [sflag:$0x2] =	stream.linear.gather [spmem:s25], $0x1400, $0x38;
	[tilespmem:$0x170C0] =	vst v63  }
0x7c: {  	_ =	swait.ge [sflag:s6], $0x1400  }
0x7d: {  	[sflag:s6] =	ssyncset.done $0x0  }
0x7e: {  	s10 =	rddreg [dreg:$0x5];
	[sflag:s6] =	ssyncadd.s32 $0xFFFFEC00  }
0x7f: {  	[hbm4b:s10+s1] =	stream.linear.scatter [tilespmem:s5], [sflag:$0x1], $0x1400, $0x38;
	[tilespmem:$0x170C0] =	vst v63  }
0x80: {  	_ =	swait.ge [sflag:s0], $0x1400  }
0x81: {  	[sflag:s0] =	ssyncset.done $0x0  }
0x82: {  	[sflag:s0] =	ssyncadd.s32 $0xFFFFEC00  }
0x83: {  	[tilespmem:s5], [sflag:$0x2] =	stream.linear.gather [spmem:s26], $0x1400, $0x38;
	[tilespmem:$0x170C0] =	vst v63  }
0x84: {  	_ =	swait.ge [sflag:s6], $0x1400  }
0x85: {  	[sflag:s6] =	ssyncset.done $0x0  }
0x86: {  	s12 =	rddreg [dreg:$0x6];
	[sflag:s6] =	ssyncadd.s32 $0xFFFFEC00  }
0x87: {  	[hbm4b:s12+s1] =	stream.linear.scatter [tilespmem:s5], [sflag:$0x1], $0x1400, $0x38;
	[tilespmem:$0x170C0] =	vst v63  }
0x88: {  	_ =	swait.ge [sflag:s0], $0x1400  }
0x89: {  	[sflag:s0] =	ssyncset.done $0x0  }
0x8a: {  	[sflag:s0] =	ssyncadd.s32 $0xFFFFEC00  }
0x8b: {  	[tilespmem:s5], [sflag:$0x2] =	stream.linear.gather [spmem:s28], $0x1400, $0x38;
	[tilespmem:$0x170C0] =	vst v63  }
0x8c: {  	_ =	swait.ge [sflag:s6], $0x1400  }
0x8d: {  	[sflag:s6] =	ssyncset.done $0x0  }
0x8e: {  	s13 =	rddreg [dreg:$0x7];
	[sflag:s6] =	ssyncadd.s32 $0xFFFFEC00  }
0x8f: {  	[hbm4b:s13+s1] =	stream.linear.scatter [tilespmem:s5], [sflag:$0x1], $0x1400, $0x38;
	[tilespmem:$0x170C0] =	vst v63  }
0x90: {  	_ =	swait.ge [sflag:s0], $0x1400  }
0x91: {  	[sflag:s0] =	ssyncset.done $0x0  }
0x92: {  	[sflag:s0] =	ssyncadd.s32 $0xFFFFEC00  }
0x93: {  	[tilespmem:s5], [sflag:$0x2] =	stream.linear.gather [spmem:s29], $0x1400, $0x38;
	[tilespmem:$0x170C0] =	vst v63  }
0x94: {  	_ =	swait.ge [sflag:s6], $0x1400  }
0x95: {  	[sflag:s6] =	ssyncset.done $0x0  }
0x96: {  	s10 =	rddreg [dreg:$0x8];
	[sflag:s6] =	ssyncadd.s32 $0xFFFFEC00  }
0x97: {  	[hbm4b:s10+s1] =	stream.linear.scatter [tilespmem:s5], [sflag:$0x1], $0x1400, $0x38;
	[tilespmem:$0x170C0] =	vst v63  }
0x98: {  	_ =	swait.ge [sflag:s0], $0x1400  }
0x99: {  	[sflag:s0] =	ssyncset.done $0x0  }
0x9a: {  	[sflag:s0] =	ssyncadd.s32 $0xFFFFEC00  }
0x9b: {  	[tilespmem:s5], [sflag:$0x2] =	stream.linear.gather [spmem:s30], $0x1400, $0x38;
	[tilespmem:$0x170C0] =	vst v63  }
0x9c: {  	_ =	swait.ge [sflag:s6], $0x1400  }
0x9d: {  	[sflag:s6] =	ssyncset.done $0x0  }
0x9e: {  	s12 =	rddreg [dreg:$0x9];
	[sflag:s6] =	ssyncadd.s32 $0xFFFFEC00  }
0x9f: {  	[hbm4b:s12+s1] =	stream.linear.scatter [tilespmem:s5], [sflag:$0x1], $0x1400, $0x38;
	[tilespmem:$0x170C0] =	vst v63  }
0xa0: {  	_ =	swait.ge [sflag:s0], $0x1400  }
0xa1: {  	[sflag:s0] =	ssyncset.done $0x0  }
0xa2: {  	[sflag:s0] =	ssyncadd.s32 $0xFFFFEC00  }
0xa3: {  	[tilespmem:s5], [sflag:$0x2] =	stream.linear.gather [spmem:s31], $0x1400, $0x38;
	[tilespmem:$0x170C0] =	vst v63  }
0xa4: {  	_ =	swait.ge [sflag:s6], $0x1400  }
0xa5: {  	[sflag:s6] =	ssyncset.done $0x0  }
0xa6: {  	s13 =	rddreg [dreg:$0xa];
	[sflag:s6] =	ssyncadd.s32 $0xFFFFEC00  }
0xa7: {  	[hbm4b:s13+s1] =	stream.linear.scatter [tilespmem:s5], [sflag:$0x1], $0x1400, $0x38;
	[tilespmem:$0x170C0] =	vst v63  }
0xa8: {  	_ =	swait.ge [sflag:s0], $0x1400  }
0xa9: {  	[sflag:s0] =	ssyncset.done $0x0  }
0xaa: {  	s8 =	simm.s32 @!p0 $0xBB80;
	s10 =	simm.s32 @!p0 $0x2;
	[sflag:s0] =	ssyncadd.s32 $0xFFFFEC00  }
0xab: {  	[tilespmem:s8], [sflag:$0x2] =	stream.linear.gather @!p0 [spmem:s9], $0x1400, $0x38;
	[tilespmem:$0x170C0] =	vst v63  }
0xac: {  	s7 =	sadd.s32 $0x1, s7;
	_ =	swait.ge @!p0 [sflag:s10], $0x1400  }
0xad: {  	p1 =	sne.s32 s7, s15;
	[sflag:s10] =	ssyncset.done @!p0 $0x0  }
0xae: {  	s12 =	rddreg [dreg:$0xb];
	[sflag:s10] =	ssyncadd.s32 @!p0 $0xFFFFEC00;
	s10 =	simm.s32 @!p0 $0x0  }
0xaf: {  	[hbm4b:s12+s10] =	stream.linear.scatter @!p0 [tilespmem:s8], [sflag:$0x1], $0x1400, $0x38;
	[tilespmem:$0x170C0] =	vst v63  }
.Ltmp2:
0xb0: {  	_ = 	snop;
	(pc) =	sbr.rel @p1 .LBB2_1-.Ltmp2, $4  }
0xb1: {  	s8 =	simm.s32 @!p0 $0x1  }
0xb2: {  	_ =	swait.ge @!p0 [sflag:s8], $0x1400  }
0xb3: {  	[sflag:s8] =	ssyncset.done @!p0 $0x0  }
0xb4: {  	[sflag:s8] =	ssyncadd.s32 @!p0 $0xFFFFEC00  }
0xb5: {  	_ =	sfence.sel $0x180000  }
0xb6: {  	[bflag:$0x0] =	sbarrier.arrive $0xFFFF  }
0xb7: {  	_ =	strace $0x90000059  }
0xb8: {  	s0 =	stileid.u32;
	[bflag:$0x2] =	sbarrier.arrive $0xFFFF  }
0xb9: {  	p0 =	sne.s32 s0, $0x0;
	s0 =	rddreg [dreg:$0x3]  }
0xba: {  	s0 =	sadd.s32 @!p0 $0x100000, s0  }
0xbb: {  	[sflag:s0] =	ssyncadd.tile.s32 @!p0 $0x1;
	_ =	shalt  }
.Lfunc_end2:
_tile_overlayer_lowered:
.L_overlay_start_2:
0xbc: {  	(tag) =	ssettag $0x2  }
0xbd: {  	s0 =	rddreg [dreg:$0x0];
	s2 =	stileid.u32  }
0xbe: {  	s1 =	rddreg [dreg:$0x1];
	p0 =	sne.s32 s2, $0x0  }
0xbf: {  	s3 =	rddreg [dreg:$0x2];
	[bflag:$0x3] =	sbarrier.arrive $0xFFFF;
	s2 =	simm.s32 @!p0 $0x1C01  }
0xc0: {  	[timem:s3], [sflag:s2] =	dma.local @!p0 [hbm:s0], s1  }
0xc1: {  	s0 =	simm.s32 @!p0 $0x1  }
0xc2: {  	_ =	swait.ge @!p0 [sflag:s0], s1  }
0xc3: {  	s1 =	ssub.s32 @!p0 $0x0, s1;
	[sflag:s0] =	ssyncset.done @!p0 $0x0  }
0xc4: {  	[sflag:s0] =	ssyncadd.s32 @!p0 s1  }
0xc5: {  	[bflag:$0x3] =	sbarrier.arrive $0xFFFF  }
0xc6: {  	_ =	shalt  }

</sc_bundles>
